<compile_context>
chip_gen: v7x
topology: tpu7x:2x2x1
jax: 0.10.2.dev20260603
libtpu: 0.0.44.dev20260713+nightly
codegen_flags: <defaults>
</compile_context>

<pallas_src>
import functools

import jax
import jax.numpy as jnp
from jax import lax
from jax.experimental import pallas as pl
from jax.experimental.pallas import tpu as pltpu
from jax.experimental.pallas import tpu_sc as plsc

_LANES = 16
_EMBED = 32
_VOCAB = 150
_F = 2 * _EMBED


@functools.lru_cache(maxsize=None)
def _sc_info():
  info = plsc.get_sparse_core_info()
  return info.num_cores * info.num_subcores


@functools.lru_cache(maxsize=None)
def _build_sc(B, H, NW):
  NC = plsc.get_sparse_core_info().num_cores
  bw = B // NW
  G = bw // _LANES
  TABN = _VOCAB * _EMBED

  mesh = plsc.VectorSubcoreMesh(core_axis_name="c", subcore_axis_name="s")

  @functools.partial(
      pl.kernel,
      mesh=mesh,
      out_type=jax.ShapeDtypeStruct((B * _F,), jnp.float32),
      compiler_params=pltpu.CompilerParams(needs_layout_passes=False),
      scratch_types=[
          pltpu.VMEM((bw * H,), jnp.int32),
          pltpu.VMEM((bw * H,), jnp.int32),
          pltpu.VMEM((TABN,), jnp.float32),
          pltpu.VMEM((TABN,), jnp.float32),
          pltpu.VMEM((bw * _F,), jnp.float32),
          pltpu.SemaphoreType.DMA,
      ],
  )
  def sck(tr_hbm, td_hbm, ir_hbm, id_hbm, out_hbm, ir_v, id_v, tr_v, td_v, out_v, sem):
    wid = lax.axis_index("s") * NC + lax.axis_index("c")
    base = wid * bw
    c1 = pltpu.async_copy(ir_hbm.at[pl.ds(base * H, bw * H)], ir_v, sem)
    c2 = pltpu.async_copy(id_hbm.at[pl.ds(base * H, bw * H)], id_v, sem)
    c3 = pltpu.async_copy(tr_hbm, tr_v, sem)
    c4 = pltpu.async_copy(td_hbm, td_v, sem)
    c1.wait()
    c2.wait()
    c3.wait()
    c4.wait()

    iotaH = lax.iota(jnp.int32, _LANES) * H

    @plsc.parallel_loop(0, G, 1, unroll=4)
    def group(g):
      off = g * (_LANES * H)
      idr = []
      idd = []
      for idxv, dst in ((ir_v, idr), (id_v, idd)):
        for h in range(H):
          pos = iotaH + (off + h)
          ids = plsc.load_gather(idxv, [pos])
          dst.append(ids * _EMBED)
      eoff = g * _LANES
      for k in range(_EMBED):
        accr = plsc.load_gather(tr_v, [idr[0] + k])
        for iv in idr[1:]:
          accr = accr + plsc.load_gather(tr_v, [iv + k])
        accd = plsc.load_gather(td_v, [idd[0] + k])
        for iv in idd[1:]:
          accd = accd + plsc.load_gather(td_v, [iv + k])
        out_v[pl.ds(k * bw + eoff, _LANES)] = accr
        out_v[pl.ds((k + _EMBED) * bw + eoff, _LANES)] = accd

    pltpu.sync_copy(out_v, out_hbm.at[pl.ds(base * _F, bw * _F)])

  return sck


@functools.lru_cache(maxsize=None)
def _build_mlp(B, NW):
  bw = B // NW

  def body(x_ref, w1_ref, b1_ref, w2_ref, b2_ref, w3_ref, b3_ref, o_ref):
    cdim0 = (((0,), (0,)), ((), ()))
    w1, w2, w3 = w1_ref[...], w2_ref[...], w3_ref[...]
    b1, b2, b3 = b1_ref[...], b2_ref[...], b3_ref[...]
    rows = []
    for w in range(NW):
      x = x_ref[pl.ds(w * _F, _F), :]
      h = jnp.maximum(lax.dot_general(w1, x, cdim0) + b1, 0.0)
      h = jnp.maximum(lax.dot_general(w2, h, cdim0) + b2, 0.0)
      rows.append(jnp.maximum(lax.dot_general(w3, h, cdim0) + b3, 0.0))
    o_ref[...] = jnp.concatenate(rows, axis=0)

  return pl.pallas_call(
      body,
      out_shape=jax.ShapeDtypeStruct((NW, bw), jnp.float32),
  )


def kernel(radiant_heros, dire_heros, E_r, E_d, W1, b1, W2, b2, W3, b3):
  B, H = radiant_heros.shape
  NW = _sc_info()
  sck = _build_sc(B, H, NW)
  pooled = sck(E_r.reshape(-1), E_d.reshape(-1),
               radiant_heros.reshape(-1), dire_heros.reshape(-1))
  x = pooled.reshape(NW * _F, B // NW)
  out = _build_mlp(B, NW)(x, W1, b1.reshape(-1, 1), W2, b2.reshape(-1, 1),
                          W3, b3.reshape(-1, 1))
  return out.reshape(B, 1)

# --- scband reference (transcript-rebuilt; emitter-appended) ---
"""Pipeline reference for scband-my-model-30837865185653 (READ-ONLY COPY).

The authoritative reference and input builder live on the scoring server;
editing this copy changes nothing except your own understanding.
"""

import jax, jax.numpy as jnp
import numpy as np

VOCAB = 150
EMBED = 32
BATCH = 16384
HIST = 5


def setup_inputs(seed: int = 0) -> dict:
    key = jax.random.key(seed)
    ks = jax.random.split(key, 12)
    radiant_heros = jax.random.randint(ks[0], (BATCH, HIST), 0, VOCAB, dtype=jnp.int64 if jax.config.jax_enable_x64 else jnp.int32).astype(jnp.int32)
    dire_heros = jax.random.randint(ks[1], (BATCH, HIST), 0, VOCAB, dtype=jnp.int32)
    E_r = jax.random.normal(ks[2], (VOCAB, EMBED), dtype=jnp.float32) * 0.05
    E_d = jax.random.normal(ks[3], (VOCAB, EMBED), dtype=jnp.float32) * 0.05
    W1 = jax.random.normal(ks[4], (2 * EMBED, EMBED), dtype=jnp.float32) * (1.0 / np.sqrt(2 * EMBED))
    b1 = jnp.zeros((EMBED,), dtype=jnp.float32)
    W2 = jax.random.normal(ks[5], (EMBED, EMBED // 2), dtype=jnp.float32) * (1.0 / np.sqrt(EMBED))
    b2 = jnp.zeros((EMBED // 2,), dtype=jnp.float32)
    W3 = jax.random.normal(ks[6], (EMBED // 2, 1), dtype=jnp.float32) * (1.0 / np.sqrt(EMBED // 2))
    b3 = jnp.zeros((1,), dtype=jnp.float32)
    return {
        "radiant_heros": radiant_heros,
        "dire_heros": dire_heros,
        "E_r": E_r,
        "E_d": E_d,
        "W1": W1,
        "b1": b1,
        "W2": W2,
        "b2": b2,
        "W3": W3,
        "b3": b3,
    }


def reference(radiant_heros, dire_heros, E_r, E_d, W1, b1, W2, b2, W3, b3):
    # Embedding lookup (gather) + sum over the 5-hero axis
    embed_radiant_val = jnp.sum(jnp.take(E_r, radiant_heros, axis=0), axis=1)  # [B, 32]
    embed_dire_val = jnp.sum(jnp.take(E_d, dire_heros, axis=0), axis=1)        # [B, 32]
    x = jnp.concatenate([embed_radiant_val, embed_dire_val], axis=1)           # [B, 64]
    x = jax.nn.relu(x @ W1 + b1)
    x = jax.nn.relu(x @ W2 + b2)
    x = jax.nn.relu(x @ W3 + b3)
    return x

if __name__ == "__main__":
    import jax
    _d = setup_inputs()
    print(jax.jit(kernel)(*tuple(_d.values())))

</pallas_src>

<mosaic_0001>
#map = affine_map<(d0, d1) -> (0)>
module attributes {stable_mosaic.version = 14 : i64} {
  func.func @sck(%arg0: i32, %arg1: i32, %arg2: memref<4800xf32, #tpu.memory_space<hbm>>, %arg3: memref<4800xf32, #tpu.memory_space<hbm>>, %arg4: memref<81920xi32, #tpu.memory_space<hbm>>, %arg5: memref<81920xi32, #tpu.memory_space<hbm>>, %arg6: memref<1048576xf32, #tpu.memory_space<hbm>>, %arg7: memref<2560xi32, #tpu.memory_space<vmem>>, %arg8: memref<2560xi32, #tpu.memory_space<vmem>>, %arg9: memref<4800xf32, #tpu.memory_space<vmem>>, %arg10: memref<4800xf32, #tpu.memory_space<vmem>>, %arg11: memref<32768xf32, #tpu.memory_space<vmem>>, %arg12: memref<!tpu.dma_semaphore, #tpu.memory_space<semaphore_mem>>) attributes {dimension_semantics = [#tpu.dimension_semantics<core_parallel>, #tpu.dimension_semantics<subcore_parallel>], iteration_bounds = array<i64: 2, 16>, scalar_prefetch = 0 : i64, scratch_operands = 6 : i64, tpu.core_type = #tpu.core_type<sc_vector_subcore>, window_params = [{transform_indices = #map}, {transform_indices = #map}, {transform_indices = #map}, {transform_indices = #map}, {transform_indices = #map}]} {
    %mul3A = arith.constant 2 : i32
    %mul3A_0 = arith.muli %arg1, %mul3A : i32
    %add3A = arith.addi %mul3A_0, %arg0 : i32
    %mul3A_1 = arith.constant 512 : i32
    %mul3A_2 = arith.muli %add3A, %mul3A_1 : i32
    %mul3A_3 = arith.constant 5 : i32
    %mul3A_4 = arith.muli %mul3A_2, %mul3A_3 : i32
    %dma_start3A = tpu.memref_slice %arg4[%mul3A_4] : memref<81920xi32, #tpu.memory_space<hbm>> -> memref<2560xi32, #tpu.memory_space<hbm>>
    %dma_start3A_5 = tpu.memref_slice %arg4[%mul3A_4] : memref<81920xi32, #tpu.memory_space<hbm>> -> memref<2560xi32, #tpu.memory_space<hbm>>
    tpu.enqueue_dma source(%dma_start3A_5 : memref<2560xi32, #tpu.memory_space<hbm>>) target(%arg7 : memref<2560xi32, #tpu.memory_space<vmem>>) target_semaphore(%arg12 : memref<!tpu.dma_semaphore, #tpu.memory_space<semaphore_mem>>)
    %mul3A_6 = arith.constant 5 : i32
    %mul3A_7 = arith.muli %mul3A_2, %mul3A_6 : i32
    %dma_start3A_8 = tpu.memref_slice %arg5[%mul3A_7] : memref<81920xi32, #tpu.memory_space<hbm>> -> memref<2560xi32, #tpu.memory_space<hbm>>
    %dma_start3A_9 = tpu.memref_slice %arg5[%mul3A_7] : memref<81920xi32, #tpu.memory_space<hbm>> -> memref<2560xi32, #tpu.memory_space<hbm>>
    tpu.enqueue_dma source(%dma_start3A_9 : memref<2560xi32, #tpu.memory_space<hbm>>) target(%arg8 : memref<2560xi32, #tpu.memory_space<vmem>>) target_semaphore(%arg12 : memref<!tpu.dma_semaphore, #tpu.memory_space<semaphore_mem>>)
    tpu.enqueue_dma source(%arg2 : memref<4800xf32, #tpu.memory_space<hbm>>) target(%arg9 : memref<4800xf32, #tpu.memory_space<vmem>>) target_semaphore(%arg12 : memref<!tpu.dma_semaphore, #tpu.memory_space<semaphore_mem>>)
    tpu.enqueue_dma source(%arg3 : memref<4800xf32, #tpu.memory_space<hbm>>) target(%arg10 : memref<4800xf32, #tpu.memory_space<vmem>>) target_semaphore(%arg12 : memref<!tpu.dma_semaphore, #tpu.memory_space<semaphore_mem>>)
    %dma_wait3A = tpu.memref_slice %arg4[%mul3A_4] : memref<81920xi32, #tpu.memory_space<hbm>> -> memref<2560xi32, #tpu.memory_space<hbm>>
    %dma_wait3A_10 = tpu.memref_slice %arg4[%mul3A_4] : memref<81920xi32, #tpu.memory_space<hbm>> -> memref<2560xi32, #tpu.memory_space<hbm>>
    tpu.wait_dma2 semaphore(%arg12 : memref<!tpu.dma_semaphore, #tpu.memory_space<semaphore_mem>>) src(%dma_wait3A_10 : memref<2560xi32, #tpu.memory_space<hbm>>) dst(%arg7 : memref<2560xi32, #tpu.memory_space<vmem>>)
    %dma_wait3A_11 = tpu.memref_slice %arg5[%mul3A_7] : memref<81920xi32, #tpu.memory_space<hbm>> -> memref<2560xi32, #tpu.memory_space<hbm>>
    %dma_wait3A_12 = tpu.memref_slice %arg5[%mul3A_7] : memref<81920xi32, #tpu.memory_space<hbm>> -> memref<2560xi32, #tpu.memory_space<hbm>>
    tpu.wait_dma2 semaphore(%arg12 : memref<!tpu.dma_semaphore, #tpu.memory_space<semaphore_mem>>) src(%dma_wait3A_12 : memref<2560xi32, #tpu.memory_space<hbm>>) dst(%arg8 : memref<2560xi32, #tpu.memory_space<vmem>>)
    tpu.wait_dma2 semaphore(%arg12 : memref<!tpu.dma_semaphore, #tpu.memory_space<semaphore_mem>>) src(%arg2 : memref<4800xf32, #tpu.memory_space<hbm>>) dst(%arg9 : memref<4800xf32, #tpu.memory_space<vmem>>)
    tpu.wait_dma2 semaphore(%arg12 : memref<!tpu.dma_semaphore, #tpu.memory_space<semaphore_mem>>) src(%arg3 : memref<4800xf32, #tpu.memory_space<hbm>>) dst(%arg10 : memref<4800xf32, #tpu.memory_space<vmem>>)
    %iota3A = tpu.iota {dimensions = array<i32: 0>} : vector<16xi32>
    %mul3A_13 = arith.constant 5 : i32
    %mul3A_14 = vector.broadcast %mul3A_13 : i32 to vector<16xi32>
    %mul3A_15 = arith.muli %iota3A, %mul3A_14 : vector<16xi32>
    %parallel_loop3A = arith.constant 0 : i32
    %parallel_loop3A_16 = arith.constant 32 : i32
    %parallel_loop3A_17 = arith.constant 1 : i32
    scf.for %parallel_loop3A_20 = %parallel_loop3A to %parallel_loop3A_16 step %parallel_loop3A_17  : i32 {
      %parallel_loop3A_21 = arith.constant 80 : i32
      %parallel_loop3A_22 = arith.muli %parallel_loop3A_20, %parallel_loop3A_21 : i32
      %parallel_loop3A_23 = arith.constant 0 : i32
      %parallel_loop3A_24 = arith.addi %parallel_loop3A_22, %parallel_loop3A_23 : i32
      %parallel_loop3A_25 = vector.broadcast %parallel_loop3A_24 : i32 to vector<16xi32>
      %parallel_loop3A_26 = arith.addi %mul3A_15, %parallel_loop3A_25 : vector<16xi32>
      %parallel_loop3A_27 = tpu.vector_load_idx %arg7[%parallel_loop3A_26] : memref<2560xi32, #tpu.memory_space<vmem>>[vector<16xi32>], vector<16xi32>,
      %parallel_loop3A_28 = arith.constant 32 : i32
      %parallel_loop3A_29 = vector.broadcast %parallel_loop3A_28 : i32 to vector<16xi32>
      %parallel_loop3A_30 = arith.muli %parallel_loop3A_27, %parallel_loop3A_29 : vector<16xi32>
      %parallel_loop3A_31 = arith.constant 1 : i32
      %parallel_loop3A_32 = arith.addi %parallel_loop3A_22, %parallel_loop3A_31 : i32
      %parallel_loop3A_33 = vector.broadcast %parallel_loop3A_32 : i32 to vector<16xi32>
      %parallel_loop3A_34 = arith.addi %mul3A_15, %parallel_loop3A_33 : vector<16xi32>
      %parallel_loop3A_35 = tpu.vector_load_idx %arg7[%parallel_loop3A_34] : memref<2560xi32, #tpu.memory_space<vmem>>[vector<16xi32>], vector<16xi32>,
      %parallel_loop3A_36 = arith.constant 32 : i32
      %parallel_loop3A_37 = vector.broadcast %parallel_loop3A_36 : i32 to vector<16xi32>
      %parallel_loop3A_38 = arith.muli %parallel_loop3A_35, %parallel_loop3A_37 : vector<16xi32>
      %parallel_loop3A_39 = arith.constant 2 : i32
      %parallel_loop3A_40 = arith.addi %parallel_loop3A_22, %parallel_loop3A_39 : i32
      %parallel_loop3A_41 = vector.broadcast %parallel_loop3A_40 : i32 to vector<16xi32>
      %parallel_loop3A_42 = arith.addi %mul3A_15, %parallel_loop3A_41 : vector<16xi32>
      %parallel_loop3A_43 = tpu.vector_load_idx %arg7[%parallel_loop3A_42] : memref<2560xi32, #tpu.memory_space<vmem>>[vector<16xi32>], vector<16xi32>,
      %parallel_loop3A_44 = arith.constant 32 : i32
      %parallel_loop3A_45 = vector.broadcast %parallel_loop3A_44 : i32 to vector<16xi32>
      %parallel_loop3A_46 = arith.muli %parallel_loop3A_43, %parallel_loop3A_45 : vector<16xi32>
      %parallel_loop3A_47 = arith.constant 3 : i32
      %parallel_loop3A_48 = arith.addi %parallel_loop3A_22, %parallel_loop3A_47 : i32
      %parallel_loop3A_49 = vector.broadcast %parallel_loop3A_48 : i32 to vector<16xi32>
      %parallel_loop3A_50 = arith.addi %mul3A_15, %parallel_loop3A_49 : vector<16xi32>
      %parallel_loop3A_51 = tpu.vector_load_idx %arg7[%parallel_loop3A_50] : memref<2560xi32, #tpu.memory_space<vmem>>[vector<16xi32>], vector<16xi32>,
      %parallel_loop3A_52 = arith.constant 32 : i32
      %parallel_loop3A_53 = vector.broadcast %parallel_loop3A_52 : i32 to vector<16xi32>
      %parallel_loop3A_54 = arith.muli %parallel_loop3A_51, %parallel_loop3A_53 : vector<16xi32>
      %parallel_loop3A_55 = arith.constant 4 : i32
      %parallel_loop3A_56 = arith.addi %parallel_loop3A_22, %parallel_loop3A_55 : i32
      %parallel_loop3A_57 = vector.broadcast %parallel_loop3A_56 : i32 to vector<16xi32>
      %parallel_loop3A_58 = arith.addi %mul3A_15, %parallel_loop3A_57 : vector<16xi32>
      %parallel_loop3A_59 = tpu.vector_load_idx %arg7[%parallel_loop3A_58] : memref<2560xi32, #tpu.memory_space<vmem>>[vector<16xi32>], vector<16xi32>,
      %parallel_loop3A_60 = arith.constant 32 : i32
      %parallel_loop3A_61 = vector.broadcast %parallel_loop3A_60 : i32 to vector<16xi32>
      %parallel_loop3A_62 = arith.muli %parallel_loop3A_59, %parallel_loop3A_61 : vector<16xi32>
      %parallel_loop3A_63 = arith.constant 0 : i32
      %parallel_loop3A_64 = arith.addi %parallel_loop3A_22, %parallel_loop3A_63 : i32
      %parallel_loop3A_65 = vector.broadcast %parallel_loop3A_64 : i32 to vector<16xi32>
      %parallel_loop3A_66 = arith.addi %mul3A_15, %parallel_loop3A_65 : vector<16xi32>
      %parallel_loop3A_67 = tpu.vector_load_idx %arg8[%parallel_loop3A_66] : memref<2560xi32, #tpu.memory_space<vmem>>[vector<16xi32>], vector<16xi32>,
      %parallel_loop3A_68 = arith.constant 32 : i32
      %parallel_loop3A_69 = vector.broadcast %parallel_loop3A_68 : i32 to vector<16xi32>
      %parallel_loop3A_70 = arith.muli %parallel_loop3A_67, %parallel_loop3A_69 : vector<16xi32>
      %parallel_loop3A_71 = arith.constant 1 : i32
      %parallel_loop3A_72 = arith.addi %parallel_loop3A_22, %parallel_loop3A_71 : i32
      %parallel_loop3A_73 = vector.broadcast %parallel_loop3A_72 : i32 to vector<16xi32>
      %parallel_loop3A_74 = arith.addi %mul3A_15, %parallel_loop3A_73 : vector<16xi32>
      %parallel_loop3A_75 = tpu.vector_load_idx %arg8[%parallel_loop3A_74] : memref<2560xi32, #tpu.memory_space<vmem>>[vector<16xi32>], vector<16xi32>,
      %parallel_loop3A_76 = arith.constant 32 : i32
      %parallel_loop3A_77 = vector.broadcast %parallel_loop3A_76 : i32 to vector<16xi32>
      %parallel_loop3A_78 = arith.muli %parallel_loop3A_75, %parallel_loop3A_77 : vector<16xi32>
      %parallel_loop3A_79 = arith.constant 2 : i32
      %parallel_loop3A_80 = arith.addi %parallel_loop3A_22, %parallel_loop3A_79 : i32
      %parallel_loop3A_81 = vector.broadcast %parallel_loop3A_80 : i32 to vector<16xi32>
      %parallel_loop3A_82 = arith.addi %mul3A_15, %parallel_loop3A_81 : vector<16xi32>
      %parallel_loop3A_83 = tpu.vector_load_idx %arg8[%parallel_loop3A_82] : memref<2560xi32, #tpu.memory_space<vmem>>[vector<16xi32>], vector<16xi32>,
      %parallel_loop3A_84 = arith.constant 32 : i32
      %parallel_loop3A_85 = vector.broadcast %parallel_loop3A_84 : i32 to vector<16xi32>
      %parallel_loop3A_86 = arith.muli %parallel_loop3A_83, %parallel_loop3A_85 : vector<16xi32>
      %parallel_loop3A_87 = arith.constant 3 : i32
      %parallel_loop3A_88 = arith.addi %parallel_loop3A_22, %parallel_loop3A_87 : i32
      %parallel_loop3A_89 = vector.broadcast %parallel_loop3A_88 : i32 to vector<16xi32>
      %parallel_loop3A_90 = arith.addi %mul3A_15, %parallel_loop3A_89 : vector<16xi32>
      %parallel_loop3A_91 = tpu.vector_load_idx %arg8[%parallel_loop3A_90] : memref<2560xi32, #tpu.memory_space<vmem>>[vector<16xi32>], vector<16xi32>,
      %parallel_loop3A_92 = arith.constant 32 : i32
      %parallel_loop3A_93 = vector.broadcast %parallel_loop3A_92 : i32 to vector<16xi32>
      %parallel_loop3A_94 = arith.muli %parallel_loop3A_91, %parallel_loop3A_93 : vector<16xi32>
      %parallel_loop3A_95 = arith.constant 4 : i32
      %parallel_loop3A_96 = arith.addi %parallel_loop3A_22, %parallel_loop3A_95 : i32
      %parallel_loop3A_97 = vector.broadcast %parallel_loop3A_96 : i32 to vector<16xi32>
      %parallel_loop3A_98 = arith.addi %mul3A_15, %parallel_loop3A_97 : vector<16xi32>
      %parallel_loop3A_99 = tpu.vector_load_idx %arg8[%parallel_loop3A_98] : memref<2560xi32, #tpu.memory_space<vmem>>[vector<16xi32>], vector<16xi32>,
      %parallel_loop3A_100 = arith.constant 32 : i32
      %parallel_loop3A_101 = vector.broadcast %parallel_loop3A_100 : i32 to vector<16xi32>
      %parallel_loop3A_102 = arith.muli %parallel_loop3A_99, %parallel_loop3A_101 : vector<16xi32>
      %parallel_loop3A_103 = arith.constant 16 : i32
      %parallel_loop3A_104 = arith.muli %parallel_loop3A_20, %parallel_loop3A_103 : i32
      %parallel_loop3A_105 = arith.constant 0 : i32
      %parallel_loop3A_106 = vector.broadcast %parallel_loop3A_105 : i32 to vector<16xi32>
      %parallel_loop3A_107 = arith.addi %parallel_loop3A_30, %parallel_loop3A_106 : vector<16xi32>
      %parallel_loop3A_108 = tpu.vector_load_idx %arg9[%parallel_loop3A_107] : memref<4800xf32, #tpu.memory_space<vmem>>[vector<16xi32>], vector<16xf32>,
      %parallel_loop3A_109 = arith.constant 0 : i32
      %parallel_loop3A_110 = vector.broadcast %parallel_loop3A_109 : i32 to vector<16xi32>
      %parallel_loop3A_111 = arith.addi %parallel_loop3A_38, %parallel_loop3A_110 : vector<16xi32>
      %parallel_loop3A_112 = tpu.vector_load_idx %arg9[%parallel_loop3A_111] : memref<4800xf32, #tpu.memory_space<vmem>>[vector<16xi32>], vector<16xf32>,
      %parallel_loop3A_113 = arith.addf %parallel_loop3A_108, %parallel_loop3A_112 : vector<16xf32>
      %parallel_loop3A_114 = arith.constant 0 : i32
      %parallel_loop3A_115 = vector.broadcast %parallel_loop3A_114 : i32 to vector<16xi32>
      %parallel_loop3A_116 = arith.addi %parallel_loop3A_46, %parallel_loop3A_115 : vector<16xi32>
      %parallel_loop3A_117 = tpu.vector_load_idx %arg9[%parallel_loop3A_116] : memref<4800xf32, #tpu.memory_space<vmem>>[vector<16xi32>], vector<16xf32>,
      %parallel_loop3A_118 = arith.addf %parallel_loop3A_113, %parallel_loop3A_117 : vector<16xf32>
      %parallel_loop3A_119 = arith.constant 0 : i32
      %parallel_loop3A_120 = vector.broadcast %parallel_loop3A_119 : i32 to vector<16xi32>
      %parallel_loop3A_121 = arith.addi %parallel_loop3A_54, %parallel_loop3A_120 : vector<16xi32>
      %parallel_loop3A_122 = tpu.vector_load_idx %arg9[%parallel_loop3A_121] : memref<4800xf32, #tpu.memory_space<vmem>>[vector<16xi32>], vector<16xf32>,
      %parallel_loop3A_123 = arith.addf %parallel_loop3A_118, %parallel_loop3A_122 : vector<16xf32>
      %parallel_loop3A_124 = arith.constant 0 : i32
      %parallel_loop3A_125 = vector.broadcast %parallel_loop3A_124 : i32 to vector<16xi32>
      %parallel_loop3A_126 = arith.addi %parallel_loop3A_62, %parallel_loop3A_125 : vector<16xi32>
      %parallel_loop3A_127 = tpu.vector_load_idx %arg9[%parallel_loop3A_126] : memref<4800xf32, #tpu.memory_space<vmem>>[vector<16xi32>], vector<16xf32>,
      %parallel_loop3A_128 = arith.addf %parallel_loop3A_123, %parallel_loop3A_127 : vector<16xf32>
      %parallel_loop3A_129 = arith.constant 0 : i32
      %parallel_loop3A_130 = vector.broadcast %parallel_loop3A_129 : i32 to vector<16xi32>
      %parallel_loop3A_131 = arith.addi %parallel_loop3A_70, %parallel_loop3A_130 : vector<16xi32>
      %parallel_loop3A_132 = tpu.vector_load_idx %arg10[%parallel_loop3A_131] : memref<4800xf32, #tpu.memory_space<vmem>>[vector<16xi32>], vector<16xf32>,
      %parallel_loop3A_133 = arith.constant 0 : i32
      %parallel_loop3A_134 = vector.broadcast %parallel_loop3A_133 : i32 to vector<16xi32>
      %parallel_loop3A_135 = arith.addi %parallel_loop3A_78, %parallel_loop3A_134 : vector<16xi32>
      %parallel_loop3A_136 = tpu.vector_load_idx %arg10[%parallel_loop3A_135] : memref<4800xf32, #tpu.memory_space<vmem>>[vector<16xi32>], vector<16xf32>,
      %parallel_loop3A_137 = arith.addf %parallel_loop3A_132, %parallel_loop3A_136 : vector<16xf32>
      %parallel_loop3A_138 = arith.constant 0 : i32
      %parallel_loop3A_139 = vector.broadcast %parallel_loop3A_138 : i32 to vector<16xi32>
      %parallel_loop3A_140 = arith.addi %parallel_loop3A_86, %parallel_loop3A_139 : vector<16xi32>
      %parallel_loop3A_141 = tpu.vector_load_idx %arg10[%parallel_loop3A_140] : memref<4800xf32, #tpu.memory_space<vmem>>[vector<16xi32>], vector<16xf32>,
      %parallel_loop3A_142 = arith.addf %parallel_loop3A_137, %parallel_loop3A_141 : vector<16xf32>
      %parallel_loop3A_143 = arith.constant 0 : i32
      %parallel_loop3A_144 = vector.broadcast %parallel_loop3A_143 : i32 to vector<16xi32>
      %parallel_loop3A_145 = arith.addi %parallel_loop3A_94, %parallel_loop3A_144 : vector<16xi32>
      %parallel_loop3A_146 = tpu.vector_load_idx %arg10[%parallel_loop3A_145] : memref<4800xf32, #tpu.memory_space<vmem>>[vector<16xi32>], vector<16xf32>,
      %parallel_loop3A_147 = arith.addf %parallel_loop3A_142, %parallel_loop3A_146 : vector<16xf32>
      %parallel_loop3A_148 = arith.constant 0 : i32
      %parallel_loop3A_149 = vector.broadcast %parallel_loop3A_148 : i32 to vector<16xi32>
      %parallel_loop3A_150 = arith.addi %parallel_loop3A_102, %parallel_loop3A_149 : vector<16xi32>
      %parallel_loop3A_151 = tpu.vector_load_idx %arg10[%parallel_loop3A_150] : memref<4800xf32, #tpu.memory_space<vmem>>[vector<16xi32>], vector<16xf32>,
      %parallel_loop3A_152 = arith.addf %parallel_loop3A_147, %parallel_loop3A_151 : vector<16xf32>
      %parallel_loop3A_153 = arith.constant 0 : i32
      %parallel_loop3A_154 = arith.addi %parallel_loop3A_153, %parallel_loop3A_104 : i32
      %parallel_loop3A_155 = arith.index_cast %parallel_loop3A_154 : i32 to index
      %parallel_loop3A_156 = tpu.vector_load %arg11[%parallel_loop3A_155] {strides = array<i32>} : memref<32768xf32, #tpu.memory_space<vmem>>, vector<16xf32>,
      tpu.vector_store %arg11[%parallel_loop3A_155], %parallel_loop3A_128 {strides = array<i32>} : memref<32768xf32, #tpu.memory_space<vmem>>, vector<16xf32>,
      %parallel_loop3A_157 = arith.constant 16384 : i32
      %parallel_loop3A_158 = arith.addi %parallel_loop3A_157, %parallel_loop3A_104 : i32
      %parallel_loop3A_159 = arith.index_cast %parallel_loop3A_158 : i32 to index
      %parallel_loop3A_160 = tpu.vector_load %arg11[%parallel_loop3A_159] {strides = array<i32>} : memref<32768xf32, #tpu.memory_space<vmem>>, vector<16xf32>,
      tpu.vector_store %arg11[%parallel_loop3A_159], %parallel_loop3A_152 {strides = array<i32>} : memref<32768xf32, #tpu.memory_space<vmem>>, vector<16xf32>,
      %parallel_loop3A_161 = arith.constant 1 : i32
      %parallel_loop3A_162 = vector.broadcast %parallel_loop3A_161 : i32 to vector<16xi32>
      %parallel_loop3A_163 = arith.addi %parallel_loop3A_30, %parallel_loop3A_162 : vector<16xi32>
      %parallel_loop3A_164 = tpu.vector_load_idx %arg9[%parallel_loop3A_163] : memref<4800xf32, #tpu.memory_space<vmem>>[vector<16xi32>], vector<16xf32>,
      %parallel_loop3A_165 = arith.constant 1 : i32
      %parallel_loop3A_166 = vector.broadcast %parallel_loop3A_165 : i32 to vector<16xi32>
      %parallel_loop3A_167 = arith.addi %parallel_loop3A_38, %parallel_loop3A_166 : vector<16xi32>
      %parallel_loop3A_168 = tpu.vector_load_idx %arg9[%parallel_loop3A_167] : memref<4800xf32, #tpu.memory_space<vmem>>[vector<16xi32>], vector<16xf32>,
      %parallel_loop3A_169 = arith.addf %parallel_loop3A_164, %parallel_loop3A_168 : vector<16xf32>
      %parallel_loop3A_170 = arith.constant 1 : i32
      %parallel_loop3A_171 = vector.broadcast %parallel_loop3A_170 : i32 to vector<16xi32>
      %parallel_loop3A_172 = arith.addi %parallel_loop3A_46, %parallel_loop3A_171 : vector<16xi32>
      %parallel_loop3A_173 = tpu.vector_load_idx %arg9[%parallel_loop3A_172] : memref<4800xf32, #tpu.memory_space<vmem>>[vector<16xi32>], vector<16xf32>,
      %parallel_loop3A_174 = arith.addf %parallel_loop3A_169, %parallel_loop3A_173 : vector<16xf32>
      %parallel_loop3A_175 = arith.constant 1 : i32
      %parallel_loop3A_176 = vector.broadcast %parallel_loop3A_175 : i32 to vector<16xi32>
      %parallel_loop3A_177 = arith.addi %parallel_loop3A_54, %parallel_loop3A_176 : vector<16xi32>
      %parallel_loop3A_178 = tpu.vector_load_idx %arg9[%parallel_loop3A_177] : memref<4800xf32, #tpu.memory_space<vmem>>[vector<16xi32>], vector<16xf32>,
      %parallel_loop3A_179 = arith.addf %parallel_loop3A_174, %parallel_loop3A_178 : vector<16xf32>
      %parallel_loop3A_180 = arith.constant 1 : i32
      %parallel_loop3A_181 = vector.broadcast %parallel_loop3A_180 : i32 to vector<16xi32>
      %parallel_loop3A_182 = arith.addi %parallel_loop3A_62, %parallel_loop3A_181 : vector<16xi32>
      %parallel_loop3A_183 = tpu.vector_load_idx %arg9[%parallel_loop3A_182] : memref<4800xf32, #tpu.memory_space<vmem>>[vector<16xi32>], vector<16xf32>,
      %parallel_loop3A_184 = arith.addf %parallel_loop3A_179, %parallel_loop3A_183 : vector<16xf32>
      %parallel_loop3A_185 = arith.constant 1 : i32
      %parallel_loop3A_186 = vector.broadcast %parallel_loop3A_185 : i32 to vector<16xi32>
      %parallel_loop3A_187 = arith.addi %parallel_loop3A_70, %parallel_loop3A_186 : vector<16xi32>
      %parallel_loop3A_188 = tpu.vector_load_idx %arg10[%parallel_loop3A_187] : memref<4800xf32, #tpu.memory_space<vmem>>[vector<16xi32>], vector<16xf32>,
      %parallel_loop3A_189 = arith.constant 1 : i32
      %parallel_loop3A_190 = vector.broadcast %parallel_loop3A_189 : i32 to vector<16xi32>
      %parallel_loop3A_191 = arith.addi %parallel_loop3A_78, %parallel_loop3A_190 : vector<16xi32>
      %parallel_loop3A_192 = tpu.vector_load_idx %arg10[%parallel_loop3A_191] : memref<4800xf32, #tpu.memory_space<vmem>>[vector<16xi32>], vector<16xf32>,
      %parallel_loop3A_193 = arith.addf %parallel_loop3A_188, %parallel_loop3A_192 : vector<16xf32>
      %parallel_loop3A_194 = arith.constant 1 : i32
      %parallel_loop3A_195 = vector.broadcast %parallel_loop3A_194 : i32 to vector<16xi32>
      %parallel_loop3A_196 = arith.addi %parallel_loop3A_86, %parallel_loop3A_195 : vector<16xi32>
      %parallel_loop3A_197 = tpu.vector_load_idx %arg10[%parallel_loop3A_196] : memref<4800xf32, #tpu.memory_space<vmem>>[vector<16xi32>], vector<16xf32>,
      %parallel_loop3A_198 = arith.addf %parallel_loop3A_193, %parallel_loop3A_197 : vector<16xf32>
      %parallel_loop3A_199 = arith.constant 1 : i32
      %parallel_loop3A_200 = vector.broadcast %parallel_loop3A_199 : i32 to vector<16xi32>
      %parallel_loop3A_201 = arith.addi %parallel_loop3A_94, %parallel_loop3A_200 : vector<16xi32>
      %parallel_loop3A_202 = tpu.vector_load_idx %arg10[%parallel_loop3A_201] : memref<4800xf32, #tpu.memory_space<vmem>>[vector<16xi32>], vector<16xf32>,
      %parallel_loop3A_203 = arith.addf %parallel_loop3A_198, %parallel_loop3A_202 : vector<16xf32>
      %parallel_loop3A_204 = arith.constant 1 : i32
      %parallel_loop3A_205 = vector.broadcast %parallel_loop3A_204 : i32 to vector<16xi32>
      %parallel_loop3A_206 = arith.addi %parallel_loop3A_102, %parallel_loop3A_205 : vector<16xi32>
      %parallel_loop3A_207 = tpu.vector_load_idx %arg10[%parallel_loop3A_206] : memref<4800xf32, #tpu.memory_space<vmem>>[vector<16xi32>], vector<16xf32>,
      %parallel_loop3A_208 = arith.addf %parallel_loop3A_203, %parallel_loop3A_207 : vector<16xf32>
      %parallel_loop3A_209 = arith.constant 512 : i32
      %parallel_loop3A_210 = arith.addi %parallel_loop3A_209, %parallel_loop3A_104 : i32
      %parallel_loop3A_211 = arith.index_cast %parallel_loop3A_210 : i32 to index
      %parallel_loop3A_212 = tpu.vector_load %arg11[%parallel_loop3A_211] {strides = array<i32>} : memref<32768xf32, #tpu.memory_space<vmem>>, vector<16xf32>,
      tpu.vector_store %arg11[%parallel_loop3A_211], %parallel_loop3A_184 {strides = array<i32>} : memref<32768xf32, #tpu.memory_space<vmem>>, vector<16xf32>,
      %parallel_loop3A_213 = arith.constant 16896 : i32
      %parallel_loop3A_214 = arith.addi %parallel_loop3A_213, %parallel_loop3A_104 : i32
      %parallel_loop3A_215 = arith.index_cast %parallel_loop3A_214 : i32 to index
      %parallel_loop3A_216 = tpu.vector_load %arg11[%parallel_loop3A_215] {strides = array<i32>} : memref<32768xf32, #tpu.memory_space<vmem>>, vector<16xf32>,
      tpu.vector_store %arg11[%parallel_loop3A_215], %parallel_loop3A_208 {strides = array<i32>} : memref<32768xf32, #tpu.memory_space<vmem>>, vector<16xf32>,
      %parallel_loop3A_217 = arith.constant 2 : i32
      %parallel_loop3A_218 = vector.broadcast %parallel_loop3A_217 : i32 to vector<16xi32>
      %parallel_loop3A_219 = arith.addi %parallel_loop3A_30, %parallel_loop3A_218 : vector<16xi32>
      %parallel_loop3A_220 = tpu.vector_load_idx %arg9[%parallel_loop3A_219] : memref<4800xf32, #tpu.memory_space<vmem>>[vector<16xi32>], vector<16xf32>,
      %parallel_loop3A_221 = arith.constant 2 : i32
      %parallel_loop3A_222 = vector.broadcast %parallel_loop3A_221 : i32 to vector<16xi32>
      %parallel_loop3A_223 = arith.addi %parallel_loop3A_38, %parallel_loop3A_222 : vector<16xi32>
      %parallel_loop3A_224 = tpu.vector_load_idx %arg9[%parallel_loop3A_223] : memref<4800xf32, #tpu.memory_space<vmem>>[vector<16xi32>], vector<16xf32>,
      %parallel_loop3A_225 = arith.addf %parallel_loop3A_220, %parallel_loop3A_224 : vector<16xf32>
      %parallel_loop3A_226 = arith.constant 2 : i32
      %parallel_loop3A_227 = vector.broadcast %parallel_loop3A_226 : i32 to vector<16xi32>
      %parallel_loop3A_228 = arith.addi %parallel_loop3A_46, %parallel_loop3A_227 : vector<16xi32>
      %parallel_loop3A_229 = tpu.vector_load_idx %arg9[%parallel_loop3A_228] : memref<4800xf32, #tpu.memory_space<vmem>>[vector<16xi32>], vector<16xf32>,
      %parallel_loop3A_230 = arith.addf %parallel_loop3A_225, %parallel_loop3A_229 : vector<16xf32>
      %parallel_loop3A_231 = arith.constant 2 : i32
      %parallel_loop3A_232 = vector.broadcast %parallel_loop3A_231 : i32 to vector<16xi32>
      %parallel_loop3A_233 = arith.addi %parallel_loop3A_54, %parallel_loop3A_232 : vector<16xi32>
      %parallel_loop3A_234 = tpu.vector_load_idx %arg9[%parallel_loop3A_233] : memref<4800xf32, #tpu.memory_space<vmem>>[vector<16xi32>], vector<16xf32>,
      %parallel_loop3A_235 = arith.addf %parallel_loop3A_230, %parallel_loop3A_234 : vector<16xf32>
      %parallel_loop3A_236 = arith.constant 2 : i32
      %parallel_loop3A_237 = vector.broadcast %parallel_loop3A_236 : i32 to vector<16xi32>
      %parallel_loop3A_238 = arith.addi %parallel_loop3A_62, %parallel_loop3A_237 : vector<16xi32>
      %parallel_loop3A_239 = tpu.vector_load_idx %arg9[%parallel_loop3A_238] : memref<4800xf32, #tpu.memory_space<vmem>>[vector<16xi32>], vector<16xf32>,
      %parallel_loop3A_240 = arith.addf %parallel_loop3A_235, %parallel_loop3A_239 : vector<16xf32>
      %parallel_loop3A_241 = arith.constant 2 : i32
      %parallel_loop3A_242 = vector.broadcast %parallel_loop3A_241 : i32 to vector<16xi32>
      %parallel_loop3A_243 = arith.addi %parallel_loop3A_70, %parallel_loop3A_242 : vector<16xi32>
      %parallel_loop3A_244 = tpu.vector_load_idx %arg10[%parallel_loop3A_243] : memref<4800xf32, #tpu.memory_space<vmem>>[vector<16xi32>], vector<16xf32>,
      %parallel_loop3A_245 = arith.constant 2 : i32
      %parallel_loop3A_246 = vector.broadcast %parallel_loop3A_245 : i32 to vector<16xi32>
      %parallel_loop3A_247 = arith.addi %parallel_loop3A_78, %parallel_loop3A_246 : vector<16xi32>
      %parallel_loop3A_248 = tpu.vector_load_idx %arg10[%parallel_loop3A_247] : memref<4800xf32, #tpu.memory_space<vmem>>[vector<16xi32>], vector<16xf32>,
      %parallel_loop3A_249 = arith.addf %parallel_loop3A_244, %parallel_loop3A_248 : vector<16xf32>
      %parallel_loop3A_250 = arith.constant 2 : i32
      %parallel_loop3A_251 = vector.broadcast %parallel_loop3A_250 : i32 to vector<16xi32>
      %parallel_loop3A_252 = arith.addi %parallel_loop3A_86, %parallel_loop3A_251 : vector<16xi32>
      %parallel_loop3A_253 = tpu.vector_load_idx %arg10[%parallel_loop3A_252] : memref<4800xf32, #tpu.memory_space<vmem>>[vector<16xi32>], vector<16xf32>,
      %parallel_loop3A_254 = arith.addf %parallel_loop3A_249, %parallel_loop3A_253 : vector<16xf32>
      %parallel_loop3A_255 = arith.constant 2 : i32
      %parallel_loop3A_256 = vector.broadcast %parallel_loop3A_255 : i32 to vector<16xi32>
      %parallel_loop3A_257 = arith.addi %parallel_loop3A_94, %parallel_loop3A_256 : vector<16xi32>
      %parallel_loop3A_258 = tpu.vector_load_idx %arg10[%parallel_loop3A_257] : memref<4800xf32, #tpu.memory_space<vmem>>[vector<16xi32>], vector<16xf32>,
      %parallel_loop3A_259 = arith.addf %parallel_loop3A_254, %parallel_loop3A_258 : vector<16xf32>
      %parallel_loop3A_260 = arith.constant 2 : i32
      %parallel_loop3A_261 = vector.broadcast %parallel_loop3A_260 : i32 to vector<16xi32>
      %parallel_loop3A_262 = arith.addi %parallel_loop3A_102, %parallel_loop3A_261 : vector<16xi32>
      %parallel_loop3A_263 = tpu.vector_load_idx %arg10[%parallel_loop3A_262] : memref<4800xf32, #tpu.memory_space<vmem>>[vector<16xi32>], vector<16xf32>,
      %parallel_loop3A_264 = arith.addf %parallel_loop3A_259, %parallel_loop3A_263 : vector<16xf32>
      %parallel_loop3A_265 = arith.constant 1024 : i32
      %parallel_loop3A_266 = arith.addi %parallel_loop3A_265, %parallel_loop3A_104 : i32
      %parallel_loop3A_267 = arith.index_cast %parallel_loop3A_266 : i32 to index
      %parallel_loop3A_268 = tpu.vector_load %arg11[%parallel_loop3A_267] {strides = array<i32>} : memref<32768xf32, #tpu.memory_space<vmem>>, vector<16xf32>,
      tpu.vector_store %arg11[%parallel_loop3A_267], %parallel_loop3A_240 {strides = array<i32>} : memref<32768xf32, #tpu.memory_space<vmem>>, vector<16xf32>,
      %parallel_loop3A_269 = arith.constant 17408 : i32
      %parallel_loop3A_270 = arith.addi %parallel_loop3A_269, %parallel_loop3A_104 : i32
      %parallel_loop3A_271 = arith.index_cast %parallel_loop3A_270 : i32 to index
      %parallel_loop3A_272 = tpu.vector_load %arg11[%parallel_loop3A_271] {strides = array<i32>} : memref<32768xf32, #tpu.memory_space<vmem>>, vector<16xf32>,
      tpu.vector_store %arg11[%parallel_loop3A_271], %parallel_loop3A_264 {strides = array<i32>} : memref<32768xf32, #tpu.memory_space<vmem>>, vector<16xf32>,
      %parallel_loop3A_273 = arith.constant 3 : i32
      %parallel_loop3A_274 = vector.broadcast %parallel_loop3A_273 : i32 to vector<16xi32>
      %parallel_loop3A_275 = arith.addi %parallel_loop3A_30, %parallel_loop3A_274 : vector<16xi32>
      %parallel_loop3A_276 = tpu.vector_load_idx %arg9[%parallel_loop3A_275] : memref<4800xf32, #tpu.memory_space<vmem>>[vector<16xi32>], vector<16xf32>,
      %parallel_loop3A_277 = arith.constant 3 : i32
      %parallel_loop3A_278 = vector.broadcast %parallel_loop3A_277 : i32 to vector<16xi32>
      %parallel_loop3A_279 = arith.addi %parallel_loop3A_38, %parallel_loop3A_278 : vector<16xi32>
      %parallel_loop3A_280 = tpu.vector_load_idx %arg9[%parallel_loop3A_279] : memref<4800xf32, #tpu.memory_space<vmem>>[vector<16xi32>], vector<16xf32>,
      %parallel_loop3A_281 = arith.addf %parallel_loop3A_276, %parallel_loop3A_280 : vector<16xf32>
      %parallel_loop3A_282 = arith.constant 3 : i32
      %parallel_loop3A_283 = vector.broadcast %parallel_loop3A_282 : i32 to vector<16xi32>
      %parallel_loop3A_284 = arith.addi %parallel_loop3A_46, %parallel_loop3A_283 : vector<16xi32>
      %parallel_loop3A_285 = tpu.vector_load_idx %arg9[%parallel_loop3A_284] : memref<4800xf32, #tpu.memory_space<vmem>>[vector<16xi32>], vector<16xf32>,
      %parallel_loop3A_286 = arith.addf %parallel_loop3A_281, %parallel_loop3A_285 : vector<16xf32>
      %parallel_loop3A_287 = arith.constant 3 : i32
      %parallel_loop3A_288 = vector.broadcast %parallel_loop3A_287 : i32 to vector<16xi32>
      %parallel_loop3A_289 = arith.addi %parallel_loop3A_54, %parallel_loop3A_288 : vector<16xi32>
      %parallel_loop3A_290 = tpu.vector_load_idx %arg9[%parallel_loop3A_289] : memref<4800xf32, #tpu.memory_space<vmem>>[vector<16xi32>], vector<16xf32>,
      %parallel_loop3A_291 = arith.addf %parallel_loop3A_286, %parallel_loop3A_290 : vector<16xf32>
      %parallel_loop3A_292 = arith.constant 3 : i32
      %parallel_loop3A_293 = vector.broadcast %parallel_loop3A_292 : i32 to vector<16xi32>
      %parallel_loop3A_294 = arith.addi %parallel_loop3A_62, %parallel_loop3A_293 : vector<16xi32>
      %parallel_loop3A_295 = tpu.vector_load_idx %arg9[%parallel_loop3A_294] : memref<4800xf32, #tpu.memory_space<vmem>>[vector<16xi32>], vector<16xf32>,
      %parallel_loop3A_296 = arith.addf %parallel_loop3A_291, %parallel_loop3A_295 : vector<16xf32>
      %parallel_loop3A_297 = arith.constant 3 : i32
      %parallel_loop3A_298 = vector.broadcast %parallel_loop3A_297 : i32 to vector<16xi32>
      %parallel_loop3A_299 = arith.addi %parallel_loop3A_70, %parallel_loop3A_298 : vector<16xi32>
      %parallel_loop3A_300 = tpu.vector_load_idx %arg10[%parallel_loop3A_299] : memref<4800xf32, #tpu.memory_space<vmem>>[vector<16xi32>], vector<16xf32>,
      %parallel_loop3A_301 = arith.constant 3 : i32
      %parallel_loop3A_302 = vector.broadcast %parallel_loop3A_301 : i32 to vector<16xi32>
      %parallel_loop3A_303 = arith.addi %parallel_loop3A_78, %parallel_loop3A_302 : vector<16xi32>
      %parallel_loop3A_304 = tpu.vector_load_idx %arg10[%parallel_loop3A_303] : memref<4800xf32, #tpu.memory_space<vmem>>[vector<16xi32>], vector<16xf32>,
      %parallel_loop3A_305 = arith.addf %parallel_loop3A_300, %parallel_loop3A_304 : vector<16xf32>
      %parallel_loop3A_306 = arith.constant 3 : i32
      %parallel_loop3A_307 = vector.broadcast %parallel_loop3A_306 : i32 to vector<16xi32>
      %parallel_loop3A_308 = arith.addi %parallel_loop3A_86, %parallel_loop3A_307 : vector<16xi32>
      %parallel_loop3A_309 = tpu.vector_load_idx %arg10[%parallel_loop3A_308] : memref<4800xf32, #tpu.memory_space<vmem>>[vector<16xi32>], vector<16xf32>,
      %parallel_loop3A_310 = arith.addf %parallel_loop3A_305, %parallel_loop3A_309 : vector<16xf32>
      %parallel_loop3A_311 = arith.constant 3 : i32
      %parallel_loop3A_312 = vector.broadcast %parallel_loop3A_311 : i32 to vector<16xi32>
      %parallel_loop3A_313 = arith.addi %parallel_loop3A_94, %parallel_loop3A_312 : vector<16xi32>
      %parallel_loop3A_314 = tpu.vector_load_idx %arg10[%parallel_loop3A_313] : memref<4800xf32, #tpu.memory_space<vmem>>[vector<16xi32>], vector<16xf32>,
      %parallel_loop3A_315 = arith.addf %parallel_loop3A_310, %parallel_loop3A_314 : vector<16xf32>
      %parallel_loop3A_316 = arith.constant 3 : i32
      %parallel_loop3A_317 = vector.broadcast %parallel_loop3A_316 : i32 to vector<16xi32>
      %parallel_loop3A_318 = arith.addi %parallel_loop3A_102, %parallel_loop3A_317 : vector<16xi32>
      %parallel_loop3A_319 = tpu.vector_load_idx %arg10[%parallel_loop3A_318] : memref<4800xf32, #tpu.memory_space<vmem>>[vector<16xi32>], vector<16xf32>,
      %parallel_loop3A_320 = arith.addf %parallel_loop3A_315, %parallel_loop3A_319 : vector<16xf32>
      %parallel_loop3A_321 = arith.constant 1536 : i32
      %parallel_loop3A_322 = arith.addi %parallel_loop3A_321, %parallel_loop3A_104 : i32
      %parallel_loop3A_323 = arith.index_cast %parallel_loop3A_322 : i32 to index
      %parallel_loop3A_324 = tpu.vector_load %arg11[%parallel_loop3A_323] {strides = array<i32>} : memref<32768xf32, #tpu.memory_space<vmem>>, vector<16xf32>,
      tpu.vector_store %arg11[%parallel_loop3A_323], %parallel_loop3A_296 {strides = array<i32>} : memref<32768xf32, #tpu.memory_space<vmem>>, vector<16xf32>,
      %parallel_loop3A_325 = arith.constant 17920 : i32
      %parallel_loop3A_326 = arith.addi %parallel_loop3A_325, %parallel_loop3A_104 : i32
      %parallel_loop3A_327 = arith.index_cast %parallel_loop3A_326 : i32 to index
      %parallel_loop3A_328 = tpu.vector_load %arg11[%parallel_loop3A_327] {strides = array<i32>} : memref<32768xf32, #tpu.memory_space<vmem>>, vector<16xf32>,
      tpu.vector_store %arg11[%parallel_loop3A_327], %parallel_loop3A_320 {strides = array<i32>} : memref<32768xf32, #tpu.memory_space<vmem>>, vector<16xf32>,
      %parallel_loop3A_329 = arith.constant 4 : i32
      %parallel_loop3A_330 = vector.broadcast %parallel_loop3A_329 : i32 to vector<16xi32>
      %parallel_loop3A_331 = arith.addi %parallel_loop3A_30, %parallel_loop3A_330 : vector<16xi32>
      %parallel_loop3A_332 = tpu.vector_load_idx %arg9[%parallel_loop3A_331] : memref<4800xf32, #tpu.memory_space<vmem>>[vector<16xi32>], vector<16xf32>,
      %parallel_loop3A_333 = arith.constant 4 : i32
      %parallel_loop3A_334 = vector.broadcast %parallel_loop3A_333 : i32 to vector<16xi32>
      %parallel_loop3A_335 = arith.addi %parallel_loop3A_38, %parallel_loop3A_334 : vector<16xi32>
      %parallel_loop3A_336 = tpu.vector_load_idx %arg9[%parallel_loop3A_335] : memref<4800xf32, #tpu.memory_space<vmem>>[vector<16xi32>], vector<16xf32>,
      %parallel_loop3A_337 = arith.addf %parallel_loop3A_332, %parallel_loop3A_336 : vector<16xf32>
      %parallel_loop3A_338 = arith.constant 4 : i32
      %parallel_loop3A_339 = vector.broadcast %parallel_loop3A_338 : i32 to vector<16xi32>
      %parallel_loop3A_340 = arith.addi %parallel_loop3A_46, %parallel_loop3A_339 : vector<16xi32>
      %parallel_loop3A_341 = tpu.vector_load_idx %arg9[%parallel_loop3A_340] : memref<4800xf32, #tpu.memory_space<vmem>>[vector<16xi32>], vector<16xf32>,
      %parallel_loop3A_342 = arith.addf %parallel_loop3A_337, %parallel_loop3A_341 : vector<16xf32>
      %parallel_loop3A_343 = arith.constant 4 : i32
      %parallel_loop3A_344 = vector.broadcast %parallel_loop3A_343 : i32 to vector<16xi32>
      %parallel_loop3A_345 = arith.addi %parallel_loop3A_54, %parallel_loop3A_344 : vector<16xi32>
      %parallel_loop3A_346 = tpu.vector_load_idx %arg9[%parallel_loop3A_345] : memref<4800xf32, #tpu.memory_space<vmem>>[vector<16xi32>], vector<16xf32>,
      %parallel_loop3A_347 = arith.addf %parallel_loop3A_342, %parallel_loop3A_346 : vector<16xf32>
      %parallel_loop3A_348 = arith.constant 4 : i32
      %parallel_loop3A_349 = vector.broadcast %parallel_loop3A_348 : i32 to vector<16xi32>
      %parallel_loop3A_350 = arith.addi %parallel_loop3A_62, %parallel_loop3A_349 : vector<16xi32>
      %parallel_loop3A_351 = tpu.vector_load_idx %arg9[%parallel_loop3A_350] : memref<4800xf32, #tpu.memory_space<vmem>>[vector<16xi32>], vector<16xf32>,
      %parallel_loop3A_352 = arith.addf %parallel_loop3A_347, %parallel_loop3A_351 : vector<16xf32>
      %parallel_loop3A_353 = arith.constant 4 : i32
      %parallel_loop3A_354 = vector.broadcast %parallel_loop3A_353 : i32 to vector<16xi32>
      %parallel_loop3A_355 = arith.addi %parallel_loop3A_70, %parallel_loop3A_354 : vector<16xi32>
      %parallel_loop3A_356 = tpu.vector_load_idx %arg10[%parallel_loop3A_355] : memref<4800xf32, #tpu.memory_space<vmem>>[vector<16xi32>], vector<16xf32>,
      %parallel_loop3A_357 = arith.constant 4 : i32
      %parallel_loop3A_358 = vector.broadcast %parallel_loop3A_357 : i32 to vector<16xi32>
      %parallel_loop3A_359 = arith.addi %parallel_loop3A_78, %parallel_loop3A_358 : vector<16xi32>
      %parallel_loop3A_360 = tpu.vector_load_idx %arg10[%parallel_loop3A_359] : memref<4800xf32, #tpu.memory_space<vmem>>[vector<16xi32>], vector<16xf32>,
      %parallel_loop3A_361 = arith.addf %parallel_loop3A_356, %parallel_loop3A_360 : vector<16xf32>
      %parallel_loop3A_362 = arith.constant 4 : i32
      %parallel_loop3A_363 = vector.broadcast %parallel_loop3A_362 : i32 to vector<16xi32>
      %parallel_loop3A_364 = arith.addi %parallel_loop3A_86, %parallel_loop3A_363 : vector<16xi32>
      %parallel_loop3A_365 = tpu.vector_load_idx %arg10[%parallel_loop3A_364] : memref<4800xf32, #tpu.memory_space<vmem>>[vector<16xi32>], vector<16xf32>,
      %parallel_loop3A_366 = arith.addf %parallel_loop3A_361, %parallel_loop3A_365 : vector<16xf32>
      %parallel_loop3A_367 = arith.constant 4 : i32
      %parallel_loop3A_368 = vector.broadcast %parallel_loop3A_367 : i32 to vector<16xi32>
      %parallel_loop3A_369 = arith.addi %parallel_loop3A_94, %parallel_loop3A_368 : vector<16xi32>
      %parallel_loop3A_370 = tpu.vector_load_idx %arg10[%parallel_loop3A_369] : memref<4800xf32, #tpu.memory_space<vmem>>[vector<16xi32>], vector<16xf32>,
      %parallel_loop3A_371 = arith.addf %parallel_loop3A_366, %parallel_loop3A_370 : vector<16xf32>
      %parallel_loop3A_372 = arith.constant 4 : i32
      %parallel_loop3A_373 = vector.broadcast %parallel_loop3A_372 : i32 to vector<16xi32>
      %parallel_loop3A_374 = arith.addi %parallel_loop3A_102, %parallel_loop3A_373 : vector<16xi32>
      %parallel_loop3A_375 = tpu.vector_load_idx %arg10[%parallel_loop3A_374] : memref<4800xf32, #tpu.memory_space<vmem>>[vector<16xi32>], vector<16xf32>,
      %parallel_loop3A_376 = arith.addf %parallel_loop3A_371, %parallel_loop3A_375 : vector<16xf32>
      %parallel_loop3A_377 = arith.constant 2048 : i32
      %parallel_loop3A_378 = arith.addi %parallel_loop3A_377, %parallel_loop3A_104 : i32
      %parallel_loop3A_379 = arith.index_cast %parallel_loop3A_378 : i32 to index
      %parallel_loop3A_380 = tpu.vector_load %arg11[%parallel_loop3A_379] {strides = array<i32>} : memref<32768xf32, #tpu.memory_space<vmem>>, vector<16xf32>,
      tpu.vector_store %arg11[%parallel_loop3A_379], %parallel_loop3A_352 {strides = array<i32>} : memref<32768xf32, #tpu.memory_space<vmem>>, vector<16xf32>,
      %parallel_loop3A_381 = arith.constant 18432 : i32
      %parallel_loop3A_382 = arith.addi %parallel_loop3A_381, %parallel_loop3A_104 : i32
      %parallel_loop3A_383 = arith.index_cast %parallel_loop3A_382 : i32 to index
      %parallel_loop3A_384 = tpu.vector_load %arg11[%parallel_loop3A_383] {strides = array<i32>} : memref<32768xf32, #tpu.memory_space<vmem>>, vector<16xf32>,
      tpu.vector_store %arg11[%parallel_loop3A_383], %parallel_loop3A_376 {strides = array<i32>} : memref<32768xf32, #tpu.memory_space<vmem>>, vector<16xf32>,
      %parallel_loop3A_385 = arith.constant 5 : i32
      %parallel_loop3A_386 = vector.broadcast %parallel_loop3A_385 : i32 to vector<16xi32>
      %parallel_loop3A_387 = arith.addi %parallel_loop3A_30, %parallel_loop3A_386 : vector<16xi32>
      %parallel_loop3A_388 = tpu.vector_load_idx %arg9[%parallel_loop3A_387] : memref<4800xf32, #tpu.memory_space<vmem>>[vector<16xi32>], vector<16xf32>,
      %parallel_loop3A_389 = arith.constant 5 : i32
      %parallel_loop3A_390 = vector.broadcast %parallel_loop3A_389 : i32 to vector<16xi32>
      %parallel_loop3A_391 = arith.addi %parallel_loop3A_38, %parallel_loop3A_390 : vector<16xi32>
      %parallel_loop3A_392 = tpu.vector_load_idx %arg9[%parallel_loop3A_391] : memref<4800xf32, #tpu.memory_space<vmem>>[vector<16xi32>], vector<16xf32>,
      %parallel_loop3A_393 = arith.addf %parallel_loop3A_388, %parallel_loop3A_392 : vector<16xf32>
      %parallel_loop3A_394 = arith.constant 5 : i32
      %parallel_loop3A_395 = vector.broadcast %parallel_loop3A_394 : i32 to vector<16xi32>
      %parallel_loop3A_396 = arith.addi %parallel_loop3A_46, %parallel_loop3A_395 : vector<16xi32>
      %parallel_loop3A_397 = tpu.vector_load_idx %arg9[%parallel_loop3A_396] : memref<4800xf32, #tpu.memory_space<vmem>>[vector<16xi32>], vector<16xf32>,
      %parallel_loop3A_398 = arith.addf %parallel_loop3A_393, %parallel_loop3A_397 : vector<16xf32>
      %parallel_loop3A_399 = arith.constant 5 : i32
      %parallel_loop3A_400 = vector.broadcast %parallel_loop3A_399 : i32 to vector<16xi32>
      %parallel_loop3A_401 = arith.addi %parallel_loop3A_54, %parallel_loop3A_400 : vector<16xi32>
      %parallel_loop3A_402 = tpu.vector_load_idx %arg9[%parallel_loop3A_401] : memref<4800xf32, #tpu.memory_space<vmem>>[vector<16xi32>], vector<16xf32>,
      %parallel_loop3A_403 = arith.addf %parallel_loop3A_398, %parallel_loop3A_402 : vector<16xf32>
      %parallel_loop3A_404 = arith.constant 5 : i32
      %parallel_loop3A_405 = vector.broadcast %parallel_loop3A_404 : i32 to vector<16xi32>
      %parallel_loop3A_406 = arith.addi %parallel_loop3A_62, %parallel_loop3A_405 : vector<16xi32>
      %parallel_loop3A_407 = tpu.vector_load_idx %arg9[%parallel_loop3A_406] : memref<4800xf32, #tpu.memory_space<vmem>>[vector<16xi32>], vector<16xf32>,
      %parallel_loop3A_408 = arith.addf %parallel_loop3A_403, %parallel_loop3A_407 : vector<16xf32>
      %parallel_loop3A_409 = arith.constant 5 : i32
      %parallel_loop3A_410 = vector.broadcast %parallel_loop3A_409 : i32 to vector<16xi32>
      %parallel_loop3A_411 = arith.addi %parallel_loop3A_70, %parallel_loop3A_410 : vector<16xi32>
      %parallel_loop3A_412 = tpu.vector_load_idx %arg10[%parallel_loop3A_411] : memref<4800xf32, #tpu.memory_space<vmem>>[vector<16xi32>], vector<16xf32>,
      %parallel_loop3A_413 = arith.constant 5 : i32
      %parallel_loop3A_414 = vector.broadcast %parallel_loop3A_413 : i32 to vector<16xi32>
      %parallel_loop3A_415 = arith.addi %parallel_loop3A_78, %parallel_loop3A_414 : vector<16xi32>
      %parallel_loop3A_416 = tpu.vector_load_idx %arg10[%parallel_loop3A_415] : memref<4800xf32, #tpu.memory_space<vmem>>[vector<16xi32>], vector<16xf32>,
      %parallel_loop3A_417 = arith.addf %parallel_loop3A_412, %parallel_loop3A_416 : vector<16xf32>
      %parallel_loop3A_418 = arith.constant 5 : i32
      %parallel_loop3A_419 = vector.broadcast %parallel_loop3A_418 : i32 to vector<16xi32>
      %parallel_loop3A_420 = arith.addi %parallel_loop3A_86, %parallel_loop3A_419 : vector<16xi32>
      %parallel_loop3A_421 = tpu.vector_load_idx %arg10[%parallel_loop3A_420] : memref<4800xf32, #tpu.memory_space<vmem>>[vector<16xi32>], vector<16xf32>,
      %parallel_loop3A_422 = arith.addf %parallel_loop3A_417, %parallel_loop3A_421 : vector<16xf32>
      %parallel_loop3A_423 = arith.constant 5 : i32
      %parallel_loop3A_424 = vector.broadcast %parallel_loop3A_423 : i32 to vector<16xi32>
      %parallel_loop3A_425 = arith.addi %parallel_loop3A_94, %parallel_loop3A_424 : vector<16xi32>
      %parallel_loop3A_426 = tpu.vector_load_idx %arg10[%parallel_loop3A_425] : memref<4800xf32, #tpu.memory_space<vmem>>[vector<16xi32>], vector<16xf32>,
      %parallel_loop3A_427 = arith.addf %parallel_loop3A_422, %parallel_loop3A_426 : vector<16xf32>
      %parallel_loop3A_428 = arith.constant 5 : i32
      %parallel_loop3A_429 = vector.broadcast %parallel_loop3A_428 : i32 to vector<16xi32>
      %parallel_loop3A_430 = arith.addi %parallel_loop3A_102, %parallel_loop3A_429 : vector<16xi32>
      %parallel_loop3A_431 = tpu.vector_load_idx %arg10[%parallel_loop3A_430] : memref<4800xf32, #tpu.memory_space<vmem>>[vector<16xi32>], vector<16xf32>,
      %parallel_loop3A_432 = arith.addf %parallel_loop3A_427, %parallel_loop3A_431 : vector<16xf32>
      %parallel_loop3A_433 = arith.constant 2560 : i32
      %parallel_loop3A_434 = arith.addi %parallel_loop3A_433, %parallel_loop3A_104 : i32
      %parallel_loop3A_435 = arith.index_cast %parallel_loop3A_434 : i32 to index
      %parallel_loop3A_436 = tpu.vector_load %arg11[%parallel_loop3A_435] {strides = array<i32>} : memref<32768xf32, #tpu.memory_space<vmem>>, vector<16xf32>,
      tpu.vector_store %arg11[%parallel_loop3A_435], %parallel_loop3A_408 {strides = array<i32>} : memref<32768xf32, #tpu.memory_space<vmem>>, vector<16xf32>,
      %parallel_loop3A_437 = arith.constant 18944 : i32
      %parallel_loop3A_438 = arith.addi %parallel_loop3A_437, %parallel_loop3A_104 : i32
      %parallel_loop3A_439 = arith.index_cast %parallel_loop3A_438 : i32 to index
      %parallel_loop3A_440 = tpu.vector_load %arg11[%parallel_loop3A_439] {strides = array<i32>} : memref<32768xf32, #tpu.memory_space<vmem>>, vector<16xf32>,
      tpu.vector_store %arg11[%parallel_loop3A_439], %parallel_loop3A_432 {strides = array<i32>} : memref<32768xf32, #tpu.memory_space<vmem>>, vector<16xf32>,
      %parallel_loop3A_441 = arith.constant 6 : i32
      %parallel_loop3A_442 = vector.broadcast %parallel_loop3A_441 : i32 to vector<16xi32>
      %parallel_loop3A_443 = arith.addi %parallel_loop3A_30, %parallel_loop3A_442 : vector<16xi32>
      %parallel_loop3A_444 = tpu.vector_load_idx %arg9[%parallel_loop3A_443] : memref<4800xf32, #tpu.memory_space<vmem>>[vector<16xi32>], vector<16xf32>,
      %parallel_loop3A_445 = arith.constant 6 : i32
      %parallel_loop3A_446 = vector.broadcast %parallel_loop3A_445 : i32 to vector<16xi32>
      %parallel_loop3A_447 = arith.addi %parallel_loop3A_38, %parallel_loop3A_446 : vector<16xi32>
      %parallel_loop3A_448 = tpu.vector_load_idx %arg9[%parallel_loop3A_447] : memref<4800xf32, #tpu.memory_space<vmem>>[vector<16xi32>], vector<16xf32>,
      %parallel_loop3A_449 = arith.addf %parallel_loop3A_444, %parallel_loop3A_448 : vector<16xf32>
      %parallel_loop3A_450 = arith.constant 6 : i32
      %parallel_loop3A_451 = vector.broadcast %parallel_loop3A_450 : i32 to vector<16xi32>
      %parallel_loop3A_452 = arith.addi %parallel_loop3A_46, %parallel_loop3A_451 : vector<16xi32>
      %parallel_loop3A_453 = tpu.vector_load_idx %arg9[%parallel_loop3A_452] : memref<4800xf32, #tpu.memory_space<vmem>>[vector<16xi32>], vector<16xf32>,
      %parallel_loop3A_454 = arith.addf %parallel_loop3A_449, %parallel_loop3A_453 : vector<16xf32>
      %parallel_loop3A_455 = arith.constant 6 : i32
      %parallel_loop3A_456 = vector.broadcast %parallel_loop3A_455 : i32 to vector<16xi32>
      %parallel_loop3A_457 = arith.addi %parallel_loop3A_54, %parallel_loop3A_456 : vector<16xi32>
      %parallel_loop3A_458 = tpu.vector_load_idx %arg9[%parallel_loop3A_457] : memref<4800xf32, #tpu.memory_space<vmem>>[vector<16xi32>], vector<16xf32>,
      %parallel_loop3A_459 = arith.addf %parallel_loop3A_454, %parallel_loop3A_458 : vector<16xf32>
      %parallel_loop3A_460 = arith.constant 6 : i32
      %parallel_loop3A_461 = vector.broadcast %parallel_loop3A_460 : i32 to vector<16xi32>
      %parallel_loop3A_462 = arith.addi %parallel_loop3A_62, %parallel_loop3A_461 : vector<16xi32>
      %parallel_loop3A_463 = tpu.vector_load_idx %arg9[%parallel_loop3A_462] : memref<4800xf32, #tpu.memory_space<vmem>>[vector<16xi32>], vector<16xf32>,
      %parallel_loop3A_464 = arith.addf %parallel_loop3A_459, %parallel_loop3A_463 : vector<16xf32>
      %parallel_loop3A_465 = arith.constant 6 : i32
      %parallel_loop3A_466 = vector.broadcast %parallel_loop3A_465 : i32 to vector<16xi32>
      %parallel_loop3A_467 = arith.addi %parallel_loop3A_70, %parallel_loop3A_466 : vector<16xi32>
      %parallel_loop3A_468 = tpu.vector_load_idx %arg10[%parallel_loop3A_467] : memref<4800xf32, #tpu.memory_space<vmem>>[vector<16xi32>], vector<16xf32>,
      %parallel_loop3A_469 = arith.constant 6 : i32
      %parallel_loop3A_470 = vector.broadcast %parallel_loop3A_469 : i32 to vector<16xi32>
      %parallel_loop3A_471 = arith.addi %parallel_loop3A_78, %parallel_loop3A_470 : vector<16xi32>
      %parallel_loop3A_472 = tpu.vector_load_idx %arg10[%parallel_loop3A_471] : memref<4800xf32, #tpu.memory_space<vmem>>[vector<16xi32>], vector<16xf32>,
      %parallel_loop3A_473 = arith.addf %parallel_loop3A_468, %parallel_loop3A_472 : vector<16xf32>
      %parallel_loop3A_474 = arith.constant 6 : i32
      %parallel_loop3A_475 = vector.broadcast %parallel_loop3A_474 : i32 to vector<16xi32>
      %parallel_loop3A_476 = arith.addi %parallel_loop3A_86, %parallel_loop3A_475 : vector<16xi32>
      %parallel_loop3A_477 = tpu.vector_load_idx %arg10[%parallel_loop3A_476] : memref<4800xf32, #tpu.memory_space<vmem>>[vector<16xi32>], vector<16xf32>,
      %parallel_loop3A_478 = arith.addf %parallel_loop3A_473, %parallel_loop3A_477 : vector<16xf32>
      %parallel_loop3A_479 = arith.constant 6 : i32
      %parallel_loop3A_480 = vector.broadcast %parallel_loop3A_479 : i32 to vector<16xi32>
      %parallel_loop3A_481 = arith.addi %parallel_loop3A_94, %parallel_loop3A_480 : vector<16xi32>
      %parallel_loop3A_482 = tpu.vector_load_idx %arg10[%parallel_loop3A_481] : memref<4800xf32, #tpu.memory_space<vmem>>[vector<16xi32>], vector<16xf32>,
      %parallel_loop3A_483 = arith.addf %parallel_loop3A_478, %parallel_loop3A_482 : vector<16xf32>
      %parallel_loop3A_484 = arith.constant 6 : i32
      %parallel_loop3A_485 = vector.broadcast %parallel_loop3A_484 : i32 to vector<16xi32>
      %parallel_loop3A_486 = arith.addi %parallel_loop3A_102, %parallel_loop3A_485 : vector<16xi32>
      %parallel_loop3A_487 = tpu.vector_load_idx %arg10[%parallel_loop3A_486] : memref<4800xf32, #tpu.memory_space<vmem>>[vector<16xi32>], vector<16xf32>,
      %parallel_loop3A_488 = arith.addf %parallel_loop3A_483, %parallel_loop3A_487 : vector<16xf32>
      %parallel_loop3A_489 = arith.constant 3072 : i32
      %parallel_loop3A_490 = arith.addi %parallel_loop3A_489, %parallel_loop3A_104 : i32
      %parallel_loop3A_491 = arith.index_cast %parallel_loop3A_490 : i32 to index
      %parallel_loop3A_492 = tpu.vector_load %arg11[%parallel_loop3A_491] {strides = array<i32>} : memref<32768xf32, #tpu.memory_space<vmem>>, vector<16xf32>,
      tpu.vector_store %arg11[%parallel_loop3A_491], %parallel_loop3A_464 {strides = array<i32>} : memref<32768xf32, #tpu.memory_space<vmem>>, vector<16xf32>,
      %parallel_loop3A_493 = arith.constant 19456 : i32
      %parallel_loop3A_494 = arith.addi %parallel_loop3A_493, %parallel_loop3A_104 : i32
      %parallel_loop3A_495 = arith.index_cast %parallel_loop3A_494 : i32 to index
      %parallel_loop3A_496 = tpu.vector_load %arg11[%parallel_loop3A_495] {strides = array<i32>} : memref<32768xf32, #tpu.memory_space<vmem>>, vector<16xf32>,
      tpu.vector_store %arg11[%parallel_loop3A_495], %parallel_loop3A_488 {strides = array<i32>} : memref<32768xf32, #tpu.memory_space<vmem>>, vector<16xf32>,
      %parallel_loop3A_497 = arith.constant 7 : i32
      %parallel_loop3A_498 = vector.broadcast %parallel_loop3A_497 : i32 to vector<16xi32>
      %parallel_loop3A_499 = arith.addi %parallel_loop3A_30, %parallel_loop3A_498 : vector<16xi32>
      %parallel_loop3A_500 = tpu.vector_load_idx %arg9[%parallel_loop3A_499] : memref<4800xf32, #tpu.memory_space<vmem>>[vector<16xi32>], vector<16xf32>,
      %parallel_loop3A_501 = arith.constant 7 : i32
      %parallel_loop3A_502 = vector.broadcast %parallel_loop3A_501 : i32 to vector<16xi32>
      %parallel_loop3A_503 = arith.addi %parallel_loop3A_38, %parallel_loop3A_502 : vector<16xi32>
      %parallel_loop3A_504 = tpu.vector_load_idx %arg9[%parallel_loop3A_503] : memref<4800xf32, #tpu.memory_space<vmem>>[vector<16xi32>], vector<16xf32>,
      %parallel_loop3A_505 = arith.addf %parallel_loop3A_500, %parallel_loop3A_504 : vector<16xf32>
      %parallel_loop3A_506 = arith.constant 7 : i32
      %parallel_loop3A_507 = vector.broadcast %parallel_loop3A_506 : i32 to vector<16xi32>
      %parallel_loop3A_508 = arith.addi %parallel_loop3A_46, %parallel_loop3A_507 : vector<16xi32>
      %parallel_loop3A_509 = tpu.vector_load_idx %arg9[%parallel_loop3A_508] : memref<4800xf32, #tpu.memory_space<vmem>>[vector<16xi32>], vector<16xf32>,
      %parallel_loop3A_510 = arith.addf %parallel_loop3A_505, %parallel_loop3A_509 : vector<16xf32>
      %parallel_loop3A_511 = arith.constant 7 : i32
      %parallel_loop3A_512 = vector.broadcast %parallel_loop3A_511 : i32 to vector<16xi32>
      %parallel_loop3A_513 = arith.addi %parallel_loop3A_54, %parallel_loop3A_512 : vector<16xi32>
      %parallel_loop3A_514 = tpu.vector_load_idx %arg9[%parallel_loop3A_513] : memref<4800xf32, #tpu.memory_space<vmem>>[vector<16xi32>], vector<16xf32>,
      %parallel_loop3A_515 = arith.addf %parallel_loop3A_510, %parallel_loop3A_514 : vector<16xf32>
      %parallel_loop3A_516 = arith.constant 7 : i32
      %parallel_loop3A_517 = vector.broadcast %parallel_loop3A_516 : i32 to vector<16xi32>
      %parallel_loop3A_518 = arith.addi %parallel_loop3A_62, %parallel_loop3A_517 : vector<16xi32>
      %parallel_loop3A_519 = tpu.vector_load_idx %arg9[%parallel_loop3A_518] : memref<4800xf32, #tpu.memory_space<vmem>>[vector<16xi32>], vector<16xf32>,
      %parallel_loop3A_520 = arith.addf %parallel_loop3A_515, %parallel_loop3A_519 : vector<16xf32>
      %parallel_loop3A_521 = arith.constant 7 : i32
      %parallel_loop3A_522 = vector.broadcast %parallel_loop3A_521 : i32 to vector<16xi32>
      %parallel_loop3A_523 = arith.addi %parallel_loop3A_70, %parallel_loop3A_522 : vector<16xi32>
      %parallel_loop3A_524 = tpu.vector_load_idx %arg10[%parallel_loop3A_523] : memref<4800xf32, #tpu.memory_space<vmem>>[vector<16xi32>], vector<16xf32>,
      %parallel_loop3A_525 = arith.constant 7 : i32
      %parallel_loop3A_526 = vector.broadcast %parallel_loop3A_525 : i32 to vector<16xi32>
      %parallel_loop3A_527 = arith.addi %parallel_loop3A_78, %parallel_loop3A_526 : vector<16xi32>
      %parallel_loop3A_528 = tpu.vector_load_idx %arg10[%parallel_loop3A_527] : memref<4800xf32, #tpu.memory_space<vmem>>[vector<16xi32>], vector<16xf32>,
      %parallel_loop3A_529 = arith.addf %parallel_loop3A_524, %parallel_loop3A_528 : vector<16xf32>
      %parallel_loop3A_530 = arith.constant 7 : i32
      %parallel_loop3A_531 = vector.broadcast %parallel_loop3A_530 : i32 to vector<16xi32>
      %parallel_loop3A_532 = arith.addi %parallel_loop3A_86, %parallel_loop3A_531 : vector<16xi32>
      %parallel_loop3A_533 = tpu.vector_load_idx %arg10[%parallel_loop3A_532] : memref<4800xf32, #tpu.memory_space<vmem>>[vector<16xi32>], vector<16xf32>,
      %parallel_loop3A_534 = arith.addf %parallel_loop3A_529, %parallel_loop3A_533 : vector<16xf32>
      %parallel_loop3A_535 = arith.constant 7 : i32
      %parallel_loop3A_536 = vector.broadcast %parallel_loop3A_535 : i32 to vector<16xi32>
      %parallel_loop3A_537 = arith.addi %parallel_loop3A_94, %parallel_loop3A_536 : vector<16xi32>
      %parallel_loop3A_538 = tpu.vector_load_idx %arg10[%parallel_loop3A_537] : memref<4800xf32, #tpu.memory_space<vmem>>[vector<16xi32>], vector<16xf32>,
      %parallel_loop3A_539 = arith.addf %parallel_loop3A_534, %parallel_loop3A_538 : vector<16xf32>
      %parallel_loop3A_540 = arith.constant 7 : i32
      %parallel_loop3A_541 = vector.broadcast %parallel_loop3A_540 : i32 to vector<16xi32>
      %parallel_loop3A_542 = arith.addi %parallel_loop3A_102, %parallel_loop3A_541 : vector<16xi32>
      %parallel_loop3A_543 = tpu.vector_load_idx %arg10[%parallel_loop3A_542] : memref<4800xf32, #tpu.memory_space<vmem>>[vector<16xi32>], vector<16xf32>,
      %parallel_loop3A_544 = arith.addf %parallel_loop3A_539, %parallel_loop3A_543 : vector<16xf32>
      %parallel_loop3A_545 = arith.constant 3584 : i32
      %parallel_loop3A_546 = arith.addi %parallel_loop3A_545, %parallel_loop3A_104 : i32
      %parallel_loop3A_547 = arith.index_cast %parallel_loop3A_546 : i32 to index
      %parallel_loop3A_548 = tpu.vector_load %arg11[%parallel_loop3A_547] {strides = array<i32>} : memref<32768xf32, #tpu.memory_space<vmem>>, vector<16xf32>,
      tpu.vector_store %arg11[%parallel_loop3A_547], %parallel_loop3A_520 {strides = array<i32>} : memref<32768xf32, #tpu.memory_space<vmem>>, vector<16xf32>,
      %parallel_loop3A_549 = arith.constant 19968 : i32
      %parallel_loop3A_550 = arith.addi %parallel_loop3A_549, %parallel_loop3A_104 : i32
      %parallel_loop3A_551 = arith.index_cast %parallel_loop3A_550 : i32 to index
      %parallel_loop3A_552 = tpu.vector_load %arg11[%parallel_loop3A_551] {strides = array<i32>} : memref<32768xf32, #tpu.memory_space<vmem>>, vector<16xf32>,
      tpu.vector_store %arg11[%parallel_loop3A_551], %parallel_loop3A_544 {strides = array<i32>} : memref<32768xf32, #tpu.memory_space<vmem>>, vector<16xf32>,
      %parallel_loop3A_553 = arith.constant 8 : i32
      %parallel_loop3A_554 = vector.broadcast %parallel_loop3A_553 : i32 to vector<16xi32>
      %parallel_loop3A_555 = arith.addi %parallel_loop3A_30, %parallel_loop3A_554 : vector<16xi32>
      %parallel_loop3A_556 = tpu.vector_load_idx %arg9[%parallel_loop3A_555] : memref<4800xf32, #tpu.memory_space<vmem>>[vector<16xi32>], vector<16xf32>,
      %parallel_loop3A_557 = arith.constant 8 : i32
      %parallel_loop3A_558 = vector.broadcast %parallel_loop3A_557 : i32 to vector<16xi32>
      %parallel_loop3A_559 = arith.addi %parallel_loop3A_38, %parallel_loop3A_558 : vector<16xi32>
      %parallel_loop3A_560 = tpu.vector_load_idx %arg9[%parallel_loop3A_559] : memref<4800xf32, #tpu.memory_space<vmem>>[vector<16xi32>], vector<16xf32>,
      %parallel_loop3A_561 = arith.addf %parallel_loop3A_556, %parallel_loop3A_560 : vector<16xf32>
      %parallel_loop3A_562 = arith.constant 8 : i32
      %parallel_loop3A_563 = vector.broadcast %parallel_loop3A_562 : i32 to vector<16xi32>
      %parallel_loop3A_564 = arith.addi %parallel_loop3A_46, %parallel_loop3A_563 : vector<16xi32>
      %parallel_loop3A_565 = tpu.vector_load_idx %arg9[%parallel_loop3A_564] : memref<4800xf32, #tpu.memory_space<vmem>>[vector<16xi32>], vector<16xf32>,
      %parallel_loop3A_566 = arith.addf %parallel_loop3A_561, %parallel_loop3A_565 : vector<16xf32>
      %parallel_loop3A_567 = arith.constant 8 : i32
      %parallel_loop3A_568 = vector.broadcast %parallel_loop3A_567 : i32 to vector<16xi32>
      %parallel_loop3A_569 = arith.addi %parallel_loop3A_54, %parallel_loop3A_568 : vector<16xi32>
      %parallel_loop3A_570 = tpu.vector_load_idx %arg9[%parallel_loop3A_569] : memref<4800xf32, #tpu.memory_space<vmem>>[vector<16xi32>], vector<16xf32>,
      %parallel_loop3A_571 = arith.addf %parallel_loop3A_566, %parallel_loop3A_570 : vector<16xf32>
      %parallel_loop3A_572 = arith.constant 8 : i32
      %parallel_loop3A_573 = vector.broadcast %parallel_loop3A_572 : i32 to vector<16xi32>
      %parallel_loop3A_574 = arith.addi %parallel_loop3A_62, %parallel_loop3A_573 : vector<16xi32>
      %parallel_loop3A_575 = tpu.vector_load_idx %arg9[%parallel_loop3A_574] : memref<4800xf32, #tpu.memory_space<vmem>>[vector<16xi32>], vector<16xf32>,
      %parallel_loop3A_576 = arith.addf %parallel_loop3A_571, %parallel_loop3A_575 : vector<16xf32>
      %parallel_loop3A_577 = arith.constant 8 : i32
      %parallel_loop3A_578 = vector.broadcast %parallel_loop3A_577 : i32 to vector<16xi32>
      %parallel_loop3A_579 = arith.addi %parallel_loop3A_70, %parallel_loop3A_578 : vector<16xi32>
      %parallel_loop3A_580 = tpu.vector_load_idx %arg10[%parallel_loop3A_579] : memref<4800xf32, #tpu.memory_space<vmem>>[vector<16xi32>], vector<16xf32>,
      %parallel_loop3A_581 = arith.constant 8 : i32
      %parallel_loop3A_582 = vector.broadcast %parallel_loop3A_581 : i32 to vector<16xi32>
      %parallel_loop3A_583 = arith.addi %parallel_loop3A_78, %parallel_loop3A_582 : vector<16xi32>
      %parallel_loop3A_584 = tpu.vector_load_idx %arg10[%parallel_loop3A_583] : memref<4800xf32, #tpu.memory_space<vmem>>[vector<16xi32>], vector<16xf32>,
      %parallel_loop3A_585 = arith.addf %parallel_loop3A_580, %parallel_loop3A_584 : vector<16xf32>
      %parallel_loop3A_586 = arith.constant 8 : i32
      %parallel_loop3A_587 = vector.broadcast %parallel_loop3A_586 : i32 to vector<16xi32>
      %parallel_loop3A_588 = arith.addi %parallel_loop3A_86, %parallel_loop3A_587 : vector<16xi32>
      %parallel_loop3A_589 = tpu.vector_load_idx %arg10[%parallel_loop3A_588] : memref<4800xf32, #tpu.memory_space<vmem>>[vector<16xi32>], vector<16xf32>,
      %parallel_loop3A_590 = arith.addf %parallel_loop3A_585, %parallel_loop3A_589 : vector<16xf32>
      %parallel_loop3A_591 = arith.constant 8 : i32
      %parallel_loop3A_592 = vector.broadcast %parallel_loop3A_591 : i32 to vector<16xi32>
      %parallel_loop3A_593 = arith.addi %parallel_loop3A_94, %parallel_loop3A_592 : vector<16xi32>
      %parallel_loop3A_594 = tpu.vector_load_idx %arg10[%parallel_loop3A_593] : memref<4800xf32, #tpu.memory_space<vmem>>[vector<16xi32>], vector<16xf32>,
      %parallel_loop3A_595 = arith.addf %parallel_loop3A_590, %parallel_loop3A_594 : vector<16xf32>
      %parallel_loop3A_596 = arith.constant 8 : i32
      %parallel_loop3A_597 = vector.broadcast %parallel_loop3A_596 : i32 to vector<16xi32>
      %parallel_loop3A_598 = arith.addi %parallel_loop3A_102, %parallel_loop3A_597 : vector<16xi32>
      %parallel_loop3A_599 = tpu.vector_load_idx %arg10[%parallel_loop3A_598] : memref<4800xf32, #tpu.memory_space<vmem>>[vector<16xi32>], vector<16xf32>,
      %parallel_loop3A_600 = arith.addf %parallel_loop3A_595, %parallel_loop3A_599 : vector<16xf32>
      %parallel_loop3A_601 = arith.constant 4096 : i32
      %parallel_loop3A_602 = arith.addi %parallel_loop3A_601, %parallel_loop3A_104 : i32
      %parallel_loop3A_603 = arith.index_cast %parallel_loop3A_602 : i32 to index
      %parallel_loop3A_604 = tpu.vector_load %arg11[%parallel_loop3A_603] {strides = array<i32>} : memref<32768xf32, #tpu.memory_space<vmem>>, vector<16xf32>,
      tpu.vector_store %arg11[%parallel_loop3A_603], %parallel_loop3A_576 {strides = array<i32>} : memref<32768xf32, #tpu.memory_space<vmem>>, vector<16xf32>,
      %parallel_loop3A_605 = arith.constant 20480 : i32
      %parallel_loop3A_606 = arith.addi %parallel_loop3A_605, %parallel_loop3A_104 : i32
      %parallel_loop3A_607 = arith.index_cast %parallel_loop3A_606 : i32 to index
      %parallel_loop3A_608 = tpu.vector_load %arg11[%parallel_loop3A_607] {strides = array<i32>} : memref<32768xf32, #tpu.memory_space<vmem>>, vector<16xf32>,
      tpu.vector_store %arg11[%parallel_loop3A_607], %parallel_loop3A_600 {strides = array<i32>} : memref<32768xf32, #tpu.memory_space<vmem>>, vector<16xf32>,
      %parallel_loop3A_609 = arith.constant 9 : i32
      %parallel_loop3A_610 = vector.broadcast %parallel_loop3A_609 : i32 to vector<16xi32>
      %parallel_loop3A_611 = arith.addi %parallel_loop3A_30, %parallel_loop3A_610 : vector<16xi32>
      %parallel_loop3A_612 = tpu.vector_load_idx %arg9[%parallel_loop3A_611] : memref<4800xf32, #tpu.memory_space<vmem>>[vector<16xi32>], vector<16xf32>,
      %parallel_loop3A_613 = arith.constant 9 : i32
      %parallel_loop3A_614 = vector.broadcast %parallel_loop3A_613 : i32 to vector<16xi32>
      %parallel_loop3A_615 = arith.addi %parallel_loop3A_38, %parallel_loop3A_614 : vector<16xi32>
      %parallel_loop3A_616 = tpu.vector_load_idx %arg9[%parallel_loop3A_615] : memref<4800xf32, #tpu.memory_space<vmem>>[vector<16xi32>], vector<16xf32>,
      %parallel_loop3A_617 = arith.addf %parallel_loop3A_612, %parallel_loop3A_616 : vector<16xf32>
      %parallel_loop3A_618 = arith.constant 9 : i32
      %parallel_loop3A_619 = vector.broadcast %parallel_loop3A_618 : i32 to vector<16xi32>
      %parallel_loop3A_620 = arith.addi %parallel_loop3A_46, %parallel_loop3A_619 : vector<16xi32>
      %parallel_loop3A_621 = tpu.vector_load_idx %arg9[%parallel_loop3A_620] : memref<4800xf32, #tpu.memory_space<vmem>>[vector<16xi32>], vector<16xf32>,
      %parallel_loop3A_622 = arith.addf %parallel_loop3A_617, %parallel_loop3A_621 : vector<16xf32>
      %parallel_loop3A_623 = arith.constant 9 : i32
      %parallel_loop3A_624 = vector.broadcast %parallel_loop3A_623 : i32 to vector<16xi32>
      %parallel_loop3A_625 = arith.addi %parallel_loop3A_54, %parallel_loop3A_624 : vector<16xi32>
      %parallel_loop3A_626 = tpu.vector_load_idx %arg9[%parallel_loop3A_625] : memref<4800xf32, #tpu.memory_space<vmem>>[vector<16xi32>], vector<16xf32>,
      %parallel_loop3A_627 = arith.addf %parallel_loop3A_622, %parallel_loop3A_626 : vector<16xf32>
      %parallel_loop3A_628 = arith.constant 9 : i32
      %parallel_loop3A_629 = vector.broadcast %parallel_loop3A_628 : i32 to vector<16xi32>
      %parallel_loop3A_630 = arith.addi %parallel_loop3A_62, %parallel_loop3A_629 : vector<16xi32>
      %parallel_loop3A_631 = tpu.vector_load_idx %arg9[%parallel_loop3A_630] : memref<4800xf32, #tpu.memory_space<vmem>>[vector<16xi32>], vector<16xf32>,
      %parallel_loop3A_632 = arith.addf %parallel_loop3A_627, %parallel_loop3A_631 : vector<16xf32>
      %parallel_loop3A_633 = arith.constant 9 : i32
      %parallel_loop3A_634 = vector.broadcast %parallel_loop3A_633 : i32 to vector<16xi32>
      %parallel_loop3A_635 = arith.addi %parallel_loop3A_70, %parallel_loop3A_634 : vector<16xi32>
      %parallel_loop3A_636 = tpu.vector_load_idx %arg10[%parallel_loop3A_635] : memref<4800xf32, #tpu.memory_space<vmem>>[vector<16xi32>], vector<16xf32>,
      %parallel_loop3A_637 = arith.constant 9 : i32
      %parallel_loop3A_638 = vector.broadcast %parallel_loop3A_637 : i32 to vector<16xi32>
      %parallel_loop3A_639 = arith.addi %parallel_loop3A_78, %parallel_loop3A_638 : vector<16xi32>
      %parallel_loop3A_640 = tpu.vector_load_idx %arg10[%parallel_loop3A_639] : memref<4800xf32, #tpu.memory_space<vmem>>[vector<16xi32>], vector<16xf32>,
      %parallel_loop3A_641 = arith.addf %parallel_loop3A_636, %parallel_loop3A_640 : vector<16xf32>
      %parallel_loop3A_642 = arith.constant 9 : i32
      %parallel_loop3A_643 = vector.broadcast %parallel_loop3A_642 : i32 to vector<16xi32>
      %parallel_loop3A_644 = arith.addi %parallel_loop3A_86, %parallel_loop3A_643 : vector<16xi32>
      %parallel_loop3A_645 = tpu.vector_load_idx %arg10[%parallel_loop3A_644] : memref<4800xf32, #tpu.memory_space<vmem>>[vector<16xi32>], vector<16xf32>,
      %parallel_loop3A_646 = arith.addf %parallel_loop3A_641, %parallel_loop3A_645 : vector<16xf32>
      %parallel_loop3A_647 = arith.constant 9 : i32
      %parallel_loop3A_648 = vector.broadcast %parallel_loop3A_647 : i32 to vector<16xi32>
      %parallel_loop3A_649 = arith.addi %parallel_loop3A_94, %parallel_loop3A_648 : vector<16xi32>
      %parallel_loop3A_650 = tpu.vector_load_idx %arg10[%parallel_loop3A_649] : memref<4800xf32, #tpu.memory_space<vmem>>[vector<16xi32>], vector<16xf32>,
      %parallel_loop3A_651 = arith.addf %parallel_loop3A_646, %parallel_loop3A_650 : vector<16xf32>
      %parallel_loop3A_652 = arith.constant 9 : i32
      %parallel_loop3A_653 = vector.broadcast %parallel_loop3A_652 : i32 to vector<16xi32>
      %parallel_loop3A_654 = arith.addi %parallel_loop3A_102, %parallel_loop3A_653 : vector<16xi32>
      %parallel_loop3A_655 = tpu.vector_load_idx %arg10[%parallel_loop3A_654] : memref<4800xf32, #tpu.memory_space<vmem>>[vector<16xi32>], vector<16xf32>,
      %parallel_loop3A_656 = arith.addf %parallel_loop3A_651, %parallel_loop3A_655 : vector<16xf32>
      %parallel_loop3A_657 = arith.constant 4608 : i32
      %parallel_loop3A_658 = arith.addi %parallel_loop3A_657, %parallel_loop3A_104 : i32
      %parallel_loop3A_659 = arith.index_cast %parallel_loop3A_658 : i32 to index
      %parallel_loop3A_660 = tpu.vector_load %arg11[%parallel_loop3A_659] {strides = array<i32>} : memref<32768xf32, #tpu.memory_space<vmem>>, vector<16xf32>,
      tpu.vector_store %arg11[%parallel_loop3A_659], %parallel_loop3A_632 {strides = array<i32>} : memref<32768xf32, #tpu.memory_space<vmem>>, vector<16xf32>,
      %parallel_loop3A_661 = arith.constant 20992 : i32
      %parallel_loop3A_662 = arith.addi %parallel_loop3A_661, %parallel_loop3A_104 : i32
      %parallel_loop3A_663 = arith.index_cast %parallel_loop3A_662 : i32 to index
      %parallel_loop3A_664 = tpu.vector_load %arg11[%parallel_loop3A_663] {strides = array<i32>} : memref<32768xf32, #tpu.memory_space<vmem>>, vector<16xf32>,
      tpu.vector_store %arg11[%parallel_loop3A_663], %parallel_loop3A_656 {strides = array<i32>} : memref<32768xf32, #tpu.memory_space<vmem>>, vector<16xf32>,
      %parallel_loop3A_665 = arith.constant 10 : i32
      %parallel_loop3A_666 = vector.broadcast %parallel_loop3A_665 : i32 to vector<16xi32>
      %parallel_loop3A_667 = arith.addi %parallel_loop3A_30, %parallel_loop3A_666 : vector<16xi32>
      %parallel_loop3A_668 = tpu.vector_load_idx %arg9[%parallel_loop3A_667] : memref<4800xf32, #tpu.memory_space<vmem>>[vector<16xi32>], vector<16xf32>,
      %parallel_loop3A_669 = arith.constant 10 : i32
      %parallel_loop3A_670 = vector.broadcast %parallel_loop3A_669 : i32 to vector<16xi32>
      %parallel_loop3A_671 = arith.addi %parallel_loop3A_38, %parallel_loop3A_670 : vector<16xi32>
      %parallel_loop3A_672 = tpu.vector_load_idx %arg9[%parallel_loop3A_671] : memref<4800xf32, #tpu.memory_space<vmem>>[vector<16xi32>], vector<16xf32>,
      %parallel_loop3A_673 = arith.addf %parallel_loop3A_668, %parallel_loop3A_672 : vector<16xf32>
      %parallel_loop3A_674 = arith.constant 10 : i32
      %parallel_loop3A_675 = vector.broadcast %parallel_loop3A_674 : i32 to vector<16xi32>
      %parallel_loop3A_676 = arith.addi %parallel_loop3A_46, %parallel_loop3A_675 : vector<16xi32>
      %parallel_loop3A_677 = tpu.vector_load_idx %arg9[%parallel_loop3A_676] : memref<4800xf32, #tpu.memory_space<vmem>>[vector<16xi32>], vector<16xf32>,
      %parallel_loop3A_678 = arith.addf %parallel_loop3A_673, %parallel_loop3A_677 : vector<16xf32>
      %parallel_loop3A_679 = arith.constant 10 : i32
      %parallel_loop3A_680 = vector.broadcast %parallel_loop3A_679 : i32 to vector<16xi32>
      %parallel_loop3A_681 = arith.addi %parallel_loop3A_54, %parallel_loop3A_680 : vector<16xi32>
      %parallel_loop3A_682 = tpu.vector_load_idx %arg9[%parallel_loop3A_681] : memref<4800xf32, #tpu.memory_space<vmem>>[vector<16xi32>], vector<16xf32>,
      %parallel_loop3A_683 = arith.addf %parallel_loop3A_678, %parallel_loop3A_682 : vector<16xf32>
      %parallel_loop3A_684 = arith.constant 10 : i32
      %parallel_loop3A_685 = vector.broadcast %parallel_loop3A_684 : i32 to vector<16xi32>
      %parallel_loop3A_686 = arith.addi %parallel_loop3A_62, %parallel_loop3A_685 : vector<16xi32>
      %parallel_loop3A_687 = tpu.vector_load_idx %arg9[%parallel_loop3A_686] : memref<4800xf32, #tpu.memory_space<vmem>>[vector<16xi32>], vector<16xf32>,
      %parallel_loop3A_688 = arith.addf %parallel_loop3A_683, %parallel_loop3A_687 : vector<16xf32>
      %parallel_loop3A_689 = arith.constant 10 : i32
      %parallel_loop3A_690 = vector.broadcast %parallel_loop3A_689 : i32 to vector<16xi32>
      %parallel_loop3A_691 = arith.addi %parallel_loop3A_70, %parallel_loop3A_690 : vector<16xi32>
      %parallel_loop3A_692 = tpu.vector_load_idx %arg10[%parallel_loop3A_691] : memref<4800xf32, #tpu.memory_space<vmem>>[vector<16xi32>], vector<16xf32>,
      %parallel_loop3A_693 = arith.constant 10 : i32
      %parallel_loop3A_694 = vector.broadcast %parallel_loop3A_693 : i32 to vector<16xi32>
      %parallel_loop3A_695 = arith.addi %parallel_loop3A_78, %parallel_loop3A_694 : vector<16xi32>
      %parallel_loop3A_696 = tpu.vector_load_idx %arg10[%parallel_loop3A_695] : memref<4800xf32, #tpu.memory_space<vmem>>[vector<16xi32>], vector<16xf32>,
      %parallel_loop3A_697 = arith.addf %parallel_loop3A_692, %parallel_loop3A_696 : vector<16xf32>
      %parallel_loop3A_698 = arith.constant 10 : i32
      %parallel_loop3A_699 = vector.broadcast %parallel_loop3A_698 : i32 to vector<16xi32>
      %parallel_loop3A_700 = arith.addi %parallel_loop3A_86, %parallel_loop3A_699 : vector<16xi32>
      %parallel_loop3A_701 = tpu.vector_load_idx %arg10[%parallel_loop3A_700] : memref<4800xf32, #tpu.memory_space<vmem>>[vector<16xi32>], vector<16xf32>,
      %parallel_loop3A_702 = arith.addf %parallel_loop3A_697, %parallel_loop3A_701 : vector<16xf32>
      %parallel_loop3A_703 = arith.constant 10 : i32
      %parallel_loop3A_704 = vector.broadcast %parallel_loop3A_703 : i32 to vector<16xi32>
      %parallel_loop3A_705 = arith.addi %parallel_loop3A_94, %parallel_loop3A_704 : vector<16xi32>
      %parallel_loop3A_706 = tpu.vector_load_idx %arg10[%parallel_loop3A_705] : memref<4800xf32, #tpu.memory_space<vmem>>[vector<16xi32>], vector<16xf32>,
      %parallel_loop3A_707 = arith.addf %parallel_loop3A_702, %parallel_loop3A_706 : vector<16xf32>
      %parallel_loop3A_708 = arith.constant 10 : i32
      %parallel_loop3A_709 = vector.broadcast %parallel_loop3A_708 : i32 to vector<16xi32>
      %parallel_loop3A_710 = arith.addi %parallel_loop3A_102, %parallel_loop3A_709 : vector<16xi32>
      %parallel_loop3A_711 = tpu.vector_load_idx %arg10[%parallel_loop3A_710] : memref<4800xf32, #tpu.memory_space<vmem>>[vector<16xi32>], vector<16xf32>,
      %parallel_loop3A_712 = arith.addf %parallel_loop3A_707, %parallel_loop3A_711 : vector<16xf32>
      %parallel_loop3A_713 = arith.constant 5120 : i32
      %parallel_loop3A_714 = arith.addi %parallel_loop3A_713, %parallel_loop3A_104 : i32
      %parallel_loop3A_715 = arith.index_cast %parallel_loop3A_714 : i32 to index
      %parallel_loop3A_716 = tpu.vector_load %arg11[%parallel_loop3A_715] {strides = array<i32>} : memref<32768xf32, #tpu.memory_space<vmem>>, vector<16xf32>,
      tpu.vector_store %arg11[%parallel_loop3A_715], %parallel_loop3A_688 {strides = array<i32>} : memref<32768xf32, #tpu.memory_space<vmem>>, vector<16xf32>,
      %parallel_loop3A_717 = arith.constant 21504 : i32
      %parallel_loop3A_718 = arith.addi %parallel_loop3A_717, %parallel_loop3A_104 : i32
      %parallel_loop3A_719 = arith.index_cast %parallel_loop3A_718 : i32 to index
      %parallel_loop3A_720 = tpu.vector_load %arg11[%parallel_loop3A_719] {strides = array<i32>} : memref<32768xf32, #tpu.memory_space<vmem>>, vector<16xf32>,
      tpu.vector_store %arg11[%parallel_loop3A_719], %parallel_loop3A_712 {strides = array<i32>} : memref<32768xf32, #tpu.memory_space<vmem>>, vector<16xf32>,
      %parallel_loop3A_721 = arith.constant 11 : i32
      %parallel_loop3A_722 = vector.broadcast %parallel_loop3A_721 : i32 to vector<16xi32>
      %parallel_loop3A_723 = arith.addi %parallel_loop3A_30, %parallel_loop3A_722 : vector<16xi32>
      %parallel_loop3A_724 = tpu.vector_load_idx %arg9[%parallel_loop3A_723] : memref<4800xf32, #tpu.memory_space<vmem>>[vector<16xi32>], vector<16xf32>,
      %parallel_loop3A_725 = arith.constant 11 : i32
      %parallel_loop3A_726 = vector.broadcast %parallel_loop3A_725 : i32 to vector<16xi32>
      %parallel_loop3A_727 = arith.addi %parallel_loop3A_38, %parallel_loop3A_726 : vector<16xi32>
      %parallel_loop3A_728 = tpu.vector_load_idx %arg9[%parallel_loop3A_727] : memref<4800xf32, #tpu.memory_space<vmem>>[vector<16xi32>], vector<16xf32>,
      %parallel_loop3A_729 = arith.addf %parallel_loop3A_724, %parallel_loop3A_728 : vector<16xf32>
      %parallel_loop3A_730 = arith.constant 11 : i32
      %parallel_loop3A_731 = vector.broadcast %parallel_loop3A_730 : i32 to vector<16xi32>
      %parallel_loop3A_732 = arith.addi %parallel_loop3A_46, %parallel_loop3A_731 : vector<16xi32>
      %parallel_loop3A_733 = tpu.vector_load_idx %arg9[%parallel_loop3A_732] : memref<4800xf32, #tpu.memory_space<vmem>>[vector<16xi32>], vector<16xf32>,
      %parallel_loop3A_734 = arith.addf %parallel_loop3A_729, %parallel_loop3A_733 : vector<16xf32>
      %parallel_loop3A_735 = arith.constant 11 : i32
      %parallel_loop3A_736 = vector.broadcast %parallel_loop3A_735 : i32 to vector<16xi32>
      %parallel_loop3A_737 = arith.addi %parallel_loop3A_54, %parallel_loop3A_736 : vector<16xi32>
      %parallel_loop3A_738 = tpu.vector_load_idx %arg9[%parallel_loop3A_737] : memref<4800xf32, #tpu.memory_space<vmem>>[vector<16xi32>], vector<16xf32>,
      %parallel_loop3A_739 = arith.addf %parallel_loop3A_734, %parallel_loop3A_738 : vector<16xf32>
      %parallel_loop3A_740 = arith.constant 11 : i32
      %parallel_loop3A_741 = vector.broadcast %parallel_loop3A_740 : i32 to vector<16xi32>
      %parallel_loop3A_742 = arith.addi %parallel_loop3A_62, %parallel_loop3A_741 : vector<16xi32>
      %parallel_loop3A_743 = tpu.vector_load_idx %arg9[%parallel_loop3A_742] : memref<4800xf32, #tpu.memory_space<vmem>>[vector<16xi32>], vector<16xf32>,
      %parallel_loop3A_744 = arith.addf %parallel_loop3A_739, %parallel_loop3A_743 : vector<16xf32>
      %parallel_loop3A_745 = arith.constant 11 : i32
      %parallel_loop3A_746 = vector.broadcast %parallel_loop3A_745 : i32 to vector<16xi32>
      %parallel_loop3A_747 = arith.addi %parallel_loop3A_70, %parallel_loop3A_746 : vector<16xi32>
      %parallel_loop3A_748 = tpu.vector_load_idx %arg10[%parallel_loop3A_747] : memref<4800xf32, #tpu.memory_space<vmem>>[vector<16xi32>], vector<16xf32>,
      %parallel_loop3A_749 = arith.constant 11 : i32
      %parallel_loop3A_750 = vector.broadcast %parallel_loop3A_749 : i32 to vector<16xi32>
      %parallel_loop3A_751 = arith.addi %parallel_loop3A_78, %parallel_loop3A_750 : vector<16xi32>
      %parallel_loop3A_752 = tpu.vector_load_idx %arg10[%parallel_loop3A_751] : memref<4800xf32, #tpu.memory_space<vmem>>[vector<16xi32>], vector<16xf32>,
      %parallel_loop3A_753 = arith.addf %parallel_loop3A_748, %parallel_loop3A_752 : vector<16xf32>
      %parallel_loop3A_754 = arith.constant 11 : i32
      %parallel_loop3A_755 = vector.broadcast %parallel_loop3A_754 : i32 to vector<16xi32>
      %parallel_loop3A_756 = arith.addi %parallel_loop3A_86, %parallel_loop3A_755 : vector<16xi32>
      %parallel_loop3A_757 = tpu.vector_load_idx %arg10[%parallel_loop3A_756] : memref<4800xf32, #tpu.memory_space<vmem>>[vector<16xi32>], vector<16xf32>,
      %parallel_loop3A_758 = arith.addf %parallel_loop3A_753, %parallel_loop3A_757 : vector<16xf32>
      %parallel_loop3A_759 = arith.constant 11 : i32
      %parallel_loop3A_760 = vector.broadcast %parallel_loop3A_759 : i32 to vector<16xi32>
      %parallel_loop3A_761 = arith.addi %parallel_loop3A_94, %parallel_loop3A_760 : vector<16xi32>
      %parallel_loop3A_762 = tpu.vector_load_idx %arg10[%parallel_loop3A_761] : memref<4800xf32, #tpu.memory_space<vmem>>[vector<16xi32>], vector<16xf32>,
      %parallel_loop3A_763 = arith.addf %parallel_loop3A_758, %parallel_loop3A_762 : vector<16xf32>
      %parallel_loop3A_764 = arith.constant 11 : i32
      %parallel_loop3A_765 = vector.broadcast %parallel_loop3A_764 : i32 to vector<16xi32>
      %parallel_loop3A_766 = arith.addi %parallel_loop3A_102, %parallel_loop3A_765 : vector<16xi32>
      %parallel_loop3A_767 = tpu.vector_load_idx %arg10[%parallel_loop3A_766] : memref<4800xf32, #tpu.memory_space<vmem>>[vector<16xi32>], vector<16xf32>,
      %parallel_loop3A_768 = arith.addf %parallel_loop3A_763, %parallel_loop3A_767 : vector<16xf32>
      %parallel_loop3A_769 = arith.constant 5632 : i32
      %parallel_loop3A_770 = arith.addi %parallel_loop3A_769, %parallel_loop3A_104 : i32
      %parallel_loop3A_771 = arith.index_cast %parallel_loop3A_770 : i32 to index
      %parallel_loop3A_772 = tpu.vector_load %arg11[%parallel_loop3A_771] {strides = array<i32>} : memref<32768xf32, #tpu.memory_space<vmem>>, vector<16xf32>,
      tpu.vector_store %arg11[%parallel_loop3A_771], %parallel_loop3A_744 {strides = array<i32>} : memref<32768xf32, #tpu.memory_space<vmem>>, vector<16xf32>,
      %parallel_loop3A_773 = arith.constant 22016 : i32
      %parallel_loop3A_774 = arith.addi %parallel_loop3A_773, %parallel_loop3A_104 : i32
      %parallel_loop3A_775 = arith.index_cast %parallel_loop3A_774 : i32 to index
      %parallel_loop3A_776 = tpu.vector_load %arg11[%parallel_loop3A_775] {strides = array<i32>} : memref<32768xf32, #tpu.memory_space<vmem>>, vector<16xf32>,
      tpu.vector_store %arg11[%parallel_loop3A_775], %parallel_loop3A_768 {strides = array<i32>} : memref<32768xf32, #tpu.memory_space<vmem>>, vector<16xf32>,
      %parallel_loop3A_777 = arith.constant 12 : i32
      %parallel_loop3A_778 = vector.broadcast %parallel_loop3A_777 : i32 to vector<16xi32>
      %parallel_loop3A_779 = arith.addi %parallel_loop3A_30, %parallel_loop3A_778 : vector<16xi32>
      %parallel_loop3A_780 = tpu.vector_load_idx %arg9[%parallel_loop3A_779] : memref<4800xf32, #tpu.memory_space<vmem>>[vector<16xi32>], vector<16xf32>,
      %parallel_loop3A_781 = arith.constant 12 : i32
      %parallel_loop3A_782 = vector.broadcast %parallel_loop3A_781 : i32 to vector<16xi32>
      %parallel_loop3A_783 = arith.addi %parallel_loop3A_38, %parallel_loop3A_782 : vector<16xi32>
      %parallel_loop3A_784 = tpu.vector_load_idx %arg9[%parallel_loop3A_783] : memref<4800xf32, #tpu.memory_space<vmem>>[vector<16xi32>], vector<16xf32>,
      %parallel_loop3A_785 = arith.addf %parallel_loop3A_780, %parallel_loop3A_784 : vector<16xf32>
      %parallel_loop3A_786 = arith.constant 12 : i32
      %parallel_loop3A_787 = vector.broadcast %parallel_loop3A_786 : i32 to vector<16xi32>
      %parallel_loop3A_788 = arith.addi %parallel_loop3A_46, %parallel_loop3A_787 : vector<16xi32>
      %parallel_loop3A_789 = tpu.vector_load_idx %arg9[%parallel_loop3A_788] : memref<4800xf32, #tpu.memory_space<vmem>>[vector<16xi32>], vector<16xf32>,
      %parallel_loop3A_790 = arith.addf %parallel_loop3A_785, %parallel_loop3A_789 : vector<16xf32>
      %parallel_loop3A_791 = arith.constant 12 : i32
      %parallel_loop3A_792 = vector.broadcast %parallel_loop3A_791 : i32 to vector<16xi32>
      %parallel_loop3A_793 = arith.addi %parallel_loop3A_54, %parallel_loop3A_792 : vector<16xi32>
      %parallel_loop3A_794 = tpu.vector_load_idx %arg9[%parallel_loop3A_793] : memref<4800xf32, #tpu.memory_space<vmem>>[vector<16xi32>], vector<16xf32>,
      %parallel_loop3A_795 = arith.addf %parallel_loop3A_790, %parallel_loop3A_794 : vector<16xf32>
      %parallel_loop3A_796 = arith.constant 12 : i32
      %parallel_loop3A_797 = vector.broadcast %parallel_loop3A_796 : i32 to vector<16xi32>
      %parallel_loop3A_798 = arith.addi %parallel_loop3A_62, %parallel_loop3A_797 : vector<16xi32>
      %parallel_loop3A_799 = tpu.vector_load_idx %arg9[%parallel_loop3A_798] : memref<4800xf32, #tpu.memory_space<vmem>>[vector<16xi32>], vector<16xf32>,
      %parallel_loop3A_800 = arith.addf %parallel_loop3A_795, %parallel_loop3A_799 : vector<16xf32>
      %parallel_loop3A_801 = arith.constant 12 : i32
      %parallel_loop3A_802 = vector.broadcast %parallel_loop3A_801 : i32 to vector<16xi32>
      %parallel_loop3A_803 = arith.addi %parallel_loop3A_70, %parallel_loop3A_802 : vector<16xi32>
      %parallel_loop3A_804 = tpu.vector_load_idx %arg10[%parallel_loop3A_803] : memref<4800xf32, #tpu.memory_space<vmem>>[vector<16xi32>], vector<16xf32>,
      %parallel_loop3A_805 = arith.constant 12 : i32
      %parallel_loop3A_806 = vector.broadcast %parallel_loop3A_805 : i32 to vector<16xi32>
      %parallel_loop3A_807 = arith.addi %parallel_loop3A_78, %parallel_loop3A_806 : vector<16xi32>
      %parallel_loop3A_808 = tpu.vector_load_idx %arg10[%parallel_loop3A_807] : memref<4800xf32, #tpu.memory_space<vmem>>[vector<16xi32>], vector<16xf32>,
      %parallel_loop3A_809 = arith.addf %parallel_loop3A_804, %parallel_loop3A_808 : vector<16xf32>
      %parallel_loop3A_810 = arith.constant 12 : i32
      %parallel_loop3A_811 = vector.broadcast %parallel_loop3A_810 : i32 to vector<16xi32>
      %parallel_loop3A_812 = arith.addi %parallel_loop3A_86, %parallel_loop3A_811 : vector<16xi32>
      %parallel_loop3A_813 = tpu.vector_load_idx %arg10[%parallel_loop3A_812] : memref<4800xf32, #tpu.memory_space<vmem>>[vector<16xi32>], vector<16xf32>,
      %parallel_loop3A_814 = arith.addf %parallel_loop3A_809, %parallel_loop3A_813 : vector<16xf32>
      %parallel_loop3A_815 = arith.constant 12 : i32
      %parallel_loop3A_816 = vector.broadcast %parallel_loop3A_815 : i32 to vector<16xi32>
      %parallel_loop3A_817 = arith.addi %parallel_loop3A_94, %parallel_loop3A_816 : vector<16xi32>
      %parallel_loop3A_818 = tpu.vector_load_idx %arg10[%parallel_loop3A_817] : memref<4800xf32, #tpu.memory_space<vmem>>[vector<16xi32>], vector<16xf32>,
      %parallel_loop3A_819 = arith.addf %parallel_loop3A_814, %parallel_loop3A_818 : vector<16xf32>
      %parallel_loop3A_820 = arith.constant 12 : i32
      %parallel_loop3A_821 = vector.broadcast %parallel_loop3A_820 : i32 to vector<16xi32>
      %parallel_loop3A_822 = arith.addi %parallel_loop3A_102, %parallel_loop3A_821 : vector<16xi32>
      %parallel_loop3A_823 = tpu.vector_load_idx %arg10[%parallel_loop3A_822] : memref<4800xf32, #tpu.memory_space<vmem>>[vector<16xi32>], vector<16xf32>,
      %parallel_loop3A_824 = arith.addf %parallel_loop3A_819, %parallel_loop3A_823 : vector<16xf32>
      %parallel_loop3A_825 = arith.constant 6144 : i32
      %parallel_loop3A_826 = arith.addi %parallel_loop3A_825, %parallel_loop3A_104 : i32
      %parallel_loop3A_827 = arith.index_cast %parallel_loop3A_826 : i32 to index
      %parallel_loop3A_828 = tpu.vector_load %arg11[%parallel_loop3A_827] {strides = array<i32>} : memref<32768xf32, #tpu.memory_space<vmem>>, vector<16xf32>,
      tpu.vector_store %arg11[%parallel_loop3A_827], %parallel_loop3A_800 {strides = array<i32>} : memref<32768xf32, #tpu.memory_space<vmem>>, vector<16xf32>,
      %parallel_loop3A_829 = arith.constant 22528 : i32
      %parallel_loop3A_830 = arith.addi %parallel_loop3A_829, %parallel_loop3A_104 : i32
      %parallel_loop3A_831 = arith.index_cast %parallel_loop3A_830 : i32 to index
      %parallel_loop3A_832 = tpu.vector_load %arg11[%parallel_loop3A_831] {strides = array<i32>} : memref<32768xf32, #tpu.memory_space<vmem>>, vector<16xf32>,
      tpu.vector_store %arg11[%parallel_loop3A_831], %parallel_loop3A_824 {strides = array<i32>} : memref<32768xf32, #tpu.memory_space<vmem>>, vector<16xf32>,
      %parallel_loop3A_833 = arith.constant 13 : i32
      %parallel_loop3A_834 = vector.broadcast %parallel_loop3A_833 : i32 to vector<16xi32>
      %parallel_loop3A_835 = arith.addi %parallel_loop3A_30, %parallel_loop3A_834 : vector<16xi32>
      %parallel_loop3A_836 = tpu.vector_load_idx %arg9[%parallel_loop3A_835] : memref<4800xf32, #tpu.memory_space<vmem>>[vector<16xi32>], vector<16xf32>,
      %parallel_loop3A_837 = arith.constant 13 : i32
      %parallel_loop3A_838 = vector.broadcast %parallel_loop3A_837 : i32 to vector<16xi32>
      %parallel_loop3A_839 = arith.addi %parallel_loop3A_38, %parallel_loop3A_838 : vector<16xi32>
      %parallel_loop3A_840 = tpu.vector_load_idx %arg9[%parallel_loop3A_839] : memref<4800xf32, #tpu.memory_space<vmem>>[vector<16xi32>], vector<16xf32>,
      %parallel_loop3A_841 = arith.addf %parallel_loop3A_836, %parallel_loop3A_840 : vector<16xf32>
      %parallel_loop3A_842 = arith.constant 13 : i32
      %parallel_loop3A_843 = vector.broadcast %parallel_loop3A_842 : i32 to vector<16xi32>
      %parallel_loop3A_844 = arith.addi %parallel_loop3A_46, %parallel_loop3A_843 : vector<16xi32>
      %parallel_loop3A_845 = tpu.vector_load_idx %arg9[%parallel_loop3A_844] : memref<4800xf32, #tpu.memory_space<vmem>>[vector<16xi32>], vector<16xf32>,
      %parallel_loop3A_846 = arith.addf %parallel_loop3A_841, %parallel_loop3A_845 : vector<16xf32>
      %parallel_loop3A_847 = arith.constant 13 : i32
      %parallel_loop3A_848 = vector.broadcast %parallel_loop3A_847 : i32 to vector<16xi32>
      %parallel_loop3A_849 = arith.addi %parallel_loop3A_54, %parallel_loop3A_848 : vector<16xi32>
      %parallel_loop3A_850 = tpu.vector_load_idx %arg9[%parallel_loop3A_849] : memref<4800xf32, #tpu.memory_space<vmem>>[vector<16xi32>], vector<16xf32>,
      %parallel_loop3A_851 = arith.addf %parallel_loop3A_846, %parallel_loop3A_850 : vector<16xf32>
      %parallel_loop3A_852 = arith.constant 13 : i32
      %parallel_loop3A_853 = vector.broadcast %parallel_loop3A_852 : i32 to vector<16xi32>
      %parallel_loop3A_854 = arith.addi %parallel_loop3A_62, %parallel_loop3A_853 : vector<16xi32>
      %parallel_loop3A_855 = tpu.vector_load_idx %arg9[%parallel_loop3A_854] : memref<4800xf32, #tpu.memory_space<vmem>>[vector<16xi32>], vector<16xf32>,
      %parallel_loop3A_856 = arith.addf %parallel_loop3A_851, %parallel_loop3A_855 : vector<16xf32>
      %parallel_loop3A_857 = arith.constant 13 : i32
      %parallel_loop3A_858 = vector.broadcast %parallel_loop3A_857 : i32 to vector<16xi32>
      %parallel_loop3A_859 = arith.addi %parallel_loop3A_70, %parallel_loop3A_858 : vector<16xi32>
      %parallel_loop3A_860 = tpu.vector_load_idx %arg10[%parallel_loop3A_859] : memref<4800xf32, #tpu.memory_space<vmem>>[vector<16xi32>], vector<16xf32>,
      %parallel_loop3A_861 = arith.constant 13 : i32
      %parallel_loop3A_862 = vector.broadcast %parallel_loop3A_861 : i32 to vector<16xi32>
      %parallel_loop3A_863 = arith.addi %parallel_loop3A_78, %parallel_loop3A_862 : vector<16xi32>
      %parallel_loop3A_864 = tpu.vector_load_idx %arg10[%parallel_loop3A_863] : memref<4800xf32, #tpu.memory_space<vmem>>[vector<16xi32>], vector<16xf32>,
      %parallel_loop3A_865 = arith.addf %parallel_loop3A_860, %parallel_loop3A_864 : vector<16xf32>
      %parallel_loop3A_866 = arith.constant 13 : i32
      %parallel_loop3A_867 = vector.broadcast %parallel_loop3A_866 : i32 to vector<16xi32>
      %parallel_loop3A_868 = arith.addi %parallel_loop3A_86, %parallel_loop3A_867 : vector<16xi32>
      %parallel_loop3A_869 = tpu.vector_load_idx %arg10[%parallel_loop3A_868] : memref<4800xf32, #tpu.memory_space<vmem>>[vector<16xi32>], vector<16xf32>,
      %parallel_loop3A_870 = arith.addf %parallel_loop3A_865, %parallel_loop3A_869 : vector<16xf32>
      %parallel_loop3A_871 = arith.constant 13 : i32
      %parallel_loop3A_872 = vector.broadcast %parallel_loop3A_871 : i32 to vector<16xi32>
      %parallel_loop3A_873 = arith.addi %parallel_loop3A_94, %parallel_loop3A_872 : vector<16xi32>
      %parallel_loop3A_874 = tpu.vector_load_idx %arg10[%parallel_loop3A_873] : memref<4800xf32, #tpu.memory_space<vmem>>[vector<16xi32>], vector<16xf32>,
      %parallel_loop3A_875 = arith.addf %parallel_loop3A_870, %parallel_loop3A_874 : vector<16xf32>
      %parallel_loop3A_876 = arith.constant 13 : i32
      %parallel_loop3A_877 = vector.broadcast %parallel_loop3A_876 : i32 to vector<16xi32>
      %parallel_loop3A_878 = arith.addi %parallel_loop3A_102, %parallel_loop3A_877 : vector<16xi32>
      %parallel_loop3A_879 = tpu.vector_load_idx %arg10[%parallel_loop3A_878] : memref<4800xf32, #tpu.memory_space<vmem>>[vector<16xi32>], vector<16xf32>,
      %parallel_loop3A_880 = arith.addf %parallel_loop3A_875, %parallel_loop3A_879 : vector<16xf32>
      %parallel_loop3A_881 = arith.constant 6656 : i32
      %parallel_loop3A_882 = arith.addi %parallel_loop3A_881, %parallel_loop3A_104 : i32
      %parallel_loop3A_883 = arith.index_cast %parallel_loop3A_882 : i32 to index
      %parallel_loop3A_884 = tpu.vector_load %arg11[%parallel_loop3A_883] {strides = array<i32>} : memref<32768xf32, #tpu.memory_space<vmem>>, vector<16xf32>,
      tpu.vector_store %arg11[%parallel_loop3A_883], %parallel_loop3A_856 {strides = array<i32>} : memref<32768xf32, #tpu.memory_space<vmem>>, vector<16xf32>,
      %parallel_loop3A_885 = arith.constant 23040 : i32
      %parallel_loop3A_886 = arith.addi %parallel_loop3A_885, %parallel_loop3A_104 : i32
      %parallel_loop3A_887 = arith.index_cast %parallel_loop3A_886 : i32 to index
      %parallel_loop3A_888 = tpu.vector_load %arg11[%parallel_loop3A_887] {strides = array<i32>} : memref<32768xf32, #tpu.memory_space<vmem>>, vector<16xf32>,
      tpu.vector_store %arg11[%parallel_loop3A_887], %parallel_loop3A_880 {strides = array<i32>} : memref<32768xf32, #tpu.memory_space<vmem>>, vector<16xf32>,
      %parallel_loop3A_889 = arith.constant 14 : i32
      %parallel_loop3A_890 = vector.broadcast %parallel_loop3A_889 : i32 to vector<16xi32>
      %parallel_loop3A_891 = arith.addi %parallel_loop3A_30, %parallel_loop3A_890 : vector<16xi32>
      %parallel_loop3A_892 = tpu.vector_load_idx %arg9[%parallel_loop3A_891] : memref<4800xf32, #tpu.memory_space<vmem>>[vector<16xi32>], vector<16xf32>,
      %parallel_loop3A_893 = arith.constant 14 : i32
      %parallel_loop3A_894 = vector.broadcast %parallel_loop3A_893 : i32 to vector<16xi32>
      %parallel_loop3A_895 = arith.addi %parallel_loop3A_38, %parallel_loop3A_894 : vector<16xi32>
      %parallel_loop3A_896 = tpu.vector_load_idx %arg9[%parallel_loop3A_895] : memref<4800xf32, #tpu.memory_space<vmem>>[vector<16xi32>], vector<16xf32>,
      %parallel_loop3A_897 = arith.addf %parallel_loop3A_892, %parallel_loop3A_896 : vector<16xf32>
      %parallel_loop3A_898 = arith.constant 14 : i32
      %parallel_loop3A_899 = vector.broadcast %parallel_loop3A_898 : i32 to vector<16xi32>
      %parallel_loop3A_900 = arith.addi %parallel_loop3A_46, %parallel_loop3A_899 : vector<16xi32>
      %parallel_loop3A_901 = tpu.vector_load_idx %arg9[%parallel_loop3A_900] : memref<4800xf32, #tpu.memory_space<vmem>>[vector<16xi32>], vector<16xf32>,
      %parallel_loop3A_902 = arith.addf %parallel_loop3A_897, %parallel_loop3A_901 : vector<16xf32>
      %parallel_loop3A_903 = arith.constant 14 : i32
      %parallel_loop3A_904 = vector.broadcast %parallel_loop3A_903 : i32 to vector<16xi32>
      %parallel_loop3A_905 = arith.addi %parallel_loop3A_54, %parallel_loop3A_904 : vector<16xi32>
      %parallel_loop3A_906 = tpu.vector_load_idx %arg9[%parallel_loop3A_905] : memref<4800xf32, #tpu.memory_space<vmem>>[vector<16xi32>], vector<16xf32>,
      %parallel_loop3A_907 = arith.addf %parallel_loop3A_902, %parallel_loop3A_906 : vector<16xf32>
      %parallel_loop3A_908 = arith.constant 14 : i32
      %parallel_loop3A_909 = vector.broadcast %parallel_loop3A_908 : i32 to vector<16xi32>
      %parallel_loop3A_910 = arith.addi %parallel_loop3A_62, %parallel_loop3A_909 : vector<16xi32>
      %parallel_loop3A_911 = tpu.vector_load_idx %arg9[%parallel_loop3A_910] : memref<4800xf32, #tpu.memory_space<vmem>>[vector<16xi32>], vector<16xf32>,
      %parallel_loop3A_912 = arith.addf %parallel_loop3A_907, %parallel_loop3A_911 : vector<16xf32>
      %parallel_loop3A_913 = arith.constant 14 : i32
      %parallel_loop3A_914 = vector.broadcast %parallel_loop3A_913 : i32 to vector<16xi32>
      %parallel_loop3A_915 = arith.addi %parallel_loop3A_70, %parallel_loop3A_914 : vector<16xi32>
      %parallel_loop3A_916 = tpu.vector_load_idx %arg10[%parallel_loop3A_915] : memref<4800xf32, #tpu.memory_space<vmem>>[vector<16xi32>], vector<16xf32>,
      %parallel_loop3A_917 = arith.constant 14 : i32
      %parallel_loop3A_918 = vector.broadcast %parallel_loop3A_917 : i32 to vector<16xi32>
      %parallel_loop3A_919 = arith.addi %parallel_loop3A_78, %parallel_loop3A_918 : vector<16xi32>
      %parallel_loop3A_920 = tpu.vector_load_idx %arg10[%parallel_loop3A_919] : memref<4800xf32, #tpu.memory_space<vmem>>[vector<16xi32>], vector<16xf32>,
      %parallel_loop3A_921 = arith.addf %parallel_loop3A_916, %parallel_loop3A_920 : vector<16xf32>
      %parallel_loop3A_922 = arith.constant 14 : i32
      %parallel_loop3A_923 = vector.broadcast %parallel_loop3A_922 : i32 to vector<16xi32>
      %parallel_loop3A_924 = arith.addi %parallel_loop3A_86, %parallel_loop3A_923 : vector<16xi32>
      %parallel_loop3A_925 = tpu.vector_load_idx %arg10[%parallel_loop3A_924] : memref<4800xf32, #tpu.memory_space<vmem>>[vector<16xi32>], vector<16xf32>,
      %parallel_loop3A_926 = arith.addf %parallel_loop3A_921, %parallel_loop3A_925 : vector<16xf32>
      %parallel_loop3A_927 = arith.constant 14 : i32
      %parallel_loop3A_928 = vector.broadcast %parallel_loop3A_927 : i32 to vector<16xi32>
      %parallel_loop3A_929 = arith.addi %parallel_loop3A_94, %parallel_loop3A_928 : vector<16xi32>
      %parallel_loop3A_930 = tpu.vector_load_idx %arg10[%parallel_loop3A_929] : memref<4800xf32, #tpu.memory_space<vmem>>[vector<16xi32>], vector<16xf32>,
      %parallel_loop3A_931 = arith.addf %parallel_loop3A_926, %parallel_loop3A_930 : vector<16xf32>
      %parallel_loop3A_932 = arith.constant 14 : i32
      %parallel_loop3A_933 = vector.broadcast %parallel_loop3A_932 : i32 to vector<16xi32>
      %parallel_loop3A_934 = arith.addi %parallel_loop3A_102, %parallel_loop3A_933 : vector<16xi32>
      %parallel_loop3A_935 = tpu.vector_load_idx %arg10[%parallel_loop3A_934] : memref<4800xf32, #tpu.memory_space<vmem>>[vector<16xi32>], vector<16xf32>,
      %parallel_loop3A_936 = arith.addf %parallel_loop3A_931, %parallel_loop3A_935 : vector<16xf32>
      %parallel_loop3A_937 = arith.constant 7168 : i32
      %parallel_loop3A_938 = arith.addi %parallel_loop3A_937, %parallel_loop3A_104 : i32
      %parallel_loop3A_939 = arith.index_cast %parallel_loop3A_938 : i32 to index
      %parallel_loop3A_940 = tpu.vector_load %arg11[%parallel_loop3A_939] {strides = array<i32>} : memref<32768xf32, #tpu.memory_space<vmem>>, vector<16xf32>,
      tpu.vector_store %arg11[%parallel_loop3A_939], %parallel_loop3A_912 {strides = array<i32>} : memref<32768xf32, #tpu.memory_space<vmem>>, vector<16xf32>,
      %parallel_loop3A_941 = arith.constant 23552 : i32
      %parallel_loop3A_942 = arith.addi %parallel_loop3A_941, %parallel_loop3A_104 : i32
      %parallel_loop3A_943 = arith.index_cast %parallel_loop3A_942 : i32 to index
      %parallel_loop3A_944 = tpu.vector_load %arg11[%parallel_loop3A_943] {strides = array<i32>} : memref<32768xf32, #tpu.memory_space<vmem>>, vector<16xf32>,
      tpu.vector_store %arg11[%parallel_loop3A_943], %parallel_loop3A_936 {strides = array<i32>} : memref<32768xf32, #tpu.memory_space<vmem>>, vector<16xf32>,
      %parallel_loop3A_945 = arith.constant 15 : i32
      %parallel_loop3A_946 = vector.broadcast %parallel_loop3A_945 : i32 to vector<16xi32>
      %parallel_loop3A_947 = arith.addi %parallel_loop3A_30, %parallel_loop3A_946 : vector<16xi32>
      %parallel_loop3A_948 = tpu.vector_load_idx %arg9[%parallel_loop3A_947] : memref<4800xf32, #tpu.memory_space<vmem>>[vector<16xi32>], vector<16xf32>,
      %parallel_loop3A_949 = arith.constant 15 : i32
      %parallel_loop3A_950 = vector.broadcast %parallel_loop3A_949 : i32 to vector<16xi32>
      %parallel_loop3A_951 = arith.addi %parallel_loop3A_38, %parallel_loop3A_950 : vector<16xi32>
      %parallel_loop3A_952 = tpu.vector_load_idx %arg9[%parallel_loop3A_951] : memref<4800xf32, #tpu.memory_space<vmem>>[vector<16xi32>], vector<16xf32>,
      %parallel_loop3A_953 = arith.addf %parallel_loop3A_948, %parallel_loop3A_952 : vector<16xf32>
      %parallel_loop3A_954 = arith.constant 15 : i32
      %parallel_loop3A_955 = vector.broadcast %parallel_loop3A_954 : i32 to vector<16xi32>
      %parallel_loop3A_956 = arith.addi %parallel_loop3A_46, %parallel_loop3A_955 : vector<16xi32>
      %parallel_loop3A_957 = tpu.vector_load_idx %arg9[%parallel_loop3A_956] : memref<4800xf32, #tpu.memory_space<vmem>>[vector<16xi32>], vector<16xf32>,
      %parallel_loop3A_958 = arith.addf %parallel_loop3A_953, %parallel_loop3A_957 : vector<16xf32>
      %parallel_loop3A_959 = arith.constant 15 : i32
      %parallel_loop3A_960 = vector.broadcast %parallel_loop3A_959 : i32 to vector<16xi32>
      %parallel_loop3A_961 = arith.addi %parallel_loop3A_54, %parallel_loop3A_960 : vector<16xi32>
      %parallel_loop3A_962 = tpu.vector_load_idx %arg9[%parallel_loop3A_961] : memref<4800xf32, #tpu.memory_space<vmem>>[vector<16xi32>], vector<16xf32>,
      %parallel_loop3A_963 = arith.addf %parallel_loop3A_958, %parallel_loop3A_962 : vector<16xf32>
      %parallel_loop3A_964 = arith.constant 15 : i32
      %parallel_loop3A_965 = vector.broadcast %parallel_loop3A_964 : i32 to vector<16xi32>
      %parallel_loop3A_966 = arith.addi %parallel_loop3A_62, %parallel_loop3A_965 : vector<16xi32>
      %parallel_loop3A_967 = tpu.vector_load_idx %arg9[%parallel_loop3A_966] : memref<4800xf32, #tpu.memory_space<vmem>>[vector<16xi32>], vector<16xf32>,
      %parallel_loop3A_968 = arith.addf %parallel_loop3A_963, %parallel_loop3A_967 : vector<16xf32>
      %parallel_loop3A_969 = arith.constant 15 : i32
      %parallel_loop3A_970 = vector.broadcast %parallel_loop3A_969 : i32 to vector<16xi32>
      %parallel_loop3A_971 = arith.addi %parallel_loop3A_70, %parallel_loop3A_970 : vector<16xi32>
      %parallel_loop3A_972 = tpu.vector_load_idx %arg10[%parallel_loop3A_971] : memref<4800xf32, #tpu.memory_space<vmem>>[vector<16xi32>], vector<16xf32>,
      %parallel_loop3A_973 = arith.constant 15 : i32
      %parallel_loop3A_974 = vector.broadcast %parallel_loop3A_973 : i32 to vector<16xi32>
      %parallel_loop3A_975 = arith.addi %parallel_loop3A_78, %parallel_loop3A_974 : vector<16xi32>
      %parallel_loop3A_976 = tpu.vector_load_idx %arg10[%parallel_loop3A_975] : memref<4800xf32, #tpu.memory_space<vmem>>[vector<16xi32>], vector<16xf32>,
      %parallel_loop3A_977 = arith.addf %parallel_loop3A_972, %parallel_loop3A_976 : vector<16xf32>
      %parallel_loop3A_978 = arith.constant 15 : i32
      %parallel_loop3A_979 = vector.broadcast %parallel_loop3A_978 : i32 to vector<16xi32>
      %parallel_loop3A_980 = arith.addi %parallel_loop3A_86, %parallel_loop3A_979 : vector<16xi32>
      %parallel_loop3A_981 = tpu.vector_load_idx %arg10[%parallel_loop3A_980] : memref<4800xf32, #tpu.memory_space<vmem>>[vector<16xi32>], vector<16xf32>,
      %parallel_loop3A_982 = arith.addf %parallel_loop3A_977, %parallel_loop3A_981 : vector<16xf32>
      %parallel_loop3A_983 = arith.constant 15 : i32
      %parallel_loop3A_984 = vector.broadcast %parallel_loop3A_983 : i32 to vector<16xi32>
      %parallel_loop3A_985 = arith.addi %parallel_loop3A_94, %parallel_loop3A_984 : vector<16xi32>
      %parallel_loop3A_986 = tpu.vector_load_idx %arg10[%parallel_loop3A_985] : memref<4800xf32, #tpu.memory_space<vmem>>[vector<16xi32>], vector<16xf32>,
      %parallel_loop3A_987 = arith.addf %parallel_loop3A_982, %parallel_loop3A_986 : vector<16xf32>
      %parallel_loop3A_988 = arith.constant 15 : i32
      %parallel_loop3A_989 = vector.broadcast %parallel_loop3A_988 : i32 to vector<16xi32>
      %parallel_loop3A_990 = arith.addi %parallel_loop3A_102, %parallel_loop3A_989 : vector<16xi32>
      %parallel_loop3A_991 = tpu.vector_load_idx %arg10[%parallel_loop3A_990] : memref<4800xf32, #tpu.memory_space<vmem>>[vector<16xi32>], vector<16xf32>,
      %parallel_loop3A_992 = arith.addf %parallel_loop3A_987, %parallel_loop3A_991 : vector<16xf32>
      %parallel_loop3A_993 = arith.constant 7680 : i32
      %parallel_loop3A_994 = arith.addi %parallel_loop3A_993, %parallel_loop3A_104 : i32
      %parallel_loop3A_995 = arith.index_cast %parallel_loop3A_994 : i32 to index
      %parallel_loop3A_996 = tpu.vector_load %arg11[%parallel_loop3A_995] {strides = array<i32>} : memref<32768xf32, #tpu.memory_space<vmem>>, vector<16xf32>,
      tpu.vector_store %arg11[%parallel_loop3A_995], %parallel_loop3A_968 {strides = array<i32>} : memref<32768xf32, #tpu.memory_space<vmem>>, vector<16xf32>,
      %parallel_loop3A_997 = arith.constant 24064 : i32
      %parallel_loop3A_998 = arith.addi %parallel_loop3A_997, %parallel_loop3A_104 : i32
      %parallel_loop3A_999 = arith.index_cast %parallel_loop3A_998 : i32 to index
      %parallel_loop3A_1000 = tpu.vector_load %arg11[%parallel_loop3A_999] {strides = array<i32>} : memref<32768xf32, #tpu.memory_space<vmem>>, vector<16xf32>,
      tpu.vector_store %arg11[%parallel_loop3A_999], %parallel_loop3A_992 {strides = array<i32>} : memref<32768xf32, #tpu.memory_space<vmem>>, vector<16xf32>,
      %parallel_loop3A_1001 = arith.constant 16 : i32
      %parallel_loop3A_1002 = vector.broadcast %parallel_loop3A_1001 : i32 to vector<16xi32>
      %parallel_loop3A_1003 = arith.addi %parallel_loop3A_30, %parallel_loop3A_1002 : vector<16xi32>
      %parallel_loop3A_1004 = tpu.vector_load_idx %arg9[%parallel_loop3A_1003] : memref<4800xf32, #tpu.memory_space<vmem>>[vector<16xi32>], vector<16xf32>,
      %parallel_loop3A_1005 = arith.constant 16 : i32
      %parallel_loop3A_1006 = vector.broadcast %parallel_loop3A_1005 : i32 to vector<16xi32>
      %parallel_loop3A_1007 = arith.addi %parallel_loop3A_38, %parallel_loop3A_1006 : vector<16xi32>
      %parallel_loop3A_1008 = tpu.vector_load_idx %arg9[%parallel_loop3A_1007] : memref<4800xf32, #tpu.memory_space<vmem>>[vector<16xi32>], vector<16xf32>,
      %parallel_loop3A_1009 = arith.addf %parallel_loop3A_1004, %parallel_loop3A_1008 : vector<16xf32>
      %parallel_loop3A_1010 = arith.constant 16 : i32
      %parallel_loop3A_1011 = vector.broadcast %parallel_loop3A_1010 : i32 to vector<16xi32>
      %parallel_loop3A_1012 = arith.addi %parallel_loop3A_46, %parallel_loop3A_1011 : vector<16xi32>
      %parallel_loop3A_1013 = tpu.vector_load_idx %arg9[%parallel_loop3A_1012] : memref<4800xf32, #tpu.memory_space<vmem>>[vector<16xi32>], vector<16xf32>,
      %parallel_loop3A_1014 = arith.addf %parallel_loop3A_1009, %parallel_loop3A_1013 : vector<16xf32>
      %parallel_loop3A_1015 = arith.constant 16 : i32
      %parallel_loop3A_1016 = vector.broadcast %parallel_loop3A_1015 : i32 to vector<16xi32>
      %parallel_loop3A_1017 = arith.addi %parallel_loop3A_54, %parallel_loop3A_1016 : vector<16xi32>
      %parallel_loop3A_1018 = tpu.vector_load_idx %arg9[%parallel_loop3A_1017] : memref<4800xf32, #tpu.memory_space<vmem>>[vector<16xi32>], vector<16xf32>,
      %parallel_loop3A_1019 = arith.addf %parallel_loop3A_1014, %parallel_loop3A_1018 : vector<16xf32>
      %parallel_loop3A_1020 = arith.constant 16 : i32
      %parallel_loop3A_1021 = vector.broadcast %parallel_loop3A_1020 : i32 to vector<16xi32>
      %parallel_loop3A_1022 = arith.addi %parallel_loop3A_62, %parallel_loop3A_1021 : vector<16xi32>
      %parallel_loop3A_1023 = tpu.vector_load_idx %arg9[%parallel_loop3A_1022] : memref<4800xf32, #tpu.memory_space<vmem>>[vector<16xi32>], vector<16xf32>,
      %parallel_loop3A_1024 = arith.addf %parallel_loop3A_1019, %parallel_loop3A_1023 : vector<16xf32>
      %parallel_loop3A_1025 = arith.constant 16 : i32
      %parallel_loop3A_1026 = vector.broadcast %parallel_loop3A_1025 : i32 to vector<16xi32>
      %parallel_loop3A_1027 = arith.addi %parallel_loop3A_70, %parallel_loop3A_1026 : vector<16xi32>
      %parallel_loop3A_1028 = tpu.vector_load_idx %arg10[%parallel_loop3A_1027] : memref<4800xf32, #tpu.memory_space<vmem>>[vector<16xi32>], vector<16xf32>,
      %parallel_loop3A_1029 = arith.constant 16 : i32
      %parallel_loop3A_1030 = vector.broadcast %parallel_loop3A_1029 : i32 to vector<16xi32>
      %parallel_loop3A_1031 = arith.addi %parallel_loop3A_78, %parallel_loop3A_1030 : vector<16xi32>
      %parallel_loop3A_1032 = tpu.vector_load_idx %arg10[%parallel_loop3A_1031] : memref<4800xf32, #tpu.memory_space<vmem>>[vector<16xi32>], vector<16xf32>,
      %parallel_loop3A_1033 = arith.addf %parallel_loop3A_1028, %parallel_loop3A_1032 : vector<16xf32>
      %parallel_loop3A_1034 = arith.constant 16 : i32
      %parallel_loop3A_1035 = vector.broadcast %parallel_loop3A_1034 : i32 to vector<16xi32>
      %parallel_loop3A_1036 = arith.addi %parallel_loop3A_86, %parallel_loop3A_1035 : vector<16xi32>
      %parallel_loop3A_1037 = tpu.vector_load_idx %arg10[%parallel_loop3A_1036] : memref<4800xf32, #tpu.memory_space<vmem>>[vector<16xi32>], vector<16xf32>,
      %parallel_loop3A_1038 = arith.addf %parallel_loop3A_1033, %parallel_loop3A_1037 : vector<16xf32>
      %parallel_loop3A_1039 = arith.constant 16 : i32
      %parallel_loop3A_1040 = vector.broadcast %parallel_loop3A_1039 : i32 to vector<16xi32>
      %parallel_loop3A_1041 = arith.addi %parallel_loop3A_94, %parallel_loop3A_1040 : vector<16xi32>
      %parallel_loop3A_1042 = tpu.vector_load_idx %arg10[%parallel_loop3A_1041] : memref<4800xf32, #tpu.memory_space<vmem>>[vector<16xi32>], vector<16xf32>,
      %parallel_loop3A_1043 = arith.addf %parallel_loop3A_1038, %parallel_loop3A_1042 : vector<16xf32>
      %parallel_loop3A_1044 = arith.constant 16 : i32
      %parallel_loop3A_1045 = vector.broadcast %parallel_loop3A_1044 : i32 to vector<16xi32>
      %parallel_loop3A_1046 = arith.addi %parallel_loop3A_102, %parallel_loop3A_1045 : vector<16xi32>
      %parallel_loop3A_1047 = tpu.vector_load_idx %arg10[%parallel_loop3A_1046] : memref<4800xf32, #tpu.memory_space<vmem>>[vector<16xi32>], vector<16xf32>,
      %parallel_loop3A_1048 = arith.addf %parallel_loop3A_1043, %parallel_loop3A_1047 : vector<16xf32>
      %parallel_loop3A_1049 = arith.constant 8192 : i32
      %parallel_loop3A_1050 = arith.addi %parallel_loop3A_1049, %parallel_loop3A_104 : i32
      %parallel_loop3A_1051 = arith.index_cast %parallel_loop3A_1050 : i32 to index
      %parallel_loop3A_1052 = tpu.vector_load %arg11[%parallel_loop3A_1051] {strides = array<i32>} : memref<32768xf32, #tpu.memory_space<vmem>>, vector<16xf32>,
      tpu.vector_store %arg11[%parallel_loop3A_1051], %parallel_loop3A_1024 {strides = array<i32>} : memref<32768xf32, #tpu.memory_space<vmem>>, vector<16xf32>,
      %parallel_loop3A_1053 = arith.constant 24576 : i32
      %parallel_loop3A_1054 = arith.addi %parallel_loop3A_1053, %parallel_loop3A_104 : i32
      %parallel_loop3A_1055 = arith.index_cast %parallel_loop3A_1054 : i32 to index
      %parallel_loop3A_1056 = tpu.vector_load %arg11[%parallel_loop3A_1055] {strides = array<i32>} : memref<32768xf32, #tpu.memory_space<vmem>>, vector<16xf32>,
      tpu.vector_store %arg11[%parallel_loop3A_1055], %parallel_loop3A_1048 {strides = array<i32>} : memref<32768xf32, #tpu.memory_space<vmem>>, vector<16xf32>,
      %parallel_loop3A_1057 = arith.constant 17 : i32
      %parallel_loop3A_1058 = vector.broadcast %parallel_loop3A_1057 : i32 to vector<16xi32>
      %parallel_loop3A_1059 = arith.addi %parallel_loop3A_30, %parallel_loop3A_1058 : vector<16xi32>
      %parallel_loop3A_1060 = tpu.vector_load_idx %arg9[%parallel_loop3A_1059] : memref<4800xf32, #tpu.memory_space<vmem>>[vector<16xi32>], vector<16xf32>,
      %parallel_loop3A_1061 = arith.constant 17 : i32
      %parallel_loop3A_1062 = vector.broadcast %parallel_loop3A_1061 : i32 to vector<16xi32>
      %parallel_loop3A_1063 = arith.addi %parallel_loop3A_38, %parallel_loop3A_1062 : vector<16xi32>
      %parallel_loop3A_1064 = tpu.vector_load_idx %arg9[%parallel_loop3A_1063] : memref<4800xf32, #tpu.memory_space<vmem>>[vector<16xi32>], vector<16xf32>,
      %parallel_loop3A_1065 = arith.addf %parallel_loop3A_1060, %parallel_loop3A_1064 : vector<16xf32>
      %parallel_loop3A_1066 = arith.constant 17 : i32
      %parallel_loop3A_1067 = vector.broadcast %parallel_loop3A_1066 : i32 to vector<16xi32>
      %parallel_loop3A_1068 = arith.addi %parallel_loop3A_46, %parallel_loop3A_1067 : vector<16xi32>
      %parallel_loop3A_1069 = tpu.vector_load_idx %arg9[%parallel_loop3A_1068] : memref<4800xf32, #tpu.memory_space<vmem>>[vector<16xi32>], vector<16xf32>,
      %parallel_loop3A_1070 = arith.addf %parallel_loop3A_1065, %parallel_loop3A_1069 : vector<16xf32>
      %parallel_loop3A_1071 = arith.constant 17 : i32
      %parallel_loop3A_1072 = vector.broadcast %parallel_loop3A_1071 : i32 to vector<16xi32>
      %parallel_loop3A_1073 = arith.addi %parallel_loop3A_54, %parallel_loop3A_1072 : vector<16xi32>
      %parallel_loop3A_1074 = tpu.vector_load_idx %arg9[%parallel_loop3A_1073] : memref<4800xf32, #tpu.memory_space<vmem>>[vector<16xi32>], vector<16xf32>,
      %parallel_loop3A_1075 = arith.addf %parallel_loop3A_1070, %parallel_loop3A_1074 : vector<16xf32>
      %parallel_loop3A_1076 = arith.constant 17 : i32
      %parallel_loop3A_1077 = vector.broadcast %parallel_loop3A_1076 : i32 to vector<16xi32>
      %parallel_loop3A_1078 = arith.addi %parallel_loop3A_62, %parallel_loop3A_1077 : vector<16xi32>
      %parallel_loop3A_1079 = tpu.vector_load_idx %arg9[%parallel_loop3A_1078] : memref<4800xf32, #tpu.memory_space<vmem>>[vector<16xi32>], vector<16xf32>,
      %parallel_loop3A_1080 = arith.addf %parallel_loop3A_1075, %parallel_loop3A_1079 : vector<16xf32>
      %parallel_loop3A_1081 = arith.constant 17 : i32
      %parallel_loop3A_1082 = vector.broadcast %parallel_loop3A_1081 : i32 to vector<16xi32>
      %parallel_loop3A_1083 = arith.addi %parallel_loop3A_70, %parallel_loop3A_1082 : vector<16xi32>
      %parallel_loop3A_1084 = tpu.vector_load_idx %arg10[%parallel_loop3A_1083] : memref<4800xf32, #tpu.memory_space<vmem>>[vector<16xi32>], vector<16xf32>,
      %parallel_loop3A_1085 = arith.constant 17 : i32
      %parallel_loop3A_1086 = vector.broadcast %parallel_loop3A_1085 : i32 to vector<16xi32>
      %parallel_loop3A_1087 = arith.addi %parallel_loop3A_78, %parallel_loop3A_1086 : vector<16xi32>
      %parallel_loop3A_1088 = tpu.vector_load_idx %arg10[%parallel_loop3A_1087] : memref<4800xf32, #tpu.memory_space<vmem>>[vector<16xi32>], vector<16xf32>,
      %parallel_loop3A_1089 = arith.addf %parallel_loop3A_1084, %parallel_loop3A_1088 : vector<16xf32>
      %parallel_loop3A_1090 = arith.constant 17 : i32
      %parallel_loop3A_1091 = vector.broadcast %parallel_loop3A_1090 : i32 to vector<16xi32>
      %parallel_loop3A_1092 = arith.addi %parallel_loop3A_86, %parallel_loop3A_1091 : vector<16xi32>
      %parallel_loop3A_1093 = tpu.vector_load_idx %arg10[%parallel_loop3A_1092] : memref<4800xf32, #tpu.memory_space<vmem>>[vector<16xi32>], vector<16xf32>,
      %parallel_loop3A_1094 = arith.addf %parallel_loop3A_1089, %parallel_loop3A_1093 : vector<16xf32>
      %parallel_loop3A_1095 = arith.constant 17 : i32
      %parallel_loop3A_1096 = vector.broadcast %parallel_loop3A_1095 : i32 to vector<16xi32>
      %parallel_loop3A_1097 = arith.addi %parallel_loop3A_94, %parallel_loop3A_1096 : vector<16xi32>
      %parallel_loop3A_1098 = tpu.vector_load_idx %arg10[%parallel_loop3A_1097] : memref<4800xf32, #tpu.memory_space<vmem>>[vector<16xi32>], vector<16xf32>,
      %parallel_loop3A_1099 = arith.addf %parallel_loop3A_1094, %parallel_loop3A_1098 : vector<16xf32>
      %parallel_loop3A_1100 = arith.constant 17 : i32
      %parallel_loop3A_1101 = vector.broadcast %parallel_loop3A_1100 : i32 to vector<16xi32>
      %parallel_loop3A_1102 = arith.addi %parallel_loop3A_102, %parallel_loop3A_1101 : vector<16xi32>
      %parallel_loop3A_1103 = tpu.vector_load_idx %arg10[%parallel_loop3A_1102] : memref<4800xf32, #tpu.memory_space<vmem>>[vector<16xi32>], vector<16xf32>,
      %parallel_loop3A_1104 = arith.addf %parallel_loop3A_1099, %parallel_loop3A_1103 : vector<16xf32>
      %parallel_loop3A_1105 = arith.constant 8704 : i32
      %parallel_loop3A_1106 = arith.addi %parallel_loop3A_1105, %parallel_loop3A_104 : i32
      %parallel_loop3A_1107 = arith.index_cast %parallel_loop3A_1106 : i32 to index
      %parallel_loop3A_1108 = tpu.vector_load %arg11[%parallel_loop3A_1107] {strides = array<i32>} : memref<32768xf32, #tpu.memory_space<vmem>>, vector<16xf32>,
      tpu.vector_store %arg11[%parallel_loop3A_1107], %parallel_loop3A_1080 {strides = array<i32>} : memref<32768xf32, #tpu.memory_space<vmem>>, vector<16xf32>,
      %parallel_loop3A_1109 = arith.constant 25088 : i32
      %parallel_loop3A_1110 = arith.addi %parallel_loop3A_1109, %parallel_loop3A_104 : i32
      %parallel_loop3A_1111 = arith.index_cast %parallel_loop3A_1110 : i32 to index
      %parallel_loop3A_1112 = tpu.vector_load %arg11[%parallel_loop3A_1111] {strides = array<i32>} : memref<32768xf32, #tpu.memory_space<vmem>>, vector<16xf32>,
      tpu.vector_store %arg11[%parallel_loop3A_1111], %parallel_loop3A_1104 {strides = array<i32>} : memref<32768xf32, #tpu.memory_space<vmem>>, vector<16xf32>,
      %parallel_loop3A_1113 = arith.constant 18 : i32
      %parallel_loop3A_1114 = vector.broadcast %parallel_loop3A_1113 : i32 to vector<16xi32>
      %parallel_loop3A_1115 = arith.addi %parallel_loop3A_30, %parallel_loop3A_1114 : vector<16xi32>
      %parallel_loop3A_1116 = tpu.vector_load_idx %arg9[%parallel_loop3A_1115] : memref<4800xf32, #tpu.memory_space<vmem>>[vector<16xi32>], vector<16xf32>,
      %parallel_loop3A_1117 = arith.constant 18 : i32
      %parallel_loop3A_1118 = vector.broadcast %parallel_loop3A_1117 : i32 to vector<16xi32>
      %parallel_loop3A_1119 = arith.addi %parallel_loop3A_38, %parallel_loop3A_1118 : vector<16xi32>
      %parallel_loop3A_1120 = tpu.vector_load_idx %arg9[%parallel_loop3A_1119] : memref<4800xf32, #tpu.memory_space<vmem>>[vector<16xi32>], vector<16xf32>,
      %parallel_loop3A_1121 = arith.addf %parallel_loop3A_1116, %parallel_loop3A_1120 : vector<16xf32>
      %parallel_loop3A_1122 = arith.constant 18 : i32
      %parallel_loop3A_1123 = vector.broadcast %parallel_loop3A_1122 : i32 to vector<16xi32>
      %parallel_loop3A_1124 = arith.addi %parallel_loop3A_46, %parallel_loop3A_1123 : vector<16xi32>
      %parallel_loop3A_1125 = tpu.vector_load_idx %arg9[%parallel_loop3A_1124] : memref<4800xf32, #tpu.memory_space<vmem>>[vector<16xi32>], vector<16xf32>,
      %parallel_loop3A_1126 = arith.addf %parallel_loop3A_1121, %parallel_loop3A_1125 : vector<16xf32>
      %parallel_loop3A_1127 = arith.constant 18 : i32
      %parallel_loop3A_1128 = vector.broadcast %parallel_loop3A_1127 : i32 to vector<16xi32>
      %parallel_loop3A_1129 = arith.addi %parallel_loop3A_54, %parallel_loop3A_1128 : vector<16xi32>
      %parallel_loop3A_1130 = tpu.vector_load_idx %arg9[%parallel_loop3A_1129] : memref<4800xf32, #tpu.memory_space<vmem>>[vector<16xi32>], vector<16xf32>,
      %parallel_loop3A_1131 = arith.addf %parallel_loop3A_1126, %parallel_loop3A_1130 : vector<16xf32>
      %parallel_loop3A_1132 = arith.constant 18 : i32
      %parallel_loop3A_1133 = vector.broadcast %parallel_loop3A_1132 : i32 to vector<16xi32>
      %parallel_loop3A_1134 = arith.addi %parallel_loop3A_62, %parallel_loop3A_1133 : vector<16xi32>
      %parallel_loop3A_1135 = tpu.vector_load_idx %arg9[%parallel_loop3A_1134] : memref<4800xf32, #tpu.memory_space<vmem>>[vector<16xi32>], vector<16xf32>,
      %parallel_loop3A_1136 = arith.addf %parallel_loop3A_1131, %parallel_loop3A_1135 : vector<16xf32>
      %parallel_loop3A_1137 = arith.constant 18 : i32
      %parallel_loop3A_1138 = vector.broadcast %parallel_loop3A_1137 : i32 to vector<16xi32>
      %parallel_loop3A_1139 = arith.addi %parallel_loop3A_70, %parallel_loop3A_1138 : vector<16xi32>
      %parallel_loop3A_1140 = tpu.vector_load_idx %arg10[%parallel_loop3A_1139] : memref<4800xf32, #tpu.memory_space<vmem>>[vector<16xi32>], vector<16xf32>,
      %parallel_loop3A_1141 = arith.constant 18 : i32
      %parallel_loop3A_1142 = vector.broadcast %parallel_loop3A_1141 : i32 to vector<16xi32>
      %parallel_loop3A_1143 = arith.addi %parallel_loop3A_78, %parallel_loop3A_1142 : vector<16xi32>
      %parallel_loop3A_1144 = tpu.vector_load_idx %arg10[%parallel_loop3A_1143] : memref<4800xf32, #tpu.memory_space<vmem>>[vector<16xi32>], vector<16xf32>,
      %parallel_loop3A_1145 = arith.addf %parallel_loop3A_1140, %parallel_loop3A_1144 : vector<16xf32>
      %parallel_loop3A_1146 = arith.constant 18 : i32
      %parallel_loop3A_1147 = vector.broadcast %parallel_loop3A_1146 : i32 to vector<16xi32>
      %parallel_loop3A_1148 = arith.addi %parallel_loop3A_86, %parallel_loop3A_1147 : vector<16xi32>
      %parallel_loop3A_1149 = tpu.vector_load_idx %arg10[%parallel_loop3A_1148] : memref<4800xf32, #tpu.memory_space<vmem>>[vector<16xi32>], vector<16xf32>,
      %parallel_loop3A_1150 = arith.addf %parallel_loop3A_1145, %parallel_loop3A_1149 : vector<16xf32>
      %parallel_loop3A_1151 = arith.constant 18 : i32
      %parallel_loop3A_1152 = vector.broadcast %parallel_loop3A_1151 : i32 to vector<16xi32>
      %parallel_loop3A_1153 = arith.addi %parallel_loop3A_94, %parallel_loop3A_1152 : vector<16xi32>
      %parallel_loop3A_1154 = tpu.vector_load_idx %arg10[%parallel_loop3A_1153] : memref<4800xf32, #tpu.memory_space<vmem>>[vector<16xi32>], vector<16xf32>,
      %parallel_loop3A_1155 = arith.addf %parallel_loop3A_1150, %parallel_loop3A_1154 : vector<16xf32>
      %parallel_loop3A_1156 = arith.constant 18 : i32
      %parallel_loop3A_1157 = vector.broadcast %parallel_loop3A_1156 : i32 to vector<16xi32>
      %parallel_loop3A_1158 = arith.addi %parallel_loop3A_102, %parallel_loop3A_1157 : vector<16xi32>
      %parallel_loop3A_1159 = tpu.vector_load_idx %arg10[%parallel_loop3A_1158] : memref<4800xf32, #tpu.memory_space<vmem>>[vector<16xi32>], vector<16xf32>,
      %parallel_loop3A_1160 = arith.addf %parallel_loop3A_1155, %parallel_loop3A_1159 : vector<16xf32>
      %parallel_loop3A_1161 = arith.constant 9216 : i32
      %parallel_loop3A_1162 = arith.addi %parallel_loop3A_1161, %parallel_loop3A_104 : i32
      %parallel_loop3A_1163 = arith.index_cast %parallel_loop3A_1162 : i32 to index
      %parallel_loop3A_1164 = tpu.vector_load %arg11[%parallel_loop3A_1163] {strides = array<i32>} : memref<32768xf32, #tpu.memory_space<vmem>>, vector<16xf32>,
      tpu.vector_store %arg11[%parallel_loop3A_1163], %parallel_loop3A_1136 {strides = array<i32>} : memref<32768xf32, #tpu.memory_space<vmem>>, vector<16xf32>,
      %parallel_loop3A_1165 = arith.constant 25600 : i32
      %parallel_loop3A_1166 = arith.addi %parallel_loop3A_1165, %parallel_loop3A_104 : i32
      %parallel_loop3A_1167 = arith.index_cast %parallel_loop3A_1166 : i32 to index
      %parallel_loop3A_1168 = tpu.vector_load %arg11[%parallel_loop3A_1167] {strides = array<i32>} : memref<32768xf32, #tpu.memory_space<vmem>>, vector<16xf32>,
      tpu.vector_store %arg11[%parallel_loop3A_1167], %parallel_loop3A_1160 {strides = array<i32>} : memref<32768xf32, #tpu.memory_space<vmem>>, vector<16xf32>,
      %parallel_loop3A_1169 = arith.constant 19 : i32
      %parallel_loop3A_1170 = vector.broadcast %parallel_loop3A_1169 : i32 to vector<16xi32>
      %parallel_loop3A_1171 = arith.addi %parallel_loop3A_30, %parallel_loop3A_1170 : vector<16xi32>
      %parallel_loop3A_1172 = tpu.vector_load_idx %arg9[%parallel_loop3A_1171] : memref<4800xf32, #tpu.memory_space<vmem>>[vector<16xi32>], vector<16xf32>,
      %parallel_loop3A_1173 = arith.constant 19 : i32
      %parallel_loop3A_1174 = vector.broadcast %parallel_loop3A_1173 : i32 to vector<16xi32>
      %parallel_loop3A_1175 = arith.addi %parallel_loop3A_38, %parallel_loop3A_1174 : vector<16xi32>
      %parallel_loop3A_1176 = tpu.vector_load_idx %arg9[%parallel_loop3A_1175] : memref<4800xf32, #tpu.memory_space<vmem>>[vector<16xi32>], vector<16xf32>,
      %parallel_loop3A_1177 = arith.addf %parallel_loop3A_1172, %parallel_loop3A_1176 : vector<16xf32>
      %parallel_loop3A_1178 = arith.constant 19 : i32
      %parallel_loop3A_1179 = vector.broadcast %parallel_loop3A_1178 : i32 to vector<16xi32>
      %parallel_loop3A_1180 = arith.addi %parallel_loop3A_46, %parallel_loop3A_1179 : vector<16xi32>
      %parallel_loop3A_1181 = tpu.vector_load_idx %arg9[%parallel_loop3A_1180] : memref<4800xf32, #tpu.memory_space<vmem>>[vector<16xi32>], vector<16xf32>,
      %parallel_loop3A_1182 = arith.addf %parallel_loop3A_1177, %parallel_loop3A_1181 : vector<16xf32>
      %parallel_loop3A_1183 = arith.constant 19 : i32
      %parallel_loop3A_1184 = vector.broadcast %parallel_loop3A_1183 : i32 to vector<16xi32>
      %parallel_loop3A_1185 = arith.addi %parallel_loop3A_54, %parallel_loop3A_1184 : vector<16xi32>
      %parallel_loop3A_1186 = tpu.vector_load_idx %arg9[%parallel_loop3A_1185] : memref<4800xf32, #tpu.memory_space<vmem>>[vector<16xi32>], vector<16xf32>,
      %parallel_loop3A_1187 = arith.addf %parallel_loop3A_1182, %parallel_loop3A_1186 : vector<16xf32>
      %parallel_loop3A_1188 = arith.constant 19 : i32
      %parallel_loop3A_1189 = vector.broadcast %parallel_loop3A_1188 : i32 to vector<16xi32>
      %parallel_loop3A_1190 = arith.addi %parallel_loop3A_62, %parallel_loop3A_1189 : vector<16xi32>
      %parallel_loop3A_1191 = tpu.vector_load_idx %arg9[%parallel_loop3A_1190] : memref<4800xf32, #tpu.memory_space<vmem>>[vector<16xi32>], vector<16xf32>,
      %parallel_loop3A_1192 = arith.addf %parallel_loop3A_1187, %parallel_loop3A_1191 : vector<16xf32>
      %parallel_loop3A_1193 = arith.constant 19 : i32
      %parallel_loop3A_1194 = vector.broadcast %parallel_loop3A_1193 : i32 to vector<16xi32>
      %parallel_loop3A_1195 = arith.addi %parallel_loop3A_70, %parallel_loop3A_1194 : vector<16xi32>
      %parallel_loop3A_1196 = tpu.vector_load_idx %arg10[%parallel_loop3A_1195] : memref<4800xf32, #tpu.memory_space<vmem>>[vector<16xi32>], vector<16xf32>,
      %parallel_loop3A_1197 = arith.constant 19 : i32
      %parallel_loop3A_1198 = vector.broadcast %parallel_loop3A_1197 : i32 to vector<16xi32>
      %parallel_loop3A_1199 = arith.addi %parallel_loop3A_78, %parallel_loop3A_1198 : vector<16xi32>
      %parallel_loop3A_1200 = tpu.vector_load_idx %arg10[%parallel_loop3A_1199] : memref<4800xf32, #tpu.memory_space<vmem>>[vector<16xi32>], vector<16xf32>,
      %parallel_loop3A_1201 = arith.addf %parallel_loop3A_1196, %parallel_loop3A_1200 : vector<16xf32>
      %parallel_loop3A_1202 = arith.constant 19 : i32
      %parallel_loop3A_1203 = vector.broadcast %parallel_loop3A_1202 : i32 to vector<16xi32>
      %parallel_loop3A_1204 = arith.addi %parallel_loop3A_86, %parallel_loop3A_1203 : vector<16xi32>
      %parallel_loop3A_1205 = tpu.vector_load_idx %arg10[%parallel_loop3A_1204] : memref<4800xf32, #tpu.memory_space<vmem>>[vector<16xi32>], vector<16xf32>,
      %parallel_loop3A_1206 = arith.addf %parallel_loop3A_1201, %parallel_loop3A_1205 : vector<16xf32>
      %parallel_loop3A_1207 = arith.constant 19 : i32
      %parallel_loop3A_1208 = vector.broadcast %parallel_loop3A_1207 : i32 to vector<16xi32>
      %parallel_loop3A_1209 = arith.addi %parallel_loop3A_94, %parallel_loop3A_1208 : vector<16xi32>
      %parallel_loop3A_1210 = tpu.vector_load_idx %arg10[%parallel_loop3A_1209] : memref<4800xf32, #tpu.memory_space<vmem>>[vector<16xi32>], vector<16xf32>,
      %parallel_loop3A_1211 = arith.addf %parallel_loop3A_1206, %parallel_loop3A_1210 : vector<16xf32>
      %parallel_loop3A_1212 = arith.constant 19 : i32
      %parallel_loop3A_1213 = vector.broadcast %parallel_loop3A_1212 : i32 to vector<16xi32>
      %parallel_loop3A_1214 = arith.addi %parallel_loop3A_102, %parallel_loop3A_1213 : vector<16xi32>
      %parallel_loop3A_1215 = tpu.vector_load_idx %arg10[%parallel_loop3A_1214] : memref<4800xf32, #tpu.memory_space<vmem>>[vector<16xi32>], vector<16xf32>,
      %parallel_loop3A_1216 = arith.addf %parallel_loop3A_1211, %parallel_loop3A_1215 : vector<16xf32>
      %parallel_loop3A_1217 = arith.constant 9728 : i32
      %parallel_loop3A_1218 = arith.addi %parallel_loop3A_1217, %parallel_loop3A_104 : i32
      %parallel_loop3A_1219 = arith.index_cast %parallel_loop3A_1218 : i32 to index
      %parallel_loop3A_1220 = tpu.vector_load %arg11[%parallel_loop3A_1219] {strides = array<i32>} : memref<32768xf32, #tpu.memory_space<vmem>>, vector<16xf32>,
      tpu.vector_store %arg11[%parallel_loop3A_1219], %parallel_loop3A_1192 {strides = array<i32>} : memref<32768xf32, #tpu.memory_space<vmem>>, vector<16xf32>,
      %parallel_loop3A_1221 = arith.constant 26112 : i32
      %parallel_loop3A_1222 = arith.addi %parallel_loop3A_1221, %parallel_loop3A_104 : i32
      %parallel_loop3A_1223 = arith.index_cast %parallel_loop3A_1222 : i32 to index
      %parallel_loop3A_1224 = tpu.vector_load %arg11[%parallel_loop3A_1223] {strides = array<i32>} : memref<32768xf32, #tpu.memory_space<vmem>>, vector<16xf32>,
      tpu.vector_store %arg11[%parallel_loop3A_1223], %parallel_loop3A_1216 {strides = array<i32>} : memref<32768xf32, #tpu.memory_space<vmem>>, vector<16xf32>,
      %parallel_loop3A_1225 = arith.constant 20 : i32
      %parallel_loop3A_1226 = vector.broadcast %parallel_loop3A_1225 : i32 to vector<16xi32>
      %parallel_loop3A_1227 = arith.addi %parallel_loop3A_30, %parallel_loop3A_1226 : vector<16xi32>
      %parallel_loop3A_1228 = tpu.vector_load_idx %arg9[%parallel_loop3A_1227] : memref<4800xf32, #tpu.memory_space<vmem>>[vector<16xi32>], vector<16xf32>,
      %parallel_loop3A_1229 = arith.constant 20 : i32
      %parallel_loop3A_1230 = vector.broadcast %parallel_loop3A_1229 : i32 to vector<16xi32>
      %parallel_loop3A_1231 = arith.addi %parallel_loop3A_38, %parallel_loop3A_1230 : vector<16xi32>
      %parallel_loop3A_1232 = tpu.vector_load_idx %arg9[%parallel_loop3A_1231] : memref<4800xf32, #tpu.memory_space<vmem>>[vector<16xi32>], vector<16xf32>,
      %parallel_loop3A_1233 = arith.addf %parallel_loop3A_1228, %parallel_loop3A_1232 : vector<16xf32>
      %parallel_loop3A_1234 = arith.constant 20 : i32
      %parallel_loop3A_1235 = vector.broadcast %parallel_loop3A_1234 : i32 to vector<16xi32>
      %parallel_loop3A_1236 = arith.addi %parallel_loop3A_46, %parallel_loop3A_1235 : vector<16xi32>
      %parallel_loop3A_1237 = tpu.vector_load_idx %arg9[%parallel_loop3A_1236] : memref<4800xf32, #tpu.memory_space<vmem>>[vector<16xi32>], vector<16xf32>,
      %parallel_loop3A_1238 = arith.addf %parallel_loop3A_1233, %parallel_loop3A_1237 : vector<16xf32>
      %parallel_loop3A_1239 = arith.constant 20 : i32
      %parallel_loop3A_1240 = vector.broadcast %parallel_loop3A_1239 : i32 to vector<16xi32>
      %parallel_loop3A_1241 = arith.addi %parallel_loop3A_54, %parallel_loop3A_1240 : vector<16xi32>
      %parallel_loop3A_1242 = tpu.vector_load_idx %arg9[%parallel_loop3A_1241] : memref<4800xf32, #tpu.memory_space<vmem>>[vector<16xi32>], vector<16xf32>,
      %parallel_loop3A_1243 = arith.addf %parallel_loop3A_1238, %parallel_loop3A_1242 : vector<16xf32>
      %parallel_loop3A_1244 = arith.constant 20 : i32
      %parallel_loop3A_1245 = vector.broadcast %parallel_loop3A_1244 : i32 to vector<16xi32>
      %parallel_loop3A_1246 = arith.addi %parallel_loop3A_62, %parallel_loop3A_1245 : vector<16xi32>
      %parallel_loop3A_1247 = tpu.vector_load_idx %arg9[%parallel_loop3A_1246] : memref<4800xf32, #tpu.memory_space<vmem>>[vector<16xi32>], vector<16xf32>,
      %parallel_loop3A_1248 = arith.addf %parallel_loop3A_1243, %parallel_loop3A_1247 : vector<16xf32>
      %parallel_loop3A_1249 = arith.constant 20 : i32
      %parallel_loop3A_1250 = vector.broadcast %parallel_loop3A_1249 : i32 to vector<16xi32>
      %parallel_loop3A_1251 = arith.addi %parallel_loop3A_70, %parallel_loop3A_1250 : vector<16xi32>
      %parallel_loop3A_1252 = tpu.vector_load_idx %arg10[%parallel_loop3A_1251] : memref<4800xf32, #tpu.memory_space<vmem>>[vector<16xi32>], vector<16xf32>,
      %parallel_loop3A_1253 = arith.constant 20 : i32
      %parallel_loop3A_1254 = vector.broadcast %parallel_loop3A_1253 : i32 to vector<16xi32>
      %parallel_loop3A_1255 = arith.addi %parallel_loop3A_78, %parallel_loop3A_1254 : vector<16xi32>
      %parallel_loop3A_1256 = tpu.vector_load_idx %arg10[%parallel_loop3A_1255] : memref<4800xf32, #tpu.memory_space<vmem>>[vector<16xi32>], vector<16xf32>,
      %parallel_loop3A_1257 = arith.addf %parallel_loop3A_1252, %parallel_loop3A_1256 : vector<16xf32>
      %parallel_loop3A_1258 = arith.constant 20 : i32
      %parallel_loop3A_1259 = vector.broadcast %parallel_loop3A_1258 : i32 to vector<16xi32>
      %parallel_loop3A_1260 = arith.addi %parallel_loop3A_86, %parallel_loop3A_1259 : vector<16xi32>
      %parallel_loop3A_1261 = tpu.vector_load_idx %arg10[%parallel_loop3A_1260] : memref<4800xf32, #tpu.memory_space<vmem>>[vector<16xi32>], vector<16xf32>,
      %parallel_loop3A_1262 = arith.addf %parallel_loop3A_1257, %parallel_loop3A_1261 : vector<16xf32>
      %parallel_loop3A_1263 = arith.constant 20 : i32
      %parallel_loop3A_1264 = vector.broadcast %parallel_loop3A_1263 : i32 to vector<16xi32>
      %parallel_loop3A_1265 = arith.addi %parallel_loop3A_94, %parallel_loop3A_1264 : vector<16xi32>
      %parallel_loop3A_1266 = tpu.vector_load_idx %arg10[%parallel_loop3A_1265] : memref<4800xf32, #tpu.memory_space<vmem>>[vector<16xi32>], vector<16xf32>,
      %parallel_loop3A_1267 = arith.addf %parallel_loop3A_1262, %parallel_loop3A_1266 : vector<16xf32>
      %parallel_loop3A_1268 = arith.constant 20 : i32
      %parallel_loop3A_1269 = vector.broadcast %parallel_loop3A_1268 : i32 to vector<16xi32>
      %parallel_loop3A_1270 = arith.addi %parallel_loop3A_102, %parallel_loop3A_1269 : vector<16xi32>
      %parallel_loop3A_1271 = tpu.vector_load_idx %arg10[%parallel_loop3A_1270] : memref<4800xf32, #tpu.memory_space<vmem>>[vector<16xi32>], vector<16xf32>,
      %parallel_loop3A_1272 = arith.addf %parallel_loop3A_1267, %parallel_loop3A_1271 : vector<16xf32>
      %parallel_loop3A_1273 = arith.constant 10240 : i32
      %parallel_loop3A_1274 = arith.addi %parallel_loop3A_1273, %parallel_loop3A_104 : i32
      %parallel_loop3A_1275 = arith.index_cast %parallel_loop3A_1274 : i32 to index
      %parallel_loop3A_1276 = tpu.vector_load %arg11[%parallel_loop3A_1275] {strides = array<i32>} : memref<32768xf32, #tpu.memory_space<vmem>>, vector<16xf32>,
      tpu.vector_store %arg11[%parallel_loop3A_1275], %parallel_loop3A_1248 {strides = array<i32>} : memref<32768xf32, #tpu.memory_space<vmem>>, vector<16xf32>,
      %parallel_loop3A_1277 = arith.constant 26624 : i32
      %parallel_loop3A_1278 = arith.addi %parallel_loop3A_1277, %parallel_loop3A_104 : i32
      %parallel_loop3A_1279 = arith.index_cast %parallel_loop3A_1278 : i32 to index
      %parallel_loop3A_1280 = tpu.vector_load %arg11[%parallel_loop3A_1279] {strides = array<i32>} : memref<32768xf32, #tpu.memory_space<vmem>>, vector<16xf32>,
      tpu.vector_store %arg11[%parallel_loop3A_1279], %parallel_loop3A_1272 {strides = array<i32>} : memref<32768xf32, #tpu.memory_space<vmem>>, vector<16xf32>,
      %parallel_loop3A_1281 = arith.constant 21 : i32
      %parallel_loop3A_1282 = vector.broadcast %parallel_loop3A_1281 : i32 to vector<16xi32>
      %parallel_loop3A_1283 = arith.addi %parallel_loop3A_30, %parallel_loop3A_1282 : vector<16xi32>
      %parallel_loop3A_1284 = tpu.vector_load_idx %arg9[%parallel_loop3A_1283] : memref<4800xf32, #tpu.memory_space<vmem>>[vector<16xi32>], vector<16xf32>,
      %parallel_loop3A_1285 = arith.constant 21 : i32
      %parallel_loop3A_1286 = vector.broadcast %parallel_loop3A_1285 : i32 to vector<16xi32>
      %parallel_loop3A_1287 = arith.addi %parallel_loop3A_38, %parallel_loop3A_1286 : vector<16xi32>
      %parallel_loop3A_1288 = tpu.vector_load_idx %arg9[%parallel_loop3A_1287] : memref<4800xf32, #tpu.memory_space<vmem>>[vector<16xi32>], vector<16xf32>,
      %parallel_loop3A_1289 = arith.addf %parallel_loop3A_1284, %parallel_loop3A_1288 : vector<16xf32>
      %parallel_loop3A_1290 = arith.constant 21 : i32
      %parallel_loop3A_1291 = vector.broadcast %parallel_loop3A_1290 : i32 to vector<16xi32>
      %parallel_loop3A_1292 = arith.addi %parallel_loop3A_46, %parallel_loop3A_1291 : vector<16xi32>
      %parallel_loop3A_1293 = tpu.vector_load_idx %arg9[%parallel_loop3A_1292] : memref<4800xf32, #tpu.memory_space<vmem>>[vector<16xi32>], vector<16xf32>,
      %parallel_loop3A_1294 = arith.addf %parallel_loop3A_1289, %parallel_loop3A_1293 : vector<16xf32>
      %parallel_loop3A_1295 = arith.constant 21 : i32
      %parallel_loop3A_1296 = vector.broadcast %parallel_loop3A_1295 : i32 to vector<16xi32>
      %parallel_loop3A_1297 = arith.addi %parallel_loop3A_54, %parallel_loop3A_1296 : vector<16xi32>
      %parallel_loop3A_1298 = tpu.vector_load_idx %arg9[%parallel_loop3A_1297] : memref<4800xf32, #tpu.memory_space<vmem>>[vector<16xi32>], vector<16xf32>,
      %parallel_loop3A_1299 = arith.addf %parallel_loop3A_1294, %parallel_loop3A_1298 : vector<16xf32>
      %parallel_loop3A_1300 = arith.constant 21 : i32
      %parallel_loop3A_1301 = vector.broadcast %parallel_loop3A_1300 : i32 to vector<16xi32>
      %parallel_loop3A_1302 = arith.addi %parallel_loop3A_62, %parallel_loop3A_1301 : vector<16xi32>
      %parallel_loop3A_1303 = tpu.vector_load_idx %arg9[%parallel_loop3A_1302] : memref<4800xf32, #tpu.memory_space<vmem>>[vector<16xi32>], vector<16xf32>,
      %parallel_loop3A_1304 = arith.addf %parallel_loop3A_1299, %parallel_loop3A_1303 : vector<16xf32>
      %parallel_loop3A_1305 = arith.constant 21 : i32
      %parallel_loop3A_1306 = vector.broadcast %parallel_loop3A_1305 : i32 to vector<16xi32>
      %parallel_loop3A_1307 = arith.addi %parallel_loop3A_70, %parallel_loop3A_1306 : vector<16xi32>
      %parallel_loop3A_1308 = tpu.vector_load_idx %arg10[%parallel_loop3A_1307] : memref<4800xf32, #tpu.memory_space<vmem>>[vector<16xi32>], vector<16xf32>,
      %parallel_loop3A_1309 = arith.constant 21 : i32
      %parallel_loop3A_1310 = vector.broadcast %parallel_loop3A_1309 : i32 to vector<16xi32>
      %parallel_loop3A_1311 = arith.addi %parallel_loop3A_78, %parallel_loop3A_1310 : vector<16xi32>
      %parallel_loop3A_1312 = tpu.vector_load_idx %arg10[%parallel_loop3A_1311] : memref<4800xf32, #tpu.memory_space<vmem>>[vector<16xi32>], vector<16xf32>,
      %parallel_loop3A_1313 = arith.addf %parallel_loop3A_1308, %parallel_loop3A_1312 : vector<16xf32>
      %parallel_loop3A_1314 = arith.constant 21 : i32
      %parallel_loop3A_1315 = vector.broadcast %parallel_loop3A_1314 : i32 to vector<16xi32>
      %parallel_loop3A_1316 = arith.addi %parallel_loop3A_86, %parallel_loop3A_1315 : vector<16xi32>
      %parallel_loop3A_1317 = tpu.vector_load_idx %arg10[%parallel_loop3A_1316] : memref<4800xf32, #tpu.memory_space<vmem>>[vector<16xi32>], vector<16xf32>,
      %parallel_loop3A_1318 = arith.addf %parallel_loop3A_1313, %parallel_loop3A_1317 : vector<16xf32>
      %parallel_loop3A_1319 = arith.constant 21 : i32
      %parallel_loop3A_1320 = vector.broadcast %parallel_loop3A_1319 : i32 to vector<16xi32>
      %parallel_loop3A_1321 = arith.addi %parallel_loop3A_94, %parallel_loop3A_1320 : vector<16xi32>
      %parallel_loop3A_1322 = tpu.vector_load_idx %arg10[%parallel_loop3A_1321] : memref<4800xf32, #tpu.memory_space<vmem>>[vector<16xi32>], vector<16xf32>,
      %parallel_loop3A_1323 = arith.addf %parallel_loop3A_1318, %parallel_loop3A_1322 : vector<16xf32>
      %parallel_loop3A_1324 = arith.constant 21 : i32
      %parallel_loop3A_1325 = vector.broadcast %parallel_loop3A_1324 : i32 to vector<16xi32>
      %parallel_loop3A_1326 = arith.addi %parallel_loop3A_102, %parallel_loop3A_1325 : vector<16xi32>
      %parallel_loop3A_1327 = tpu.vector_load_idx %arg10[%parallel_loop3A_1326] : memref<4800xf32, #tpu.memory_space<vmem>>[vector<16xi32>], vector<16xf32>,
      %parallel_loop3A_1328 = arith.addf %parallel_loop3A_1323, %parallel_loop3A_1327 : vector<16xf32>
      %parallel_loop3A_1329 = arith.constant 10752 : i32
      %parallel_loop3A_1330 = arith.addi %parallel_loop3A_1329, %parallel_loop3A_104 : i32
      %parallel_loop3A_1331 = arith.index_cast %parallel_loop3A_1330 : i32 to index
      %parallel_loop3A_1332 = tpu.vector_load %arg11[%parallel_loop3A_1331] {strides = array<i32>} : memref<32768xf32, #tpu.memory_space<vmem>>, vector<16xf32>,
      tpu.vector_store %arg11[%parallel_loop3A_1331], %parallel_loop3A_1304 {strides = array<i32>} : memref<32768xf32, #tpu.memory_space<vmem>>, vector<16xf32>,
      %parallel_loop3A_1333 = arith.constant 27136 : i32
      %parallel_loop3A_1334 = arith.addi %parallel_loop3A_1333, %parallel_loop3A_104 : i32
      %parallel_loop3A_1335 = arith.index_cast %parallel_loop3A_1334 : i32 to index
      %parallel_loop3A_1336 = tpu.vector_load %arg11[%parallel_loop3A_1335] {strides = array<i32>} : memref<32768xf32, #tpu.memory_space<vmem>>, vector<16xf32>,
      tpu.vector_store %arg11[%parallel_loop3A_1335], %parallel_loop3A_1328 {strides = array<i32>} : memref<32768xf32, #tpu.memory_space<vmem>>, vector<16xf32>,
      %parallel_loop3A_1337 = arith.constant 22 : i32
      %parallel_loop3A_1338 = vector.broadcast %parallel_loop3A_1337 : i32 to vector<16xi32>
      %parallel_loop3A_1339 = arith.addi %parallel_loop3A_30, %parallel_loop3A_1338 : vector<16xi32>
      %parallel_loop3A_1340 = tpu.vector_load_idx %arg9[%parallel_loop3A_1339] : memref<4800xf32, #tpu.memory_space<vmem>>[vector<16xi32>], vector<16xf32>,
      %parallel_loop3A_1341 = arith.constant 22 : i32
      %parallel_loop3A_1342 = vector.broadcast %parallel_loop3A_1341 : i32 to vector<16xi32>
      %parallel_loop3A_1343 = arith.addi %parallel_loop3A_38, %parallel_loop3A_1342 : vector<16xi32>
      %parallel_loop3A_1344 = tpu.vector_load_idx %arg9[%parallel_loop3A_1343] : memref<4800xf32, #tpu.memory_space<vmem>>[vector<16xi32>], vector<16xf32>,
      %parallel_loop3A_1345 = arith.addf %parallel_loop3A_1340, %parallel_loop3A_1344 : vector<16xf32>
      %parallel_loop3A_1346 = arith.constant 22 : i32
      %parallel_loop3A_1347 = vector.broadcast %parallel_loop3A_1346 : i32 to vector<16xi32>
      %parallel_loop3A_1348 = arith.addi %parallel_loop3A_46, %parallel_loop3A_1347 : vector<16xi32>
      %parallel_loop3A_1349 = tpu.vector_load_idx %arg9[%parallel_loop3A_1348] : memref<4800xf32, #tpu.memory_space<vmem>>[vector<16xi32>], vector<16xf32>,
      %parallel_loop3A_1350 = arith.addf %parallel_loop3A_1345, %parallel_loop3A_1349 : vector<16xf32>
      %parallel_loop3A_1351 = arith.constant 22 : i32
      %parallel_loop3A_1352 = vector.broadcast %parallel_loop3A_1351 : i32 to vector<16xi32>
      %parallel_loop3A_1353 = arith.addi %parallel_loop3A_54, %parallel_loop3A_1352 : vector<16xi32>
      %parallel_loop3A_1354 = tpu.vector_load_idx %arg9[%parallel_loop3A_1353] : memref<4800xf32, #tpu.memory_space<vmem>>[vector<16xi32>], vector<16xf32>,
      %parallel_loop3A_1355 = arith.addf %parallel_loop3A_1350, %parallel_loop3A_1354 : vector<16xf32>
      %parallel_loop3A_1356 = arith.constant 22 : i32
      %parallel_loop3A_1357 = vector.broadcast %parallel_loop3A_1356 : i32 to vector<16xi32>
      %parallel_loop3A_1358 = arith.addi %parallel_loop3A_62, %parallel_loop3A_1357 : vector<16xi32>
      %parallel_loop3A_1359 = tpu.vector_load_idx %arg9[%parallel_loop3A_1358] : memref<4800xf32, #tpu.memory_space<vmem>>[vector<16xi32>], vector<16xf32>,
      %parallel_loop3A_1360 = arith.addf %parallel_loop3A_1355, %parallel_loop3A_1359 : vector<16xf32>
      %parallel_loop3A_1361 = arith.constant 22 : i32
      %parallel_loop3A_1362 = vector.broadcast %parallel_loop3A_1361 : i32 to vector<16xi32>
      %parallel_loop3A_1363 = arith.addi %parallel_loop3A_70, %parallel_loop3A_1362 : vector<16xi32>
      %parallel_loop3A_1364 = tpu.vector_load_idx %arg10[%parallel_loop3A_1363] : memref<4800xf32, #tpu.memory_space<vmem>>[vector<16xi32>], vector<16xf32>,
      %parallel_loop3A_1365 = arith.constant 22 : i32
      %parallel_loop3A_1366 = vector.broadcast %parallel_loop3A_1365 : i32 to vector<16xi32>
      %parallel_loop3A_1367 = arith.addi %parallel_loop3A_78, %parallel_loop3A_1366 : vector<16xi32>
      %parallel_loop3A_1368 = tpu.vector_load_idx %arg10[%parallel_loop3A_1367] : memref<4800xf32, #tpu.memory_space<vmem>>[vector<16xi32>], vector<16xf32>,
      %parallel_loop3A_1369 = arith.addf %parallel_loop3A_1364, %parallel_loop3A_1368 : vector<16xf32>
      %parallel_loop3A_1370 = arith.constant 22 : i32
      %parallel_loop3A_1371 = vector.broadcast %parallel_loop3A_1370 : i32 to vector<16xi32>
      %parallel_loop3A_1372 = arith.addi %parallel_loop3A_86, %parallel_loop3A_1371 : vector<16xi32>
      %parallel_loop3A_1373 = tpu.vector_load_idx %arg10[%parallel_loop3A_1372] : memref<4800xf32, #tpu.memory_space<vmem>>[vector<16xi32>], vector<16xf32>,
      %parallel_loop3A_1374 = arith.addf %parallel_loop3A_1369, %parallel_loop3A_1373 : vector<16xf32>
      %parallel_loop3A_1375 = arith.constant 22 : i32
      %parallel_loop3A_1376 = vector.broadcast %parallel_loop3A_1375 : i32 to vector<16xi32>
      %parallel_loop3A_1377 = arith.addi %parallel_loop3A_94, %parallel_loop3A_1376 : vector<16xi32>
      %parallel_loop3A_1378 = tpu.vector_load_idx %arg10[%parallel_loop3A_1377] : memref<4800xf32, #tpu.memory_space<vmem>>[vector<16xi32>], vector<16xf32>,
      %parallel_loop3A_1379 = arith.addf %parallel_loop3A_1374, %parallel_loop3A_1378 : vector<16xf32>
      %parallel_loop3A_1380 = arith.constant 22 : i32
      %parallel_loop3A_1381 = vector.broadcast %parallel_loop3A_1380 : i32 to vector<16xi32>
      %parallel_loop3A_1382 = arith.addi %parallel_loop3A_102, %parallel_loop3A_1381 : vector<16xi32>
      %parallel_loop3A_1383 = tpu.vector_load_idx %arg10[%parallel_loop3A_1382] : memref<4800xf32, #tpu.memory_space<vmem>>[vector<16xi32>], vector<16xf32>,
      %parallel_loop3A_1384 = arith.addf %parallel_loop3A_1379, %parallel_loop3A_1383 : vector<16xf32>
      %parallel_loop3A_1385 = arith.constant 11264 : i32
      %parallel_loop3A_1386 = arith.addi %parallel_loop3A_1385, %parallel_loop3A_104 : i32
      %parallel_loop3A_1387 = arith.index_cast %parallel_loop3A_1386 : i32 to index
      %parallel_loop3A_1388 = tpu.vector_load %arg11[%parallel_loop3A_1387] {strides = array<i32>} : memref<32768xf32, #tpu.memory_space<vmem>>, vector<16xf32>,
      tpu.vector_store %arg11[%parallel_loop3A_1387], %parallel_loop3A_1360 {strides = array<i32>} : memref<32768xf32, #tpu.memory_space<vmem>>, vector<16xf32>,
      %parallel_loop3A_1389 = arith.constant 27648 : i32
      %parallel_loop3A_1390 = arith.addi %parallel_loop3A_1389, %parallel_loop3A_104 : i32
      %parallel_loop3A_1391 = arith.index_cast %parallel_loop3A_1390 : i32 to index
      %parallel_loop3A_1392 = tpu.vector_load %arg11[%parallel_loop3A_1391] {strides = array<i32>} : memref<32768xf32, #tpu.memory_space<vmem>>, vector<16xf32>,
      tpu.vector_store %arg11[%parallel_loop3A_1391], %parallel_loop3A_1384 {strides = array<i32>} : memref<32768xf32, #tpu.memory_space<vmem>>, vector<16xf32>,
      %parallel_loop3A_1393 = arith.constant 23 : i32
      %parallel_loop3A_1394 = vector.broadcast %parallel_loop3A_1393 : i32 to vector<16xi32>
      %parallel_loop3A_1395 = arith.addi %parallel_loop3A_30, %parallel_loop3A_1394 : vector<16xi32>
      %parallel_loop3A_1396 = tpu.vector_load_idx %arg9[%parallel_loop3A_1395] : memref<4800xf32, #tpu.memory_space<vmem>>[vector<16xi32>], vector<16xf32>,
      %parallel_loop3A_1397 = arith.constant 23 : i32
      %parallel_loop3A_1398 = vector.broadcast %parallel_loop3A_1397 : i32 to vector<16xi32>
      %parallel_loop3A_1399 = arith.addi %parallel_loop3A_38, %parallel_loop3A_1398 : vector<16xi32>
      %parallel_loop3A_1400 = tpu.vector_load_idx %arg9[%parallel_loop3A_1399] : memref<4800xf32, #tpu.memory_space<vmem>>[vector<16xi32>], vector<16xf32>,
      %parallel_loop3A_1401 = arith.addf %parallel_loop3A_1396, %parallel_loop3A_1400 : vector<16xf32>
      %parallel_loop3A_1402 = arith.constant 23 : i32
      %parallel_loop3A_1403 = vector.broadcast %parallel_loop3A_1402 : i32 to vector<16xi32>
      %parallel_loop3A_1404 = arith.addi %parallel_loop3A_46, %parallel_loop3A_1403 : vector<16xi32>
      %parallel_loop3A_1405 = tpu.vector_load_idx %arg9[%parallel_loop3A_1404] : memref<4800xf32, #tpu.memory_space<vmem>>[vector<16xi32>], vector<16xf32>,
      %parallel_loop3A_1406 = arith.addf %parallel_loop3A_1401, %parallel_loop3A_1405 : vector<16xf32>
      %parallel_loop3A_1407 = arith.constant 23 : i32
      %parallel_loop3A_1408 = vector.broadcast %parallel_loop3A_1407 : i32 to vector<16xi32>
      %parallel_loop3A_1409 = arith.addi %parallel_loop3A_54, %parallel_loop3A_1408 : vector<16xi32>
      %parallel_loop3A_1410 = tpu.vector_load_idx %arg9[%parallel_loop3A_1409] : memref<4800xf32, #tpu.memory_space<vmem>>[vector<16xi32>], vector<16xf32>,
      %parallel_loop3A_1411 = arith.addf %parallel_loop3A_1406, %parallel_loop3A_1410 : vector<16xf32>
      %parallel_loop3A_1412 = arith.constant 23 : i32
      %parallel_loop3A_1413 = vector.broadcast %parallel_loop3A_1412 : i32 to vector<16xi32>
      %parallel_loop3A_1414 = arith.addi %parallel_loop3A_62, %parallel_loop3A_1413 : vector<16xi32>
      %parallel_loop3A_1415 = tpu.vector_load_idx %arg9[%parallel_loop3A_1414] : memref<4800xf32, #tpu.memory_space<vmem>>[vector<16xi32>], vector<16xf32>,
      %parallel_loop3A_1416 = arith.addf %parallel_loop3A_1411, %parallel_loop3A_1415 : vector<16xf32>
      %parallel_loop3A_1417 = arith.constant 23 : i32
      %parallel_loop3A_1418 = vector.broadcast %parallel_loop3A_1417 : i32 to vector<16xi32>
      %parallel_loop3A_1419 = arith.addi %parallel_loop3A_70, %parallel_loop3A_1418 : vector<16xi32>
      %parallel_loop3A_1420 = tpu.vector_load_idx %arg10[%parallel_loop3A_1419] : memref<4800xf32, #tpu.memory_space<vmem>>[vector<16xi32>], vector<16xf32>,
      %parallel_loop3A_1421 = arith.constant 23 : i32
      %parallel_loop3A_1422 = vector.broadcast %parallel_loop3A_1421 : i32 to vector<16xi32>
      %parallel_loop3A_1423 = arith.addi %parallel_loop3A_78, %parallel_loop3A_1422 : vector<16xi32>
      %parallel_loop3A_1424 = tpu.vector_load_idx %arg10[%parallel_loop3A_1423] : memref<4800xf32, #tpu.memory_space<vmem>>[vector<16xi32>], vector<16xf32>,
      %parallel_loop3A_1425 = arith.addf %parallel_loop3A_1420, %parallel_loop3A_1424 : vector<16xf32>
      %parallel_loop3A_1426 = arith.constant 23 : i32
      %parallel_loop3A_1427 = vector.broadcast %parallel_loop3A_1426 : i32 to vector<16xi32>
      %parallel_loop3A_1428 = arith.addi %parallel_loop3A_86, %parallel_loop3A_1427 : vector<16xi32>
      %parallel_loop3A_1429 = tpu.vector_load_idx %arg10[%parallel_loop3A_1428] : memref<4800xf32, #tpu.memory_space<vmem>>[vector<16xi32>], vector<16xf32>,
      %parallel_loop3A_1430 = arith.addf %parallel_loop3A_1425, %parallel_loop3A_1429 : vector<16xf32>
      %parallel_loop3A_1431 = arith.constant 23 : i32
      %parallel_loop3A_1432 = vector.broadcast %parallel_loop3A_1431 : i32 to vector<16xi32>
      %parallel_loop3A_1433 = arith.addi %parallel_loop3A_94, %parallel_loop3A_1432 : vector<16xi32>
      %parallel_loop3A_1434 = tpu.vector_load_idx %arg10[%parallel_loop3A_1433] : memref<4800xf32, #tpu.memory_space<vmem>>[vector<16xi32>], vector<16xf32>,
      %parallel_loop3A_1435 = arith.addf %parallel_loop3A_1430, %parallel_loop3A_1434 : vector<16xf32>
      %parallel_loop3A_1436 = arith.constant 23 : i32
      %parallel_loop3A_1437 = vector.broadcast %parallel_loop3A_1436 : i32 to vector<16xi32>
      %parallel_loop3A_1438 = arith.addi %parallel_loop3A_102, %parallel_loop3A_1437 : vector<16xi32>
      %parallel_loop3A_1439 = tpu.vector_load_idx %arg10[%parallel_loop3A_1438] : memref<4800xf32, #tpu.memory_space<vmem>>[vector<16xi32>], vector<16xf32>,
      %parallel_loop3A_1440 = arith.addf %parallel_loop3A_1435, %parallel_loop3A_1439 : vector<16xf32>
      %parallel_loop3A_1441 = arith.constant 11776 : i32
      %parallel_loop3A_1442 = arith.addi %parallel_loop3A_1441, %parallel_loop3A_104 : i32
      %parallel_loop3A_1443 = arith.index_cast %parallel_loop3A_1442 : i32 to index
      %parallel_loop3A_1444 = tpu.vector_load %arg11[%parallel_loop3A_1443] {strides = array<i32>} : memref<32768xf32, #tpu.memory_space<vmem>>, vector<16xf32>,
      tpu.vector_store %arg11[%parallel_loop3A_1443], %parallel_loop3A_1416 {strides = array<i32>} : memref<32768xf32, #tpu.memory_space<vmem>>, vector<16xf32>,
      %parallel_loop3A_1445 = arith.constant 28160 : i32
      %parallel_loop3A_1446 = arith.addi %parallel_loop3A_1445, %parallel_loop3A_104 : i32
      %parallel_loop3A_1447 = arith.index_cast %parallel_loop3A_1446 : i32 to index
      %parallel_loop3A_1448 = tpu.vector_load %arg11[%parallel_loop3A_1447] {strides = array<i32>} : memref<32768xf32, #tpu.memory_space<vmem>>, vector<16xf32>,
      tpu.vector_store %arg11[%parallel_loop3A_1447], %parallel_loop3A_1440 {strides = array<i32>} : memref<32768xf32, #tpu.memory_space<vmem>>, vector<16xf32>,
      %parallel_loop3A_1449 = arith.constant 24 : i32
      %parallel_loop3A_1450 = vector.broadcast %parallel_loop3A_1449 : i32 to vector<16xi32>
      %parallel_loop3A_1451 = arith.addi %parallel_loop3A_30, %parallel_loop3A_1450 : vector<16xi32>
      %parallel_loop3A_1452 = tpu.vector_load_idx %arg9[%parallel_loop3A_1451] : memref<4800xf32, #tpu.memory_space<vmem>>[vector<16xi32>], vector<16xf32>,
      %parallel_loop3A_1453 = arith.constant 24 : i32
      %parallel_loop3A_1454 = vector.broadcast %parallel_loop3A_1453 : i32 to vector<16xi32>
      %parallel_loop3A_1455 = arith.addi %parallel_loop3A_38, %parallel_loop3A_1454 : vector<16xi32>
      %parallel_loop3A_1456 = tpu.vector_load_idx %arg9[%parallel_loop3A_1455] : memref<4800xf32, #tpu.memory_space<vmem>>[vector<16xi32>], vector<16xf32>,
      %parallel_loop3A_1457 = arith.addf %parallel_loop3A_1452, %parallel_loop3A_1456 : vector<16xf32>
      %parallel_loop3A_1458 = arith.constant 24 : i32
      %parallel_loop3A_1459 = vector.broadcast %parallel_loop3A_1458 : i32 to vector<16xi32>
      %parallel_loop3A_1460 = arith.addi %parallel_loop3A_46, %parallel_loop3A_1459 : vector<16xi32>
      %parallel_loop3A_1461 = tpu.vector_load_idx %arg9[%parallel_loop3A_1460] : memref<4800xf32, #tpu.memory_space<vmem>>[vector<16xi32>], vector<16xf32>,
      %parallel_loop3A_1462 = arith.addf %parallel_loop3A_1457, %parallel_loop3A_1461 : vector<16xf32>
      %parallel_loop3A_1463 = arith.constant 24 : i32
      %parallel_loop3A_1464 = vector.broadcast %parallel_loop3A_1463 : i32 to vector<16xi32>
      %parallel_loop3A_1465 = arith.addi %parallel_loop3A_54, %parallel_loop3A_1464 : vector<16xi32>
      %parallel_loop3A_1466 = tpu.vector_load_idx %arg9[%parallel_loop3A_1465] : memref<4800xf32, #tpu.memory_space<vmem>>[vector<16xi32>], vector<16xf32>,
      %parallel_loop3A_1467 = arith.addf %parallel_loop3A_1462, %parallel_loop3A_1466 : vector<16xf32>
      %parallel_loop3A_1468 = arith.constant 24 : i32
      %parallel_loop3A_1469 = vector.broadcast %parallel_loop3A_1468 : i32 to vector<16xi32>
      %parallel_loop3A_1470 = arith.addi %parallel_loop3A_62, %parallel_loop3A_1469 : vector<16xi32>
      %parallel_loop3A_1471 = tpu.vector_load_idx %arg9[%parallel_loop3A_1470] : memref<4800xf32, #tpu.memory_space<vmem>>[vector<16xi32>], vector<16xf32>,
      %parallel_loop3A_1472 = arith.addf %parallel_loop3A_1467, %parallel_loop3A_1471 : vector<16xf32>
      %parallel_loop3A_1473 = arith.constant 24 : i32
      %parallel_loop3A_1474 = vector.broadcast %parallel_loop3A_1473 : i32 to vector<16xi32>
      %parallel_loop3A_1475 = arith.addi %parallel_loop3A_70, %parallel_loop3A_1474 : vector<16xi32>
      %parallel_loop3A_1476 = tpu.vector_load_idx %arg10[%parallel_loop3A_1475] : memref<4800xf32, #tpu.memory_space<vmem>>[vector<16xi32>], vector<16xf32>,
      %parallel_loop3A_1477 = arith.constant 24 : i32
      %parallel_loop3A_1478 = vector.broadcast %parallel_loop3A_1477 : i32 to vector<16xi32>
      %parallel_loop3A_1479 = arith.addi %parallel_loop3A_78, %parallel_loop3A_1478 : vector<16xi32>
      %parallel_loop3A_1480 = tpu.vector_load_idx %arg10[%parallel_loop3A_1479] : memref<4800xf32, #tpu.memory_space<vmem>>[vector<16xi32>], vector<16xf32>,
      %parallel_loop3A_1481 = arith.addf %parallel_loop3A_1476, %parallel_loop3A_1480 : vector<16xf32>
      %parallel_loop3A_1482 = arith.constant 24 : i32
      %parallel_loop3A_1483 = vector.broadcast %parallel_loop3A_1482 : i32 to vector<16xi32>
      %parallel_loop3A_1484 = arith.addi %parallel_loop3A_86, %parallel_loop3A_1483 : vector<16xi32>
      %parallel_loop3A_1485 = tpu.vector_load_idx %arg10[%parallel_loop3A_1484] : memref<4800xf32, #tpu.memory_space<vmem>>[vector<16xi32>], vector<16xf32>,
      %parallel_loop3A_1486 = arith.addf %parallel_loop3A_1481, %parallel_loop3A_1485 : vector<16xf32>
      %parallel_loop3A_1487 = arith.constant 24 : i32
      %parallel_loop3A_1488 = vector.broadcast %parallel_loop3A_1487 : i32 to vector<16xi32>
      %parallel_loop3A_1489 = arith.addi %parallel_loop3A_94, %parallel_loop3A_1488 : vector<16xi32>
      %parallel_loop3A_1490 = tpu.vector_load_idx %arg10[%parallel_loop3A_1489] : memref<4800xf32, #tpu.memory_space<vmem>>[vector<16xi32>], vector<16xf32>,
      %parallel_loop3A_1491 = arith.addf %parallel_loop3A_1486, %parallel_loop3A_1490 : vector<16xf32>
      %parallel_loop3A_1492 = arith.constant 24 : i32
      %parallel_loop3A_1493 = vector.broadcast %parallel_loop3A_1492 : i32 to vector<16xi32>
      %parallel_loop3A_1494 = arith.addi %parallel_loop3A_102, %parallel_loop3A_1493 : vector<16xi32>
      %parallel_loop3A_1495 = tpu.vector_load_idx %arg10[%parallel_loop3A_1494] : memref<4800xf32, #tpu.memory_space<vmem>>[vector<16xi32>], vector<16xf32>,
      %parallel_loop3A_1496 = arith.addf %parallel_loop3A_1491, %parallel_loop3A_1495 : vector<16xf32>
      %parallel_loop3A_1497 = arith.constant 12288 : i32
      %parallel_loop3A_1498 = arith.addi %parallel_loop3A_1497, %parallel_loop3A_104 : i32
      %parallel_loop3A_1499 = arith.index_cast %parallel_loop3A_1498 : i32 to index
      %parallel_loop3A_1500 = tpu.vector_load %arg11[%parallel_loop3A_1499] {strides = array<i32>} : memref<32768xf32, #tpu.memory_space<vmem>>, vector<16xf32>,
      tpu.vector_store %arg11[%parallel_loop3A_1499], %parallel_loop3A_1472 {strides = array<i32>} : memref<32768xf32, #tpu.memory_space<vmem>>, vector<16xf32>,
      %parallel_loop3A_1501 = arith.constant 28672 : i32
      %parallel_loop3A_1502 = arith.addi %parallel_loop3A_1501, %parallel_loop3A_104 : i32
      %parallel_loop3A_1503 = arith.index_cast %parallel_loop3A_1502 : i32 to index
      %parallel_loop3A_1504 = tpu.vector_load %arg11[%parallel_loop3A_1503] {strides = array<i32>} : memref<32768xf32, #tpu.memory_space<vmem>>, vector<16xf32>,
      tpu.vector_store %arg11[%parallel_loop3A_1503], %parallel_loop3A_1496 {strides = array<i32>} : memref<32768xf32, #tpu.memory_space<vmem>>, vector<16xf32>,
      %parallel_loop3A_1505 = arith.constant 25 : i32
      %parallel_loop3A_1506 = vector.broadcast %parallel_loop3A_1505 : i32 to vector<16xi32>
      %parallel_loop3A_1507 = arith.addi %parallel_loop3A_30, %parallel_loop3A_1506 : vector<16xi32>
      %parallel_loop3A_1508 = tpu.vector_load_idx %arg9[%parallel_loop3A_1507] : memref<4800xf32, #tpu.memory_space<vmem>>[vector<16xi32>], vector<16xf32>,
      %parallel_loop3A_1509 = arith.constant 25 : i32
      %parallel_loop3A_1510 = vector.broadcast %parallel_loop3A_1509 : i32 to vector<16xi32>
      %parallel_loop3A_1511 = arith.addi %parallel_loop3A_38, %parallel_loop3A_1510 : vector<16xi32>
      %parallel_loop3A_1512 = tpu.vector_load_idx %arg9[%parallel_loop3A_1511] : memref<4800xf32, #tpu.memory_space<vmem>>[vector<16xi32>], vector<16xf32>,
      %parallel_loop3A_1513 = arith.addf %parallel_loop3A_1508, %parallel_loop3A_1512 : vector<16xf32>
      %parallel_loop3A_1514 = arith.constant 25 : i32
      %parallel_loop3A_1515 = vector.broadcast %parallel_loop3A_1514 : i32 to vector<16xi32>
      %parallel_loop3A_1516 = arith.addi %parallel_loop3A_46, %parallel_loop3A_1515 : vector<16xi32>
      %parallel_loop3A_1517 = tpu.vector_load_idx %arg9[%parallel_loop3A_1516] : memref<4800xf32, #tpu.memory_space<vmem>>[vector<16xi32>], vector<16xf32>,
      %parallel_loop3A_1518 = arith.addf %parallel_loop3A_1513, %parallel_loop3A_1517 : vector<16xf32>
      %parallel_loop3A_1519 = arith.constant 25 : i32
      %parallel_loop3A_1520 = vector.broadcast %parallel_loop3A_1519 : i32 to vector<16xi32>
      %parallel_loop3A_1521 = arith.addi %parallel_loop3A_54, %parallel_loop3A_1520 : vector<16xi32>
      %parallel_loop3A_1522 = tpu.vector_load_idx %arg9[%parallel_loop3A_1521] : memref<4800xf32, #tpu.memory_space<vmem>>[vector<16xi32>], vector<16xf32>,
      %parallel_loop3A_1523 = arith.addf %parallel_loop3A_1518, %parallel_loop3A_1522 : vector<16xf32>
      %parallel_loop3A_1524 = arith.constant 25 : i32
      %parallel_loop3A_1525 = vector.broadcast %parallel_loop3A_1524 : i32 to vector<16xi32>
      %parallel_loop3A_1526 = arith.addi %parallel_loop3A_62, %parallel_loop3A_1525 : vector<16xi32>
      %parallel_loop3A_1527 = tpu.vector_load_idx %arg9[%parallel_loop3A_1526] : memref<4800xf32, #tpu.memory_space<vmem>>[vector<16xi32>], vector<16xf32>,
      %parallel_loop3A_1528 = arith.addf %parallel_loop3A_1523, %parallel_loop3A_1527 : vector<16xf32>
      %parallel_loop3A_1529 = arith.constant 25 : i32
      %parallel_loop3A_1530 = vector.broadcast %parallel_loop3A_1529 : i32 to vector<16xi32>
      %parallel_loop3A_1531 = arith.addi %parallel_loop3A_70, %parallel_loop3A_1530 : vector<16xi32>
      %parallel_loop3A_1532 = tpu.vector_load_idx %arg10[%parallel_loop3A_1531] : memref<4800xf32, #tpu.memory_space<vmem>>[vector<16xi32>], vector<16xf32>,
      %parallel_loop3A_1533 = arith.constant 25 : i32
      %parallel_loop3A_1534 = vector.broadcast %parallel_loop3A_1533 : i32 to vector<16xi32>
      %parallel_loop3A_1535 = arith.addi %parallel_loop3A_78, %parallel_loop3A_1534 : vector<16xi32>
      %parallel_loop3A_1536 = tpu.vector_load_idx %arg10[%parallel_loop3A_1535] : memref<4800xf32, #tpu.memory_space<vmem>>[vector<16xi32>], vector<16xf32>,
      %parallel_loop3A_1537 = arith.addf %parallel_loop3A_1532, %parallel_loop3A_1536 : vector<16xf32>
      %parallel_loop3A_1538 = arith.constant 25 : i32
      %parallel_loop3A_1539 = vector.broadcast %parallel_loop3A_1538 : i32 to vector<16xi32>
      %parallel_loop3A_1540 = arith.addi %parallel_loop3A_86, %parallel_loop3A_1539 : vector<16xi32>
      %parallel_loop3A_1541 = tpu.vector_load_idx %arg10[%parallel_loop3A_1540] : memref<4800xf32, #tpu.memory_space<vmem>>[vector<16xi32>], vector<16xf32>,
      %parallel_loop3A_1542 = arith.addf %parallel_loop3A_1537, %parallel_loop3A_1541 : vector<16xf32>
      %parallel_loop3A_1543 = arith.constant 25 : i32
      %parallel_loop3A_1544 = vector.broadcast %parallel_loop3A_1543 : i32 to vector<16xi32>
      %parallel_loop3A_1545 = arith.addi %parallel_loop3A_94, %parallel_loop3A_1544 : vector<16xi32>
      %parallel_loop3A_1546 = tpu.vector_load_idx %arg10[%parallel_loop3A_1545] : memref<4800xf32, #tpu.memory_space<vmem>>[vector<16xi32>], vector<16xf32>,
      %parallel_loop3A_1547 = arith.addf %parallel_loop3A_1542, %parallel_loop3A_1546 : vector<16xf32>
      %parallel_loop3A_1548 = arith.constant 25 : i32
      %parallel_loop3A_1549 = vector.broadcast %parallel_loop3A_1548 : i32 to vector<16xi32>
      %parallel_loop3A_1550 = arith.addi %parallel_loop3A_102, %parallel_loop3A_1549 : vector<16xi32>
      %parallel_loop3A_1551 = tpu.vector_load_idx %arg10[%parallel_loop3A_1550] : memref<4800xf32, #tpu.memory_space<vmem>>[vector<16xi32>], vector<16xf32>,
      %parallel_loop3A_1552 = arith.addf %parallel_loop3A_1547, %parallel_loop3A_1551 : vector<16xf32>
      %parallel_loop3A_1553 = arith.constant 12800 : i32
      %parallel_loop3A_1554 = arith.addi %parallel_loop3A_1553, %parallel_loop3A_104 : i32
      %parallel_loop3A_1555 = arith.index_cast %parallel_loop3A_1554 : i32 to index
      %parallel_loop3A_1556 = tpu.vector_load %arg11[%parallel_loop3A_1555] {strides = array<i32>} : memref<32768xf32, #tpu.memory_space<vmem>>, vector<16xf32>,
      tpu.vector_store %arg11[%parallel_loop3A_1555], %parallel_loop3A_1528 {strides = array<i32>} : memref<32768xf32, #tpu.memory_space<vmem>>, vector<16xf32>,
      %parallel_loop3A_1557 = arith.constant 29184 : i32
      %parallel_loop3A_1558 = arith.addi %parallel_loop3A_1557, %parallel_loop3A_104 : i32
      %parallel_loop3A_1559 = arith.index_cast %parallel_loop3A_1558 : i32 to index
      %parallel_loop3A_1560 = tpu.vector_load %arg11[%parallel_loop3A_1559] {strides = array<i32>} : memref<32768xf32, #tpu.memory_space<vmem>>, vector<16xf32>,
      tpu.vector_store %arg11[%parallel_loop3A_1559], %parallel_loop3A_1552 {strides = array<i32>} : memref<32768xf32, #tpu.memory_space<vmem>>, vector<16xf32>,
      %parallel_loop3A_1561 = arith.constant 26 : i32
      %parallel_loop3A_1562 = vector.broadcast %parallel_loop3A_1561 : i32 to vector<16xi32>
      %parallel_loop3A_1563 = arith.addi %parallel_loop3A_30, %parallel_loop3A_1562 : vector<16xi32>
      %parallel_loop3A_1564 = tpu.vector_load_idx %arg9[%parallel_loop3A_1563] : memref<4800xf32, #tpu.memory_space<vmem>>[vector<16xi32>], vector<16xf32>,
      %parallel_loop3A_1565 = arith.constant 26 : i32
      %parallel_loop3A_1566 = vector.broadcast %parallel_loop3A_1565 : i32 to vector<16xi32>
      %parallel_loop3A_1567 = arith.addi %parallel_loop3A_38, %parallel_loop3A_1566 : vector<16xi32>
      %parallel_loop3A_1568 = tpu.vector_load_idx %arg9[%parallel_loop3A_1567] : memref<4800xf32, #tpu.memory_space<vmem>>[vector<16xi32>], vector<16xf32>,
      %parallel_loop3A_1569 = arith.addf %parallel_loop3A_1564, %parallel_loop3A_1568 : vector<16xf32>
      %parallel_loop3A_1570 = arith.constant 26 : i32
      %parallel_loop3A_1571 = vector.broadcast %parallel_loop3A_1570 : i32 to vector<16xi32>
      %parallel_loop3A_1572 = arith.addi %parallel_loop3A_46, %parallel_loop3A_1571 : vector<16xi32>
      %parallel_loop3A_1573 = tpu.vector_load_idx %arg9[%parallel_loop3A_1572] : memref<4800xf32, #tpu.memory_space<vmem>>[vector<16xi32>], vector<16xf32>,
      %parallel_loop3A_1574 = arith.addf %parallel_loop3A_1569, %parallel_loop3A_1573 : vector<16xf32>
      %parallel_loop3A_1575 = arith.constant 26 : i32
      %parallel_loop3A_1576 = vector.broadcast %parallel_loop3A_1575 : i32 to vector<16xi32>
      %parallel_loop3A_1577 = arith.addi %parallel_loop3A_54, %parallel_loop3A_1576 : vector<16xi32>
      %parallel_loop3A_1578 = tpu.vector_load_idx %arg9[%parallel_loop3A_1577] : memref<4800xf32, #tpu.memory_space<vmem>>[vector<16xi32>], vector<16xf32>,
      %parallel_loop3A_1579 = arith.addf %parallel_loop3A_1574, %parallel_loop3A_1578 : vector<16xf32>
      %parallel_loop3A_1580 = arith.constant 26 : i32
      %parallel_loop3A_1581 = vector.broadcast %parallel_loop3A_1580 : i32 to vector<16xi32>
      %parallel_loop3A_1582 = arith.addi %parallel_loop3A_62, %parallel_loop3A_1581 : vector<16xi32>
      %parallel_loop3A_1583 = tpu.vector_load_idx %arg9[%parallel_loop3A_1582] : memref<4800xf32, #tpu.memory_space<vmem>>[vector<16xi32>], vector<16xf32>,
      %parallel_loop3A_1584 = arith.addf %parallel_loop3A_1579, %parallel_loop3A_1583 : vector<16xf32>
      %parallel_loop3A_1585 = arith.constant 26 : i32
      %parallel_loop3A_1586 = vector.broadcast %parallel_loop3A_1585 : i32 to vector<16xi32>
      %parallel_loop3A_1587 = arith.addi %parallel_loop3A_70, %parallel_loop3A_1586 : vector<16xi32>
      %parallel_loop3A_1588 = tpu.vector_load_idx %arg10[%parallel_loop3A_1587] : memref<4800xf32, #tpu.memory_space<vmem>>[vector<16xi32>], vector<16xf32>,
      %parallel_loop3A_1589 = arith.constant 26 : i32
      %parallel_loop3A_1590 = vector.broadcast %parallel_loop3A_1589 : i32 to vector<16xi32>
      %parallel_loop3A_1591 = arith.addi %parallel_loop3A_78, %parallel_loop3A_1590 : vector<16xi32>
      %parallel_loop3A_1592 = tpu.vector_load_idx %arg10[%parallel_loop3A_1591] : memref<4800xf32, #tpu.memory_space<vmem>>[vector<16xi32>], vector<16xf32>,
      %parallel_loop3A_1593 = arith.addf %parallel_loop3A_1588, %parallel_loop3A_1592 : vector<16xf32>
      %parallel_loop3A_1594 = arith.constant 26 : i32
      %parallel_loop3A_1595 = vector.broadcast %parallel_loop3A_1594 : i32 to vector<16xi32>
      %parallel_loop3A_1596 = arith.addi %parallel_loop3A_86, %parallel_loop3A_1595 : vector<16xi32>
      %parallel_loop3A_1597 = tpu.vector_load_idx %arg10[%parallel_loop3A_1596] : memref<4800xf32, #tpu.memory_space<vmem>>[vector<16xi32>], vector<16xf32>,
      %parallel_loop3A_1598 = arith.addf %parallel_loop3A_1593, %parallel_loop3A_1597 : vector<16xf32>
      %parallel_loop3A_1599 = arith.constant 26 : i32
      %parallel_loop3A_1600 = vector.broadcast %parallel_loop3A_1599 : i32 to vector<16xi32>
      %parallel_loop3A_1601 = arith.addi %parallel_loop3A_94, %parallel_loop3A_1600 : vector<16xi32>
      %parallel_loop3A_1602 = tpu.vector_load_idx %arg10[%parallel_loop3A_1601] : memref<4800xf32, #tpu.memory_space<vmem>>[vector<16xi32>], vector<16xf32>,
      %parallel_loop3A_1603 = arith.addf %parallel_loop3A_1598, %parallel_loop3A_1602 : vector<16xf32>
      %parallel_loop3A_1604 = arith.constant 26 : i32
      %parallel_loop3A_1605 = vector.broadcast %parallel_loop3A_1604 : i32 to vector<16xi32>
      %parallel_loop3A_1606 = arith.addi %parallel_loop3A_102, %parallel_loop3A_1605 : vector<16xi32>
      %parallel_loop3A_1607 = tpu.vector_load_idx %arg10[%parallel_loop3A_1606] : memref<4800xf32, #tpu.memory_space<vmem>>[vector<16xi32>], vector<16xf32>,
      %parallel_loop3A_1608 = arith.addf %parallel_loop3A_1603, %parallel_loop3A_1607 : vector<16xf32>
      %parallel_loop3A_1609 = arith.constant 13312 : i32
      %parallel_loop3A_1610 = arith.addi %parallel_loop3A_1609, %parallel_loop3A_104 : i32
      %parallel_loop3A_1611 = arith.index_cast %parallel_loop3A_1610 : i32 to index
      %parallel_loop3A_1612 = tpu.vector_load %arg11[%parallel_loop3A_1611] {strides = array<i32>} : memref<32768xf32, #tpu.memory_space<vmem>>, vector<16xf32>,
      tpu.vector_store %arg11[%parallel_loop3A_1611], %parallel_loop3A_1584 {strides = array<i32>} : memref<32768xf32, #tpu.memory_space<vmem>>, vector<16xf32>,
      %parallel_loop3A_1613 = arith.constant 29696 : i32
      %parallel_loop3A_1614 = arith.addi %parallel_loop3A_1613, %parallel_loop3A_104 : i32
      %parallel_loop3A_1615 = arith.index_cast %parallel_loop3A_1614 : i32 to index
      %parallel_loop3A_1616 = tpu.vector_load %arg11[%parallel_loop3A_1615] {strides = array<i32>} : memref<32768xf32, #tpu.memory_space<vmem>>, vector<16xf32>,
      tpu.vector_store %arg11[%parallel_loop3A_1615], %parallel_loop3A_1608 {strides = array<i32>} : memref<32768xf32, #tpu.memory_space<vmem>>, vector<16xf32>,
      %parallel_loop3A_1617 = arith.constant 27 : i32
      %parallel_loop3A_1618 = vector.broadcast %parallel_loop3A_1617 : i32 to vector<16xi32>
      %parallel_loop3A_1619 = arith.addi %parallel_loop3A_30, %parallel_loop3A_1618 : vector<16xi32>
      %parallel_loop3A_1620 = tpu.vector_load_idx %arg9[%parallel_loop3A_1619] : memref<4800xf32, #tpu.memory_space<vmem>>[vector<16xi32>], vector<16xf32>,
      %parallel_loop3A_1621 = arith.constant 27 : i32
      %parallel_loop3A_1622 = vector.broadcast %parallel_loop3A_1621 : i32 to vector<16xi32>
      %parallel_loop3A_1623 = arith.addi %parallel_loop3A_38, %parallel_loop3A_1622 : vector<16xi32>
      %parallel_loop3A_1624 = tpu.vector_load_idx %arg9[%parallel_loop3A_1623] : memref<4800xf32, #tpu.memory_space<vmem>>[vector<16xi32>], vector<16xf32>,
      %parallel_loop3A_1625 = arith.addf %parallel_loop3A_1620, %parallel_loop3A_1624 : vector<16xf32>
      %parallel_loop3A_1626 = arith.constant 27 : i32
      %parallel_loop3A_1627 = vector.broadcast %parallel_loop3A_1626 : i32 to vector<16xi32>
      %parallel_loop3A_1628 = arith.addi %parallel_loop3A_46, %parallel_loop3A_1627 : vector<16xi32>
      %parallel_loop3A_1629 = tpu.vector_load_idx %arg9[%parallel_loop3A_1628] : memref<4800xf32, #tpu.memory_space<vmem>>[vector<16xi32>], vector<16xf32>,
      %parallel_loop3A_1630 = arith.addf %parallel_loop3A_1625, %parallel_loop3A_1629 : vector<16xf32>
      %parallel_loop3A_1631 = arith.constant 27 : i32
      %parallel_loop3A_1632 = vector.broadcast %parallel_loop3A_1631 : i32 to vector<16xi32>
      %parallel_loop3A_1633 = arith.addi %parallel_loop3A_54, %parallel_loop3A_1632 : vector<16xi32>
      %parallel_loop3A_1634 = tpu.vector_load_idx %arg9[%parallel_loop3A_1633] : memref<4800xf32, #tpu.memory_space<vmem>>[vector<16xi32>], vector<16xf32>,
      %parallel_loop3A_1635 = arith.addf %parallel_loop3A_1630, %parallel_loop3A_1634 : vector<16xf32>
      %parallel_loop3A_1636 = arith.constant 27 : i32
      %parallel_loop3A_1637 = vector.broadcast %parallel_loop3A_1636 : i32 to vector<16xi32>
      %parallel_loop3A_1638 = arith.addi %parallel_loop3A_62, %parallel_loop3A_1637 : vector<16xi32>
      %parallel_loop3A_1639 = tpu.vector_load_idx %arg9[%parallel_loop3A_1638] : memref<4800xf32, #tpu.memory_space<vmem>>[vector<16xi32>], vector<16xf32>,
      %parallel_loop3A_1640 = arith.addf %parallel_loop3A_1635, %parallel_loop3A_1639 : vector<16xf32>
      %parallel_loop3A_1641 = arith.constant 27 : i32
      %parallel_loop3A_1642 = vector.broadcast %parallel_loop3A_1641 : i32 to vector<16xi32>
      %parallel_loop3A_1643 = arith.addi %parallel_loop3A_70, %parallel_loop3A_1642 : vector<16xi32>
      %parallel_loop3A_1644 = tpu.vector_load_idx %arg10[%parallel_loop3A_1643] : memref<4800xf32, #tpu.memory_space<vmem>>[vector<16xi32>], vector<16xf32>,
      %parallel_loop3A_1645 = arith.constant 27 : i32
      %parallel_loop3A_1646 = vector.broadcast %parallel_loop3A_1645 : i32 to vector<16xi32>
      %parallel_loop3A_1647 = arith.addi %parallel_loop3A_78, %parallel_loop3A_1646 : vector<16xi32>
      %parallel_loop3A_1648 = tpu.vector_load_idx %arg10[%parallel_loop3A_1647] : memref<4800xf32, #tpu.memory_space<vmem>>[vector<16xi32>], vector<16xf32>,
      %parallel_loop3A_1649 = arith.addf %parallel_loop3A_1644, %parallel_loop3A_1648 : vector<16xf32>
      %parallel_loop3A_1650 = arith.constant 27 : i32
      %parallel_loop3A_1651 = vector.broadcast %parallel_loop3A_1650 : i32 to vector<16xi32>
      %parallel_loop3A_1652 = arith.addi %parallel_loop3A_86, %parallel_loop3A_1651 : vector<16xi32>
      %parallel_loop3A_1653 = tpu.vector_load_idx %arg10[%parallel_loop3A_1652] : memref<4800xf32, #tpu.memory_space<vmem>>[vector<16xi32>], vector<16xf32>,
      %parallel_loop3A_1654 = arith.addf %parallel_loop3A_1649, %parallel_loop3A_1653 : vector<16xf32>
      %parallel_loop3A_1655 = arith.constant 27 : i32
      %parallel_loop3A_1656 = vector.broadcast %parallel_loop3A_1655 : i32 to vector<16xi32>
      %parallel_loop3A_1657 = arith.addi %parallel_loop3A_94, %parallel_loop3A_1656 : vector<16xi32>
      %parallel_loop3A_1658 = tpu.vector_load_idx %arg10[%parallel_loop3A_1657] : memref<4800xf32, #tpu.memory_space<vmem>>[vector<16xi32>], vector<16xf32>,
      %parallel_loop3A_1659 = arith.addf %parallel_loop3A_1654, %parallel_loop3A_1658 : vector<16xf32>
      %parallel_loop3A_1660 = arith.constant 27 : i32
      %parallel_loop3A_1661 = vector.broadcast %parallel_loop3A_1660 : i32 to vector<16xi32>
      %parallel_loop3A_1662 = arith.addi %parallel_loop3A_102, %parallel_loop3A_1661 : vector<16xi32>
      %parallel_loop3A_1663 = tpu.vector_load_idx %arg10[%parallel_loop3A_1662] : memref<4800xf32, #tpu.memory_space<vmem>>[vector<16xi32>], vector<16xf32>,
      %parallel_loop3A_1664 = arith.addf %parallel_loop3A_1659, %parallel_loop3A_1663 : vector<16xf32>
      %parallel_loop3A_1665 = arith.constant 13824 : i32
      %parallel_loop3A_1666 = arith.addi %parallel_loop3A_1665, %parallel_loop3A_104 : i32
      %parallel_loop3A_1667 = arith.index_cast %parallel_loop3A_1666 : i32 to index
      %parallel_loop3A_1668 = tpu.vector_load %arg11[%parallel_loop3A_1667] {strides = array<i32>} : memref<32768xf32, #tpu.memory_space<vmem>>, vector<16xf32>,
      tpu.vector_store %arg11[%parallel_loop3A_1667], %parallel_loop3A_1640 {strides = array<i32>} : memref<32768xf32, #tpu.memory_space<vmem>>, vector<16xf32>,
      %parallel_loop3A_1669 = arith.constant 30208 : i32
      %parallel_loop3A_1670 = arith.addi %parallel_loop3A_1669, %parallel_loop3A_104 : i32
      %parallel_loop3A_1671 = arith.index_cast %parallel_loop3A_1670 : i32 to index
      %parallel_loop3A_1672 = tpu.vector_load %arg11[%parallel_loop3A_1671] {strides = array<i32>} : memref<32768xf32, #tpu.memory_space<vmem>>, vector<16xf32>,
      tpu.vector_store %arg11[%parallel_loop3A_1671], %parallel_loop3A_1664 {strides = array<i32>} : memref<32768xf32, #tpu.memory_space<vmem>>, vector<16xf32>,
      %parallel_loop3A_1673 = arith.constant 28 : i32
      %parallel_loop3A_1674 = vector.broadcast %parallel_loop3A_1673 : i32 to vector<16xi32>
      %parallel_loop3A_1675 = arith.addi %parallel_loop3A_30, %parallel_loop3A_1674 : vector<16xi32>
      %parallel_loop3A_1676 = tpu.vector_load_idx %arg9[%parallel_loop3A_1675] : memref<4800xf32, #tpu.memory_space<vmem>>[vector<16xi32>], vector<16xf32>,
      %parallel_loop3A_1677 = arith.constant 28 : i32
      %parallel_loop3A_1678 = vector.broadcast %parallel_loop3A_1677 : i32 to vector<16xi32>
      %parallel_loop3A_1679 = arith.addi %parallel_loop3A_38, %parallel_loop3A_1678 : vector<16xi32>
      %parallel_loop3A_1680 = tpu.vector_load_idx %arg9[%parallel_loop3A_1679] : memref<4800xf32, #tpu.memory_space<vmem>>[vector<16xi32>], vector<16xf32>,
      %parallel_loop3A_1681 = arith.addf %parallel_loop3A_1676, %parallel_loop3A_1680 : vector<16xf32>
      %parallel_loop3A_1682 = arith.constant 28 : i32
      %parallel_loop3A_1683 = vector.broadcast %parallel_loop3A_1682 : i32 to vector<16xi32>
      %parallel_loop3A_1684 = arith.addi %parallel_loop3A_46, %parallel_loop3A_1683 : vector<16xi32>
      %parallel_loop3A_1685 = tpu.vector_load_idx %arg9[%parallel_loop3A_1684] : memref<4800xf32, #tpu.memory_space<vmem>>[vector<16xi32>], vector<16xf32>,
      %parallel_loop3A_1686 = arith.addf %parallel_loop3A_1681, %parallel_loop3A_1685 : vector<16xf32>
      %parallel_loop3A_1687 = arith.constant 28 : i32
      %parallel_loop3A_1688 = vector.broadcast %parallel_loop3A_1687 : i32 to vector<16xi32>
      %parallel_loop3A_1689 = arith.addi %parallel_loop3A_54, %parallel_loop3A_1688 : vector<16xi32>
      %parallel_loop3A_1690 = tpu.vector_load_idx %arg9[%parallel_loop3A_1689] : memref<4800xf32, #tpu.memory_space<vmem>>[vector<16xi32>], vector<16xf32>,
      %parallel_loop3A_1691 = arith.addf %parallel_loop3A_1686, %parallel_loop3A_1690 : vector<16xf32>
      %parallel_loop3A_1692 = arith.constant 28 : i32
      %parallel_loop3A_1693 = vector.broadcast %parallel_loop3A_1692 : i32 to vector<16xi32>
      %parallel_loop3A_1694 = arith.addi %parallel_loop3A_62, %parallel_loop3A_1693 : vector<16xi32>
      %parallel_loop3A_1695 = tpu.vector_load_idx %arg9[%parallel_loop3A_1694] : memref<4800xf32, #tpu.memory_space<vmem>>[vector<16xi32>], vector<16xf32>,
      %parallel_loop3A_1696 = arith.addf %parallel_loop3A_1691, %parallel_loop3A_1695 : vector<16xf32>
      %parallel_loop3A_1697 = arith.constant 28 : i32
      %parallel_loop3A_1698 = vector.broadcast %parallel_loop3A_1697 : i32 to vector<16xi32>
      %parallel_loop3A_1699 = arith.addi %parallel_loop3A_70, %parallel_loop3A_1698 : vector<16xi32>
      %parallel_loop3A_1700 = tpu.vector_load_idx %arg10[%parallel_loop3A_1699] : memref<4800xf32, #tpu.memory_space<vmem>>[vector<16xi32>], vector<16xf32>,
      %parallel_loop3A_1701 = arith.constant 28 : i32
      %parallel_loop3A_1702 = vector.broadcast %parallel_loop3A_1701 : i32 to vector<16xi32>
      %parallel_loop3A_1703 = arith.addi %parallel_loop3A_78, %parallel_loop3A_1702 : vector<16xi32>
      %parallel_loop3A_1704 = tpu.vector_load_idx %arg10[%parallel_loop3A_1703] : memref<4800xf32, #tpu.memory_space<vmem>>[vector<16xi32>], vector<16xf32>,
      %parallel_loop3A_1705 = arith.addf %parallel_loop3A_1700, %parallel_loop3A_1704 : vector<16xf32>
      %parallel_loop3A_1706 = arith.constant 28 : i32
      %parallel_loop3A_1707 = vector.broadcast %parallel_loop3A_1706 : i32 to vector<16xi32>
      %parallel_loop3A_1708 = arith.addi %parallel_loop3A_86, %parallel_loop3A_1707 : vector<16xi32>
      %parallel_loop3A_1709 = tpu.vector_load_idx %arg10[%parallel_loop3A_1708] : memref<4800xf32, #tpu.memory_space<vmem>>[vector<16xi32>], vector<16xf32>,
      %parallel_loop3A_1710 = arith.addf %parallel_loop3A_1705, %parallel_loop3A_1709 : vector<16xf32>
      %parallel_loop3A_1711 = arith.constant 28 : i32
      %parallel_loop3A_1712 = vector.broadcast %parallel_loop3A_1711 : i32 to vector<16xi32>
      %parallel_loop3A_1713 = arith.addi %parallel_loop3A_94, %parallel_loop3A_1712 : vector<16xi32>
      %parallel_loop3A_1714 = tpu.vector_load_idx %arg10[%parallel_loop3A_1713] : memref<4800xf32, #tpu.memory_space<vmem>>[vector<16xi32>], vector<16xf32>,
      %parallel_loop3A_1715 = arith.addf %parallel_loop3A_1710, %parallel_loop3A_1714 : vector<16xf32>
      %parallel_loop3A_1716 = arith.constant 28 : i32
      %parallel_loop3A_1717 = vector.broadcast %parallel_loop3A_1716 : i32 to vector<16xi32>
      %parallel_loop3A_1718 = arith.addi %parallel_loop3A_102, %parallel_loop3A_1717 : vector<16xi32>
      %parallel_loop3A_1719 = tpu.vector_load_idx %arg10[%parallel_loop3A_1718] : memref<4800xf32, #tpu.memory_space<vmem>>[vector<16xi32>], vector<16xf32>,
      %parallel_loop3A_1720 = arith.addf %parallel_loop3A_1715, %parallel_loop3A_1719 : vector<16xf32>
      %parallel_loop3A_1721 = arith.constant 14336 : i32
      %parallel_loop3A_1722 = arith.addi %parallel_loop3A_1721, %parallel_loop3A_104 : i32
      %parallel_loop3A_1723 = arith.index_cast %parallel_loop3A_1722 : i32 to index
      %parallel_loop3A_1724 = tpu.vector_load %arg11[%parallel_loop3A_1723] {strides = array<i32>} : memref<32768xf32, #tpu.memory_space<vmem>>, vector<16xf32>,
      tpu.vector_store %arg11[%parallel_loop3A_1723], %parallel_loop3A_1696 {strides = array<i32>} : memref<32768xf32, #tpu.memory_space<vmem>>, vector<16xf32>,
      %parallel_loop3A_1725 = arith.constant 30720 : i32
      %parallel_loop3A_1726 = arith.addi %parallel_loop3A_1725, %parallel_loop3A_104 : i32
      %parallel_loop3A_1727 = arith.index_cast %parallel_loop3A_1726 : i32 to index
      %parallel_loop3A_1728 = tpu.vector_load %arg11[%parallel_loop3A_1727] {strides = array<i32>} : memref<32768xf32, #tpu.memory_space<vmem>>, vector<16xf32>,
      tpu.vector_store %arg11[%parallel_loop3A_1727], %parallel_loop3A_1720 {strides = array<i32>} : memref<32768xf32, #tpu.memory_space<vmem>>, vector<16xf32>,
      %parallel_loop3A_1729 = arith.constant 29 : i32
      %parallel_loop3A_1730 = vector.broadcast %parallel_loop3A_1729 : i32 to vector<16xi32>
      %parallel_loop3A_1731 = arith.addi %parallel_loop3A_30, %parallel_loop3A_1730 : vector<16xi32>
      %parallel_loop3A_1732 = tpu.vector_load_idx %arg9[%parallel_loop3A_1731] : memref<4800xf32, #tpu.memory_space<vmem>>[vector<16xi32>], vector<16xf32>,
      %parallel_loop3A_1733 = arith.constant 29 : i32
      %parallel_loop3A_1734 = vector.broadcast %parallel_loop3A_1733 : i32 to vector<16xi32>
      %parallel_loop3A_1735 = arith.addi %parallel_loop3A_38, %parallel_loop3A_1734 : vector<16xi32>
      %parallel_loop3A_1736 = tpu.vector_load_idx %arg9[%parallel_loop3A_1735] : memref<4800xf32, #tpu.memory_space<vmem>>[vector<16xi32>], vector<16xf32>,
      %parallel_loop3A_1737 = arith.addf %parallel_loop3A_1732, %parallel_loop3A_1736 : vector<16xf32>
      %parallel_loop3A_1738 = arith.constant 29 : i32
      %parallel_loop3A_1739 = vector.broadcast %parallel_loop3A_1738 : i32 to vector<16xi32>
      %parallel_loop3A_1740 = arith.addi %parallel_loop3A_46, %parallel_loop3A_1739 : vector<16xi32>
      %parallel_loop3A_1741 = tpu.vector_load_idx %arg9[%parallel_loop3A_1740] : memref<4800xf32, #tpu.memory_space<vmem>>[vector<16xi32>], vector<16xf32>,
      %parallel_loop3A_1742 = arith.addf %parallel_loop3A_1737, %parallel_loop3A_1741 : vector<16xf32>
      %parallel_loop3A_1743 = arith.constant 29 : i32
      %parallel_loop3A_1744 = vector.broadcast %parallel_loop3A_1743 : i32 to vector<16xi32>
      %parallel_loop3A_1745 = arith.addi %parallel_loop3A_54, %parallel_loop3A_1744 : vector<16xi32>
      %parallel_loop3A_1746 = tpu.vector_load_idx %arg9[%parallel_loop3A_1745] : memref<4800xf32, #tpu.memory_space<vmem>>[vector<16xi32>], vector<16xf32>,
      %parallel_loop3A_1747 = arith.addf %parallel_loop3A_1742, %parallel_loop3A_1746 : vector<16xf32>
      %parallel_loop3A_1748 = arith.constant 29 : i32
      %parallel_loop3A_1749 = vector.broadcast %parallel_loop3A_1748 : i32 to vector<16xi32>
      %parallel_loop3A_1750 = arith.addi %parallel_loop3A_62, %parallel_loop3A_1749 : vector<16xi32>
      %parallel_loop3A_1751 = tpu.vector_load_idx %arg9[%parallel_loop3A_1750] : memref<4800xf32, #tpu.memory_space<vmem>>[vector<16xi32>], vector<16xf32>,
      %parallel_loop3A_1752 = arith.addf %parallel_loop3A_1747, %parallel_loop3A_1751 : vector<16xf32>
      %parallel_loop3A_1753 = arith.constant 29 : i32
      %parallel_loop3A_1754 = vector.broadcast %parallel_loop3A_1753 : i32 to vector<16xi32>
      %parallel_loop3A_1755 = arith.addi %parallel_loop3A_70, %parallel_loop3A_1754 : vector<16xi32>
      %parallel_loop3A_1756 = tpu.vector_load_idx %arg10[%parallel_loop3A_1755] : memref<4800xf32, #tpu.memory_space<vmem>>[vector<16xi32>], vector<16xf32>,
      %parallel_loop3A_1757 = arith.constant 29 : i32
      %parallel_loop3A_1758 = vector.broadcast %parallel_loop3A_1757 : i32 to vector<16xi32>
      %parallel_loop3A_1759 = arith.addi %parallel_loop3A_78, %parallel_loop3A_1758 : vector<16xi32>
      %parallel_loop3A_1760 = tpu.vector_load_idx %arg10[%parallel_loop3A_1759] : memref<4800xf32, #tpu.memory_space<vmem>>[vector<16xi32>], vector<16xf32>,
      %parallel_loop3A_1761 = arith.addf %parallel_loop3A_1756, %parallel_loop3A_1760 : vector<16xf32>
      %parallel_loop3A_1762 = arith.constant 29 : i32
      %parallel_loop3A_1763 = vector.broadcast %parallel_loop3A_1762 : i32 to vector<16xi32>
      %parallel_loop3A_1764 = arith.addi %parallel_loop3A_86, %parallel_loop3A_1763 : vector<16xi32>
      %parallel_loop3A_1765 = tpu.vector_load_idx %arg10[%parallel_loop3A_1764] : memref<4800xf32, #tpu.memory_space<vmem>>[vector<16xi32>], vector<16xf32>,
      %parallel_loop3A_1766 = arith.addf %parallel_loop3A_1761, %parallel_loop3A_1765 : vector<16xf32>
      %parallel_loop3A_1767 = arith.constant 29 : i32
      %parallel_loop3A_1768 = vector.broadcast %parallel_loop3A_1767 : i32 to vector<16xi32>
      %parallel_loop3A_1769 = arith.addi %parallel_loop3A_94, %parallel_loop3A_1768 : vector<16xi32>
      %parallel_loop3A_1770 = tpu.vector_load_idx %arg10[%parallel_loop3A_1769] : memref<4800xf32, #tpu.memory_space<vmem>>[vector<16xi32>], vector<16xf32>,
      %parallel_loop3A_1771 = arith.addf %parallel_loop3A_1766, %parallel_loop3A_1770 : vector<16xf32>
      %parallel_loop3A_1772 = arith.constant 29 : i32
      %parallel_loop3A_1773 = vector.broadcast %parallel_loop3A_1772 : i32 to vector<16xi32>
      %parallel_loop3A_1774 = arith.addi %parallel_loop3A_102, %parallel_loop3A_1773 : vector<16xi32>
      %parallel_loop3A_1775 = tpu.vector_load_idx %arg10[%parallel_loop3A_1774] : memref<4800xf32, #tpu.memory_space<vmem>>[vector<16xi32>], vector<16xf32>,
      %parallel_loop3A_1776 = arith.addf %parallel_loop3A_1771, %parallel_loop3A_1775 : vector<16xf32>
      %parallel_loop3A_1777 = arith.constant 14848 : i32
      %parallel_loop3A_1778 = arith.addi %parallel_loop3A_1777, %parallel_loop3A_104 : i32
      %parallel_loop3A_1779 = arith.index_cast %parallel_loop3A_1778 : i32 to index
      %parallel_loop3A_1780 = tpu.vector_load %arg11[%parallel_loop3A_1779] {strides = array<i32>} : memref<32768xf32, #tpu.memory_space<vmem>>, vector<16xf32>,
      tpu.vector_store %arg11[%parallel_loop3A_1779], %parallel_loop3A_1752 {strides = array<i32>} : memref<32768xf32, #tpu.memory_space<vmem>>, vector<16xf32>,
      %parallel_loop3A_1781 = arith.constant 31232 : i32
      %parallel_loop3A_1782 = arith.addi %parallel_loop3A_1781, %parallel_loop3A_104 : i32
      %parallel_loop3A_1783 = arith.index_cast %parallel_loop3A_1782 : i32 to index
      %parallel_loop3A_1784 = tpu.vector_load %arg11[%parallel_loop3A_1783] {strides = array<i32>} : memref<32768xf32, #tpu.memory_space<vmem>>, vector<16xf32>,
      tpu.vector_store %arg11[%parallel_loop3A_1783], %parallel_loop3A_1776 {strides = array<i32>} : memref<32768xf32, #tpu.memory_space<vmem>>, vector<16xf32>,
      %parallel_loop3A_1785 = arith.constant 30 : i32
      %parallel_loop3A_1786 = vector.broadcast %parallel_loop3A_1785 : i32 to vector<16xi32>
      %parallel_loop3A_1787 = arith.addi %parallel_loop3A_30, %parallel_loop3A_1786 : vector<16xi32>
      %parallel_loop3A_1788 = tpu.vector_load_idx %arg9[%parallel_loop3A_1787] : memref<4800xf32, #tpu.memory_space<vmem>>[vector<16xi32>], vector<16xf32>,
      %parallel_loop3A_1789 = arith.constant 30 : i32
      %parallel_loop3A_1790 = vector.broadcast %parallel_loop3A_1789 : i32 to vector<16xi32>
      %parallel_loop3A_1791 = arith.addi %parallel_loop3A_38, %parallel_loop3A_1790 : vector<16xi32>
      %parallel_loop3A_1792 = tpu.vector_load_idx %arg9[%parallel_loop3A_1791] : memref<4800xf32, #tpu.memory_space<vmem>>[vector<16xi32>], vector<16xf32>,
      %parallel_loop3A_1793 = arith.addf %parallel_loop3A_1788, %parallel_loop3A_1792 : vector<16xf32>
      %parallel_loop3A_1794 = arith.constant 30 : i32
      %parallel_loop3A_1795 = vector.broadcast %parallel_loop3A_1794 : i32 to vector<16xi32>
      %parallel_loop3A_1796 = arith.addi %parallel_loop3A_46, %parallel_loop3A_1795 : vector<16xi32>
      %parallel_loop3A_1797 = tpu.vector_load_idx %arg9[%parallel_loop3A_1796] : memref<4800xf32, #tpu.memory_space<vmem>>[vector<16xi32>], vector<16xf32>,
      %parallel_loop3A_1798 = arith.addf %parallel_loop3A_1793, %parallel_loop3A_1797 : vector<16xf32>
      %parallel_loop3A_1799 = arith.constant 30 : i32
      %parallel_loop3A_1800 = vector.broadcast %parallel_loop3A_1799 : i32 to vector<16xi32>
      %parallel_loop3A_1801 = arith.addi %parallel_loop3A_54, %parallel_loop3A_1800 : vector<16xi32>
      %parallel_loop3A_1802 = tpu.vector_load_idx %arg9[%parallel_loop3A_1801] : memref<4800xf32, #tpu.memory_space<vmem>>[vector<16xi32>], vector<16xf32>,
      %parallel_loop3A_1803 = arith.addf %parallel_loop3A_1798, %parallel_loop3A_1802 : vector<16xf32>
      %parallel_loop3A_1804 = arith.constant 30 : i32
      %parallel_loop3A_1805 = vector.broadcast %parallel_loop3A_1804 : i32 to vector<16xi32>
      %parallel_loop3A_1806 = arith.addi %parallel_loop3A_62, %parallel_loop3A_1805 : vector<16xi32>
      %parallel_loop3A_1807 = tpu.vector_load_idx %arg9[%parallel_loop3A_1806] : memref<4800xf32, #tpu.memory_space<vmem>>[vector<16xi32>], vector<16xf32>,
      %parallel_loop3A_1808 = arith.addf %parallel_loop3A_1803, %parallel_loop3A_1807 : vector<16xf32>
      %parallel_loop3A_1809 = arith.constant 30 : i32
      %parallel_loop3A_1810 = vector.broadcast %parallel_loop3A_1809 : i32 to vector<16xi32>
      %parallel_loop3A_1811 = arith.addi %parallel_loop3A_70, %parallel_loop3A_1810 : vector<16xi32>
      %parallel_loop3A_1812 = tpu.vector_load_idx %arg10[%parallel_loop3A_1811] : memref<4800xf32, #tpu.memory_space<vmem>>[vector<16xi32>], vector<16xf32>,
      %parallel_loop3A_1813 = arith.constant 30 : i32
      %parallel_loop3A_1814 = vector.broadcast %parallel_loop3A_1813 : i32 to vector<16xi32>
      %parallel_loop3A_1815 = arith.addi %parallel_loop3A_78, %parallel_loop3A_1814 : vector<16xi32>
      %parallel_loop3A_1816 = tpu.vector_load_idx %arg10[%parallel_loop3A_1815] : memref<4800xf32, #tpu.memory_space<vmem>>[vector<16xi32>], vector<16xf32>,
      %parallel_loop3A_1817 = arith.addf %parallel_loop3A_1812, %parallel_loop3A_1816 : vector<16xf32>
      %parallel_loop3A_1818 = arith.constant 30 : i32
      %parallel_loop3A_1819 = vector.broadcast %parallel_loop3A_1818 : i32 to vector<16xi32>
      %parallel_loop3A_1820 = arith.addi %parallel_loop3A_86, %parallel_loop3A_1819 : vector<16xi32>
      %parallel_loop3A_1821 = tpu.vector_load_idx %arg10[%parallel_loop3A_1820] : memref<4800xf32, #tpu.memory_space<vmem>>[vector<16xi32>], vector<16xf32>,
      %parallel_loop3A_1822 = arith.addf %parallel_loop3A_1817, %parallel_loop3A_1821 : vector<16xf32>
      %parallel_loop3A_1823 = arith.constant 30 : i32
      %parallel_loop3A_1824 = vector.broadcast %parallel_loop3A_1823 : i32 to vector<16xi32>
      %parallel_loop3A_1825 = arith.addi %parallel_loop3A_94, %parallel_loop3A_1824 : vector<16xi32>
      %parallel_loop3A_1826 = tpu.vector_load_idx %arg10[%parallel_loop3A_1825] : memref<4800xf32, #tpu.memory_space<vmem>>[vector<16xi32>], vector<16xf32>,
      %parallel_loop3A_1827 = arith.addf %parallel_loop3A_1822, %parallel_loop3A_1826 : vector<16xf32>
      %parallel_loop3A_1828 = arith.constant 30 : i32
      %parallel_loop3A_1829 = vector.broadcast %parallel_loop3A_1828 : i32 to vector<16xi32>
      %parallel_loop3A_1830 = arith.addi %parallel_loop3A_102, %parallel_loop3A_1829 : vector<16xi32>
      %parallel_loop3A_1831 = tpu.vector_load_idx %arg10[%parallel_loop3A_1830] : memref<4800xf32, #tpu.memory_space<vmem>>[vector<16xi32>], vector<16xf32>,
      %parallel_loop3A_1832 = arith.addf %parallel_loop3A_1827, %parallel_loop3A_1831 : vector<16xf32>
      %parallel_loop3A_1833 = arith.constant 15360 : i32
      %parallel_loop3A_1834 = arith.addi %parallel_loop3A_1833, %parallel_loop3A_104 : i32
      %parallel_loop3A_1835 = arith.index_cast %parallel_loop3A_1834 : i32 to index
      %parallel_loop3A_1836 = tpu.vector_load %arg11[%parallel_loop3A_1835] {strides = array<i32>} : memref<32768xf32, #tpu.memory_space<vmem>>, vector<16xf32>,
      tpu.vector_store %arg11[%parallel_loop3A_1835], %parallel_loop3A_1808 {strides = array<i32>} : memref<32768xf32, #tpu.memory_space<vmem>>, vector<16xf32>,
      %parallel_loop3A_1837 = arith.constant 31744 : i32
      %parallel_loop3A_1838 = arith.addi %parallel_loop3A_1837, %parallel_loop3A_104 : i32
      %parallel_loop3A_1839 = arith.index_cast %parallel_loop3A_1838 : i32 to index
      %parallel_loop3A_1840 = tpu.vector_load %arg11[%parallel_loop3A_1839] {strides = array<i32>} : memref<32768xf32, #tpu.memory_space<vmem>>, vector<16xf32>,
      tpu.vector_store %arg11[%parallel_loop3A_1839], %parallel_loop3A_1832 {strides = array<i32>} : memref<32768xf32, #tpu.memory_space<vmem>>, vector<16xf32>,
      %parallel_loop3A_1841 = arith.constant 31 : i32
      %parallel_loop3A_1842 = vector.broadcast %parallel_loop3A_1841 : i32 to vector<16xi32>
      %parallel_loop3A_1843 = arith.addi %parallel_loop3A_30, %parallel_loop3A_1842 : vector<16xi32>
      %parallel_loop3A_1844 = tpu.vector_load_idx %arg9[%parallel_loop3A_1843] : memref<4800xf32, #tpu.memory_space<vmem>>[vector<16xi32>], vector<16xf32>,
      %parallel_loop3A_1845 = arith.constant 31 : i32
      %parallel_loop3A_1846 = vector.broadcast %parallel_loop3A_1845 : i32 to vector<16xi32>
      %parallel_loop3A_1847 = arith.addi %parallel_loop3A_38, %parallel_loop3A_1846 : vector<16xi32>
      %parallel_loop3A_1848 = tpu.vector_load_idx %arg9[%parallel_loop3A_1847] : memref<4800xf32, #tpu.memory_space<vmem>>[vector<16xi32>], vector<16xf32>,
      %parallel_loop3A_1849 = arith.addf %parallel_loop3A_1844, %parallel_loop3A_1848 : vector<16xf32>
      %parallel_loop3A_1850 = arith.constant 31 : i32
      %parallel_loop3A_1851 = vector.broadcast %parallel_loop3A_1850 : i32 to vector<16xi32>
      %parallel_loop3A_1852 = arith.addi %parallel_loop3A_46, %parallel_loop3A_1851 : vector<16xi32>
      %parallel_loop3A_1853 = tpu.vector_load_idx %arg9[%parallel_loop3A_1852] : memref<4800xf32, #tpu.memory_space<vmem>>[vector<16xi32>], vector<16xf32>,
      %parallel_loop3A_1854 = arith.addf %parallel_loop3A_1849, %parallel_loop3A_1853 : vector<16xf32>
      %parallel_loop3A_1855 = arith.constant 31 : i32
      %parallel_loop3A_1856 = vector.broadcast %parallel_loop3A_1855 : i32 to vector<16xi32>
      %parallel_loop3A_1857 = arith.addi %parallel_loop3A_54, %parallel_loop3A_1856 : vector<16xi32>
      %parallel_loop3A_1858 = tpu.vector_load_idx %arg9[%parallel_loop3A_1857] : memref<4800xf32, #tpu.memory_space<vmem>>[vector<16xi32>], vector<16xf32>,
      %parallel_loop3A_1859 = arith.addf %parallel_loop3A_1854, %parallel_loop3A_1858 : vector<16xf32>
      %parallel_loop3A_1860 = arith.constant 31 : i32
      %parallel_loop3A_1861 = vector.broadcast %parallel_loop3A_1860 : i32 to vector<16xi32>
      %parallel_loop3A_1862 = arith.addi %parallel_loop3A_62, %parallel_loop3A_1861 : vector<16xi32>
      %parallel_loop3A_1863 = tpu.vector_load_idx %arg9[%parallel_loop3A_1862] : memref<4800xf32, #tpu.memory_space<vmem>>[vector<16xi32>], vector<16xf32>,
      %parallel_loop3A_1864 = arith.addf %parallel_loop3A_1859, %parallel_loop3A_1863 : vector<16xf32>
      %parallel_loop3A_1865 = arith.constant 31 : i32
      %parallel_loop3A_1866 = vector.broadcast %parallel_loop3A_1865 : i32 to vector<16xi32>
      %parallel_loop3A_1867 = arith.addi %parallel_loop3A_70, %parallel_loop3A_1866 : vector<16xi32>
      %parallel_loop3A_1868 = tpu.vector_load_idx %arg10[%parallel_loop3A_1867] : memref<4800xf32, #tpu.memory_space<vmem>>[vector<16xi32>], vector<16xf32>,
      %parallel_loop3A_1869 = arith.constant 31 : i32
      %parallel_loop3A_1870 = vector.broadcast %parallel_loop3A_1869 : i32 to vector<16xi32>
      %parallel_loop3A_1871 = arith.addi %parallel_loop3A_78, %parallel_loop3A_1870 : vector<16xi32>
      %parallel_loop3A_1872 = tpu.vector_load_idx %arg10[%parallel_loop3A_1871] : memref<4800xf32, #tpu.memory_space<vmem>>[vector<16xi32>], vector<16xf32>,
      %parallel_loop3A_1873 = arith.addf %parallel_loop3A_1868, %parallel_loop3A_1872 : vector<16xf32>
      %parallel_loop3A_1874 = arith.constant 31 : i32
      %parallel_loop3A_1875 = vector.broadcast %parallel_loop3A_1874 : i32 to vector<16xi32>
      %parallel_loop3A_1876 = arith.addi %parallel_loop3A_86, %parallel_loop3A_1875 : vector<16xi32>
      %parallel_loop3A_1877 = tpu.vector_load_idx %arg10[%parallel_loop3A_1876] : memref<4800xf32, #tpu.memory_space<vmem>>[vector<16xi32>], vector<16xf32>,
      %parallel_loop3A_1878 = arith.addf %parallel_loop3A_1873, %parallel_loop3A_1877 : vector<16xf32>
      %parallel_loop3A_1879 = arith.constant 31 : i32
      %parallel_loop3A_1880 = vector.broadcast %parallel_loop3A_1879 : i32 to vector<16xi32>
      %parallel_loop3A_1881 = arith.addi %parallel_loop3A_94, %parallel_loop3A_1880 : vector<16xi32>
      %parallel_loop3A_1882 = tpu.vector_load_idx %arg10[%parallel_loop3A_1881] : memref<4800xf32, #tpu.memory_space<vmem>>[vector<16xi32>], vector<16xf32>,
      %parallel_loop3A_1883 = arith.addf %parallel_loop3A_1878, %parallel_loop3A_1882 : vector<16xf32>
      %parallel_loop3A_1884 = arith.constant 31 : i32
      %parallel_loop3A_1885 = vector.broadcast %parallel_loop3A_1884 : i32 to vector<16xi32>
      %parallel_loop3A_1886 = arith.addi %parallel_loop3A_102, %parallel_loop3A_1885 : vector<16xi32>
      %parallel_loop3A_1887 = tpu.vector_load_idx %arg10[%parallel_loop3A_1886] : memref<4800xf32, #tpu.memory_space<vmem>>[vector<16xi32>], vector<16xf32>,
      %parallel_loop3A_1888 = arith.addf %parallel_loop3A_1883, %parallel_loop3A_1887 : vector<16xf32>
      %parallel_loop3A_1889 = arith.constant 15872 : i32
      %parallel_loop3A_1890 = arith.addi %parallel_loop3A_1889, %parallel_loop3A_104 : i32
      %parallel_loop3A_1891 = arith.index_cast %parallel_loop3A_1890 : i32 to index
      %parallel_loop3A_1892 = tpu.vector_load %arg11[%parallel_loop3A_1891] {strides = array<i32>} : memref<32768xf32, #tpu.memory_space<vmem>>, vector<16xf32>,
      tpu.vector_store %arg11[%parallel_loop3A_1891], %parallel_loop3A_1864 {strides = array<i32>} : memref<32768xf32, #tpu.memory_space<vmem>>, vector<16xf32>,
      %parallel_loop3A_1893 = arith.constant 32256 : i32
      %parallel_loop3A_1894 = arith.addi %parallel_loop3A_1893, %parallel_loop3A_104 : i32
      %parallel_loop3A_1895 = arith.index_cast %parallel_loop3A_1894 : i32 to index
      %parallel_loop3A_1896 = tpu.vector_load %arg11[%parallel_loop3A_1895] {strides = array<i32>} : memref<32768xf32, #tpu.memory_space<vmem>>, vector<16xf32>,
      tpu.vector_store %arg11[%parallel_loop3A_1895], %parallel_loop3A_1888 {strides = array<i32>} : memref<32768xf32, #tpu.memory_space<vmem>>, vector<16xf32>,
    } {sc.loop_unroll_factor = 4 : i64, sc.parallel_access}
    %mul3A_18 = arith.constant 64 : i32
    %mul3A_19 = arith.muli %mul3A_2, %mul3A_18 : i32
    "tpu.region"() ({
      %run_scoped3A = tpu.sem_alloc : memref<!tpu.dma_semaphore, #tpu.memory_space<semaphore_mem>>
      %dma_start3A_20 = tpu.memref_slice %arg6[%mul3A_19] : memref<1048576xf32, #tpu.memory_space<hbm>> -> memref<32768xf32, #tpu.memory_space<hbm>>
      %dma_start3A_21 = tpu.memref_slice %arg6[%mul3A_19] : memref<1048576xf32, #tpu.memory_space<hbm>> -> memref<32768xf32, #tpu.memory_space<hbm>>
      tpu.enqueue_dma source(%arg11 : memref<32768xf32, #tpu.memory_space<vmem>>) target(%dma_start3A_21 : memref<32768xf32, #tpu.memory_space<hbm>>) target_semaphore(%run_scoped3A : memref<!tpu.dma_semaphore, #tpu.memory_space<semaphore_mem>>)
      %dma_wait3A_22 = tpu.memref_slice %arg6[%mul3A_19] : memref<1048576xf32, #tpu.memory_space<hbm>> -> memref<32768xf32, #tpu.memory_space<hbm>>
      %dma_wait3A_23 = tpu.memref_slice %arg6[%mul3A_19] : memref<1048576xf32, #tpu.memory_space<hbm>> -> memref<32768xf32, #tpu.memory_space<hbm>>
      tpu.wait_dma2 semaphore(%run_scoped3A : memref<!tpu.dma_semaphore, #tpu.memory_space<semaphore_mem>>) src(%arg11 : memref<32768xf32, #tpu.memory_space<vmem>>) dst(%dma_wait3A_23 : memref<32768xf32, #tpu.memory_space<hbm>>)
      tpu.yield
    }) : () -> ()
    return
  }
}

module attributes {stable_mosaic.version = 14 : i64} {
  func.func @body(%arg0: memref<2048x512xf32, #tpu.memory_space<vmem>>, %arg1: memref<64x32xf32, #tpu.memory_space<vmem>>, %arg2: memref<32x1xf32, #tpu.memory_space<vmem>>, %arg3: memref<32x16xf32, #tpu.memory_space<vmem>>, %arg4: memref<16x1xf32, #tpu.memory_space<vmem>>, %arg5: memref<16x1xf32, #tpu.memory_space<vmem>>, %arg6: memref<1x1xf32, #tpu.memory_space<vmem>>, %arg7: memref<32x512xf32, #tpu.memory_space<vmem>>) attributes {dimension_semantics = [], scalar_prefetch = 0 : i64, scratch_operands = 0 : i64, tpu.core_type = #tpu.core_type<tc>} {
    %get3A = arith.constant 0 : index
    %get3A_0 = arith.constant 0 : index
    %get3A_1 = vector.load %arg1[%get3A, %get3A_0] : memref<64x32xf32, #tpu.memory_space<vmem>>, vector<64x32xf32>
    %get3A_2 = arith.constant 0 : index
    %get3A_3 = arith.constant 0 : index
    %get3A_4 = vector.load %arg3[%get3A_2, %get3A_3] : memref<32x16xf32, #tpu.memory_space<vmem>>, vector<32x16xf32>
    %get3A_5 = arith.constant 0 : index
    %get3A_6 = arith.constant 0 : index
    %get3A_7 = vector.load %arg5[%get3A_5, %get3A_6] : memref<16x1xf32, #tpu.memory_space<vmem>>, vector<16x1xf32>
    %get3A_8 = arith.constant 0 : index
    %get3A_9 = arith.constant 0 : index
    %get3A_10 = vector.load %arg2[%get3A_8, %get3A_9] : memref<32x1xf32, #tpu.memory_space<vmem>>, vector<32x1xf32>
    %get3A_11 = arith.constant 0 : index
    %get3A_12 = arith.constant 0 : index
    %get3A_13 = vector.load %arg4[%get3A_11, %get3A_12] : memref<16x1xf32, #tpu.memory_space<vmem>>, vector<16x1xf32>
    %get3A_14 = arith.constant 0 : index
    %get3A_15 = arith.constant 0 : index
    %get3A_16 = vector.load %arg6[%get3A_14, %get3A_15] : memref<1x1xf32, #tpu.memory_space<vmem>>, vector<1x1xf32>
    %get3A_17 = arith.constant 0 : index
    %get3A_18 = arith.constant 0 : index
    %get3A_19 = vector.load %arg0[%get3A_17, %get3A_18] : memref<2048x512xf32, #tpu.memory_space<vmem>>, vector<64x512xf32>
    %dot_general3A = arith.constant dense<0.000000e+00> : vector<32x512xf32>
    %dot_general3A_20 = tpu.matmul %get3A_1, %get3A_19, %dot_general3A {dimension_numbers = #tpu.dot_dimension_numbers<[0], [0], [1], [1], [0, 1, 1, 1], [], []>, transpose_lhs_hint = false} : vector<64x32xf32>, vector<64x512xf32>, vector<32x512xf32> -> vector<32x512xf32>
    %add3A = vector.broadcast %get3A_10 : vector<32x1xf32> to vector<32x512xf32>
    %add3A_21 = arith.addf %dot_general3A_20, %add3A : vector<32x512xf32>
    %max3A = arith.constant 0.000000e+00 : f32
    %max3A_22 = vector.broadcast %max3A : f32 to vector<32x512xf32>
    %max3A_23 = arith.maximumf %add3A_21, %max3A_22 : vector<32x512xf32>
    %dot_general3A_24 = arith.constant dense<0.000000e+00> : vector<16x512xf32>
    %dot_general3A_25 = tpu.matmul %get3A_4, %max3A_23, %dot_general3A_24 {dimension_numbers = #tpu.dot_dimension_numbers<[0], [0], [1], [1], [0, 1, 1, 1], [], []>, transpose_lhs_hint = false} : vector<32x16xf32>, vector<32x512xf32>, vector<16x512xf32> -> vector<16x512xf32>
    %add3A_26 = vector.broadcast %get3A_13 : vector<16x1xf32> to vector<16x512xf32>
    %add3A_27 = arith.addf %dot_general3A_25, %add3A_26 : vector<16x512xf32>
    %max3A_28 = arith.constant 0.000000e+00 : f32
    %max3A_29 = vector.broadcast %max3A_28 : f32 to vector<16x512xf32>
    %max3A_30 = arith.maximumf %add3A_27, %max3A_29 : vector<16x512xf32>
    %dot_general3A_31 = arith.constant dense<0.000000e+00> : vector<1x512xf32>
    %dot_general3A_32 = tpu.matmul %get3A_7, %max3A_30, %dot_general3A_31 {dimension_numbers = #tpu.dot_dimension_numbers<[0], [0], [1], [1], [0, 1, 1, 1], [], []>, transpose_lhs_hint = false} : vector<16x1xf32>, vector<16x512xf32>, vector<1x512xf32> -> vector<1x512xf32>
    %add3A_33 = vector.broadcast %get3A_16 : vector<1x1xf32> to vector<1x512xf32>
    %add3A_34 = arith.addf %dot_general3A_32, %add3A_33 : vector<1x512xf32>
    %max3A_35 = arith.constant 0.000000e+00 : f32
    %max3A_36 = vector.broadcast %max3A_35 : f32 to vector<1x512xf32>
    %max3A_37 = arith.maximumf %add3A_34, %max3A_36 : vector<1x512xf32>
    %get3A_38 = arith.constant 64 : index
    %get3A_39 = arith.constant 0 : index
    %get3A_40 = vector.load %arg0[%get3A_38, %get3A_39] : memref<2048x512xf32, #tpu.memory_space<vmem>>, vector<64x512xf32>
    %dot_general3A_41 = arith.constant dense<0.000000e+00> : vector<32x512xf32>
    %dot_general3A_42 = tpu.matmul %get3A_1, %get3A_40, %dot_general3A_41 {dimension_numbers = #tpu.dot_dimension_numbers<[0], [0], [1], [1], [0, 1, 1, 1], [], []>, transpose_lhs_hint = false} : vector<64x32xf32>, vector<64x512xf32>, vector<32x512xf32> -> vector<32x512xf32>
    %add3A_43 = vector.broadcast %get3A_10 : vector<32x1xf32> to vector<32x512xf32>
    %add3A_44 = arith.addf %dot_general3A_42, %add3A_43 : vector<32x512xf32>
    %max3A_45 = arith.constant 0.000000e+00 : f32
    %max3A_46 = vector.broadcast %max3A_45 : f32 to vector<32x512xf32>
    %max3A_47 = arith.maximumf %add3A_44, %max3A_46 : vector<32x512xf32>
    %dot_general3A_48 = arith.constant dense<0.000000e+00> : vector<16x512xf32>
    %dot_general3A_49 = tpu.matmul %get3A_4, %max3A_47, %dot_general3A_48 {dimension_numbers = #tpu.dot_dimension_numbers<[0], [0], [1], [1], [0, 1, 1, 1], [], []>, transpose_lhs_hint = false} : vector<32x16xf32>, vector<32x512xf32>, vector<16x512xf32> -> vector<16x512xf32>
    %add3A_50 = vector.broadcast %get3A_13 : vector<16x1xf32> to vector<16x512xf32>
    %add3A_51 = arith.addf %dot_general3A_49, %add3A_50 : vector<16x512xf32>
    %max3A_52 = arith.constant 0.000000e+00 : f32
    %max3A_53 = vector.broadcast %max3A_52 : f32 to vector<16x512xf32>
    %max3A_54 = arith.maximumf %add3A_51, %max3A_53 : vector<16x512xf32>
    %dot_general3A_55 = arith.constant dense<0.000000e+00> : vector<1x512xf32>
    %dot_general3A_56 = tpu.matmul %get3A_7, %max3A_54, %dot_general3A_55 {dimension_numbers = #tpu.dot_dimension_numbers<[0], [0], [1], [1], [0, 1, 1, 1], [], []>, transpose_lhs_hint = false} : vector<16x1xf32>, vector<16x512xf32>, vector<1x512xf32> -> vector<1x512xf32>
    %add3A_57 = vector.broadcast %get3A_16 : vector<1x1xf32> to vector<1x512xf32>
    %add3A_58 = arith.addf %dot_general3A_56, %add3A_57 : vector<1x512xf32>
    %max3A_59 = arith.constant 0.000000e+00 : f32
    %max3A_60 = vector.broadcast %max3A_59 : f32 to vector<1x512xf32>
    %max3A_61 = arith.maximumf %add3A_58, %max3A_60 : vector<1x512xf32>
    %get3A_62 = arith.constant 128 : index
    %get3A_63 = arith.constant 0 : index
    %get3A_64 = vector.load %arg0[%get3A_62, %get3A_63] : memref<2048x512xf32, #tpu.memory_space<vmem>>, vector<64x512xf32>
    %dot_general3A_65 = arith.constant dense<0.000000e+00> : vector<32x512xf32>
    %dot_general3A_66 = tpu.matmul %get3A_1, %get3A_64, %dot_general3A_65 {dimension_numbers = #tpu.dot_dimension_numbers<[0], [0], [1], [1], [0, 1, 1, 1], [], []>, transpose_lhs_hint = false} : vector<64x32xf32>, vector<64x512xf32>, vector<32x512xf32> -> vector<32x512xf32>
    %add3A_67 = vector.broadcast %get3A_10 : vector<32x1xf32> to vector<32x512xf32>
    %add3A_68 = arith.addf %dot_general3A_66, %add3A_67 : vector<32x512xf32>
    %max3A_69 = arith.constant 0.000000e+00 : f32
    %max3A_70 = vector.broadcast %max3A_69 : f32 to vector<32x512xf32>
    %max3A_71 = arith.maximumf %add3A_68, %max3A_70 : vector<32x512xf32>
    %dot_general3A_72 = arith.constant dense<0.000000e+00> : vector<16x512xf32>
    %dot_general3A_73 = tpu.matmul %get3A_4, %max3A_71, %dot_general3A_72 {dimension_numbers = #tpu.dot_dimension_numbers<[0], [0], [1], [1], [0, 1, 1, 1], [], []>, transpose_lhs_hint = false} : vector<32x16xf32>, vector<32x512xf32>, vector<16x512xf32> -> vector<16x512xf32>
    %add3A_74 = vector.broadcast %get3A_13 : vector<16x1xf32> to vector<16x512xf32>
    %add3A_75 = arith.addf %dot_general3A_73, %add3A_74 : vector<16x512xf32>
    %max3A_76 = arith.constant 0.000000e+00 : f32
    %max3A_77 = vector.broadcast %max3A_76 : f32 to vector<16x512xf32>
    %max3A_78 = arith.maximumf %add3A_75, %max3A_77 : vector<16x512xf32>
    %dot_general3A_79 = arith.constant dense<0.000000e+00> : vector<1x512xf32>
    %dot_general3A_80 = tpu.matmul %get3A_7, %max3A_78, %dot_general3A_79 {dimension_numbers = #tpu.dot_dimension_numbers<[0], [0], [1], [1], [0, 1, 1, 1], [], []>, transpose_lhs_hint = false} : vector<16x1xf32>, vector<16x512xf32>, vector<1x512xf32> -> vector<1x512xf32>
    %add3A_81 = vector.broadcast %get3A_16 : vector<1x1xf32> to vector<1x512xf32>
    %add3A_82 = arith.addf %dot_general3A_80, %add3A_81 : vector<1x512xf32>
    %max3A_83 = arith.constant 0.000000e+00 : f32
    %max3A_84 = vector.broadcast %max3A_83 : f32 to vector<1x512xf32>
    %max3A_85 = arith.maximumf %add3A_82, %max3A_84 : vector<1x512xf32>
    %get3A_86 = arith.constant 192 : index
    %get3A_87 = arith.constant 0 : index
    %get3A_88 = vector.load %arg0[%get3A_86, %get3A_87] : memref<2048x512xf32, #tpu.memory_space<vmem>>, vector<64x512xf32>
    %dot_general3A_89 = arith.constant dense<0.000000e+00> : vector<32x512xf32>
    %dot_general3A_90 = tpu.matmul %get3A_1, %get3A_88, %dot_general3A_89 {dimension_numbers = #tpu.dot_dimension_numbers<[0], [0], [1], [1], [0, 1, 1, 1], [], []>, transpose_lhs_hint = false} : vector<64x32xf32>, vector<64x512xf32>, vector<32x512xf32> -> vector<32x512xf32>
    %add3A_91 = vector.broadcast %get3A_10 : vector<32x1xf32> to vector<32x512xf32>
    %add3A_92 = arith.addf %dot_general3A_90, %add3A_91 : vector<32x512xf32>
    %max3A_93 = arith.constant 0.000000e+00 : f32
    %max3A_94 = vector.broadcast %max3A_93 : f32 to vector<32x512xf32>
    %max3A_95 = arith.maximumf %add3A_92, %max3A_94 : vector<32x512xf32>
    %dot_general3A_96 = arith.constant dense<0.000000e+00> : vector<16x512xf32>
    %dot_general3A_97 = tpu.matmul %get3A_4, %max3A_95, %dot_general3A_96 {dimension_numbers = #tpu.dot_dimension_numbers<[0], [0], [1], [1], [0, 1, 1, 1], [], []>, transpose_lhs_hint = false} : vector<32x16xf32>, vector<32x512xf32>, vector<16x512xf32> -> vector<16x512xf32>
    %add3A_98 = vector.broadcast %get3A_13 : vector<16x1xf32> to vector<16x512xf32>
    %add3A_99 = arith.addf %dot_general3A_97, %add3A_98 : vector<16x512xf32>
    %max3A_100 = arith.constant 0.000000e+00 : f32
    %max3A_101 = vector.broadcast %max3A_100 : f32 to vector<16x512xf32>
    %max3A_102 = arith.maximumf %add3A_99, %max3A_101 : vector<16x512xf32>
    %dot_general3A_103 = arith.constant dense<0.000000e+00> : vector<1x512xf32>
    %dot_general3A_104 = tpu.matmul %get3A_7, %max3A_102, %dot_general3A_103 {dimension_numbers = #tpu.dot_dimension_numbers<[0], [0], [1], [1], [0, 1, 1, 1], [], []>, transpose_lhs_hint = false} : vector<16x1xf32>, vector<16x512xf32>, vector<1x512xf32> -> vector<1x512xf32>
    %add3A_105 = vector.broadcast %get3A_16 : vector<1x1xf32> to vector<1x512xf32>
    %add3A_106 = arith.addf %dot_general3A_104, %add3A_105 : vector<1x512xf32>
    %max3A_107 = arith.constant 0.000000e+00 : f32
    %max3A_108 = vector.broadcast %max3A_107 : f32 to vector<1x512xf32>
    %max3A_109 = arith.maximumf %add3A_106, %max3A_108 : vector<1x512xf32>
    %get3A_110 = arith.constant 256 : index
    %get3A_111 = arith.constant 0 : index
    %get3A_112 = vector.load %arg0[%get3A_110, %get3A_111] : memref<2048x512xf32, #tpu.memory_space<vmem>>, vector<64x512xf32>
    %dot_general3A_113 = arith.constant dense<0.000000e+00> : vector<32x512xf32>
    %dot_general3A_114 = tpu.matmul %get3A_1, %get3A_112, %dot_general3A_113 {dimension_numbers = #tpu.dot_dimension_numbers<[0], [0], [1], [1], [0, 1, 1, 1], [], []>, transpose_lhs_hint = false} : vector<64x32xf32>, vector<64x512xf32>, vector<32x512xf32> -> vector<32x512xf32>
    %add3A_115 = vector.broadcast %get3A_10 : vector<32x1xf32> to vector<32x512xf32>
    %add3A_116 = arith.addf %dot_general3A_114, %add3A_115 : vector<32x512xf32>
    %max3A_117 = arith.constant 0.000000e+00 : f32
    %max3A_118 = vector.broadcast %max3A_117 : f32 to vector<32x512xf32>
    %max3A_119 = arith.maximumf %add3A_116, %max3A_118 : vector<32x512xf32>
    %dot_general3A_120 = arith.constant dense<0.000000e+00> : vector<16x512xf32>
    %dot_general3A_121 = tpu.matmul %get3A_4, %max3A_119, %dot_general3A_120 {dimension_numbers = #tpu.dot_dimension_numbers<[0], [0], [1], [1], [0, 1, 1, 1], [], []>, transpose_lhs_hint = false} : vector<32x16xf32>, vector<32x512xf32>, vector<16x512xf32> -> vector<16x512xf32>
    %add3A_122 = vector.broadcast %get3A_13 : vector<16x1xf32> to vector<16x512xf32>
    %add3A_123 = arith.addf %dot_general3A_121, %add3A_122 : vector<16x512xf32>
    %max3A_124 = arith.constant 0.000000e+00 : f32
    %max3A_125 = vector.broadcast %max3A_124 : f32 to vector<16x512xf32>
    %max3A_126 = arith.maximumf %add3A_123, %max3A_125 : vector<16x512xf32>
    %dot_general3A_127 = arith.constant dense<0.000000e+00> : vector<1x512xf32>
    %dot_general3A_128 = tpu.matmul %get3A_7, %max3A_126, %dot_general3A_127 {dimension_numbers = #tpu.dot_dimension_numbers<[0], [0], [1], [1], [0, 1, 1, 1], [], []>, transpose_lhs_hint = false} : vector<16x1xf32>, vector<16x512xf32>, vector<1x512xf32> -> vector<1x512xf32>
    %add3A_129 = vector.broadcast %get3A_16 : vector<1x1xf32> to vector<1x512xf32>
    %add3A_130 = arith.addf %dot_general3A_128, %add3A_129 : vector<1x512xf32>
    %max3A_131 = arith.constant 0.000000e+00 : f32
    %max3A_132 = vector.broadcast %max3A_131 : f32 to vector<1x512xf32>
    %max3A_133 = arith.maximumf %add3A_130, %max3A_132 : vector<1x512xf32>
    %get3A_134 = arith.constant 320 : index
    %get3A_135 = arith.constant 0 : index
    %get3A_136 = vector.load %arg0[%get3A_134, %get3A_135] : memref<2048x512xf32, #tpu.memory_space<vmem>>, vector<64x512xf32>
    %dot_general3A_137 = arith.constant dense<0.000000e+00> : vector<32x512xf32>
    %dot_general3A_138 = tpu.matmul %get3A_1, %get3A_136, %dot_general3A_137 {dimension_numbers = #tpu.dot_dimension_numbers<[0], [0], [1], [1], [0, 1, 1, 1], [], []>, transpose_lhs_hint = false} : vector<64x32xf32>, vector<64x512xf32>, vector<32x512xf32> -> vector<32x512xf32>
    %add3A_139 = vector.broadcast %get3A_10 : vector<32x1xf32> to vector<32x512xf32>
    %add3A_140 = arith.addf %dot_general3A_138, %add3A_139 : vector<32x512xf32>
    %max3A_141 = arith.constant 0.000000e+00 : f32
    %max3A_142 = vector.broadcast %max3A_141 : f32 to vector<32x512xf32>
    %max3A_143 = arith.maximumf %add3A_140, %max3A_142 : vector<32x512xf32>
    %dot_general3A_144 = arith.constant dense<0.000000e+00> : vector<16x512xf32>
    %dot_general3A_145 = tpu.matmul %get3A_4, %max3A_143, %dot_general3A_144 {dimension_numbers = #tpu.dot_dimension_numbers<[0], [0], [1], [1], [0, 1, 1, 1], [], []>, transpose_lhs_hint = false} : vector<32x16xf32>, vector<32x512xf32>, vector<16x512xf32> -> vector<16x512xf32>
    %add3A_146 = vector.broadcast %get3A_13 : vector<16x1xf32> to vector<16x512xf32>
    %add3A_147 = arith.addf %dot_general3A_145, %add3A_146 : vector<16x512xf32>
    %max3A_148 = arith.constant 0.000000e+00 : f32
    %max3A_149 = vector.broadcast %max3A_148 : f32 to vector<16x512xf32>
    %max3A_150 = arith.maximumf %add3A_147, %max3A_149 : vector<16x512xf32>
    %dot_general3A_151 = arith.constant dense<0.000000e+00> : vector<1x512xf32>
    %dot_general3A_152 = tpu.matmul %get3A_7, %max3A_150, %dot_general3A_151 {dimension_numbers = #tpu.dot_dimension_numbers<[0], [0], [1], [1], [0, 1, 1, 1], [], []>, transpose_lhs_hint = false} : vector<16x1xf32>, vector<16x512xf32>, vector<1x512xf32> -> vector<1x512xf32>
    %add3A_153 = vector.broadcast %get3A_16 : vector<1x1xf32> to vector<1x512xf32>
    %add3A_154 = arith.addf %dot_general3A_152, %add3A_153 : vector<1x512xf32>
    %max3A_155 = arith.constant 0.000000e+00 : f32
    %max3A_156 = vector.broadcast %max3A_155 : f32 to vector<1x512xf32>
    %max3A_157 = arith.maximumf %add3A_154, %max3A_156 : vector<1x512xf32>
    %get3A_158 = arith.constant 384 : index
    %get3A_159 = arith.constant 0 : index
    %get3A_160 = vector.load %arg0[%get3A_158, %get3A_159] : memref<2048x512xf32, #tpu.memory_space<vmem>>, vector<64x512xf32>
    %dot_general3A_161 = arith.constant dense<0.000000e+00> : vector<32x512xf32>
    %dot_general3A_162 = tpu.matmul %get3A_1, %get3A_160, %dot_general3A_161 {dimension_numbers = #tpu.dot_dimension_numbers<[0], [0], [1], [1], [0, 1, 1, 1], [], []>, transpose_lhs_hint = false} : vector<64x32xf32>, vector<64x512xf32>, vector<32x512xf32> -> vector<32x512xf32>
    %add3A_163 = vector.broadcast %get3A_10 : vector<32x1xf32> to vector<32x512xf32>
    %add3A_164 = arith.addf %dot_general3A_162, %add3A_163 : vector<32x512xf32>
    %max3A_165 = arith.constant 0.000000e+00 : f32
    %max3A_166 = vector.broadcast %max3A_165 : f32 to vector<32x512xf32>
    %max3A_167 = arith.maximumf %add3A_164, %max3A_166 : vector<32x512xf32>
    %dot_general3A_168 = arith.constant dense<0.000000e+00> : vector<16x512xf32>
    %dot_general3A_169 = tpu.matmul %get3A_4, %max3A_167, %dot_general3A_168 {dimension_numbers = #tpu.dot_dimension_numbers<[0], [0], [1], [1], [0, 1, 1, 1], [], []>, transpose_lhs_hint = false} : vector<32x16xf32>, vector<32x512xf32>, vector<16x512xf32> -> vector<16x512xf32>
    %add3A_170 = vector.broadcast %get3A_13 : vector<16x1xf32> to vector<16x512xf32>
    %add3A_171 = arith.addf %dot_general3A_169, %add3A_170 : vector<16x512xf32>
    %max3A_172 = arith.constant 0.000000e+00 : f32
    %max3A_173 = vector.broadcast %max3A_172 : f32 to vector<16x512xf32>
    %max3A_174 = arith.maximumf %add3A_171, %max3A_173 : vector<16x512xf32>
    %dot_general3A_175 = arith.constant dense<0.000000e+00> : vector<1x512xf32>
    %dot_general3A_176 = tpu.matmul %get3A_7, %max3A_174, %dot_general3A_175 {dimension_numbers = #tpu.dot_dimension_numbers<[0], [0], [1], [1], [0, 1, 1, 1], [], []>, transpose_lhs_hint = false} : vector<16x1xf32>, vector<16x512xf32>, vector<1x512xf32> -> vector<1x512xf32>
    %add3A_177 = vector.broadcast %get3A_16 : vector<1x1xf32> to vector<1x512xf32>
    %add3A_178 = arith.addf %dot_general3A_176, %add3A_177 : vector<1x512xf32>
    %max3A_179 = arith.constant 0.000000e+00 : f32
    %max3A_180 = vector.broadcast %max3A_179 : f32 to vector<1x512xf32>
    %max3A_181 = arith.maximumf %add3A_178, %max3A_180 : vector<1x512xf32>
    %get3A_182 = arith.constant 448 : index
    %get3A_183 = arith.constant 0 : index
    %get3A_184 = vector.load %arg0[%get3A_182, %get3A_183] : memref<2048x512xf32, #tpu.memory_space<vmem>>, vector<64x512xf32>
    %dot_general3A_185 = arith.constant dense<0.000000e+00> : vector<32x512xf32>
    %dot_general3A_186 = tpu.matmul %get3A_1, %get3A_184, %dot_general3A_185 {dimension_numbers = #tpu.dot_dimension_numbers<[0], [0], [1], [1], [0, 1, 1, 1], [], []>, transpose_lhs_hint = false} : vector<64x32xf32>, vector<64x512xf32>, vector<32x512xf32> -> vector<32x512xf32>
    %add3A_187 = vector.broadcast %get3A_10 : vector<32x1xf32> to vector<32x512xf32>
    %add3A_188 = arith.addf %dot_general3A_186, %add3A_187 : vector<32x512xf32>
    %max3A_189 = arith.constant 0.000000e+00 : f32
    %max3A_190 = vector.broadcast %max3A_189 : f32 to vector<32x512xf32>
    %max3A_191 = arith.maximumf %add3A_188, %max3A_190 : vector<32x512xf32>
    %dot_general3A_192 = arith.constant dense<0.000000e+00> : vector<16x512xf32>
    %dot_general3A_193 = tpu.matmul %get3A_4, %max3A_191, %dot_general3A_192 {dimension_numbers = #tpu.dot_dimension_numbers<[0], [0], [1], [1], [0, 1, 1, 1], [], []>, transpose_lhs_hint = false} : vector<32x16xf32>, vector<32x512xf32>, vector<16x512xf32> -> vector<16x512xf32>
    %add3A_194 = vector.broadcast %get3A_13 : vector<16x1xf32> to vector<16x512xf32>
    %add3A_195 = arith.addf %dot_general3A_193, %add3A_194 : vector<16x512xf32>
    %max3A_196 = arith.constant 0.000000e+00 : f32
    %max3A_197 = vector.broadcast %max3A_196 : f32 to vector<16x512xf32>
    %max3A_198 = arith.maximumf %add3A_195, %max3A_197 : vector<16x512xf32>
    %dot_general3A_199 = arith.constant dense<0.000000e+00> : vector<1x512xf32>
    %dot_general3A_200 = tpu.matmul %get3A_7, %max3A_198, %dot_general3A_199 {dimension_numbers = #tpu.dot_dimension_numbers<[0], [0], [1], [1], [0, 1, 1, 1], [], []>, transpose_lhs_hint = false} : vector<16x1xf32>, vector<16x512xf32>, vector<1x512xf32> -> vector<1x512xf32>
    %add3A_201 = vector.broadcast %get3A_16 : vector<1x1xf32> to vector<1x512xf32>
    %add3A_202 = arith.addf %dot_general3A_200, %add3A_201 : vector<1x512xf32>
    %max3A_203 = arith.constant 0.000000e+00 : f32
    %max3A_204 = vector.broadcast %max3A_203 : f32 to vector<1x512xf32>
    %max3A_205 = arith.maximumf %add3A_202, %max3A_204 : vector<1x512xf32>
    %get3A_206 = arith.constant 512 : index
    %get3A_207 = arith.constant 0 : index
    %get3A_208 = vector.load %arg0[%get3A_206, %get3A_207] : memref<2048x512xf32, #tpu.memory_space<vmem>>, vector<64x512xf32>
    %dot_general3A_209 = arith.constant dense<0.000000e+00> : vector<32x512xf32>
    %dot_general3A_210 = tpu.matmul %get3A_1, %get3A_208, %dot_general3A_209 {dimension_numbers = #tpu.dot_dimension_numbers<[0], [0], [1], [1], [0, 1, 1, 1], [], []>, transpose_lhs_hint = false} : vector<64x32xf32>, vector<64x512xf32>, vector<32x512xf32> -> vector<32x512xf32>
    %add3A_211 = vector.broadcast %get3A_10 : vector<32x1xf32> to vector<32x512xf32>
    %add3A_212 = arith.addf %dot_general3A_210, %add3A_211 : vector<32x512xf32>
    %max3A_213 = arith.constant 0.000000e+00 : f32
    %max3A_214 = vector.broadcast %max3A_213 : f32 to vector<32x512xf32>
    %max3A_215 = arith.maximumf %add3A_212, %max3A_214 : vector<32x512xf32>
    %dot_general3A_216 = arith.constant dense<0.000000e+00> : vector<16x512xf32>
    %dot_general3A_217 = tpu.matmul %get3A_4, %max3A_215, %dot_general3A_216 {dimension_numbers = #tpu.dot_dimension_numbers<[0], [0], [1], [1], [0, 1, 1, 1], [], []>, transpose_lhs_hint = false} : vector<32x16xf32>, vector<32x512xf32>, vector<16x512xf32> -> vector<16x512xf32>
    %add3A_218 = vector.broadcast %get3A_13 : vector<16x1xf32> to vector<16x512xf32>
    %add3A_219 = arith.addf %dot_general3A_217, %add3A_218 : vector<16x512xf32>
    %max3A_220 = arith.constant 0.000000e+00 : f32
    %max3A_221 = vector.broadcast %max3A_220 : f32 to vector<16x512xf32>
    %max3A_222 = arith.maximumf %add3A_219, %max3A_221 : vector<16x512xf32>
    %dot_general3A_223 = arith.constant dense<0.000000e+00> : vector<1x512xf32>
    %dot_general3A_224 = tpu.matmul %get3A_7, %max3A_222, %dot_general3A_223 {dimension_numbers = #tpu.dot_dimension_numbers<[0], [0], [1], [1], [0, 1, 1, 1], [], []>, transpose_lhs_hint = false} : vector<16x1xf32>, vector<16x512xf32>, vector<1x512xf32> -> vector<1x512xf32>
    %add3A_225 = vector.broadcast %get3A_16 : vector<1x1xf32> to vector<1x512xf32>
    %add3A_226 = arith.addf %dot_general3A_224, %add3A_225 : vector<1x512xf32>
    %max3A_227 = arith.constant 0.000000e+00 : f32
    %max3A_228 = vector.broadcast %max3A_227 : f32 to vector<1x512xf32>
    %max3A_229 = arith.maximumf %add3A_226, %max3A_228 : vector<1x512xf32>
    %get3A_230 = arith.constant 576 : index
    %get3A_231 = arith.constant 0 : index
    %get3A_232 = vector.load %arg0[%get3A_230, %get3A_231] : memref<2048x512xf32, #tpu.memory_space<vmem>>, vector<64x512xf32>
    %dot_general3A_233 = arith.constant dense<0.000000e+00> : vector<32x512xf32>
    %dot_general3A_234 = tpu.matmul %get3A_1, %get3A_232, %dot_general3A_233 {dimension_numbers = #tpu.dot_dimension_numbers<[0], [0], [1], [1], [0, 1, 1, 1], [], []>, transpose_lhs_hint = false} : vector<64x32xf32>, vector<64x512xf32>, vector<32x512xf32> -> vector<32x512xf32>
    %add3A_235 = vector.broadcast %get3A_10 : vector<32x1xf32> to vector<32x512xf32>
    %add3A_236 = arith.addf %dot_general3A_234, %add3A_235 : vector<32x512xf32>
    %max3A_237 = arith.constant 0.000000e+00 : f32
    %max3A_238 = vector.broadcast %max3A_237 : f32 to vector<32x512xf32>
    %max3A_239 = arith.maximumf %add3A_236, %max3A_238 : vector<32x512xf32>
    %dot_general3A_240 = arith.constant dense<0.000000e+00> : vector<16x512xf32>
    %dot_general3A_241 = tpu.matmul %get3A_4, %max3A_239, %dot_general3A_240 {dimension_numbers = #tpu.dot_dimension_numbers<[0], [0], [1], [1], [0, 1, 1, 1], [], []>, transpose_lhs_hint = false} : vector<32x16xf32>, vector<32x512xf32>, vector<16x512xf32> -> vector<16x512xf32>
    %add3A_242 = vector.broadcast %get3A_13 : vector<16x1xf32> to vector<16x512xf32>
    %add3A_243 = arith.addf %dot_general3A_241, %add3A_242 : vector<16x512xf32>
    %max3A_244 = arith.constant 0.000000e+00 : f32
    %max3A_245 = vector.broadcast %max3A_244 : f32 to vector<16x512xf32>
    %max3A_246 = arith.maximumf %add3A_243, %max3A_245 : vector<16x512xf32>
    %dot_general3A_247 = arith.constant dense<0.000000e+00> : vector<1x512xf32>
    %dot_general3A_248 = tpu.matmul %get3A_7, %max3A_246, %dot_general3A_247 {dimension_numbers = #tpu.dot_dimension_numbers<[0], [0], [1], [1], [0, 1, 1, 1], [], []>, transpose_lhs_hint = false} : vector<16x1xf32>, vector<16x512xf32>, vector<1x512xf32> -> vector<1x512xf32>
    %add3A_249 = vector.broadcast %get3A_16 : vector<1x1xf32> to vector<1x512xf32>
    %add3A_250 = arith.addf %dot_general3A_248, %add3A_249 : vector<1x512xf32>
    %max3A_251 = arith.constant 0.000000e+00 : f32
    %max3A_252 = vector.broadcast %max3A_251 : f32 to vector<1x512xf32>
    %max3A_253 = arith.maximumf %add3A_250, %max3A_252 : vector<1x512xf32>
    %get3A_254 = arith.constant 640 : index
    %get3A_255 = arith.constant 0 : index
    %get3A_256 = vector.load %arg0[%get3A_254, %get3A_255] : memref<2048x512xf32, #tpu.memory_space<vmem>>, vector<64x512xf32>
    %dot_general3A_257 = arith.constant dense<0.000000e+00> : vector<32x512xf32>
    %dot_general3A_258 = tpu.matmul %get3A_1, %get3A_256, %dot_general3A_257 {dimension_numbers = #tpu.dot_dimension_numbers<[0], [0], [1], [1], [0, 1, 1, 1], [], []>, transpose_lhs_hint = false} : vector<64x32xf32>, vector<64x512xf32>, vector<32x512xf32> -> vector<32x512xf32>
    %add3A_259 = vector.broadcast %get3A_10 : vector<32x1xf32> to vector<32x512xf32>
    %add3A_260 = arith.addf %dot_general3A_258, %add3A_259 : vector<32x512xf32>
    %max3A_261 = arith.constant 0.000000e+00 : f32
    %max3A_262 = vector.broadcast %max3A_261 : f32 to vector<32x512xf32>
    %max3A_263 = arith.maximumf %add3A_260, %max3A_262 : vector<32x512xf32>
    %dot_general3A_264 = arith.constant dense<0.000000e+00> : vector<16x512xf32>
    %dot_general3A_265 = tpu.matmul %get3A_4, %max3A_263, %dot_general3A_264 {dimension_numbers = #tpu.dot_dimension_numbers<[0], [0], [1], [1], [0, 1, 1, 1], [], []>, transpose_lhs_hint = false} : vector<32x16xf32>, vector<32x512xf32>, vector<16x512xf32> -> vector<16x512xf32>
    %add3A_266 = vector.broadcast %get3A_13 : vector<16x1xf32> to vector<16x512xf32>
    %add3A_267 = arith.addf %dot_general3A_265, %add3A_266 : vector<16x512xf32>
    %max3A_268 = arith.constant 0.000000e+00 : f32
    %max3A_269 = vector.broadcast %max3A_268 : f32 to vector<16x512xf32>
    %max3A_270 = arith.maximumf %add3A_267, %max3A_269 : vector<16x512xf32>
    %dot_general3A_271 = arith.constant dense<0.000000e+00> : vector<1x512xf32>
    %dot_general3A_272 = tpu.matmul %get3A_7, %max3A_270, %dot_general3A_271 {dimension_numbers = #tpu.dot_dimension_numbers<[0], [0], [1], [1], [0, 1, 1, 1], [], []>, transpose_lhs_hint = false} : vector<16x1xf32>, vector<16x512xf32>, vector<1x512xf32> -> vector<1x512xf32>
    %add3A_273 = vector.broadcast %get3A_16 : vector<1x1xf32> to vector<1x512xf32>
    %add3A_274 = arith.addf %dot_general3A_272, %add3A_273 : vector<1x512xf32>
    %max3A_275 = arith.constant 0.000000e+00 : f32
    %max3A_276 = vector.broadcast %max3A_275 : f32 to vector<1x512xf32>
    %max3A_277 = arith.maximumf %add3A_274, %max3A_276 : vector<1x512xf32>
    %get3A_278 = arith.constant 704 : index
    %get3A_279 = arith.constant 0 : index
    %get3A_280 = vector.load %arg0[%get3A_278, %get3A_279] : memref<2048x512xf32, #tpu.memory_space<vmem>>, vector<64x512xf32>
    %dot_general3A_281 = arith.constant dense<0.000000e+00> : vector<32x512xf32>
    %dot_general3A_282 = tpu.matmul %get3A_1, %get3A_280, %dot_general3A_281 {dimension_numbers = #tpu.dot_dimension_numbers<[0], [0], [1], [1], [0, 1, 1, 1], [], []>, transpose_lhs_hint = false} : vector<64x32xf32>, vector<64x512xf32>, vector<32x512xf32> -> vector<32x512xf32>
    %add3A_283 = vector.broadcast %get3A_10 : vector<32x1xf32> to vector<32x512xf32>
    %add3A_284 = arith.addf %dot_general3A_282, %add3A_283 : vector<32x512xf32>
    %max3A_285 = arith.constant 0.000000e+00 : f32
    %max3A_286 = vector.broadcast %max3A_285 : f32 to vector<32x512xf32>
    %max3A_287 = arith.maximumf %add3A_284, %max3A_286 : vector<32x512xf32>
    %dot_general3A_288 = arith.constant dense<0.000000e+00> : vector<16x512xf32>
    %dot_general3A_289 = tpu.matmul %get3A_4, %max3A_287, %dot_general3A_288 {dimension_numbers = #tpu.dot_dimension_numbers<[0], [0], [1], [1], [0, 1, 1, 1], [], []>, transpose_lhs_hint = false} : vector<32x16xf32>, vector<32x512xf32>, vector<16x512xf32> -> vector<16x512xf32>
    %add3A_290 = vector.broadcast %get3A_13 : vector<16x1xf32> to vector<16x512xf32>
    %add3A_291 = arith.addf %dot_general3A_289, %add3A_290 : vector<16x512xf32>
    %max3A_292 = arith.constant 0.000000e+00 : f32
    %max3A_293 = vector.broadcast %max3A_292 : f32 to vector<16x512xf32>
    %max3A_294 = arith.maximumf %add3A_291, %max3A_293 : vector<16x512xf32>
    %dot_general3A_295 = arith.constant dense<0.000000e+00> : vector<1x512xf32>
    %dot_general3A_296 = tpu.matmul %get3A_7, %max3A_294, %dot_general3A_295 {dimension_numbers = #tpu.dot_dimension_numbers<[0], [0], [1], [1], [0, 1, 1, 1], [], []>, transpose_lhs_hint = false} : vector<16x1xf32>, vector<16x512xf32>, vector<1x512xf32> -> vector<1x512xf32>
    %add3A_297 = vector.broadcast %get3A_16 : vector<1x1xf32> to vector<1x512xf32>
    %add3A_298 = arith.addf %dot_general3A_296, %add3A_297 : vector<1x512xf32>
    %max3A_299 = arith.constant 0.000000e+00 : f32
    %max3A_300 = vector.broadcast %max3A_299 : f32 to vector<1x512xf32>
    %max3A_301 = arith.maximumf %add3A_298, %max3A_300 : vector<1x512xf32>
    %get3A_302 = arith.constant 768 : index
    %get3A_303 = arith.constant 0 : index
    %get3A_304 = vector.load %arg0[%get3A_302, %get3A_303] : memref<2048x512xf32, #tpu.memory_space<vmem>>, vector<64x512xf32>
    %dot_general3A_305 = arith.constant dense<0.000000e+00> : vector<32x512xf32>
    %dot_general3A_306 = tpu.matmul %get3A_1, %get3A_304, %dot_general3A_305 {dimension_numbers = #tpu.dot_dimension_numbers<[0], [0], [1], [1], [0, 1, 1, 1], [], []>, transpose_lhs_hint = false} : vector<64x32xf32>, vector<64x512xf32>, vector<32x512xf32> -> vector<32x512xf32>
    %add3A_307 = vector.broadcast %get3A_10 : vector<32x1xf32> to vector<32x512xf32>
    %add3A_308 = arith.addf %dot_general3A_306, %add3A_307 : vector<32x512xf32>
    %max3A_309 = arith.constant 0.000000e+00 : f32
    %max3A_310 = vector.broadcast %max3A_309 : f32 to vector<32x512xf32>
    %max3A_311 = arith.maximumf %add3A_308, %max3A_310 : vector<32x512xf32>
    %dot_general3A_312 = arith.constant dense<0.000000e+00> : vector<16x512xf32>
    %dot_general3A_313 = tpu.matmul %get3A_4, %max3A_311, %dot_general3A_312 {dimension_numbers = #tpu.dot_dimension_numbers<[0], [0], [1], [1], [0, 1, 1, 1], [], []>, transpose_lhs_hint = false} : vector<32x16xf32>, vector<32x512xf32>, vector<16x512xf32> -> vector<16x512xf32>
    %add3A_314 = vector.broadcast %get3A_13 : vector<16x1xf32> to vector<16x512xf32>
    %add3A_315 = arith.addf %dot_general3A_313, %add3A_314 : vector<16x512xf32>
    %max3A_316 = arith.constant 0.000000e+00 : f32
    %max3A_317 = vector.broadcast %max3A_316 : f32 to vector<16x512xf32>
    %max3A_318 = arith.maximumf %add3A_315, %max3A_317 : vector<16x512xf32>
    %dot_general3A_319 = arith.constant dense<0.000000e+00> : vector<1x512xf32>
    %dot_general3A_320 = tpu.matmul %get3A_7, %max3A_318, %dot_general3A_319 {dimension_numbers = #tpu.dot_dimension_numbers<[0], [0], [1], [1], [0, 1, 1, 1], [], []>, transpose_lhs_hint = false} : vector<16x1xf32>, vector<16x512xf32>, vector<1x512xf32> -> vector<1x512xf32>
    %add3A_321 = vector.broadcast %get3A_16 : vector<1x1xf32> to vector<1x512xf32>
    %add3A_322 = arith.addf %dot_general3A_320, %add3A_321 : vector<1x512xf32>
    %max3A_323 = arith.constant 0.000000e+00 : f32
    %max3A_324 = vector.broadcast %max3A_323 : f32 to vector<1x512xf32>
    %max3A_325 = arith.maximumf %add3A_322, %max3A_324 : vector<1x512xf32>
    %get3A_326 = arith.constant 832 : index
    %get3A_327 = arith.constant 0 : index
    %get3A_328 = vector.load %arg0[%get3A_326, %get3A_327] : memref<2048x512xf32, #tpu.memory_space<vmem>>, vector<64x512xf32>
    %dot_general3A_329 = arith.constant dense<0.000000e+00> : vector<32x512xf32>
    %dot_general3A_330 = tpu.matmul %get3A_1, %get3A_328, %dot_general3A_329 {dimension_numbers = #tpu.dot_dimension_numbers<[0], [0], [1], [1], [0, 1, 1, 1], [], []>, transpose_lhs_hint = false} : vector<64x32xf32>, vector<64x512xf32>, vector<32x512xf32> -> vector<32x512xf32>
    %add3A_331 = vector.broadcast %get3A_10 : vector<32x1xf32> to vector<32x512xf32>
    %add3A_332 = arith.addf %dot_general3A_330, %add3A_331 : vector<32x512xf32>
    %max3A_333 = arith.constant 0.000000e+00 : f32
    %max3A_334 = vector.broadcast %max3A_333 : f32 to vector<32x512xf32>
    %max3A_335 = arith.maximumf %add3A_332, %max3A_334 : vector<32x512xf32>
    %dot_general3A_336 = arith.constant dense<0.000000e+00> : vector<16x512xf32>
    %dot_general3A_337 = tpu.matmul %get3A_4, %max3A_335, %dot_general3A_336 {dimension_numbers = #tpu.dot_dimension_numbers<[0], [0], [1], [1], [0, 1, 1, 1], [], []>, transpose_lhs_hint = false} : vector<32x16xf32>, vector<32x512xf32>, vector<16x512xf32> -> vector<16x512xf32>
    %add3A_338 = vector.broadcast %get3A_13 : vector<16x1xf32> to vector<16x512xf32>
    %add3A_339 = arith.addf %dot_general3A_337, %add3A_338 : vector<16x512xf32>
    %max3A_340 = arith.constant 0.000000e+00 : f32
    %max3A_341 = vector.broadcast %max3A_340 : f32 to vector<16x512xf32>
    %max3A_342 = arith.maximumf %add3A_339, %max3A_341 : vector<16x512xf32>
    %dot_general3A_343 = arith.constant dense<0.000000e+00> : vector<1x512xf32>
    %dot_general3A_344 = tpu.matmul %get3A_7, %max3A_342, %dot_general3A_343 {dimension_numbers = #tpu.dot_dimension_numbers<[0], [0], [1], [1], [0, 1, 1, 1], [], []>, transpose_lhs_hint = false} : vector<16x1xf32>, vector<16x512xf32>, vector<1x512xf32> -> vector<1x512xf32>
    %add3A_345 = vector.broadcast %get3A_16 : vector<1x1xf32> to vector<1x512xf32>
    %add3A_346 = arith.addf %dot_general3A_344, %add3A_345 : vector<1x512xf32>
    %max3A_347 = arith.constant 0.000000e+00 : f32
    %max3A_348 = vector.broadcast %max3A_347 : f32 to vector<1x512xf32>
    %max3A_349 = arith.maximumf %add3A_346, %max3A_348 : vector<1x512xf32>
    %get3A_350 = arith.constant 896 : index
    %get3A_351 = arith.constant 0 : index
    %get3A_352 = vector.load %arg0[%get3A_350, %get3A_351] : memref<2048x512xf32, #tpu.memory_space<vmem>>, vector<64x512xf32>
    %dot_general3A_353 = arith.constant dense<0.000000e+00> : vector<32x512xf32>
    %dot_general3A_354 = tpu.matmul %get3A_1, %get3A_352, %dot_general3A_353 {dimension_numbers = #tpu.dot_dimension_numbers<[0], [0], [1], [1], [0, 1, 1, 1], [], []>, transpose_lhs_hint = false} : vector<64x32xf32>, vector<64x512xf32>, vector<32x512xf32> -> vector<32x512xf32>
    %add3A_355 = vector.broadcast %get3A_10 : vector<32x1xf32> to vector<32x512xf32>
    %add3A_356 = arith.addf %dot_general3A_354, %add3A_355 : vector<32x512xf32>
    %max3A_357 = arith.constant 0.000000e+00 : f32
    %max3A_358 = vector.broadcast %max3A_357 : f32 to vector<32x512xf32>
    %max3A_359 = arith.maximumf %add3A_356, %max3A_358 : vector<32x512xf32>
    %dot_general3A_360 = arith.constant dense<0.000000e+00> : vector<16x512xf32>
    %dot_general3A_361 = tpu.matmul %get3A_4, %max3A_359, %dot_general3A_360 {dimension_numbers = #tpu.dot_dimension_numbers<[0], [0], [1], [1], [0, 1, 1, 1], [], []>, transpose_lhs_hint = false} : vector<32x16xf32>, vector<32x512xf32>, vector<16x512xf32> -> vector<16x512xf32>
    %add3A_362 = vector.broadcast %get3A_13 : vector<16x1xf32> to vector<16x512xf32>
    %add3A_363 = arith.addf %dot_general3A_361, %add3A_362 : vector<16x512xf32>
    %max3A_364 = arith.constant 0.000000e+00 : f32
    %max3A_365 = vector.broadcast %max3A_364 : f32 to vector<16x512xf32>
    %max3A_366 = arith.maximumf %add3A_363, %max3A_365 : vector<16x512xf32>
    %dot_general3A_367 = arith.constant dense<0.000000e+00> : vector<1x512xf32>
    %dot_general3A_368 = tpu.matmul %get3A_7, %max3A_366, %dot_general3A_367 {dimension_numbers = #tpu.dot_dimension_numbers<[0], [0], [1], [1], [0, 1, 1, 1], [], []>, transpose_lhs_hint = false} : vector<16x1xf32>, vector<16x512xf32>, vector<1x512xf32> -> vector<1x512xf32>
    %add3A_369 = vector.broadcast %get3A_16 : vector<1x1xf32> to vector<1x512xf32>
    %add3A_370 = arith.addf %dot_general3A_368, %add3A_369 : vector<1x512xf32>
    %max3A_371 = arith.constant 0.000000e+00 : f32
    %max3A_372 = vector.broadcast %max3A_371 : f32 to vector<1x512xf32>
    %max3A_373 = arith.maximumf %add3A_370, %max3A_372 : vector<1x512xf32>
    %get3A_374 = arith.constant 960 : index
    %get3A_375 = arith.constant 0 : index
    %get3A_376 = vector.load %arg0[%get3A_374, %get3A_375] : memref<2048x512xf32, #tpu.memory_space<vmem>>, vector<64x512xf32>
    %dot_general3A_377 = arith.constant dense<0.000000e+00> : vector<32x512xf32>
    %dot_general3A_378 = tpu.matmul %get3A_1, %get3A_376, %dot_general3A_377 {dimension_numbers = #tpu.dot_dimension_numbers<[0], [0], [1], [1], [0, 1, 1, 1], [], []>, transpose_lhs_hint = false} : vector<64x32xf32>, vector<64x512xf32>, vector<32x512xf32> -> vector<32x512xf32>
    %add3A_379 = vector.broadcast %get3A_10 : vector<32x1xf32> to vector<32x512xf32>
    %add3A_380 = arith.addf %dot_general3A_378, %add3A_379 : vector<32x512xf32>
    %max3A_381 = arith.constant 0.000000e+00 : f32
    %max3A_382 = vector.broadcast %max3A_381 : f32 to vector<32x512xf32>
    %max3A_383 = arith.maximumf %add3A_380, %max3A_382 : vector<32x512xf32>
    %dot_general3A_384 = arith.constant dense<0.000000e+00> : vector<16x512xf32>
    %dot_general3A_385 = tpu.matmul %get3A_4, %max3A_383, %dot_general3A_384 {dimension_numbers = #tpu.dot_dimension_numbers<[0], [0], [1], [1], [0, 1, 1, 1], [], []>, transpose_lhs_hint = false} : vector<32x16xf32>, vector<32x512xf32>, vector<16x512xf32> -> vector<16x512xf32>
    %add3A_386 = vector.broadcast %get3A_13 : vector<16x1xf32> to vector<16x512xf32>
    %add3A_387 = arith.addf %dot_general3A_385, %add3A_386 : vector<16x512xf32>
    %max3A_388 = arith.constant 0.000000e+00 : f32
    %max3A_389 = vector.broadcast %max3A_388 : f32 to vector<16x512xf32>
    %max3A_390 = arith.maximumf %add3A_387, %max3A_389 : vector<16x512xf32>
    %dot_general3A_391 = arith.constant dense<0.000000e+00> : vector<1x512xf32>
    %dot_general3A_392 = tpu.matmul %get3A_7, %max3A_390, %dot_general3A_391 {dimension_numbers = #tpu.dot_dimension_numbers<[0], [0], [1], [1], [0, 1, 1, 1], [], []>, transpose_lhs_hint = false} : vector<16x1xf32>, vector<16x512xf32>, vector<1x512xf32> -> vector<1x512xf32>
    %add3A_393 = vector.broadcast %get3A_16 : vector<1x1xf32> to vector<1x512xf32>
    %add3A_394 = arith.addf %dot_general3A_392, %add3A_393 : vector<1x512xf32>
    %max3A_395 = arith.constant 0.000000e+00 : f32
    %max3A_396 = vector.broadcast %max3A_395 : f32 to vector<1x512xf32>
    %max3A_397 = arith.maximumf %add3A_394, %max3A_396 : vector<1x512xf32>
    %get3A_398 = arith.constant 1024 : index
    %get3A_399 = arith.constant 0 : index
    %get3A_400 = vector.load %arg0[%get3A_398, %get3A_399] : memref<2048x512xf32, #tpu.memory_space<vmem>>, vector<64x512xf32>
    %dot_general3A_401 = arith.constant dense<0.000000e+00> : vector<32x512xf32>
    %dot_general3A_402 = tpu.matmul %get3A_1, %get3A_400, %dot_general3A_401 {dimension_numbers = #tpu.dot_dimension_numbers<[0], [0], [1], [1], [0, 1, 1, 1], [], []>, transpose_lhs_hint = false} : vector<64x32xf32>, vector<64x512xf32>, vector<32x512xf32> -> vector<32x512xf32>
    %add3A_403 = vector.broadcast %get3A_10 : vector<32x1xf32> to vector<32x512xf32>
    %add3A_404 = arith.addf %dot_general3A_402, %add3A_403 : vector<32x512xf32>
    %max3A_405 = arith.constant 0.000000e+00 : f32
    %max3A_406 = vector.broadcast %max3A_405 : f32 to vector<32x512xf32>
    %max3A_407 = arith.maximumf %add3A_404, %max3A_406 : vector<32x512xf32>
    %dot_general3A_408 = arith.constant dense<0.000000e+00> : vector<16x512xf32>
    %dot_general3A_409 = tpu.matmul %get3A_4, %max3A_407, %dot_general3A_408 {dimension_numbers = #tpu.dot_dimension_numbers<[0], [0], [1], [1], [0, 1, 1, 1], [], []>, transpose_lhs_hint = false} : vector<32x16xf32>, vector<32x512xf32>, vector<16x512xf32> -> vector<16x512xf32>
    %add3A_410 = vector.broadcast %get3A_13 : vector<16x1xf32> to vector<16x512xf32>
    %add3A_411 = arith.addf %dot_general3A_409, %add3A_410 : vector<16x512xf32>
    %max3A_412 = arith.constant 0.000000e+00 : f32
    %max3A_413 = vector.broadcast %max3A_412 : f32 to vector<16x512xf32>
    %max3A_414 = arith.maximumf %add3A_411, %max3A_413 : vector<16x512xf32>
    %dot_general3A_415 = arith.constant dense<0.000000e+00> : vector<1x512xf32>
    %dot_general3A_416 = tpu.matmul %get3A_7, %max3A_414, %dot_general3A_415 {dimension_numbers = #tpu.dot_dimension_numbers<[0], [0], [1], [1], [0, 1, 1, 1], [], []>, transpose_lhs_hint = false} : vector<16x1xf32>, vector<16x512xf32>, vector<1x512xf32> -> vector<1x512xf32>
    %add3A_417 = vector.broadcast %get3A_16 : vector<1x1xf32> to vector<1x512xf32>
    %add3A_418 = arith.addf %dot_general3A_416, %add3A_417 : vector<1x512xf32>
    %max3A_419 = arith.constant 0.000000e+00 : f32
    %max3A_420 = vector.broadcast %max3A_419 : f32 to vector<1x512xf32>
    %max3A_421 = arith.maximumf %add3A_418, %max3A_420 : vector<1x512xf32>
    %get3A_422 = arith.constant 1088 : index
    %get3A_423 = arith.constant 0 : index
    %get3A_424 = vector.load %arg0[%get3A_422, %get3A_423] : memref<2048x512xf32, #tpu.memory_space<vmem>>, vector<64x512xf32>
    %dot_general3A_425 = arith.constant dense<0.000000e+00> : vector<32x512xf32>
    %dot_general3A_426 = tpu.matmul %get3A_1, %get3A_424, %dot_general3A_425 {dimension_numbers = #tpu.dot_dimension_numbers<[0], [0], [1], [1], [0, 1, 1, 1], [], []>, transpose_lhs_hint = false} : vector<64x32xf32>, vector<64x512xf32>, vector<32x512xf32> -> vector<32x512xf32>
    %add3A_427 = vector.broadcast %get3A_10 : vector<32x1xf32> to vector<32x512xf32>
    %add3A_428 = arith.addf %dot_general3A_426, %add3A_427 : vector<32x512xf32>
    %max3A_429 = arith.constant 0.000000e+00 : f32
    %max3A_430 = vector.broadcast %max3A_429 : f32 to vector<32x512xf32>
    %max3A_431 = arith.maximumf %add3A_428, %max3A_430 : vector<32x512xf32>
    %dot_general3A_432 = arith.constant dense<0.000000e+00> : vector<16x512xf32>
    %dot_general3A_433 = tpu.matmul %get3A_4, %max3A_431, %dot_general3A_432 {dimension_numbers = #tpu.dot_dimension_numbers<[0], [0], [1], [1], [0, 1, 1, 1], [], []>, transpose_lhs_hint = false} : vector<32x16xf32>, vector<32x512xf32>, vector<16x512xf32> -> vector<16x512xf32>
    %add3A_434 = vector.broadcast %get3A_13 : vector<16x1xf32> to vector<16x512xf32>
    %add3A_435 = arith.addf %dot_general3A_433, %add3A_434 : vector<16x512xf32>
    %max3A_436 = arith.constant 0.000000e+00 : f32
    %max3A_437 = vector.broadcast %max3A_436 : f32 to vector<16x512xf32>
    %max3A_438 = arith.maximumf %add3A_435, %max3A_437 : vector<16x512xf32>
    %dot_general3A_439 = arith.constant dense<0.000000e+00> : vector<1x512xf32>
    %dot_general3A_440 = tpu.matmul %get3A_7, %max3A_438, %dot_general3A_439 {dimension_numbers = #tpu.dot_dimension_numbers<[0], [0], [1], [1], [0, 1, 1, 1], [], []>, transpose_lhs_hint = false} : vector<16x1xf32>, vector<16x512xf32>, vector<1x512xf32> -> vector<1x512xf32>
    %add3A_441 = vector.broadcast %get3A_16 : vector<1x1xf32> to vector<1x512xf32>
    %add3A_442 = arith.addf %dot_general3A_440, %add3A_441 : vector<1x512xf32>
    %max3A_443 = arith.constant 0.000000e+00 : f32
    %max3A_444 = vector.broadcast %max3A_443 : f32 to vector<1x512xf32>
    %max3A_445 = arith.maximumf %add3A_442, %max3A_444 : vector<1x512xf32>
    %get3A_446 = arith.constant 1152 : index
    %get3A_447 = arith.constant 0 : index
    %get3A_448 = vector.load %arg0[%get3A_446, %get3A_447] : memref<2048x512xf32, #tpu.memory_space<vmem>>, vector<64x512xf32>
    %dot_general3A_449 = arith.constant dense<0.000000e+00> : vector<32x512xf32>
    %dot_general3A_450 = tpu.matmul %get3A_1, %get3A_448, %dot_general3A_449 {dimension_numbers = #tpu.dot_dimension_numbers<[0], [0], [1], [1], [0, 1, 1, 1], [], []>, transpose_lhs_hint = false} : vector<64x32xf32>, vector<64x512xf32>, vector<32x512xf32> -> vector<32x512xf32>
    %add3A_451 = vector.broadcast %get3A_10 : vector<32x1xf32> to vector<32x512xf32>
    %add3A_452 = arith.addf %dot_general3A_450, %add3A_451 : vector<32x512xf32>
    %max3A_453 = arith.constant 0.000000e+00 : f32
    %max3A_454 = vector.broadcast %max3A_453 : f32 to vector<32x512xf32>
    %max3A_455 = arith.maximumf %add3A_452, %max3A_454 : vector<32x512xf32>
    %dot_general3A_456 = arith.constant dense<0.000000e+00> : vector<16x512xf32>
    %dot_general3A_457 = tpu.matmul %get3A_4, %max3A_455, %dot_general3A_456 {dimension_numbers = #tpu.dot_dimension_numbers<[0], [0], [1], [1], [0, 1, 1, 1], [], []>, transpose_lhs_hint = false} : vector<32x16xf32>, vector<32x512xf32>, vector<16x512xf32> -> vector<16x512xf32>
    %add3A_458 = vector.broadcast %get3A_13 : vector<16x1xf32> to vector<16x512xf32>
    %add3A_459 = arith.addf %dot_general3A_457, %add3A_458 : vector<16x512xf32>
    %max3A_460 = arith.constant 0.000000e+00 : f32
    %max3A_461 = vector.broadcast %max3A_460 : f32 to vector<16x512xf32>
    %max3A_462 = arith.maximumf %add3A_459, %max3A_461 : vector<16x512xf32>
    %dot_general3A_463 = arith.constant dense<0.000000e+00> : vector<1x512xf32>
    %dot_general3A_464 = tpu.matmul %get3A_7, %max3A_462, %dot_general3A_463 {dimension_numbers = #tpu.dot_dimension_numbers<[0], [0], [1], [1], [0, 1, 1, 1], [], []>, transpose_lhs_hint = false} : vector<16x1xf32>, vector<16x512xf32>, vector<1x512xf32> -> vector<1x512xf32>
    %add3A_465 = vector.broadcast %get3A_16 : vector<1x1xf32> to vector<1x512xf32>
    %add3A_466 = arith.addf %dot_general3A_464, %add3A_465 : vector<1x512xf32>
    %max3A_467 = arith.constant 0.000000e+00 : f32
    %max3A_468 = vector.broadcast %max3A_467 : f32 to vector<1x512xf32>
    %max3A_469 = arith.maximumf %add3A_466, %max3A_468 : vector<1x512xf32>
    %get3A_470 = arith.constant 1216 : index
    %get3A_471 = arith.constant 0 : index
    %get3A_472 = vector.load %arg0[%get3A_470, %get3A_471] : memref<2048x512xf32, #tpu.memory_space<vmem>>, vector<64x512xf32>
    %dot_general3A_473 = arith.constant dense<0.000000e+00> : vector<32x512xf32>
    %dot_general3A_474 = tpu.matmul %get3A_1, %get3A_472, %dot_general3A_473 {dimension_numbers = #tpu.dot_dimension_numbers<[0], [0], [1], [1], [0, 1, 1, 1], [], []>, transpose_lhs_hint = false} : vector<64x32xf32>, vector<64x512xf32>, vector<32x512xf32> -> vector<32x512xf32>
    %add3A_475 = vector.broadcast %get3A_10 : vector<32x1xf32> to vector<32x512xf32>
    %add3A_476 = arith.addf %dot_general3A_474, %add3A_475 : vector<32x512xf32>
    %max3A_477 = arith.constant 0.000000e+00 : f32
    %max3A_478 = vector.broadcast %max3A_477 : f32 to vector<32x512xf32>
    %max3A_479 = arith.maximumf %add3A_476, %max3A_478 : vector<32x512xf32>
    %dot_general3A_480 = arith.constant dense<0.000000e+00> : vector<16x512xf32>
    %dot_general3A_481 = tpu.matmul %get3A_4, %max3A_479, %dot_general3A_480 {dimension_numbers = #tpu.dot_dimension_numbers<[0], [0], [1], [1], [0, 1, 1, 1], [], []>, transpose_lhs_hint = false} : vector<32x16xf32>, vector<32x512xf32>, vector<16x512xf32> -> vector<16x512xf32>
    %add3A_482 = vector.broadcast %get3A_13 : vector<16x1xf32> to vector<16x512xf32>
    %add3A_483 = arith.addf %dot_general3A_481, %add3A_482 : vector<16x512xf32>
    %max3A_484 = arith.constant 0.000000e+00 : f32
    %max3A_485 = vector.broadcast %max3A_484 : f32 to vector<16x512xf32>
    %max3A_486 = arith.maximumf %add3A_483, %max3A_485 : vector<16x512xf32>
    %dot_general3A_487 = arith.constant dense<0.000000e+00> : vector<1x512xf32>
    %dot_general3A_488 = tpu.matmul %get3A_7, %max3A_486, %dot_general3A_487 {dimension_numbers = #tpu.dot_dimension_numbers<[0], [0], [1], [1], [0, 1, 1, 1], [], []>, transpose_lhs_hint = false} : vector<16x1xf32>, vector<16x512xf32>, vector<1x512xf32> -> vector<1x512xf32>
    %add3A_489 = vector.broadcast %get3A_16 : vector<1x1xf32> to vector<1x512xf32>
    %add3A_490 = arith.addf %dot_general3A_488, %add3A_489 : vector<1x512xf32>
    %max3A_491 = arith.constant 0.000000e+00 : f32
    %max3A_492 = vector.broadcast %max3A_491 : f32 to vector<1x512xf32>
    %max3A_493 = arith.maximumf %add3A_490, %max3A_492 : vector<1x512xf32>
    %get3A_494 = arith.constant 1280 : index
    %get3A_495 = arith.constant 0 : index
    %get3A_496 = vector.load %arg0[%get3A_494, %get3A_495] : memref<2048x512xf32, #tpu.memory_space<vmem>>, vector<64x512xf32>
    %dot_general3A_497 = arith.constant dense<0.000000e+00> : vector<32x512xf32>
    %dot_general3A_498 = tpu.matmul %get3A_1, %get3A_496, %dot_general3A_497 {dimension_numbers = #tpu.dot_dimension_numbers<[0], [0], [1], [1], [0, 1, 1, 1], [], []>, transpose_lhs_hint = false} : vector<64x32xf32>, vector<64x512xf32>, vector<32x512xf32> -> vector<32x512xf32>
    %add3A_499 = vector.broadcast %get3A_10 : vector<32x1xf32> to vector<32x512xf32>
    %add3A_500 = arith.addf %dot_general3A_498, %add3A_499 : vector<32x512xf32>
    %max3A_501 = arith.constant 0.000000e+00 : f32
    %max3A_502 = vector.broadcast %max3A_501 : f32 to vector<32x512xf32>
    %max3A_503 = arith.maximumf %add3A_500, %max3A_502 : vector<32x512xf32>
    %dot_general3A_504 = arith.constant dense<0.000000e+00> : vector<16x512xf32>
    %dot_general3A_505 = tpu.matmul %get3A_4, %max3A_503, %dot_general3A_504 {dimension_numbers = #tpu.dot_dimension_numbers<[0], [0], [1], [1], [0, 1, 1, 1], [], []>, transpose_lhs_hint = false} : vector<32x16xf32>, vector<32x512xf32>, vector<16x512xf32> -> vector<16x512xf32>
    %add3A_506 = vector.broadcast %get3A_13 : vector<16x1xf32> to vector<16x512xf32>
    %add3A_507 = arith.addf %dot_general3A_505, %add3A_506 : vector<16x512xf32>
    %max3A_508 = arith.constant 0.000000e+00 : f32
    %max3A_509 = vector.broadcast %max3A_508 : f32 to vector<16x512xf32>
    %max3A_510 = arith.maximumf %add3A_507, %max3A_509 : vector<16x512xf32>
    %dot_general3A_511 = arith.constant dense<0.000000e+00> : vector<1x512xf32>
    %dot_general3A_512 = tpu.matmul %get3A_7, %max3A_510, %dot_general3A_511 {dimension_numbers = #tpu.dot_dimension_numbers<[0], [0], [1], [1], [0, 1, 1, 1], [], []>, transpose_lhs_hint = false} : vector<16x1xf32>, vector<16x512xf32>, vector<1x512xf32> -> vector<1x512xf32>
    %add3A_513 = vector.broadcast %get3A_16 : vector<1x1xf32> to vector<1x512xf32>
    %add3A_514 = arith.addf %dot_general3A_512, %add3A_513 : vector<1x512xf32>
    %max3A_515 = arith.constant 0.000000e+00 : f32
    %max3A_516 = vector.broadcast %max3A_515 : f32 to vector<1x512xf32>
    %max3A_517 = arith.maximumf %add3A_514, %max3A_516 : vector<1x512xf32>
    %get3A_518 = arith.constant 1344 : index
    %get3A_519 = arith.constant 0 : index
    %get3A_520 = vector.load %arg0[%get3A_518, %get3A_519] : memref<2048x512xf32, #tpu.memory_space<vmem>>, vector<64x512xf32>
    %dot_general3A_521 = arith.constant dense<0.000000e+00> : vector<32x512xf32>
    %dot_general3A_522 = tpu.matmul %get3A_1, %get3A_520, %dot_general3A_521 {dimension_numbers = #tpu.dot_dimension_numbers<[0], [0], [1], [1], [0, 1, 1, 1], [], []>, transpose_lhs_hint = false} : vector<64x32xf32>, vector<64x512xf32>, vector<32x512xf32> -> vector<32x512xf32>
    %add3A_523 = vector.broadcast %get3A_10 : vector<32x1xf32> to vector<32x512xf32>
    %add3A_524 = arith.addf %dot_general3A_522, %add3A_523 : vector<32x512xf32>
    %max3A_525 = arith.constant 0.000000e+00 : f32
    %max3A_526 = vector.broadcast %max3A_525 : f32 to vector<32x512xf32>
    %max3A_527 = arith.maximumf %add3A_524, %max3A_526 : vector<32x512xf32>
    %dot_general3A_528 = arith.constant dense<0.000000e+00> : vector<16x512xf32>
    %dot_general3A_529 = tpu.matmul %get3A_4, %max3A_527, %dot_general3A_528 {dimension_numbers = #tpu.dot_dimension_numbers<[0], [0], [1], [1], [0, 1, 1, 1], [], []>, transpose_lhs_hint = false} : vector<32x16xf32>, vector<32x512xf32>, vector<16x512xf32> -> vector<16x512xf32>
    %add3A_530 = vector.broadcast %get3A_13 : vector<16x1xf32> to vector<16x512xf32>
    %add3A_531 = arith.addf %dot_general3A_529, %add3A_530 : vector<16x512xf32>
    %max3A_532 = arith.constant 0.000000e+00 : f32
    %max3A_533 = vector.broadcast %max3A_532 : f32 to vector<16x512xf32>
    %max3A_534 = arith.maximumf %add3A_531, %max3A_533 : vector<16x512xf32>
    %dot_general3A_535 = arith.constant dense<0.000000e+00> : vector<1x512xf32>
    %dot_general3A_536 = tpu.matmul %get3A_7, %max3A_534, %dot_general3A_535 {dimension_numbers = #tpu.dot_dimension_numbers<[0], [0], [1], [1], [0, 1, 1, 1], [], []>, transpose_lhs_hint = false} : vector<16x1xf32>, vector<16x512xf32>, vector<1x512xf32> -> vector<1x512xf32>
    %add3A_537 = vector.broadcast %get3A_16 : vector<1x1xf32> to vector<1x512xf32>
    %add3A_538 = arith.addf %dot_general3A_536, %add3A_537 : vector<1x512xf32>
    %max3A_539 = arith.constant 0.000000e+00 : f32
    %max3A_540 = vector.broadcast %max3A_539 : f32 to vector<1x512xf32>
    %max3A_541 = arith.maximumf %add3A_538, %max3A_540 : vector<1x512xf32>
    %get3A_542 = arith.constant 1408 : index
    %get3A_543 = arith.constant 0 : index
    %get3A_544 = vector.load %arg0[%get3A_542, %get3A_543] : memref<2048x512xf32, #tpu.memory_space<vmem>>, vector<64x512xf32>
    %dot_general3A_545 = arith.constant dense<0.000000e+00> : vector<32x512xf32>
    %dot_general3A_546 = tpu.matmul %get3A_1, %get3A_544, %dot_general3A_545 {dimension_numbers = #tpu.dot_dimension_numbers<[0], [0], [1], [1], [0, 1, 1, 1], [], []>, transpose_lhs_hint = false} : vector<64x32xf32>, vector<64x512xf32>, vector<32x512xf32> -> vector<32x512xf32>
    %add3A_547 = vector.broadcast %get3A_10 : vector<32x1xf32> to vector<32x512xf32>
    %add3A_548 = arith.addf %dot_general3A_546, %add3A_547 : vector<32x512xf32>
    %max3A_549 = arith.constant 0.000000e+00 : f32
    %max3A_550 = vector.broadcast %max3A_549 : f32 to vector<32x512xf32>
    %max3A_551 = arith.maximumf %add3A_548, %max3A_550 : vector<32x512xf32>
    %dot_general3A_552 = arith.constant dense<0.000000e+00> : vector<16x512xf32>
    %dot_general3A_553 = tpu.matmul %get3A_4, %max3A_551, %dot_general3A_552 {dimension_numbers = #tpu.dot_dimension_numbers<[0], [0], [1], [1], [0, 1, 1, 1], [], []>, transpose_lhs_hint = false} : vector<32x16xf32>, vector<32x512xf32>, vector<16x512xf32> -> vector<16x512xf32>
    %add3A_554 = vector.broadcast %get3A_13 : vector<16x1xf32> to vector<16x512xf32>
    %add3A_555 = arith.addf %dot_general3A_553, %add3A_554 : vector<16x512xf32>
    %max3A_556 = arith.constant 0.000000e+00 : f32
    %max3A_557 = vector.broadcast %max3A_556 : f32 to vector<16x512xf32>
    %max3A_558 = arith.maximumf %add3A_555, %max3A_557 : vector<16x512xf32>
    %dot_general3A_559 = arith.constant dense<0.000000e+00> : vector<1x512xf32>
    %dot_general3A_560 = tpu.matmul %get3A_7, %max3A_558, %dot_general3A_559 {dimension_numbers = #tpu.dot_dimension_numbers<[0], [0], [1], [1], [0, 1, 1, 1], [], []>, transpose_lhs_hint = false} : vector<16x1xf32>, vector<16x512xf32>, vector<1x512xf32> -> vector<1x512xf32>
    %add3A_561 = vector.broadcast %get3A_16 : vector<1x1xf32> to vector<1x512xf32>
    %add3A_562 = arith.addf %dot_general3A_560, %add3A_561 : vector<1x512xf32>
    %max3A_563 = arith.constant 0.000000e+00 : f32
    %max3A_564 = vector.broadcast %max3A_563 : f32 to vector<1x512xf32>
    %max3A_565 = arith.maximumf %add3A_562, %max3A_564 : vector<1x512xf32>
    %get3A_566 = arith.constant 1472 : index
    %get3A_567 = arith.constant 0 : index
    %get3A_568 = vector.load %arg0[%get3A_566, %get3A_567] : memref<2048x512xf32, #tpu.memory_space<vmem>>, vector<64x512xf32>
    %dot_general3A_569 = arith.constant dense<0.000000e+00> : vector<32x512xf32>
    %dot_general3A_570 = tpu.matmul %get3A_1, %get3A_568, %dot_general3A_569 {dimension_numbers = #tpu.dot_dimension_numbers<[0], [0], [1], [1], [0, 1, 1, 1], [], []>, transpose_lhs_hint = false} : vector<64x32xf32>, vector<64x512xf32>, vector<32x512xf32> -> vector<32x512xf32>
    %add3A_571 = vector.broadcast %get3A_10 : vector<32x1xf32> to vector<32x512xf32>
    %add3A_572 = arith.addf %dot_general3A_570, %add3A_571 : vector<32x512xf32>
    %max3A_573 = arith.constant 0.000000e+00 : f32
    %max3A_574 = vector.broadcast %max3A_573 : f32 to vector<32x512xf32>
    %max3A_575 = arith.maximumf %add3A_572, %max3A_574 : vector<32x512xf32>
    %dot_general3A_576 = arith.constant dense<0.000000e+00> : vector<16x512xf32>
    %dot_general3A_577 = tpu.matmul %get3A_4, %max3A_575, %dot_general3A_576 {dimension_numbers = #tpu.dot_dimension_numbers<[0], [0], [1], [1], [0, 1, 1, 1], [], []>, transpose_lhs_hint = false} : vector<32x16xf32>, vector<32x512xf32>, vector<16x512xf32> -> vector<16x512xf32>
    %add3A_578 = vector.broadcast %get3A_13 : vector<16x1xf32> to vector<16x512xf32>
    %add3A_579 = arith.addf %dot_general3A_577, %add3A_578 : vector<16x512xf32>
    %max3A_580 = arith.constant 0.000000e+00 : f32
    %max3A_581 = vector.broadcast %max3A_580 : f32 to vector<16x512xf32>
    %max3A_582 = arith.maximumf %add3A_579, %max3A_581 : vector<16x512xf32>
    %dot_general3A_583 = arith.constant dense<0.000000e+00> : vector<1x512xf32>
    %dot_general3A_584 = tpu.matmul %get3A_7, %max3A_582, %dot_general3A_583 {dimension_numbers = #tpu.dot_dimension_numbers<[0], [0], [1], [1], [0, 1, 1, 1], [], []>, transpose_lhs_hint = false} : vector<16x1xf32>, vector<16x512xf32>, vector<1x512xf32> -> vector<1x512xf32>
    %add3A_585 = vector.broadcast %get3A_16 : vector<1x1xf32> to vector<1x512xf32>
    %add3A_586 = arith.addf %dot_general3A_584, %add3A_585 : vector<1x512xf32>
    %max3A_587 = arith.constant 0.000000e+00 : f32
    %max3A_588 = vector.broadcast %max3A_587 : f32 to vector<1x512xf32>
    %max3A_589 = arith.maximumf %add3A_586, %max3A_588 : vector<1x512xf32>
    %get3A_590 = arith.constant 1536 : index
    %get3A_591 = arith.constant 0 : index
    %get3A_592 = vector.load %arg0[%get3A_590, %get3A_591] : memref<2048x512xf32, #tpu.memory_space<vmem>>, vector<64x512xf32>
    %dot_general3A_593 = arith.constant dense<0.000000e+00> : vector<32x512xf32>
    %dot_general3A_594 = tpu.matmul %get3A_1, %get3A_592, %dot_general3A_593 {dimension_numbers = #tpu.dot_dimension_numbers<[0], [0], [1], [1], [0, 1, 1, 1], [], []>, transpose_lhs_hint = false} : vector<64x32xf32>, vector<64x512xf32>, vector<32x512xf32> -> vector<32x512xf32>
    %add3A_595 = vector.broadcast %get3A_10 : vector<32x1xf32> to vector<32x512xf32>
    %add3A_596 = arith.addf %dot_general3A_594, %add3A_595 : vector<32x512xf32>
    %max3A_597 = arith.constant 0.000000e+00 : f32
    %max3A_598 = vector.broadcast %max3A_597 : f32 to vector<32x512xf32>
    %max3A_599 = arith.maximumf %add3A_596, %max3A_598 : vector<32x512xf32>
    %dot_general3A_600 = arith.constant dense<0.000000e+00> : vector<16x512xf32>
    %dot_general3A_601 = tpu.matmul %get3A_4, %max3A_599, %dot_general3A_600 {dimension_numbers = #tpu.dot_dimension_numbers<[0], [0], [1], [1], [0, 1, 1, 1], [], []>, transpose_lhs_hint = false} : vector<32x16xf32>, vector<32x512xf32>, vector<16x512xf32> -> vector<16x512xf32>
    %add3A_602 = vector.broadcast %get3A_13 : vector<16x1xf32> to vector<16x512xf32>
    %add3A_603 = arith.addf %dot_general3A_601, %add3A_602 : vector<16x512xf32>
    %max3A_604 = arith.constant 0.000000e+00 : f32
    %max3A_605 = vector.broadcast %max3A_604 : f32 to vector<16x512xf32>
    %max3A_606 = arith.maximumf %add3A_603, %max3A_605 : vector<16x512xf32>
    %dot_general3A_607 = arith.constant dense<0.000000e+00> : vector<1x512xf32>
    %dot_general3A_608 = tpu.matmul %get3A_7, %max3A_606, %dot_general3A_607 {dimension_numbers = #tpu.dot_dimension_numbers<[0], [0], [1], [1], [0, 1, 1, 1], [], []>, transpose_lhs_hint = false} : vector<16x1xf32>, vector<16x512xf32>, vector<1x512xf32> -> vector<1x512xf32>
    %add3A_609 = vector.broadcast %get3A_16 : vector<1x1xf32> to vector<1x512xf32>
    %add3A_610 = arith.addf %dot_general3A_608, %add3A_609 : vector<1x512xf32>
    %max3A_611 = arith.constant 0.000000e+00 : f32
    %max3A_612 = vector.broadcast %max3A_611 : f32 to vector<1x512xf32>
    %max3A_613 = arith.maximumf %add3A_610, %max3A_612 : vector<1x512xf32>
    %get3A_614 = arith.constant 1600 : index
    %get3A_615 = arith.constant 0 : index
    %get3A_616 = vector.load %arg0[%get3A_614, %get3A_615] : memref<2048x512xf32, #tpu.memory_space<vmem>>, vector<64x512xf32>
    %dot_general3A_617 = arith.constant dense<0.000000e+00> : vector<32x512xf32>
    %dot_general3A_618 = tpu.matmul %get3A_1, %get3A_616, %dot_general3A_617 {dimension_numbers = #tpu.dot_dimension_numbers<[0], [0], [1], [1], [0, 1, 1, 1], [], []>, transpose_lhs_hint = false} : vector<64x32xf32>, vector<64x512xf32>, vector<32x512xf32> -> vector<32x512xf32>
    %add3A_619 = vector.broadcast %get3A_10 : vector<32x1xf32> to vector<32x512xf32>
    %add3A_620 = arith.addf %dot_general3A_618, %add3A_619 : vector<32x512xf32>
    %max3A_621 = arith.constant 0.000000e+00 : f32
    %max3A_622 = vector.broadcast %max3A_621 : f32 to vector<32x512xf32>
    %max3A_623 = arith.maximumf %add3A_620, %max3A_622 : vector<32x512xf32>
    %dot_general3A_624 = arith.constant dense<0.000000e+00> : vector<16x512xf32>
    %dot_general3A_625 = tpu.matmul %get3A_4, %max3A_623, %dot_general3A_624 {dimension_numbers = #tpu.dot_dimension_numbers<[0], [0], [1], [1], [0, 1, 1, 1], [], []>, transpose_lhs_hint = false} : vector<32x16xf32>, vector<32x512xf32>, vector<16x512xf32> -> vector<16x512xf32>
    %add3A_626 = vector.broadcast %get3A_13 : vector<16x1xf32> to vector<16x512xf32>
    %add3A_627 = arith.addf %dot_general3A_625, %add3A_626 : vector<16x512xf32>
    %max3A_628 = arith.constant 0.000000e+00 : f32
    %max3A_629 = vector.broadcast %max3A_628 : f32 to vector<16x512xf32>
    %max3A_630 = arith.maximumf %add3A_627, %max3A_629 : vector<16x512xf32>
    %dot_general3A_631 = arith.constant dense<0.000000e+00> : vector<1x512xf32>
    %dot_general3A_632 = tpu.matmul %get3A_7, %max3A_630, %dot_general3A_631 {dimension_numbers = #tpu.dot_dimension_numbers<[0], [0], [1], [1], [0, 1, 1, 1], [], []>, transpose_lhs_hint = false} : vector<16x1xf32>, vector<16x512xf32>, vector<1x512xf32> -> vector<1x512xf32>
    %add3A_633 = vector.broadcast %get3A_16 : vector<1x1xf32> to vector<1x512xf32>
    %add3A_634 = arith.addf %dot_general3A_632, %add3A_633 : vector<1x512xf32>
    %max3A_635 = arith.constant 0.000000e+00 : f32
    %max3A_636 = vector.broadcast %max3A_635 : f32 to vector<1x512xf32>
    %max3A_637 = arith.maximumf %add3A_634, %max3A_636 : vector<1x512xf32>
    %get3A_638 = arith.constant 1664 : index
    %get3A_639 = arith.constant 0 : index
    %get3A_640 = vector.load %arg0[%get3A_638, %get3A_639] : memref<2048x512xf32, #tpu.memory_space<vmem>>, vector<64x512xf32>
    %dot_general3A_641 = arith.constant dense<0.000000e+00> : vector<32x512xf32>
    %dot_general3A_642 = tpu.matmul %get3A_1, %get3A_640, %dot_general3A_641 {dimension_numbers = #tpu.dot_dimension_numbers<[0], [0], [1], [1], [0, 1, 1, 1], [], []>, transpose_lhs_hint = false} : vector<64x32xf32>, vector<64x512xf32>, vector<32x512xf32> -> vector<32x512xf32>
    %add3A_643 = vector.broadcast %get3A_10 : vector<32x1xf32> to vector<32x512xf32>
    %add3A_644 = arith.addf %dot_general3A_642, %add3A_643 : vector<32x512xf32>
    %max3A_645 = arith.constant 0.000000e+00 : f32
    %max3A_646 = vector.broadcast %max3A_645 : f32 to vector<32x512xf32>
    %max3A_647 = arith.maximumf %add3A_644, %max3A_646 : vector<32x512xf32>
    %dot_general3A_648 = arith.constant dense<0.000000e+00> : vector<16x512xf32>
    %dot_general3A_649 = tpu.matmul %get3A_4, %max3A_647, %dot_general3A_648 {dimension_numbers = #tpu.dot_dimension_numbers<[0], [0], [1], [1], [0, 1, 1, 1], [], []>, transpose_lhs_hint = false} : vector<32x16xf32>, vector<32x512xf32>, vector<16x512xf32> -> vector<16x512xf32>
    %add3A_650 = vector.broadcast %get3A_13 : vector<16x1xf32> to vector<16x512xf32>
    %add3A_651 = arith.addf %dot_general3A_649, %add3A_650 : vector<16x512xf32>
    %max3A_652 = arith.constant 0.000000e+00 : f32
    %max3A_653 = vector.broadcast %max3A_652 : f32 to vector<16x512xf32>
    %max3A_654 = arith.maximumf %add3A_651, %max3A_653 : vector<16x512xf32>
    %dot_general3A_655 = arith.constant dense<0.000000e+00> : vector<1x512xf32>
    %dot_general3A_656 = tpu.matmul %get3A_7, %max3A_654, %dot_general3A_655 {dimension_numbers = #tpu.dot_dimension_numbers<[0], [0], [1], [1], [0, 1, 1, 1], [], []>, transpose_lhs_hint = false} : vector<16x1xf32>, vector<16x512xf32>, vector<1x512xf32> -> vector<1x512xf32>
    %add3A_657 = vector.broadcast %get3A_16 : vector<1x1xf32> to vector<1x512xf32>
    %add3A_658 = arith.addf %dot_general3A_656, %add3A_657 : vector<1x512xf32>
    %max3A_659 = arith.constant 0.000000e+00 : f32
    %max3A_660 = vector.broadcast %max3A_659 : f32 to vector<1x512xf32>
    %max3A_661 = arith.maximumf %add3A_658, %max3A_660 : vector<1x512xf32>
    %get3A_662 = arith.constant 1728 : index
    %get3A_663 = arith.constant 0 : index
    %get3A_664 = vector.load %arg0[%get3A_662, %get3A_663] : memref<2048x512xf32, #tpu.memory_space<vmem>>, vector<64x512xf32>
    %dot_general3A_665 = arith.constant dense<0.000000e+00> : vector<32x512xf32>
    %dot_general3A_666 = tpu.matmul %get3A_1, %get3A_664, %dot_general3A_665 {dimension_numbers = #tpu.dot_dimension_numbers<[0], [0], [1], [1], [0, 1, 1, 1], [], []>, transpose_lhs_hint = false} : vector<64x32xf32>, vector<64x512xf32>, vector<32x512xf32> -> vector<32x512xf32>
    %add3A_667 = vector.broadcast %get3A_10 : vector<32x1xf32> to vector<32x512xf32>
    %add3A_668 = arith.addf %dot_general3A_666, %add3A_667 : vector<32x512xf32>
    %max3A_669 = arith.constant 0.000000e+00 : f32
    %max3A_670 = vector.broadcast %max3A_669 : f32 to vector<32x512xf32>
    %max3A_671 = arith.maximumf %add3A_668, %max3A_670 : vector<32x512xf32>
    %dot_general3A_672 = arith.constant dense<0.000000e+00> : vector<16x512xf32>
    %dot_general3A_673 = tpu.matmul %get3A_4, %max3A_671, %dot_general3A_672 {dimension_numbers = #tpu.dot_dimension_numbers<[0], [0], [1], [1], [0, 1, 1, 1], [], []>, transpose_lhs_hint = false} : vector<32x16xf32>, vector<32x512xf32>, vector<16x512xf32> -> vector<16x512xf32>
    %add3A_674 = vector.broadcast %get3A_13 : vector<16x1xf32> to vector<16x512xf32>
    %add3A_675 = arith.addf %dot_general3A_673, %add3A_674 : vector<16x512xf32>
    %max3A_676 = arith.constant 0.000000e+00 : f32
    %max3A_677 = vector.broadcast %max3A_676 : f32 to vector<16x512xf32>
    %max3A_678 = arith.maximumf %add3A_675, %max3A_677 : vector<16x512xf32>
    %dot_general3A_679 = arith.constant dense<0.000000e+00> : vector<1x512xf32>
    %dot_general3A_680 = tpu.matmul %get3A_7, %max3A_678, %dot_general3A_679 {dimension_numbers = #tpu.dot_dimension_numbers<[0], [0], [1], [1], [0, 1, 1, 1], [], []>, transpose_lhs_hint = false} : vector<16x1xf32>, vector<16x512xf32>, vector<1x512xf32> -> vector<1x512xf32>
    %add3A_681 = vector.broadcast %get3A_16 : vector<1x1xf32> to vector<1x512xf32>
    %add3A_682 = arith.addf %dot_general3A_680, %add3A_681 : vector<1x512xf32>
    %max3A_683 = arith.constant 0.000000e+00 : f32
    %max3A_684 = vector.broadcast %max3A_683 : f32 to vector<1x512xf32>
    %max3A_685 = arith.maximumf %add3A_682, %max3A_684 : vector<1x512xf32>
    %get3A_686 = arith.constant 1792 : index
    %get3A_687 = arith.constant 0 : index
    %get3A_688 = vector.load %arg0[%get3A_686, %get3A_687] : memref<2048x512xf32, #tpu.memory_space<vmem>>, vector<64x512xf32>
    %dot_general3A_689 = arith.constant dense<0.000000e+00> : vector<32x512xf32>
    %dot_general3A_690 = tpu.matmul %get3A_1, %get3A_688, %dot_general3A_689 {dimension_numbers = #tpu.dot_dimension_numbers<[0], [0], [1], [1], [0, 1, 1, 1], [], []>, transpose_lhs_hint = false} : vector<64x32xf32>, vector<64x512xf32>, vector<32x512xf32> -> vector<32x512xf32>
    %add3A_691 = vector.broadcast %get3A_10 : vector<32x1xf32> to vector<32x512xf32>
    %add3A_692 = arith.addf %dot_general3A_690, %add3A_691 : vector<32x512xf32>
    %max3A_693 = arith.constant 0.000000e+00 : f32
    %max3A_694 = vector.broadcast %max3A_693 : f32 to vector<32x512xf32>
    %max3A_695 = arith.maximumf %add3A_692, %max3A_694 : vector<32x512xf32>
    %dot_general3A_696 = arith.constant dense<0.000000e+00> : vector<16x512xf32>
    %dot_general3A_697 = tpu.matmul %get3A_4, %max3A_695, %dot_general3A_696 {dimension_numbers = #tpu.dot_dimension_numbers<[0], [0], [1], [1], [0, 1, 1, 1], [], []>, transpose_lhs_hint = false} : vector<32x16xf32>, vector<32x512xf32>, vector<16x512xf32> -> vector<16x512xf32>
    %add3A_698 = vector.broadcast %get3A_13 : vector<16x1xf32> to vector<16x512xf32>
    %add3A_699 = arith.addf %dot_general3A_697, %add3A_698 : vector<16x512xf32>
    %max3A_700 = arith.constant 0.000000e+00 : f32
    %max3A_701 = vector.broadcast %max3A_700 : f32 to vector<16x512xf32>
    %max3A_702 = arith.maximumf %add3A_699, %max3A_701 : vector<16x512xf32>
    %dot_general3A_703 = arith.constant dense<0.000000e+00> : vector<1x512xf32>
    %dot_general3A_704 = tpu.matmul %get3A_7, %max3A_702, %dot_general3A_703 {dimension_numbers = #tpu.dot_dimension_numbers<[0], [0], [1], [1], [0, 1, 1, 1], [], []>, transpose_lhs_hint = false} : vector<16x1xf32>, vector<16x512xf32>, vector<1x512xf32> -> vector<1x512xf32>
    %add3A_705 = vector.broadcast %get3A_16 : vector<1x1xf32> to vector<1x512xf32>
    %add3A_706 = arith.addf %dot_general3A_704, %add3A_705 : vector<1x512xf32>
    %max3A_707 = arith.constant 0.000000e+00 : f32
    %max3A_708 = vector.broadcast %max3A_707 : f32 to vector<1x512xf32>
    %max3A_709 = arith.maximumf %add3A_706, %max3A_708 : vector<1x512xf32>
    %get3A_710 = arith.constant 1856 : index
    %get3A_711 = arith.constant 0 : index
    %get3A_712 = vector.load %arg0[%get3A_710, %get3A_711] : memref<2048x512xf32, #tpu.memory_space<vmem>>, vector<64x512xf32>
    %dot_general3A_713 = arith.constant dense<0.000000e+00> : vector<32x512xf32>
    %dot_general3A_714 = tpu.matmul %get3A_1, %get3A_712, %dot_general3A_713 {dimension_numbers = #tpu.dot_dimension_numbers<[0], [0], [1], [1], [0, 1, 1, 1], [], []>, transpose_lhs_hint = false} : vector<64x32xf32>, vector<64x512xf32>, vector<32x512xf32> -> vector<32x512xf32>
    %add3A_715 = vector.broadcast %get3A_10 : vector<32x1xf32> to vector<32x512xf32>
    %add3A_716 = arith.addf %dot_general3A_714, %add3A_715 : vector<32x512xf32>
    %max3A_717 = arith.constant 0.000000e+00 : f32
    %max3A_718 = vector.broadcast %max3A_717 : f32 to vector<32x512xf32>
    %max3A_719 = arith.maximumf %add3A_716, %max3A_718 : vector<32x512xf32>
    %dot_general3A_720 = arith.constant dense<0.000000e+00> : vector<16x512xf32>
    %dot_general3A_721 = tpu.matmul %get3A_4, %max3A_719, %dot_general3A_720 {dimension_numbers = #tpu.dot_dimension_numbers<[0], [0], [1], [1], [0, 1, 1, 1], [], []>, transpose_lhs_hint = false} : vector<32x16xf32>, vector<32x512xf32>, vector<16x512xf32> -> vector<16x512xf32>
    %add3A_722 = vector.broadcast %get3A_13 : vector<16x1xf32> to vector<16x512xf32>
    %add3A_723 = arith.addf %dot_general3A_721, %add3A_722 : vector<16x512xf32>
    %max3A_724 = arith.constant 0.000000e+00 : f32
    %max3A_725 = vector.broadcast %max3A_724 : f32 to vector<16x512xf32>
    %max3A_726 = arith.maximumf %add3A_723, %max3A_725 : vector<16x512xf32>
    %dot_general3A_727 = arith.constant dense<0.000000e+00> : vector<1x512xf32>
    %dot_general3A_728 = tpu.matmul %get3A_7, %max3A_726, %dot_general3A_727 {dimension_numbers = #tpu.dot_dimension_numbers<[0], [0], [1], [1], [0, 1, 1, 1], [], []>, transpose_lhs_hint = false} : vector<16x1xf32>, vector<16x512xf32>, vector<1x512xf32> -> vector<1x512xf32>
    %add3A_729 = vector.broadcast %get3A_16 : vector<1x1xf32> to vector<1x512xf32>
    %add3A_730 = arith.addf %dot_general3A_728, %add3A_729 : vector<1x512xf32>
    %max3A_731 = arith.constant 0.000000e+00 : f32
    %max3A_732 = vector.broadcast %max3A_731 : f32 to vector<1x512xf32>
    %max3A_733 = arith.maximumf %add3A_730, %max3A_732 : vector<1x512xf32>
    %get3A_734 = arith.constant 1920 : index
    %get3A_735 = arith.constant 0 : index
    %get3A_736 = vector.load %arg0[%get3A_734, %get3A_735] : memref<2048x512xf32, #tpu.memory_space<vmem>>, vector<64x512xf32>
    %dot_general3A_737 = arith.constant dense<0.000000e+00> : vector<32x512xf32>
    %dot_general3A_738 = tpu.matmul %get3A_1, %get3A_736, %dot_general3A_737 {dimension_numbers = #tpu.dot_dimension_numbers<[0], [0], [1], [1], [0, 1, 1, 1], [], []>, transpose_lhs_hint = false} : vector<64x32xf32>, vector<64x512xf32>, vector<32x512xf32> -> vector<32x512xf32>
    %add3A_739 = vector.broadcast %get3A_10 : vector<32x1xf32> to vector<32x512xf32>
    %add3A_740 = arith.addf %dot_general3A_738, %add3A_739 : vector<32x512xf32>
    %max3A_741 = arith.constant 0.000000e+00 : f32
    %max3A_742 = vector.broadcast %max3A_741 : f32 to vector<32x512xf32>
    %max3A_743 = arith.maximumf %add3A_740, %max3A_742 : vector<32x512xf32>
    %dot_general3A_744 = arith.constant dense<0.000000e+00> : vector<16x512xf32>
    %dot_general3A_745 = tpu.matmul %get3A_4, %max3A_743, %dot_general3A_744 {dimension_numbers = #tpu.dot_dimension_numbers<[0], [0], [1], [1], [0, 1, 1, 1], [], []>, transpose_lhs_hint = false} : vector<32x16xf32>, vector<32x512xf32>, vector<16x512xf32> -> vector<16x512xf32>
    %add3A_746 = vector.broadcast %get3A_13 : vector<16x1xf32> to vector<16x512xf32>
    %add3A_747 = arith.addf %dot_general3A_745, %add3A_746 : vector<16x512xf32>
    %max3A_748 = arith.constant 0.000000e+00 : f32
    %max3A_749 = vector.broadcast %max3A_748 : f32 to vector<16x512xf32>
    %max3A_750 = arith.maximumf %add3A_747, %max3A_749 : vector<16x512xf32>
    %dot_general3A_751 = arith.constant dense<0.000000e+00> : vector<1x512xf32>
    %dot_general3A_752 = tpu.matmul %get3A_7, %max3A_750, %dot_general3A_751 {dimension_numbers = #tpu.dot_dimension_numbers<[0], [0], [1], [1], [0, 1, 1, 1], [], []>, transpose_lhs_hint = false} : vector<16x1xf32>, vector<16x512xf32>, vector<1x512xf32> -> vector<1x512xf32>
    %add3A_753 = vector.broadcast %get3A_16 : vector<1x1xf32> to vector<1x512xf32>
    %add3A_754 = arith.addf %dot_general3A_752, %add3A_753 : vector<1x512xf32>
    %max3A_755 = arith.constant 0.000000e+00 : f32
    %max3A_756 = vector.broadcast %max3A_755 : f32 to vector<1x512xf32>
    %max3A_757 = arith.maximumf %add3A_754, %max3A_756 : vector<1x512xf32>
    %get3A_758 = arith.constant 1984 : index
    %get3A_759 = arith.constant 0 : index
    %get3A_760 = vector.load %arg0[%get3A_758, %get3A_759] : memref<2048x512xf32, #tpu.memory_space<vmem>>, vector<64x512xf32>
    %dot_general3A_761 = arith.constant dense<0.000000e+00> : vector<32x512xf32>
    %dot_general3A_762 = tpu.matmul %get3A_1, %get3A_760, %dot_general3A_761 {dimension_numbers = #tpu.dot_dimension_numbers<[0], [0], [1], [1], [0, 1, 1, 1], [], []>, transpose_lhs_hint = false} : vector<64x32xf32>, vector<64x512xf32>, vector<32x512xf32> -> vector<32x512xf32>
    %add3A_763 = vector.broadcast %get3A_10 : vector<32x1xf32> to vector<32x512xf32>
    %add3A_764 = arith.addf %dot_general3A_762, %add3A_763 : vector<32x512xf32>
    %max3A_765 = arith.constant 0.000000e+00 : f32
    %max3A_766 = vector.broadcast %max3A_765 : f32 to vector<32x512xf32>
    %max3A_767 = arith.maximumf %add3A_764, %max3A_766 : vector<32x512xf32>
    %dot_general3A_768 = arith.constant dense<0.000000e+00> : vector<16x512xf32>
    %dot_general3A_769 = tpu.matmul %get3A_4, %max3A_767, %dot_general3A_768 {dimension_numbers = #tpu.dot_dimension_numbers<[0], [0], [1], [1], [0, 1, 1, 1], [], []>, transpose_lhs_hint = false} : vector<32x16xf32>, vector<32x512xf32>, vector<16x512xf32> -> vector<16x512xf32>
    %add3A_770 = vector.broadcast %get3A_13 : vector<16x1xf32> to vector<16x512xf32>
    %add3A_771 = arith.addf %dot_general3A_769, %add3A_770 : vector<16x512xf32>
    %max3A_772 = arith.constant 0.000000e+00 : f32
    %max3A_773 = vector.broadcast %max3A_772 : f32 to vector<16x512xf32>
    %max3A_774 = arith.maximumf %add3A_771, %max3A_773 : vector<16x512xf32>
    %dot_general3A_775 = arith.constant dense<0.000000e+00> : vector<1x512xf32>
    %dot_general3A_776 = tpu.matmul %get3A_7, %max3A_774, %dot_general3A_775 {dimension_numbers = #tpu.dot_dimension_numbers<[0], [0], [1], [1], [0, 1, 1, 1], [], []>, transpose_lhs_hint = false} : vector<16x1xf32>, vector<16x512xf32>, vector<1x512xf32> -> vector<1x512xf32>
    %add3A_777 = vector.broadcast %get3A_16 : vector<1x1xf32> to vector<1x512xf32>
    %add3A_778 = arith.addf %dot_general3A_776, %add3A_777 : vector<1x512xf32>
    %max3A_779 = arith.constant 0.000000e+00 : f32
    %max3A_780 = vector.broadcast %max3A_779 : f32 to vector<1x512xf32>
    %max3A_781 = arith.maximumf %add3A_778, %max3A_780 : vector<1x512xf32>
    %concatenate3A = tpu.concatenate %max3A_37, %max3A_61, %max3A_85, %max3A_109, %max3A_133, %max3A_157, %max3A_181, %max3A_205, %max3A_229, %max3A_253, %max3A_277, %max3A_301, %max3A_325, %max3A_349, %max3A_373, %max3A_397, %max3A_421, %max3A_445, %max3A_469, %max3A_493, %max3A_517, %max3A_541, %max3A_565, %max3A_589, %max3A_613, %max3A_637, %max3A_661, %max3A_685, %max3A_709, %max3A_733, %max3A_757, %max3A_781 in 0 : vector<1x512xf32>, vector<1x512xf32>, vector<1x512xf32>, vector<1x512xf32>, vector<1x512xf32>, vector<1x512xf32>, vector<1x512xf32>, vector<1x512xf32>, vector<1x512xf32>, vector<1x512xf32>, vector<1x512xf32>, vector<1x512xf32>, vector<1x512xf32>, vector<1x512xf32>, vector<1x512xf32>, vector<1x512xf32>, vector<1x512xf32>, vector<1x512xf32>, vector<1x512xf32>, vector<1x512xf32>, vector<1x512xf32>, vector<1x512xf32>, vector<1x512xf32>, vector<1x512xf32>, vector<1x512xf32>, vector<1x512xf32>, vector<1x512xf32>, vector<1x512xf32>, vector<1x512xf32>, vector<1x512xf32>, vector<1x512xf32>, vector<1x512xf32> -> vector<32x512xf32>
    %swap3A = arith.constant 0 : index
    %swap3A_782 = arith.constant 0 : index
    %swap3A_783 = vector.load %arg7[%swap3A, %swap3A_782] : memref<32x512xf32, #tpu.memory_space<vmem>>, vector<32x512xf32>
    tpu.vector_store %arg7[%swap3A, %swap3A_782], %concatenate3A {strides = array<i32>} : memref<32x512xf32, #tpu.memory_space<vmem>>, vector<32x512xf32>,
    return
  }
}

</mosaic_0001>

<sc_bundles>
// kernel: kernel.4.cloned.1.call-start
scs
__scs_entry_jumppad:
0x0: {  	(pc) =	sbr.rel $0x88, $3  }
0x1: {  	(tag) =	ssettag $0x0;
	lr =	simm.s32 $0x1  }
0x2: {  	[smem:$0x3F97] =	sst lr;
	_ =	strace $0xD0000000  }
0x3: {  	_ = 	snop  }
0x4: {  	_ = 	snop  }
0x5: {  	_ = 	snop  }
0x6: {  	_ = 	snop  }
0x7: {  	_ = 	snop  }
__scs_overlays_trampoline_lowered:
0x8: {  	[smem:$0x3FA6] =	sst s0  }
0x9: {  	[smem:$0x3FA7] =	sst s1  }
0xa: {  	[smem:$0x3FA8] =	sst s2  }
0xb: {  	[smem:$0x3FA9] =	sst s3  }
0xc: {  	[smem:$0x3FAA] =	sst s4  }
0xd: {  	[smem:$0x3FAB] =	sst s5  }
0xe: {  	[smem:$0x3FAC] =	sst s6  }
0xf: {  	[smem:$0x3FAD] =	sst s7  }
0x10: {  	[smem:$0x3FAE] =	sst s8  }
0x11: {  	[smem:$0x3FAF] =	sst s9;
	s0 =	simm.s32 @!p0 $0x0  }
0x12: {  	s1 =	sld [smem:$0x3F95];
	s0 =	simm.s32 @p0 $0x1  }
0x13: {  	[smem:$0x3FB0] =	sst s0;
	s0 =	simm.s32 @!p1 $0x0  }
0x14: {  	s2 =	sld [smem:$0x3F94];
	s0 =	simm.s32 @p1 $0x1  }
0x15: {  	[smem:$0x3FB1] =	sst s0;
	s0 =	simm.s32 @!p2 $0x0  }
0x16: {  	s3 =	sld [smem:$0x3FDB];
	s0 =	simm.s32 @p2 $0x1  }
0x17: {  	s4 =	simm.s32 $0x1BF5;
	[smem:$0x3FB3] =	sst s0  }
0x18: {  	s0 =	sld [smem:$0x3F96];
	_ =	swait.ge [sflag:s4], $0x0  }
0x19: {  	s7 =	sld [smem:$0x3F97]  }
0x1a: {  	s8 =	sadd.s32 $0xFFFFE003, lr  }
0x1b: {  	s9 =	sadd.s32 $0xFFFFFEF7, lr;
	s5 =	simm.s32 $0xFFFFFFFF;
	p2 =	slt.u32 s8, $0xFFFFF086  }
0x1c: {  	p1 =	slt.u32 s9, $0xF7A;
	s5 =	simm.s32 @!p2 $0x0  }
0x1d: {  	s5 =	simm.s32 @p1 $0x1;
	p0 =	seq.s32 s7, s2  }
0x1e: {  	s7 =	smul.u32 @!p0 $0xF7A, s2;
	p2 =	seq.s32 @!p0 s5, $0x0  }
0x1f: {  	s9 =	smul.u32 $0xF7A, s1;
	s8 =	simm.s32 @!p0 $0x1BF5;
	p2 =	por !p2, p0  }
0x20: {  	[sflag:s8] =	ssyncset.s32 @!p0 $0xFFFFF086;
	s6 =	sadd.s32 @!p0 s3, s7;
	s7 =	simm.s32 @!p0 $0x108  }
0x21: {  	s3 =	sadd.s32 s3, s9;
	s6 =	sadd.s32 @!p0 $0x88, s6;
	s7 =	simm.s32 @p2 $0x1082  }
0x22: {  	[simem:s7], [sflag:s8] =	dma.local @!p0 [hbm:s6], $0xF7A  }
0x23: {  	s9 =	sor.u32 $0xD0000000, s2;
	s6 =	simm.s32 $0x108;
	_ =	swait.ge @!p0 [sflag:s8], $0x0  }
0x24: {  	s3 =	sadd.s32 $0x88, s3;
	s6 =	simm.s32 @!p1 $0x1082;
	[sflag:s4] =	ssyncset.s32 $0xFFFFF086  }
0x25: {  	[simem:s6], [sflag:s4] =	dma.local [hbm:s3], $0xF7A  }
0x26: {  	[smem:$0x3F97] =	sst s1;
	(tag) =	ssettag s2;
	_ =	strace s9  }
0x27: {  	s1 =	sld [smem:$0x3FA7]  }
0x28: {  	s2 =	sld [smem:$0x3FA8]  }
0x29: {  	s4 =	sld [smem:$0x3FAA]  }
0x2a: {  	p0 =	seq.s32 s5, $0x0;
	s5 =	sld [smem:$0x3FAB]  }
0x2b: {  	s6 =	sld [smem:$0x3FAC]  }
0x2c: {  	s7 =	sld [smem:$0x3FAD]  }
0x2d: {  	s3 =	simm.s32 $0x108;
	s8 =	sld [smem:$0x3FAE]  }
0x2e: {  	s3 =	simm.s32 @!p0 $0x1082;
	s9 =	sld [smem:$0x3FAF]  }
0x2f: {  	lr =	sadd.s32 s0, s3;
	s0 =	sld [smem:$0x3FA6]  }
0x30: {  	s3 =	sld [smem:$0x3FA9]  }
0x31: {  	[smem:$0x3FB2] =	sst s10  }
0x32: {  	s10 =	sld [smem:$0x3FB0];
	_ =	sdelay $0x3  }
0x33: {  	p0 =	seq.s32 s10, $0x1;
	s10 =	sld [smem:$0x3FB2];
	_ =	sdelay $0x3  }
0x34: {  	[smem:$0x3FB2] =	sst s10  }
0x35: {  	s10 =	sld [smem:$0x3FB1];
	_ =	sdelay $0x3  }
0x36: {  	p1 =	seq.s32 s10, $0x1;
	s10 =	sld [smem:$0x3FB2];
	_ =	sdelay $0x3  }
0x37: {  	[smem:$0x3FB2] =	sst s10  }
0x38: {  	s10 =	sld [smem:$0x3FB3]  }
0x39: {  	_ = 	snop;
	(pc) =	sbr.ind lr, $3  }
0x3a: {  	_ = 	snop  }
0x3b: {  	_ = 	snop  }
0x3c: {  	p2 =	seq.s32 s10, $0x1;
	s10 =	sld [smem:$0x3FB2]  }
0x3d: {  	_ =	shalt  }
0x3e: {  	_ =	shalt  }
0x3f: {  	_ =	shalt  }
0x40: {  	_ =	shalt  }
0x41: {  	_ =	shalt  }
0x42: {  	_ =	shalt  }
0x43: {  	_ =	shalt  }
0x44: {  	_ =	shalt  }
0x45: {  	_ =	shalt  }
0x46: {  	_ =	shalt  }
0x47: {  	_ =	shalt  }
0x48: {  	_ =	shalt  }
0x49: {  	_ =	shalt  }
0x4a: {  	_ =	shalt  }
0x4b: {  	_ =	shalt  }
0x4c: {  	_ =	shalt  }
0x4d: {  	_ =	shalt  }
0x4e: {  	_ =	shalt  }
0x4f: {  	_ =	shalt  }
0x50: {  	_ =	shalt  }
0x51: {  	_ =	shalt  }
0x52: {  	_ =	shalt  }
0x53: {  	_ =	shalt  }
0x54: {  	_ =	shalt  }
0x55: {  	_ =	shalt  }
0x56: {  	_ =	shalt  }
0x57: {  	_ =	shalt  }
0x58: {  	_ =	shalt  }
0x59: {  	_ =	shalt  }
0x5a: {  	_ =	shalt  }
0x5b: {  	_ =	shalt  }
0x5c: {  	_ =	shalt  }
0x5d: {  	_ =	shalt  }
0x5e: {  	_ =	shalt  }
0x5f: {  	_ =	shalt  }
0x60: {  	_ =	shalt  }
0x61: {  	_ =	shalt  }
0x62: {  	_ =	shalt  }
0x63: {  	_ =	shalt  }
0x64: {  	_ =	shalt  }
0x65: {  	_ =	shalt  }
0x66: {  	_ =	shalt  }
0x67: {  	_ =	shalt  }
0x68: {  	_ =	shalt  }
0x69: {  	_ =	shalt  }
0x6a: {  	_ =	shalt  }
0x6b: {  	_ =	shalt  }
0x6c: {  	_ =	shalt  }
0x6d: {  	_ =	shalt  }
0x6e: {  	_ =	shalt  }
0x6f: {  	_ =	shalt  }
0x70: {  	_ =	shalt  }
0x71: {  	_ =	shalt  }
0x72: {  	_ =	shalt  }
0x73: {  	_ =	shalt  }
0x74: {  	_ =	shalt  }
0x75: {  	_ =	shalt  }
0x76: {  	_ =	shalt  }
0x77: {  	_ =	shalt  }
0x78: {  	_ =	shalt  }
0x79: {  	_ =	shalt  }
0x7a: {  	_ =	shalt  }
0x7b: {  	_ =	shalt  }
0x7c: {  	_ =	shalt  }
0x7d: {  	_ =	shalt  }
0x7e: {  	_ =	shalt  }
0x7f: {  	_ =	shalt  }
0x80: {  	_ =	shalt  }
0x81: {  	_ =	shalt  }
0x82: {  	_ =	shalt  }
0x83: {  	_ =	shalt  }
0x84: {  	_ =	shalt  }
0x85: {  	_ =	shalt  }
0x86: {  	_ =	shalt  }
0x87: {  	_ =	shalt  }
.Lfunc_end0:
.L_simem_size_0:
called_computation_lowered:
.L_overlay_start_0:
0x88: {  	s2 =	sld [smem:$0x3FD9]  }
0x89: {  	s3 =	sld [smem:$0x3FFE];
	_ =	sdelay $0x1  }
0x8a: {  	s1 =	srdreg.scid  }
0x8b: {  	s0 =	sand.u32 $0x1, s1  }
0x8c: {  	s17 =	sshll.u32 s0, $0xA;
	s2 =	sadd.s32 s3, s2  }
0x8d: {  	s2 =	sadd.s32 s2, s17  }
0x8e: {  	[smem:$0x3FBE] =	sst s2  }
0x8f: {  	_ = 	snop  }
0x90: {  	s2 =	sld [smem:$0x3FD0];
	(tm) =	ssettm $0x1  }
0x91: {  	s18 =	sld [smem:$0x3FFB];
	_ =	sdelay $0x3  }
0x92: {  	_ =	strace s18  }
0x93: {  	s3 =	sld [smem:$0x3FFC];
	_ =	sdelay $0x3  }
0x94: {  	_ =	strace s3  }
0x95: {  	s3 =	sld [smem:$0x3FFD];
	_ =	sdelay $0x3  }
0x96: {  	_ =	strace s3  }
0x97: {  	_ =	strace $0x8FFFFFFF  }
0x98: {  	s19 =	sld [smem:$0x3FDB];
	_ =	sdelay $0x1  }
0x99: {  	s4 =	simm.s32 $_scs_section_size  }
0x9a: {  	s5 =	simm.s32 $_size__tile_overlayer_lowered;
	s6 =	simm.s32 $_tile_overlayer_lowered  }
0x9b: {  	s22 =	simm.s32 $0x1BFF;
	s21 =	sshll.u32 s6, $0x1;
	s3 =	sadd.s32 s4, s19  }
0x9c: {  	s7 =	simm.s32 $0x0;
	s20 =	sshll.u32 s5, $0x1;
	s5 =	sadd.s32 s21, s3  }
0x9d: {  	[timem:s7], [sflag:s22] =	dma.local [hbm:s5], s20  }
0x9e: {  	_ =	swait.ge [sflag:s22], s20  }
0x9f: {  	s4 =	ssub.s32 $0x0, s20;
	[sflag:s22] =	ssyncset.done $0x0  }
0xa0: {  	[sflag:s22] =	ssyncadd.s32 s4;
	_ =	sdelay $0x1  }
0xa1: {  	s23 =	simm.s32 $0x1B8B  }
0xa2: {  	_ =	swait.ge [sflag:s23], $0x1  }
0xa3: {  	[sflag:s23] =	ssyncset.done $0x0  }
0xa4: {  	s25 =	simm.s32 $0x1B8E;
	s24 =	sld [smem:$0x3FFE];
	[sflag:s23] =	ssyncadd.s32 $0xFFFFFFFF  }
0xa5: {  	s26 =	simm.s32 $execute0_lowered;
	[smem:$0x3FD2] =	sst s25  }
0xa6: {  	s5 =	sshll.u32 s26, $0x1;
	_ =	strace $0x80000046;
	[dreg:$0x1] =	wrdreg $0xFFFFFFFF  }
0xa7: {  	s28 =	simm.s32 $_size_execute0_lowered;
	s3 =	sadd.s32 s3, s5;
	[dreg:$0x0] =	wrdreg $0x0  }
0xa8: {  	s5 =	sshll.u32 s28, $0x1;
	[dreg:$0x2] =	wrdreg s3  }
0xa9: {  	[dreg:$0x3] =	wrdreg s5  }
0xaa: {  	[dreg:$0x4] =	wrdreg $0xC0  }
0xab: {  	_ =	task [dreg:s7], $0x5FFFF  }
0xac: {  	[dreg:$0x1] =	wrdreg $0xFFFFFFFF  }
0xad: {  	[dreg:$0x0] =	wrdreg $0x60  }
0xae: {  	[dreg:$0x2] =	wrdreg s2  }
0xaf: {  	[dreg:$0x3] =	wrdreg s24  }
0xb0: {  	[dreg:$0x4] =	wrdreg $0x9  }
0xb1: {  	_ =	task.clear_ibuf [dreg:s7], $0x5FFFF;
	_ =	strace $0x90000046  }
0xb2: {  	s29 =	simm.s32 $0x9;
	_ =	strace $0x80000048  }
0xb3: {  	_ =	swait.ge [sflag:s29], $0x1  }
0xb4: {  	[sflag:s29] =	ssyncadd.s32 $0xFFFFFFFF  }
0xb5: {  	_ =	strace $0x90000048  }
0xb6: {  	_ =	sfence  }
0xb7: {  	s30 =	sld [smem:$0x0];
	_ =	sdelay $0x2  }
0xb8: {  	s31 =	sshll.u32 s1, $0xD;
	s1 =	sshrl.u32 s1, $0x2  }
0xb9: {  	s3 =	sand.u32 $0x4000, s31;
	s1 =	sadd.s32 s1, s30  }
0xba: {  	s0 =	sor.u32 s3, s0;
	s1 =	sshll.u32 s1, $0x11  }
0xbb: {  	s0 =	sor.u32 s1, s0  }
0xbc: {  	s0 =	sadd.s32 $0x8F2B, s0  }
0xbd: {  	[sflag:s0] =	ssyncadd.remote.s32 $0x1  }
0xbe: {  	_ =	sfence.sel $0xFFFF  }
0xbf: {  	[dreg:$0x0] =	wrdreg $0xFFFFFFFF;
	(pc) =	sbr.abs _section_cstart, $3  }
0xc0: {  	[dreg:$0x1] =	wrdreg $0xFFFFFFFF  }
0xc1: {  	_ =	task.clear_ibuf [dreg:s7], $0x2FFFF;
	_ =	strace $0x9FFFFFFF  }
0xc2: {  	(tm) =	ssettm $0x7FFFFFFF  }
0xc3: {  	_ =	shalt  }
tec
execute0_lowered:
.L_overlay_start_1:
0x0: {  	(tag) =	ssettag $0x1  }
0x1: {  	s2 =	rddreg [dreg:$0x0]  }
0x2: {  	s5 =	rddreg [dreg:$0x1]  }
0x3: {  	s0 =	rddreg [dreg:$0x2]  }
0x4: {  	s4 =	srdreg.scid;
	s1 =	stileid.u32;
	s3 =	simm.s32 $0x0  }
0x5: {  	s10 =	simm.s32 $0x1400;
	s11 =	simm.s32 $0x2700;
	s12 =	simm.s32 $0x1  }
0x6: {  	s13 =	simm.s32 $0x3A00;
	s6 =	sand.u32 $0x1, s4;
	s30 =	sshll.u32 s1, $0x1  }
0x7: {  	s14 =	simm.s32 $0x2;
	s15 =	simm.s32 $0x0;
	s7 =	sor.u32 s6, s30  }
0x8: {  	[smem:$0x7FF] =	sst s3;
	s4 =	sadd.s32 $0x6400, s5;
	s8 =	smul.u32 $0x140, s7  }
0x9: {  	_ =	strace $0x80000047;
	s6 =	ssub.s32 $0x2, s6;
	s7 =	sshll.u32 s7, $0xC  }
0xa: {  	s31 =	sshrl.u32 s6, $0x1;
	s7 =	sadd.s32 s7, s5;
	s8 =	sadd.s32 s8, s5  }
0xb: {  	v0 =	vlaneseq.u32;
	s9 =	ssub.s32 s6, s31;
	s7 =	sadd.s32 $0x6800, s7;
	s5 =	sadd.s32 $0x1400, s8  }
0xc: {  	v0 =	vmul.u32 $0x5, v0;
	s6 =	sadd.s32 $0x3C00, s8;
	s8 =	smax.u32 s9, $0x1;
	s9 =	simm.s32 $0xA00  }
.LBB2_1:
0xd: {  	[tilespmem:s3], [sflag:$0x1] =	stream.linear.gather [hbm4b:s5+s3], $0xA00, $0x38;
	[tilespmem:$0xBA00] =	vst v63  }
0xe: {  	_ = 	snop  }
0xf: {  	[tilespmem:s9], [sflag:$0x1] =	stream.linear.gather [hbm4b:s6+s3], $0xA00, $0x38;
	[tilespmem:$0xBA00] =	vst v63  }
0x10: {  	_ = 	snop  }
0x11: {  	[tilespmem:s10], [sflag:$0x1] =	stream.linear.gather [hbm4b:s2+s3], $0x1300, $0x38;
	[tilespmem:$0xBA00] =	vst v63  }
0x12: {  	_ = 	snop  }
0x13: {  	[tilespmem:s11], [sflag:$0x1] =	stream.linear.gather [hbm4b:s4+s3], $0x1300, $0x38;
	[tilespmem:$0xBA00] =	vst v63  }
0x14: {  	_ =	swait.ge [sflag:s12], $0xA00  }
0x15: {  	[sflag:s12] =	ssyncset.done $0x0  }
0x16: {  	[sflag:s12] =	ssyncadd.s32 $0xFFFFF600  }
0x17: {  	_ =	swait.ge [sflag:s12], $0xA00  }
0x18: {  	[sflag:s12] =	ssyncset.done $0x0  }
0x19: {  	[sflag:s12] =	ssyncadd.s32 $0xFFFFF600  }
0x1a: {  	_ =	swait.ge [sflag:s12], $0x1300  }
0x1b: {  	[sflag:s12] =	ssyncset.done $0x0  }
0x1c: {  	[sflag:s12] =	ssyncadd.s32 $0xFFFFED00  }
0x1d: {  	_ =	swait.ge [sflag:s12], $0x1300  }
0x1e: {  	s16 =	simm.s32 $0xFFFFFFFC;
	s17 =	simm.s32 $0x30;
	[sflag:s12] =	ssyncset.done $0x0  }
0x1f: {  	s18 =	simm.s32 $0xF4;
	s19 =	simm.s32 $0x3A20;
	[sflag:s12] =	ssyncadd.s32 $0xFFFFED00  }
.LBB2_2:
0x20: {  	s20 =	sadd.s32 $0xFFFFFF0C, s18  }
0x21: {  	s31 =	sadd.s32 $0xFFFFFF0D, s18;
	v1 =	vadd.s32 s20, v0  }
0x22: {  	v2 =	vadd.s32 s31, v0;
	_ =	sdelay $0x1  }
0x23: {  	s21 =	sadd.s32 $0xFFFFFF0E, s18  }
0x24: {  	v3 =	vadd.s32 s21, v0  }
0x25: {  	s22 =	sadd.s32 $0xFFFFFF0F, s18;
	v4 =	vld.idx.msk [tilespmem:v1+s3+$0x0], $0xffff  }
0x26: {  	v6 =	vadd.s32 s22, v0;
	v5 =	vld.idx.msk [tilespmem:v2+s3+$0x0], $0xffff  }
0x27: {  	s23 =	sadd.s32 $0xFFFFFF10, s18;
	v1 =	vld.idx.msk [tilespmem:v1+s9+$0x0], $0xffff  }
0x28: {  	v11 =	vadd.s32 s23, v0;
	v2 =	vld.idx.msk [tilespmem:v2+s9+$0x0], $0xffff  }
0x29: {  	v10 =	vld.idx.msk [tilespmem:v3+s3+$0x0], $0xffff  }
0x2a: {  	v3 =	vld.idx.msk [tilespmem:v3+s9+$0x0], $0xffff;
	v9 =	vshll.u32 v4, $0x5  }
0x2b: {  	v50 =	vld.idx.msk [tilespmem:v6+s3+$0x0], $0xffff;
	v8 =	vshll.u32 v5, $0x5  }
0x2c: {  	v7 =	vshll.u32 v1, $0x5;
	v1 =	vld.idx.msk [tilespmem:v6+s9+$0x0], $0xffff  }
0x2d: {  	v12 =	vld.idx.msk [tilespmem:v11+s3+$0x0], $0xffff;
	v5 =	vshll.u32 v2, $0x5  }
0x2e: {  	v11 =	vld.idx.msk [tilespmem:v11+s9+$0x0], $0xffff;
	v10 =	vshll.u32 v10, $0x5  }
0x2f: {  	v6 =	vshll.u32 v3, $0x5;
	v13 =	vld.idx.msk [tilespmem:v9+s10+$0x0], $0xffff  }
0x30: {  	v2 =	vshll.u32 v50, $0x5;
	v14 =	vld.idx.msk [tilespmem:v8+s10+$0x0], $0xffff  }
0x31: {  	v4 =	vshll.u32 v1, $0x5;
	v15 =	vld.idx.msk [tilespmem:v7+s11+$0x0], $0xffff  }
0x32: {  	v3 =	vshll.u32 v12, $0x5;
	v51 =	vld.idx.msk [tilespmem:v5+s11+$0x0], $0xffff  }
0x33: {  	v1 =	vshll.u32 v11, $0x5;
	v52 =	vld.idx.msk [tilespmem:v10+s10+$0x0], $0xffff  }
0x34: {  	v16 =	vld.idx.msk [tilespmem:v6+s11+$0x0], $0xffff  }
0x35: {  	v17 =	vld.idx.msk [tilespmem:v2+s10+$0x0], $0xffff  }
0x36: {  	v13 =	vadd.f32 v14, v13;
	v53 =	vld.idx.msk [tilespmem:v4+s11+$0x0], $0xffff  }
0x37: {  	v18 =	vld.idx.msk [tilespmem:v3+s10+$0x0], $0xffff;
	v12 =	vadd.f32 v51, v15  }
0x38: {  	v54 =	vld.idx.msk [tilespmem:v1+s11+$0x0], $0xffff;
	v11 =	vadd.f32 v52, v13  }
0x39: {  	v12 =	vadd.f32 v16, v12  }
0x3a: {  	v11 =	vadd.f32 v17, v11  }
0x3b: {  	v55 =	vor.u32 $0x1, v9;
	v12 =	vadd.f32 v53, v12  }
0x3c: {  	v56 =	vor.u32 $0x1, v8;
	v11 =	vadd.f32 v18, v11  }
0x3d: {  	s24 =	sadd.s32 $0xFFFFFFD0, s17;
	v57 =	vor.u32 $0x1, v7;
	v12 =	vadd.f32 v54, v12  }
0x3e: {  	s20 =	sand.u32 $0x1C0, s24;
	v58 =	vor.u32 $0x1, v5;
	[tilespmem:s19+$0xFFFFFFE0] =	vst v11  }
0x3f: {  	v59 =	vor.u32 $0x1, v10;
	[tilespmem:s20+$0x7A00] =	vst v12  }
0x40: {  	v60 =	vor.u32 $0x1, v6;
	v14 =	vld.idx.msk [tilespmem:v55+s10+$0x0], $0xffff  }
0x41: {  	v61 =	vor.u32 $0x1, v2;
	v15 =	vld.idx.msk [tilespmem:v56+s10+$0x0], $0xffff  }
0x42: {  	v62 =	vor.u32 $0x1, v4;
	v13 =	vld.idx.msk [tilespmem:v57+s11+$0x0], $0xffff  }
0x43: {  	v19 =	vor.u32 $0x1, v3;
	v11 =	vld.idx.msk [tilespmem:v58+s11+$0x0], $0xffff  }
0x44: {  	v20 =	vor.u32 $0x1, v1;
	v12 =	vld.idx.msk [tilespmem:v59+s10+$0x0], $0xffff  }
0x45: {  	v16 =	vld.idx.msk [tilespmem:v60+s11+$0x0], $0xffff  }
0x46: {  	v17 =	vld.idx.msk [tilespmem:v61+s10+$0x0], $0xffff  }
0x47: {  	v63 =	vld.idx.msk [tilespmem:v62+s11+$0x0], $0xffff;
	v14 =	vadd.f32 v15, v14  }
0x48: {  	v21 =	vld.idx.msk [tilespmem:v19+s10+$0x0], $0xffff;
	v11 =	vadd.f32 v11, v13  }
0x49: {  	v22 =	vld.idx.msk [tilespmem:v20+s11+$0x0], $0xffff;
	v12 =	vadd.f32 v12, v14  }
0x4a: {  	v11 =	vadd.f32 v16, v11  }
0x4b: {  	v12 =	vadd.f32 v17, v12  }
0x4c: {  	v23 =	vor.u32 $0x2, v9;
	v11 =	vadd.f32 v63, v11  }
0x4d: {  	v24 =	vor.u32 $0x2, v8;
	v12 =	vadd.f32 v21, v12  }
0x4e: {  	v25 =	vor.u32 $0x2, v7;
	v11 =	vadd.f32 v22, v11  }
0x4f: {  	v26 =	vor.u32 $0x2, v5;
	[tilespmem:s20+$0x3C00] =	vst v12  }
0x50: {  	v27 =	vor.u32 $0x2, v10;
	[tilespmem:s20+$0x7C00] =	vst v11  }
0x51: {  	v28 =	vor.u32 $0x2, v6;
	v14 =	vld.idx.msk [tilespmem:v23+s10+$0x0], $0xffff  }
0x52: {  	v29 =	vor.u32 $0x2, v2;
	v15 =	vld.idx.msk [tilespmem:v24+s10+$0x0], $0xffff  }
0x53: {  	v30 =	vor.u32 $0x2, v4;
	v13 =	vld.idx.msk [tilespmem:v25+s11+$0x0], $0xffff  }
0x54: {  	v31 =	vor.u32 $0x2, v3;
	v12 =	vld.idx.msk [tilespmem:v26+s11+$0x0], $0xffff  }
0x55: {  	v32 =	vor.u32 $0x2, v1;
	v11 =	vld.idx.msk [tilespmem:v27+s10+$0x0], $0xffff  }
0x56: {  	v16 =	vld.idx.msk [tilespmem:v28+s11+$0x0], $0xffff  }
0x57: {  	v17 =	vld.idx.msk [tilespmem:v29+s10+$0x0], $0xffff  }
0x58: {  	v33 =	vld.idx.msk [tilespmem:v30+s11+$0x0], $0xffff;
	v14 =	vadd.f32 v15, v14  }
0x59: {  	v34 =	vld.idx.msk [tilespmem:v31+s10+$0x0], $0xffff;
	v12 =	vadd.f32 v12, v13  }
0x5a: {  	v35 =	vld.idx.msk [tilespmem:v32+s11+$0x0], $0xffff;
	v11 =	vadd.f32 v11, v14  }
0x5b: {  	v12 =	vadd.f32 v16, v12  }
0x5c: {  	v11 =	vadd.f32 v17, v11  }
0x5d: {  	v36 =	vor.u32 $0x3, v9;
	v12 =	vadd.f32 v33, v12  }
0x5e: {  	v37 =	vor.u32 $0x3, v8;
	v11 =	vadd.f32 v34, v11  }
0x5f: {  	v38 =	vor.u32 $0x3, v7;
	v12 =	vadd.f32 v35, v12  }
0x60: {  	v39 =	vor.u32 $0x3, v5;
	[tilespmem:s20+$0x3E00] =	vst v11  }
0x61: {  	v40 =	vor.u32 $0x3, v10;
	[tilespmem:s20+$0x7E00] =	vst v12  }
0x62: {  	v41 =	vor.u32 $0x3, v6;
	v14 =	vld.idx.msk [tilespmem:v36+s10+$0x0], $0xffff  }
0x63: {  	v42 =	vor.u32 $0x3, v2;
	v15 =	vld.idx.msk [tilespmem:v37+s10+$0x0], $0xffff  }
0x64: {  	v43 =	vor.u32 $0x3, v4;
	v13 =	vld.idx.msk [tilespmem:v38+s11+$0x0], $0xffff  }
0x65: {  	v44 =	vor.u32 $0x3, v3;
	v11 =	vld.idx.msk [tilespmem:v39+s11+$0x0], $0xffff  }
0x66: {  	v45 =	vor.u32 $0x3, v1;
	v12 =	vld.idx.msk [tilespmem:v40+s10+$0x0], $0xffff  }
0x67: {  	v16 =	vld.idx.msk [tilespmem:v41+s11+$0x0], $0xffff  }
0x68: {  	v17 =	vld.idx.msk [tilespmem:v42+s10+$0x0], $0xffff  }
0x69: {  	v46 =	vld.idx.msk [tilespmem:v43+s11+$0x0], $0xffff;
	v14 =	vadd.f32 v15, v14  }
0x6a: {  	v47 =	vld.idx.msk [tilespmem:v44+s10+$0x0], $0xffff;
	v11 =	vadd.f32 v11, v13  }
0x6b: {  	v48 =	vld.idx.msk [tilespmem:v45+s11+$0x0], $0xffff;
	v12 =	vadd.f32 v12, v14  }
0x6c: {  	v11 =	vadd.f32 v16, v11  }
0x6d: {  	v12 =	vadd.f32 v17, v12  }
0x6e: {  	v49 =	vor.u32 $0x4, v9;
	v11 =	vadd.f32 v46, v11  }
0x6f: {  	v50 =	vor.u32 $0x4, v8;
	v12 =	vadd.f32 v47, v12  }
0x70: {  	v51 =	vor.u32 $0x4, v7;
	v11 =	vadd.f32 v48, v11  }
0x71: {  	v52 =	vor.u32 $0x4, v5;
	[tilespmem:s20+$0x4000] =	vst v12  }
0x72: {  	v53 =	vor.u32 $0x4, v10;
	[tilespmem:s20+$0x8000] =	vst v11  }
0x73: {  	v54 =	vor.u32 $0x4, v6;
	v14 =	vld.idx.msk [tilespmem:v49+s10+$0x0], $0xffff  }
0x74: {  	v55 =	vor.u32 $0x4, v2;
	v15 =	vld.idx.msk [tilespmem:v50+s10+$0x0], $0xffff  }
0x75: {  	v56 =	vor.u32 $0x4, v4;
	v13 =	vld.idx.msk [tilespmem:v51+s11+$0x0], $0xffff  }
0x76: {  	v57 =	vor.u32 $0x4, v3;
	v12 =	vld.idx.msk [tilespmem:v52+s11+$0x0], $0xffff  }
0x77: {  	v58 =	vor.u32 $0x4, v1;
	v11 =	vld.idx.msk [tilespmem:v53+s10+$0x0], $0xffff  }
0x78: {  	v16 =	vld.idx.msk [tilespmem:v54+s11+$0x0], $0xffff  }
0x79: {  	v17 =	vld.idx.msk [tilespmem:v55+s10+$0x0], $0xffff  }
0x7a: {  	v59 =	vld.idx.msk [tilespmem:v56+s11+$0x0], $0xffff;
	v14 =	vadd.f32 v15, v14  }
0x7b: {  	v60 =	vld.idx.msk [tilespmem:v57+s10+$0x0], $0xffff;
	v12 =	vadd.f32 v12, v13  }
0x7c: {  	v61 =	vld.idx.msk [tilespmem:v58+s11+$0x0], $0xffff;
	v11 =	vadd.f32 v11, v14  }
0x7d: {  	v12 =	vadd.f32 v16, v12  }
0x7e: {  	v11 =	vadd.f32 v17, v11  }
0x7f: {  	v62 =	vor.u32 $0x5, v9;
	v12 =	vadd.f32 v59, v12  }
0x80: {  	v63 =	vor.u32 $0x5, v8;
	v11 =	vadd.f32 v60, v11  }
0x81: {  	v20 =	vor.u32 $0x5, v10;
	v12 =	vadd.f32 v61, v12  }
0x82: {  	v21 =	vor.u32 $0x5, v2;
	[tilespmem:s20+$0x4200] =	vst v11  }
0x83: {  	v22 =	vor.u32 $0x5, v3;
	[tilespmem:s20+$0x8200] =	vst v12  }
0x84: {  	v23 =	vor.u32 $0x5, v7;
	v14 =	vld.idx.msk [tilespmem:v62+s10+$0x0], $0xffff  }
0x85: {  	v24 =	vor.u32 $0x5, v5;
	v15 =	vld.idx.msk [tilespmem:v63+s10+$0x0], $0xffff  }
0x86: {  	v13 =	vld.idx.msk [tilespmem:v20+s10+$0x0], $0xffff  }
0x87: {  	v25 =	vor.u32 $0x5, v6;
	v11 =	vld.idx.msk [tilespmem:v21+s10+$0x0], $0xffff  }
0x88: {  	v12 =	vld.idx.msk [tilespmem:v22+s10+$0x0], $0xffff  }
0x89: {  	v26 =	vor.u32 $0x5, v4;
	v16 =	vld.idx.msk [tilespmem:v23+s11+$0x0], $0xffff  }
0x8a: {  	v17 =	vld.idx.msk [tilespmem:v24+s11+$0x0], $0xffff  }
0x8b: {  	v27 =	vor.u32 $0x5, v1  }
0x8c: {  	v18 =	vld.idx.msk [tilespmem:v25+s11+$0x0], $0xffff;
	_ =	sdelay $0x1  }
0x8d: {  	v28 =	vld.idx.msk [tilespmem:v26+s11+$0x0], $0xffff;
	v14 =	vadd.f32 v15, v14  }
0x8e: {  	v16 =	vadd.f32 v17, v16  }
0x8f: {  	v29 =	vld.idx.msk [tilespmem:v27+s11+$0x0], $0xffff;
	v13 =	vadd.f32 v13, v14  }
0x90: {  	v16 =	vadd.f32 v18, v16  }
0x91: {  	v11 =	vadd.f32 v11, v13  }
0x92: {  	v31 =	vor.u32 $0x6, v9;
	v30 =	vadd.f32 v28, v16  }
0x93: {  	v32 =	vor.u32 $0x6, v8;
	v11 =	vadd.f32 v12, v11  }
0x94: {  	v33 =	vor.u32 $0x6, v7;
	v13 =	vadd.f32 v29, v30  }
0x95: {  	v34 =	vor.u32 $0x6, v5;
	[tilespmem:s20+$0x4400] =	vst v11  }
0x96: {  	v35 =	vor.u32 $0x6, v10;
	[tilespmem:s20+$0x8400] =	vst v13  }
0x97: {  	v36 =	vor.u32 $0x6, v6;
	v15 =	vld.idx.msk [tilespmem:v31+s10+$0x0], $0xffff  }
0x98: {  	v37 =	vor.u32 $0x6, v2;
	v12 =	vld.idx.msk [tilespmem:v32+s10+$0x0], $0xffff  }
0x99: {  	v38 =	vor.u32 $0x6, v4;
	v14 =	vld.idx.msk [tilespmem:v33+s11+$0x0], $0xffff  }
0x9a: {  	v39 =	vor.u32 $0x6, v3;
	v11 =	vld.idx.msk [tilespmem:v34+s11+$0x0], $0xffff  }
0x9b: {  	v40 =	vor.u32 $0x6, v1;
	v13 =	vld.idx.msk [tilespmem:v35+s10+$0x0], $0xffff  }
0x9c: {  	v16 =	vld.idx.msk [tilespmem:v36+s11+$0x0], $0xffff  }
0x9d: {  	v17 =	vld.idx.msk [tilespmem:v37+s10+$0x0], $0xffff  }
0x9e: {  	v41 =	vld.idx.msk [tilespmem:v38+s11+$0x0], $0xffff;
	v12 =	vadd.f32 v12, v15  }
0x9f: {  	v42 =	vld.idx.msk [tilespmem:v39+s10+$0x0], $0xffff;
	v11 =	vadd.f32 v11, v14  }
0xa0: {  	v43 =	vld.idx.msk [tilespmem:v40+s11+$0x0], $0xffff;
	v12 =	vadd.f32 v13, v12  }
0xa1: {  	v11 =	vadd.f32 v16, v11  }
0xa2: {  	v12 =	vadd.f32 v17, v12  }
0xa3: {  	v44 =	vor.u32 $0x7, v9;
	v11 =	vadd.f32 v41, v11  }
0xa4: {  	v45 =	vor.u32 $0x7, v8;
	v12 =	vadd.f32 v42, v12  }
0xa5: {  	v46 =	vor.u32 $0x7, v7;
	v11 =	vadd.f32 v43, v11  }
0xa6: {  	v47 =	vor.u32 $0x7, v5;
	[tilespmem:s20+$0x4600] =	vst v12  }
0xa7: {  	v48 =	vor.u32 $0x7, v10;
	[tilespmem:s20+$0x8600] =	vst v11  }
0xa8: {  	v49 =	vor.u32 $0x7, v6;
	v14 =	vld.idx.msk [tilespmem:v44+s10+$0x0], $0xffff  }
0xa9: {  	v50 =	vor.u32 $0x7, v2;
	v15 =	vld.idx.msk [tilespmem:v45+s10+$0x0], $0xffff  }
0xaa: {  	v51 =	vor.u32 $0x7, v4;
	v13 =	vld.idx.msk [tilespmem:v46+s11+$0x0], $0xffff  }
0xab: {  	v52 =	vor.u32 $0x7, v3;
	v12 =	vld.idx.msk [tilespmem:v47+s11+$0x0], $0xffff  }
0xac: {  	v53 =	vor.u32 $0x7, v1;
	v11 =	vld.idx.msk [tilespmem:v48+s10+$0x0], $0xffff  }
0xad: {  	v16 =	vld.idx.msk [tilespmem:v49+s11+$0x0], $0xffff  }
0xae: {  	v17 =	vld.idx.msk [tilespmem:v50+s10+$0x0], $0xffff  }
0xaf: {  	v54 =	vld.idx.msk [tilespmem:v51+s11+$0x0], $0xffff;
	v14 =	vadd.f32 v15, v14  }
0xb0: {  	v55 =	vld.idx.msk [tilespmem:v52+s10+$0x0], $0xffff;
	v12 =	vadd.f32 v12, v13  }
0xb1: {  	v56 =	vld.idx.msk [tilespmem:v53+s11+$0x0], $0xffff;
	v11 =	vadd.f32 v11, v14  }
0xb2: {  	v12 =	vadd.f32 v16, v12  }
0xb3: {  	v11 =	vadd.f32 v17, v11  }
0xb4: {  	v57 =	vor.u32 $0x8, v9;
	v12 =	vadd.f32 v54, v12  }
0xb5: {  	v58 =	vor.u32 $0x8, v8;
	v11 =	vadd.f32 v55, v11  }
0xb6: {  	v59 =	vor.u32 $0x8, v7;
	v12 =	vadd.f32 v56, v12  }
0xb7: {  	v60 =	vor.u32 $0x8, v5;
	[tilespmem:s20+$0x4800] =	vst v11  }
0xb8: {  	v61 =	vor.u32 $0x8, v10;
	[tilespmem:s20+$0x8800] =	vst v12  }
0xb9: {  	v62 =	vor.u32 $0x8, v6;
	v14 =	vld.idx.msk [tilespmem:v57+s10+$0x0], $0xffff  }
0xba: {  	v63 =	vor.u32 $0x8, v2;
	v15 =	vld.idx.msk [tilespmem:v58+s10+$0x0], $0xffff  }
0xbb: {  	v24 =	vor.u32 $0x8, v4;
	v13 =	vld.idx.msk [tilespmem:v59+s11+$0x0], $0xffff  }
0xbc: {  	v25 =	vor.u32 $0x8, v3;
	v11 =	vld.idx.msk [tilespmem:v60+s11+$0x0], $0xffff  }
0xbd: {  	v26 =	vor.u32 $0x8, v1;
	v12 =	vld.idx.msk [tilespmem:v61+s10+$0x0], $0xffff  }
0xbe: {  	v16 =	vld.idx.msk [tilespmem:v62+s11+$0x0], $0xffff  }
0xbf: {  	v17 =	vld.idx.msk [tilespmem:v63+s10+$0x0], $0xffff  }
0xc0: {  	v27 =	vld.idx.msk [tilespmem:v24+s11+$0x0], $0xffff;
	v14 =	vadd.f32 v15, v14  }
0xc1: {  	v28 =	vld.idx.msk [tilespmem:v25+s10+$0x0], $0xffff;
	v11 =	vadd.f32 v11, v13  }
0xc2: {  	v29 =	vld.idx.msk [tilespmem:v26+s11+$0x0], $0xffff;
	v12 =	vadd.f32 v12, v14  }
0xc3: {  	v11 =	vadd.f32 v16, v11  }
0xc4: {  	v12 =	vadd.f32 v17, v12  }
0xc5: {  	v30 =	vor.u32 $0x9, v9;
	v11 =	vadd.f32 v27, v11  }
0xc6: {  	v31 =	vor.u32 $0x9, v8;
	v12 =	vadd.f32 v28, v12  }
0xc7: {  	v32 =	vor.u32 $0x9, v7;
	v11 =	vadd.f32 v29, v11  }
0xc8: {  	v33 =	vor.u32 $0x9, v5;
	[tilespmem:s20+$0x4A00] =	vst v12  }
0xc9: {  	v34 =	vor.u32 $0x9, v10;
	[tilespmem:s20+$0x8A00] =	vst v11  }
0xca: {  	v35 =	vor.u32 $0x9, v6;
	v14 =	vld.idx.msk [tilespmem:v30+s10+$0x0], $0xffff  }
0xcb: {  	v36 =	vor.u32 $0x9, v2;
	v15 =	vld.idx.msk [tilespmem:v31+s10+$0x0], $0xffff  }
0xcc: {  	v37 =	vor.u32 $0x9, v4;
	v13 =	vld.idx.msk [tilespmem:v32+s11+$0x0], $0xffff  }
0xcd: {  	v38 =	vor.u32 $0x9, v3;
	v12 =	vld.idx.msk [tilespmem:v33+s11+$0x0], $0xffff  }
0xce: {  	v39 =	vor.u32 $0x9, v1;
	v11 =	vld.idx.msk [tilespmem:v34+s10+$0x0], $0xffff  }
0xcf: {  	v16 =	vld.idx.msk [tilespmem:v35+s11+$0x0], $0xffff  }
0xd0: {  	v17 =	vld.idx.msk [tilespmem:v36+s10+$0x0], $0xffff  }
0xd1: {  	v40 =	vld.idx.msk [tilespmem:v37+s11+$0x0], $0xffff;
	v14 =	vadd.f32 v15, v14  }
0xd2: {  	v41 =	vld.idx.msk [tilespmem:v38+s10+$0x0], $0xffff;
	v12 =	vadd.f32 v12, v13  }
0xd3: {  	v42 =	vld.idx.msk [tilespmem:v39+s11+$0x0], $0xffff;
	v11 =	vadd.f32 v11, v14  }
0xd4: {  	v12 =	vadd.f32 v16, v12  }
0xd5: {  	v11 =	vadd.f32 v17, v11  }
0xd6: {  	v43 =	vor.u32 $0xA, v9;
	v12 =	vadd.f32 v40, v12  }
0xd7: {  	v44 =	vor.u32 $0xA, v8;
	v11 =	vadd.f32 v41, v11  }
0xd8: {  	v45 =	vor.u32 $0xA, v7;
	v12 =	vadd.f32 v42, v12  }
0xd9: {  	v46 =	vor.u32 $0xA, v5;
	[tilespmem:s20+$0x4C00] =	vst v11  }
0xda: {  	v47 =	vor.u32 $0xA, v10;
	[tilespmem:s20+$0x8C00] =	vst v12  }
0xdb: {  	v48 =	vor.u32 $0xA, v6;
	v14 =	vld.idx.msk [tilespmem:v43+s10+$0x0], $0xffff  }
0xdc: {  	v49 =	vor.u32 $0xA, v2;
	v15 =	vld.idx.msk [tilespmem:v44+s10+$0x0], $0xffff  }
0xdd: {  	v50 =	vor.u32 $0xA, v4;
	v13 =	vld.idx.msk [tilespmem:v45+s11+$0x0], $0xffff  }
0xde: {  	v51 =	vor.u32 $0xA, v3;
	v11 =	vld.idx.msk [tilespmem:v46+s11+$0x0], $0xffff  }
0xdf: {  	v52 =	vor.u32 $0xA, v1;
	v12 =	vld.idx.msk [tilespmem:v47+s10+$0x0], $0xffff  }
0xe0: {  	v16 =	vld.idx.msk [tilespmem:v48+s11+$0x0], $0xffff  }
0xe1: {  	v17 =	vld.idx.msk [tilespmem:v49+s10+$0x0], $0xffff  }
0xe2: {  	v53 =	vld.idx.msk [tilespmem:v50+s11+$0x0], $0xffff;
	v14 =	vadd.f32 v15, v14  }
0xe3: {  	v54 =	vld.idx.msk [tilespmem:v51+s10+$0x0], $0xffff;
	v11 =	vadd.f32 v11, v13  }
0xe4: {  	v55 =	vld.idx.msk [tilespmem:v52+s11+$0x0], $0xffff;
	v12 =	vadd.f32 v12, v14  }
0xe5: {  	v11 =	vadd.f32 v16, v11  }
0xe6: {  	v12 =	vadd.f32 v17, v12  }
0xe7: {  	v56 =	vor.u32 $0xB, v9;
	v11 =	vadd.f32 v53, v11  }
0xe8: {  	v57 =	vor.u32 $0xB, v8;
	v12 =	vadd.f32 v54, v12  }
0xe9: {  	v58 =	vor.u32 $0xB, v7;
	v11 =	vadd.f32 v55, v11  }
0xea: {  	v59 =	vor.u32 $0xB, v5;
	[tilespmem:s20+$0x4E00] =	vst v12  }
0xeb: {  	v60 =	vor.u32 $0xB, v10;
	[tilespmem:s20+$0x8E00] =	vst v11  }
0xec: {  	v61 =	vor.u32 $0xB, v6;
	v14 =	vld.idx.msk [tilespmem:v56+s10+$0x0], $0xffff  }
0xed: {  	v62 =	vor.u32 $0xB, v2;
	v15 =	vld.idx.msk [tilespmem:v57+s10+$0x0], $0xffff  }
0xee: {  	v63 =	vor.u32 $0xB, v4;
	v13 =	vld.idx.msk [tilespmem:v58+s11+$0x0], $0xffff  }
0xef: {  	v24 =	vor.u32 $0xB, v3;
	v12 =	vld.idx.msk [tilespmem:v59+s11+$0x0], $0xffff  }
0xf0: {  	v25 =	vor.u32 $0xB, v1;
	v11 =	vld.idx.msk [tilespmem:v60+s10+$0x0], $0xffff  }
0xf1: {  	v16 =	vld.idx.msk [tilespmem:v61+s11+$0x0], $0xffff  }
0xf2: {  	v17 =	vld.idx.msk [tilespmem:v62+s10+$0x0], $0xffff  }
0xf3: {  	v26 =	vld.idx.msk [tilespmem:v63+s11+$0x0], $0xffff;
	v14 =	vadd.f32 v15, v14  }
0xf4: {  	v27 =	vld.idx.msk [tilespmem:v24+s10+$0x0], $0xffff;
	v12 =	vadd.f32 v12, v13  }
0xf5: {  	v28 =	vld.idx.msk [tilespmem:v25+s11+$0x0], $0xffff;
	v11 =	vadd.f32 v11, v14  }
0xf6: {  	v12 =	vadd.f32 v16, v12  }
0xf7: {  	v11 =	vadd.f32 v17, v11  }
0xf8: {  	v29 =	vor.u32 $0xC, v9;
	v12 =	vadd.f32 v26, v12  }
0xf9: {  	v30 =	vor.u32 $0xC, v8;
	v11 =	vadd.f32 v27, v11  }
0xfa: {  	v31 =	vor.u32 $0xC, v7;
	v12 =	vadd.f32 v28, v12  }
0xfb: {  	v32 =	vor.u32 $0xC, v5;
	[tilespmem:s20+$0x5000] =	vst v11  }
0xfc: {  	v33 =	vor.u32 $0xC, v10;
	[tilespmem:s20+$0x9000] =	vst v12  }
0xfd: {  	v34 =	vor.u32 $0xC, v6;
	v14 =	vld.idx.msk [tilespmem:v29+s10+$0x0], $0xffff  }
0xfe: {  	v35 =	vor.u32 $0xC, v2;
	v15 =	vld.idx.msk [tilespmem:v30+s10+$0x0], $0xffff  }
0xff: {  	v36 =	vor.u32 $0xC, v4;
	v13 =	vld.idx.msk [tilespmem:v31+s11+$0x0], $0xffff  }
0x100: {  	v37 =	vor.u32 $0xC, v3;
	v11 =	vld.idx.msk [tilespmem:v32+s11+$0x0], $0xffff  }
0x101: {  	v38 =	vor.u32 $0xC, v1;
	v12 =	vld.idx.msk [tilespmem:v33+s10+$0x0], $0xffff  }
0x102: {  	v16 =	vld.idx.msk [tilespmem:v34+s11+$0x0], $0xffff  }
0x103: {  	v17 =	vld.idx.msk [tilespmem:v35+s10+$0x0], $0xffff  }
0x104: {  	v39 =	vld.idx.msk [tilespmem:v36+s11+$0x0], $0xffff;
	v14 =	vadd.f32 v15, v14  }
0x105: {  	v40 =	vld.idx.msk [tilespmem:v37+s10+$0x0], $0xffff;
	v11 =	vadd.f32 v11, v13  }
0x106: {  	v41 =	vld.idx.msk [tilespmem:v38+s11+$0x0], $0xffff;
	v12 =	vadd.f32 v12, v14  }
0x107: {  	v11 =	vadd.f32 v16, v11  }
0x108: {  	v12 =	vadd.f32 v17, v12  }
0x109: {  	v42 =	vor.u32 $0xD, v9;
	v11 =	vadd.f32 v39, v11  }
0x10a: {  	v43 =	vor.u32 $0xD, v8;
	v12 =	vadd.f32 v40, v12  }
0x10b: {  	v44 =	vor.u32 $0xD, v7;
	v11 =	vadd.f32 v41, v11  }
0x10c: {  	v45 =	vor.u32 $0xD, v5;
	[tilespmem:s20+$0x5200] =	vst v12  }
0x10d: {  	v46 =	vor.u32 $0xD, v10;
	[tilespmem:s20+$0x9200] =	vst v11  }
0x10e: {  	v47 =	vor.u32 $0xD, v6;
	v14 =	vld.idx.msk [tilespmem:v42+s10+$0x0], $0xffff  }
0x10f: {  	v48 =	vor.u32 $0xD, v2;
	v15 =	vld.idx.msk [tilespmem:v43+s10+$0x0], $0xffff  }
0x110: {  	v49 =	vor.u32 $0xD, v4;
	v13 =	vld.idx.msk [tilespmem:v44+s11+$0x0], $0xffff  }
0x111: {  	v50 =	vor.u32 $0xD, v3;
	v12 =	vld.idx.msk [tilespmem:v45+s11+$0x0], $0xffff  }
0x112: {  	v51 =	vor.u32 $0xD, v1;
	v11 =	vld.idx.msk [tilespmem:v46+s10+$0x0], $0xffff  }
0x113: {  	v16 =	vld.idx.msk [tilespmem:v47+s11+$0x0], $0xffff  }
0x114: {  	v17 =	vld.idx.msk [tilespmem:v48+s10+$0x0], $0xffff  }
0x115: {  	v52 =	vld.idx.msk [tilespmem:v49+s11+$0x0], $0xffff;
	v14 =	vadd.f32 v15, v14  }
0x116: {  	v53 =	vld.idx.msk [tilespmem:v50+s10+$0x0], $0xffff;
	v12 =	vadd.f32 v12, v13  }
0x117: {  	v54 =	vld.idx.msk [tilespmem:v51+s11+$0x0], $0xffff;
	v11 =	vadd.f32 v11, v14  }
0x118: {  	v12 =	vadd.f32 v16, v12  }
0x119: {  	v11 =	vadd.f32 v17, v11  }
0x11a: {  	v55 =	vor.u32 $0xE, v9;
	v12 =	vadd.f32 v52, v12  }
0x11b: {  	v56 =	vor.u32 $0xE, v8;
	v11 =	vadd.f32 v53, v11  }
0x11c: {  	v57 =	vor.u32 $0xE, v7;
	v12 =	vadd.f32 v54, v12  }
0x11d: {  	v58 =	vor.u32 $0xE, v5;
	[tilespmem:s20+$0x5400] =	vst v11  }
0x11e: {  	v59 =	vor.u32 $0xE, v10;
	[tilespmem:s20+$0x9400] =	vst v12  }
0x11f: {  	v60 =	vor.u32 $0xE, v6;
	v14 =	vld.idx.msk [tilespmem:v55+s10+$0x0], $0xffff  }
0x120: {  	v61 =	vor.u32 $0xE, v2;
	v15 =	vld.idx.msk [tilespmem:v56+s10+$0x0], $0xffff  }
0x121: {  	v62 =	vor.u32 $0xE, v4;
	v13 =	vld.idx.msk [tilespmem:v57+s11+$0x0], $0xffff  }
0x122: {  	v63 =	vor.u32 $0xE, v3;
	v11 =	vld.idx.msk [tilespmem:v58+s11+$0x0], $0xffff  }
0x123: {  	v24 =	vor.u32 $0xE, v1;
	v12 =	vld.idx.msk [tilespmem:v59+s10+$0x0], $0xffff  }
0x124: {  	v16 =	vld.idx.msk [tilespmem:v60+s11+$0x0], $0xffff  }
0x125: {  	v17 =	vld.idx.msk [tilespmem:v61+s10+$0x0], $0xffff  }
0x126: {  	v25 =	vld.idx.msk [tilespmem:v62+s11+$0x0], $0xffff;
	v14 =	vadd.f32 v15, v14  }
0x127: {  	v26 =	vld.idx.msk [tilespmem:v63+s10+$0x0], $0xffff;
	v11 =	vadd.f32 v11, v13  }
0x128: {  	v27 =	vld.idx.msk [tilespmem:v24+s11+$0x0], $0xffff;
	v12 =	vadd.f32 v12, v14  }
0x129: {  	v11 =	vadd.f32 v16, v11  }
0x12a: {  	v12 =	vadd.f32 v17, v12  }
0x12b: {  	v28 =	vor.u32 $0xF, v9;
	v11 =	vadd.f32 v25, v11  }
0x12c: {  	v29 =	vor.u32 $0xF, v8;
	v12 =	vadd.f32 v26, v12  }
0x12d: {  	v30 =	vor.u32 $0xF, v7;
	v11 =	vadd.f32 v27, v11  }
0x12e: {  	v31 =	vor.u32 $0xF, v5;
	[tilespmem:s20+$0x5600] =	vst v12  }
0x12f: {  	v32 =	vor.u32 $0xF, v10;
	[tilespmem:s20+$0x9600] =	vst v11  }
0x130: {  	v33 =	vor.u32 $0xF, v6;
	v14 =	vld.idx.msk [tilespmem:v28+s10+$0x0], $0xffff  }
0x131: {  	v34 =	vor.u32 $0xF, v2;
	v15 =	vld.idx.msk [tilespmem:v29+s10+$0x0], $0xffff  }
0x132: {  	v35 =	vor.u32 $0xF, v4;
	v13 =	vld.idx.msk [tilespmem:v30+s11+$0x0], $0xffff  }
0x133: {  	v36 =	vor.u32 $0xF, v3;
	v12 =	vld.idx.msk [tilespmem:v31+s11+$0x0], $0xffff  }
0x134: {  	v37 =	vor.u32 $0xF, v1;
	v11 =	vld.idx.msk [tilespmem:v32+s10+$0x0], $0xffff  }
0x135: {  	v16 =	vld.idx.msk [tilespmem:v33+s11+$0x0], $0xffff  }
0x136: {  	v17 =	vld.idx.msk [tilespmem:v34+s10+$0x0], $0xffff  }
0x137: {  	v38 =	vld.idx.msk [tilespmem:v35+s11+$0x0], $0xffff;
	v14 =	vadd.f32 v15, v14  }
0x138: {  	v39 =	vld.idx.msk [tilespmem:v36+s10+$0x0], $0xffff;
	v12 =	vadd.f32 v12, v13  }
0x139: {  	v40 =	vld.idx.msk [tilespmem:v37+s11+$0x0], $0xffff;
	v11 =	vadd.f32 v11, v14  }
0x13a: {  	v12 =	vadd.f32 v16, v12  }
0x13b: {  	v11 =	vadd.f32 v17, v11  }
0x13c: {  	v41 =	vor.u32 $0x10, v9;
	v12 =	vadd.f32 v38, v12  }
0x13d: {  	v42 =	vor.u32 $0x10, v8;
	v11 =	vadd.f32 v39, v11  }
0x13e: {  	v43 =	vor.u32 $0x10, v7;
	v12 =	vadd.f32 v40, v12  }
0x13f: {  	v44 =	vor.u32 $0x10, v5;
	[tilespmem:s20+$0x5800] =	vst v11  }
0x140: {  	v45 =	vor.u32 $0x10, v10;
	[tilespmem:s20+$0x9800] =	vst v12  }
0x141: {  	v46 =	vor.u32 $0x10, v6;
	v14 =	vld.idx.msk [tilespmem:v41+s10+$0x0], $0xffff  }
0x142: {  	v47 =	vor.u32 $0x10, v2;
	v15 =	vld.idx.msk [tilespmem:v42+s10+$0x0], $0xffff  }
0x143: {  	v48 =	vor.u32 $0x10, v4;
	v13 =	vld.idx.msk [tilespmem:v43+s11+$0x0], $0xffff  }
0x144: {  	v49 =	vor.u32 $0x10, v3;
	v11 =	vld.idx.msk [tilespmem:v44+s11+$0x0], $0xffff  }
0x145: {  	v50 =	vor.u32 $0x10, v1;
	v12 =	vld.idx.msk [tilespmem:v45+s10+$0x0], $0xffff  }
0x146: {  	v16 =	vld.idx.msk [tilespmem:v46+s11+$0x0], $0xffff  }
0x147: {  	v17 =	vld.idx.msk [tilespmem:v47+s10+$0x0], $0xffff  }
0x148: {  	v51 =	vld.idx.msk [tilespmem:v48+s11+$0x0], $0xffff;
	v14 =	vadd.f32 v15, v14  }
0x149: {  	v52 =	vld.idx.msk [tilespmem:v49+s10+$0x0], $0xffff;
	v11 =	vadd.f32 v11, v13  }
0x14a: {  	v53 =	vld.idx.msk [tilespmem:v50+s11+$0x0], $0xffff;
	v12 =	vadd.f32 v12, v14  }
0x14b: {  	v11 =	vadd.f32 v16, v11  }
0x14c: {  	v12 =	vadd.f32 v17, v12  }
0x14d: {  	v54 =	vor.u32 $0x11, v9;
	v11 =	vadd.f32 v51, v11  }
0x14e: {  	v55 =	vor.u32 $0x11, v8;
	v12 =	vadd.f32 v52, v12  }
0x14f: {  	v56 =	vor.u32 $0x11, v7;
	v11 =	vadd.f32 v53, v11  }
0x150: {  	v57 =	vor.u32 $0x11, v5;
	[tilespmem:s20+$0x5A00] =	vst v12  }
0x151: {  	v58 =	vor.u32 $0x11, v10;
	[tilespmem:s20+$0x9A00] =	vst v11  }
0x152: {  	v59 =	vor.u32 $0x11, v6;
	v14 =	vld.idx.msk [tilespmem:v54+s10+$0x0], $0xffff  }
0x153: {  	v60 =	vor.u32 $0x11, v2;
	v15 =	vld.idx.msk [tilespmem:v55+s10+$0x0], $0xffff  }
0x154: {  	v61 =	vor.u32 $0x11, v4;
	v13 =	vld.idx.msk [tilespmem:v56+s11+$0x0], $0xffff  }
0x155: {  	v62 =	vor.u32 $0x11, v3;
	v12 =	vld.idx.msk [tilespmem:v57+s11+$0x0], $0xffff  }
0x156: {  	v63 =	vor.u32 $0x11, v1;
	v11 =	vld.idx.msk [tilespmem:v58+s10+$0x0], $0xffff  }
0x157: {  	v16 =	vld.idx.msk [tilespmem:v59+s11+$0x0], $0xffff  }
0x158: {  	v17 =	vld.idx.msk [tilespmem:v60+s10+$0x0], $0xffff  }
0x159: {  	v22 =	vld.idx.msk [tilespmem:v61+s11+$0x0], $0xffff;
	v14 =	vadd.f32 v15, v14  }
0x15a: {  	v23 =	vld.idx.msk [tilespmem:v62+s10+$0x0], $0xffff;
	v12 =	vadd.f32 v12, v13  }
0x15b: {  	v24 =	vld.idx.msk [tilespmem:v63+s11+$0x0], $0xffff;
	v11 =	vadd.f32 v11, v14  }
0x15c: {  	v12 =	vadd.f32 v16, v12  }
0x15d: {  	v11 =	vadd.f32 v17, v11  }
0x15e: {  	v25 =	vor.u32 $0x12, v9;
	v12 =	vadd.f32 v22, v12  }
0x15f: {  	v26 =	vor.u32 $0x12, v8;
	v11 =	vadd.f32 v23, v11  }
0x160: {  	v27 =	vor.u32 $0x12, v7;
	v12 =	vadd.f32 v24, v12  }
0x161: {  	v28 =	vor.u32 $0x12, v5;
	[tilespmem:s20+$0x5C00] =	vst v11  }
0x162: {  	v29 =	vor.u32 $0x12, v10;
	[tilespmem:s20+$0x9C00] =	vst v12  }
0x163: {  	v30 =	vor.u32 $0x12, v6;
	v14 =	vld.idx.msk [tilespmem:v25+s10+$0x0], $0xffff  }
0x164: {  	v31 =	vor.u32 $0x12, v2;
	v15 =	vld.idx.msk [tilespmem:v26+s10+$0x0], $0xffff  }
0x165: {  	v32 =	vor.u32 $0x12, v4;
	v13 =	vld.idx.msk [tilespmem:v27+s11+$0x0], $0xffff  }
0x166: {  	v33 =	vor.u32 $0x12, v3;
	v11 =	vld.idx.msk [tilespmem:v28+s11+$0x0], $0xffff  }
0x167: {  	v34 =	vor.u32 $0x12, v1;
	v12 =	vld.idx.msk [tilespmem:v29+s10+$0x0], $0xffff  }
0x168: {  	v16 =	vld.idx.msk [tilespmem:v30+s11+$0x0], $0xffff  }
0x169: {  	v17 =	vld.idx.msk [tilespmem:v31+s10+$0x0], $0xffff  }
0x16a: {  	v35 =	vld.idx.msk [tilespmem:v32+s11+$0x0], $0xffff;
	v14 =	vadd.f32 v15, v14  }
0x16b: {  	v36 =	vld.idx.msk [tilespmem:v33+s10+$0x0], $0xffff;
	v11 =	vadd.f32 v11, v13  }
0x16c: {  	v37 =	vld.idx.msk [tilespmem:v34+s11+$0x0], $0xffff;
	v12 =	vadd.f32 v12, v14  }
0x16d: {  	v11 =	vadd.f32 v16, v11  }
0x16e: {  	v12 =	vadd.f32 v17, v12  }
0x16f: {  	v38 =	vor.u32 $0x13, v9;
	v11 =	vadd.f32 v35, v11  }
0x170: {  	v39 =	vor.u32 $0x13, v8;
	v12 =	vadd.f32 v36, v12  }
0x171: {  	v40 =	vor.u32 $0x13, v7;
	v11 =	vadd.f32 v37, v11  }
0x172: {  	v41 =	vor.u32 $0x13, v5;
	[tilespmem:s20+$0x5E00] =	vst v12  }
0x173: {  	v42 =	vor.u32 $0x13, v10;
	[tilespmem:s20+$0x9E00] =	vst v11  }
0x174: {  	v43 =	vor.u32 $0x13, v6;
	v14 =	vld.idx.msk [tilespmem:v38+s10+$0x0], $0xffff  }
0x175: {  	v44 =	vor.u32 $0x13, v2;
	v15 =	vld.idx.msk [tilespmem:v39+s10+$0x0], $0xffff  }
0x176: {  	v45 =	vor.u32 $0x13, v4;
	v13 =	vld.idx.msk [tilespmem:v40+s11+$0x0], $0xffff  }
0x177: {  	v46 =	vor.u32 $0x13, v3;
	v12 =	vld.idx.msk [tilespmem:v41+s11+$0x0], $0xffff  }
0x178: {  	v47 =	vor.u32 $0x13, v1;
	v11 =	vld.idx.msk [tilespmem:v42+s10+$0x0], $0xffff  }
0x179: {  	v16 =	vld.idx.msk [tilespmem:v43+s11+$0x0], $0xffff  }
0x17a: {  	v17 =	vld.idx.msk [tilespmem:v44+s10+$0x0], $0xffff  }
0x17b: {  	v48 =	vld.idx.msk [tilespmem:v45+s11+$0x0], $0xffff;
	v14 =	vadd.f32 v15, v14  }
0x17c: {  	v49 =	vld.idx.msk [tilespmem:v46+s10+$0x0], $0xffff;
	v12 =	vadd.f32 v12, v13  }
0x17d: {  	v50 =	vld.idx.msk [tilespmem:v47+s11+$0x0], $0xffff;
	v11 =	vadd.f32 v11, v14  }
0x17e: {  	v12 =	vadd.f32 v16, v12  }
0x17f: {  	v11 =	vadd.f32 v17, v11  }
0x180: {  	v51 =	vor.u32 $0x14, v9;
	v12 =	vadd.f32 v48, v12  }
0x181: {  	v52 =	vor.u32 $0x14, v8;
	v11 =	vadd.f32 v49, v11  }
0x182: {  	v53 =	vor.u32 $0x14, v7;
	v12 =	vadd.f32 v50, v12  }
0x183: {  	v54 =	vor.u32 $0x14, v5;
	[tilespmem:s20+$0x6000] =	vst v11  }
0x184: {  	v55 =	vor.u32 $0x14, v10;
	[tilespmem:s20+$0xA000] =	vst v12  }
0x185: {  	v56 =	vor.u32 $0x14, v6;
	v14 =	vld.idx.msk [tilespmem:v51+s10+$0x0], $0xffff  }
0x186: {  	v57 =	vor.u32 $0x14, v2;
	v15 =	vld.idx.msk [tilespmem:v52+s10+$0x0], $0xffff  }
0x187: {  	v58 =	vor.u32 $0x14, v4;
	v13 =	vld.idx.msk [tilespmem:v53+s11+$0x0], $0xffff  }
0x188: {  	v59 =	vor.u32 $0x14, v3;
	v11 =	vld.idx.msk [tilespmem:v54+s11+$0x0], $0xffff  }
0x189: {  	v60 =	vor.u32 $0x14, v1;
	v12 =	vld.idx.msk [tilespmem:v55+s10+$0x0], $0xffff  }
0x18a: {  	v16 =	vld.idx.msk [tilespmem:v56+s11+$0x0], $0xffff  }
0x18b: {  	v17 =	vld.idx.msk [tilespmem:v57+s10+$0x0], $0xffff  }
0x18c: {  	v61 =	vld.idx.msk [tilespmem:v58+s11+$0x0], $0xffff;
	v14 =	vadd.f32 v15, v14  }
0x18d: {  	v62 =	vld.idx.msk [tilespmem:v59+s10+$0x0], $0xffff;
	v11 =	vadd.f32 v11, v13  }
0x18e: {  	v63 =	vld.idx.msk [tilespmem:v60+s11+$0x0], $0xffff;
	v12 =	vadd.f32 v12, v14  }
0x18f: {  	v11 =	vadd.f32 v16, v11  }
0x190: {  	v12 =	vadd.f32 v17, v12  }
0x191: {  	v19 =	vor.u32 $0x15, v9;
	v11 =	vadd.f32 v61, v11  }
0x192: {  	v20 =	vor.u32 $0x15, v8;
	v12 =	vadd.f32 v62, v12  }
0x193: {  	v21 =	vor.u32 $0x15, v7;
	v11 =	vadd.f32 v63, v11  }
0x194: {  	v22 =	vor.u32 $0x15, v5;
	[tilespmem:s20+$0x6200] =	vst v12  }
0x195: {  	v23 =	vor.u32 $0x15, v10;
	[tilespmem:s20+$0xA200] =	vst v11  }
0x196: {  	v24 =	vor.u32 $0x15, v6;
	v14 =	vld.idx.msk [tilespmem:v19+s10+$0x0], $0xffff  }
0x197: {  	v25 =	vor.u32 $0x15, v2;
	v15 =	vld.idx.msk [tilespmem:v20+s10+$0x0], $0xffff  }
0x198: {  	v26 =	vor.u32 $0x15, v4;
	v13 =	vld.idx.msk [tilespmem:v21+s11+$0x0], $0xffff  }
0x199: {  	v27 =	vor.u32 $0x15, v3;
	v12 =	vld.idx.msk [tilespmem:v22+s11+$0x0], $0xffff  }
0x19a: {  	v28 =	vor.u32 $0x15, v1;
	v11 =	vld.idx.msk [tilespmem:v23+s10+$0x0], $0xffff  }
0x19b: {  	v16 =	vld.idx.msk [tilespmem:v24+s11+$0x0], $0xffff  }
0x19c: {  	v17 =	vld.idx.msk [tilespmem:v25+s10+$0x0], $0xffff  }
0x19d: {  	v29 =	vld.idx.msk [tilespmem:v26+s11+$0x0], $0xffff;
	v14 =	vadd.f32 v15, v14  }
0x19e: {  	v30 =	vld.idx.msk [tilespmem:v27+s10+$0x0], $0xffff;
	v12 =	vadd.f32 v12, v13  }
0x19f: {  	v31 =	vld.idx.msk [tilespmem:v28+s11+$0x0], $0xffff;
	v11 =	vadd.f32 v11, v14  }
0x1a0: {  	v12 =	vadd.f32 v16, v12  }
0x1a1: {  	v11 =	vadd.f32 v17, v11  }
0x1a2: {  	v32 =	vor.u32 $0x16, v9;
	v12 =	vadd.f32 v29, v12  }
0x1a3: {  	v33 =	vor.u32 $0x16, v8;
	v11 =	vadd.f32 v30, v11  }
0x1a4: {  	v34 =	vor.u32 $0x16, v7;
	v12 =	vadd.f32 v31, v12  }
0x1a5: {  	v35 =	vor.u32 $0x16, v5;
	[tilespmem:s20+$0x6400] =	vst v11  }
0x1a6: {  	v36 =	vor.u32 $0x16, v10;
	[tilespmem:s20+$0xA400] =	vst v12  }
0x1a7: {  	v37 =	vor.u32 $0x16, v6;
	v14 =	vld.idx.msk [tilespmem:v32+s10+$0x0], $0xffff  }
0x1a8: {  	v38 =	vor.u32 $0x16, v2;
	v15 =	vld.idx.msk [tilespmem:v33+s10+$0x0], $0xffff  }
0x1a9: {  	v39 =	vor.u32 $0x16, v4;
	v13 =	vld.idx.msk [tilespmem:v34+s11+$0x0], $0xffff  }
0x1aa: {  	v40 =	vor.u32 $0x16, v3;
	v11 =	vld.idx.msk [tilespmem:v35+s11+$0x0], $0xffff  }
0x1ab: {  	v41 =	vor.u32 $0x16, v1;
	v12 =	vld.idx.msk [tilespmem:v36+s10+$0x0], $0xffff  }
0x1ac: {  	v16 =	vld.idx.msk [tilespmem:v37+s11+$0x0], $0xffff  }
0x1ad: {  	v17 =	vld.idx.msk [tilespmem:v38+s10+$0x0], $0xffff  }
0x1ae: {  	v42 =	vld.idx.msk [tilespmem:v39+s11+$0x0], $0xffff;
	v14 =	vadd.f32 v15, v14  }
0x1af: {  	v43 =	vld.idx.msk [tilespmem:v40+s10+$0x0], $0xffff;
	v11 =	vadd.f32 v11, v13  }
0x1b0: {  	s21 =	sadd.s32 $0xFFFFFF5C, s18;
	v44 =	vld.idx.msk [tilespmem:v41+s11+$0x0], $0xffff;
	v12 =	vadd.f32 v12, v14  }
0x1b1: {  	s25 =	sadd.s32 $0xFFFFFF5D, s18;
	v33 =	vadd.s32 s21, v0;
	v11 =	vadd.f32 v16, v11  }
0x1b2: {  	v34 =	vadd.s32 s25, v0;
	v12 =	vadd.f32 v17, v12  }
0x1b3: {  	v45 =	vor.u32 $0x17, v9;
	v11 =	vadd.f32 v42, v11  }
0x1b4: {  	v46 =	vor.u32 $0x17, v8;
	v12 =	vadd.f32 v43, v12  }
0x1b5: {  	v47 =	vor.u32 $0x17, v7;
	v11 =	vadd.f32 v44, v11  }
0x1b6: {  	v48 =	vor.u32 $0x17, v5;
	v36 =	vld.idx.msk [tilespmem:v33+s3+$0x0], $0xffff;
	[tilespmem:s20+$0x6600] =	vst v12  }
0x1b7: {  	v49 =	vor.u32 $0x17, v10;
	v37 =	vld.idx.msk [tilespmem:v34+s3+$0x0], $0xffff;
	[tilespmem:s20+$0xA600] =	vst v11  }
0x1b8: {  	v50 =	vor.u32 $0x17, v6;
	v14 =	vld.idx.msk [tilespmem:v45+s10+$0x0], $0xffff  }
0x1b9: {  	v51 =	vor.u32 $0x17, v2;
	v15 =	vld.idx.msk [tilespmem:v46+s10+$0x0], $0xffff  }
0x1ba: {  	v52 =	vor.u32 $0x17, v4;
	v13 =	vld.idx.msk [tilespmem:v47+s11+$0x0], $0xffff  }
0x1bb: {  	v53 =	vor.u32 $0x17, v3;
	v12 =	vld.idx.msk [tilespmem:v48+s11+$0x0], $0xffff  }
0x1bc: {  	s26 =	sadd.s32 $0xFFFFFF5E, s18;
	v54 =	vor.u32 $0x17, v1;
	v11 =	vld.idx.msk [tilespmem:v49+s10+$0x0], $0xffff  }
0x1bd: {  	s28 =	sadd.s32 $0xFFFFFF5F, s18;
	v35 =	vadd.s32 s26, v0;
	v16 =	vld.idx.msk [tilespmem:v50+s11+$0x0], $0xffff  }
0x1be: {  	s29 =	sadd.s32 $0xFFFFFF60, s18;
	v38 =	vadd.s32 s28, v0;
	v17 =	vld.idx.msk [tilespmem:v51+s10+$0x0], $0xffff  }
0x1bf: {  	v39 =	vadd.s32 s29, v0;
	v55 =	vld.idx.msk [tilespmem:v52+s11+$0x0], $0xffff;
	v14 =	vadd.f32 v15, v14  }
0x1c0: {  	v56 =	vld.idx.msk [tilespmem:v53+s10+$0x0], $0xffff;
	v12 =	vadd.f32 v12, v13  }
0x1c1: {  	v57 =	vld.idx.msk [tilespmem:v54+s11+$0x0], $0xffff;
	v11 =	vadd.f32 v11, v14  }
0x1c2: {  	v40 =	vld.idx.msk [tilespmem:v35+s3+$0x0], $0xffff;
	v12 =	vadd.f32 v16, v12  }
0x1c3: {  	v41 =	vld.idx.msk [tilespmem:v38+s3+$0x0], $0xffff;
	v11 =	vadd.f32 v17, v11  }
0x1c4: {  	v58 =	vor.u32 $0x18, v9;
	v31 =	vld.idx.msk [tilespmem:v39+s3+$0x0], $0xffff;
	v12 =	vadd.f32 v55, v12  }
0x1c5: {  	v59 =	vor.u32 $0x18, v8;
	v15 =	vld.idx.msk [tilespmem:v34+s9+$0x0], $0xffff;
	v11 =	vadd.f32 v56, v11  }
0x1c6: {  	v60 =	vor.u32 $0x18, v10;
	v14 =	vld.idx.msk [tilespmem:v33+s9+$0x0], $0xffff;
	v12 =	vadd.f32 v57, v12  }
0x1c7: {  	v61 =	vor.u32 $0x18, v2;
	v16 =	vld.idx.msk [tilespmem:v38+s9+$0x0], $0xffff;
	[tilespmem:s20+$0x6800] =	vst v11  }
0x1c8: {  	v62 =	vor.u32 $0x18, v3;
	[tilespmem:s20+$0xA800] =	vst v12;
	v11 =	vld.idx.msk [tilespmem:v35+s9+$0x0], $0xffff  }
0x1c9: {  	v63 =	vor.u32 $0x18, v7;
	v21 =	vld.idx.msk [tilespmem:v58+s10+$0x0], $0xffff  }
0x1ca: {  	v18 =	vor.u32 $0x18, v5;
	v22 =	vld.idx.msk [tilespmem:v59+s10+$0x0], $0xffff  }
0x1cb: {  	v19 =	vor.u32 $0x18, v6;
	v23 =	vld.idx.msk [tilespmem:v60+s10+$0x0], $0xffff  }
0x1cc: {  	v20 =	vor.u32 $0x18, v4;
	v24 =	vld.idx.msk [tilespmem:v61+s10+$0x0], $0xffff  }
0x1cd: {  	v32 =	vor.u32 $0x18, v1;
	v25 =	vld.idx.msk [tilespmem:v62+s10+$0x0], $0xffff  }
0x1ce: {  	v26 =	vld.idx.msk [tilespmem:v63+s11+$0x0], $0xffff  }
0x1cf: {  	v17 =	vshll.u32 v37, $0x5;
	v27 =	vld.idx.msk [tilespmem:v18+s11+$0x0], $0xffff  }
0x1d0: {  	v15 =	vshll.u32 v15, $0x5;
	v28 =	vld.idx.msk [tilespmem:v19+s11+$0x0], $0xffff  }
0x1d1: {  	v29 =	vld.idx.msk [tilespmem:v20+s11+$0x0], $0xffff;
	v20 =	vshll.u32 v36, $0x5  }
0x1d2: {  	v14 =	vshll.u32 v14, $0x5;
	v30 =	vld.idx.msk [tilespmem:v32+s11+$0x0], $0xffff  }
0x1d3: {  	v18 =	vshll.u32 v40, $0x5;
	v32 =	vld.idx.msk [tilespmem:v39+s9+$0x0], $0xffff  }
0x1d4: {  	v34 =	vld.idx.msk [tilespmem:v17+s10+$0x0], $0xffff;
	v13 =	vshll.u32 v11, $0x5  }
0x1d5: {  	v19 =	vshll.u32 v41, $0x5;
	v42 =	vld.idx.msk [tilespmem:v15+s11+$0x0], $0xffff  }
0x1d6: {  	v16 =	vshll.u32 v16, $0x5;
	v33 =	vld.idx.msk [tilespmem:v20+s10+$0x0], $0xffff  }
0x1d7: {  	v35 =	vld.idx.msk [tilespmem:v14+s11+$0x0], $0xffff;
	v11 =	vshll.u32 v31, $0x5  }
0x1d8: {  	v21 =	vadd.f32 v22, v21;
	v12 =	vshll.u32 v32, $0x5;
	v43 =	vld.idx.msk [tilespmem:v18+s10+$0x0], $0xffff  }
0x1d9: {  	v26 =	vadd.f32 v27, v26;
	v44 =	vld.idx.msk [tilespmem:v13+s11+$0x0], $0xffff  }
0x1da: {  	v45 =	vld.idx.msk [tilespmem:v19+s10+$0x0], $0xffff;
	v21 =	vadd.f32 v23, v21  }
0x1db: {  	v47 =	vld.idx.msk [tilespmem:v16+s11+$0x0], $0xffff;
	v26 =	vadd.f32 v28, v26;
	v46 =	vadd.f32 v34, v33  }
0x1dc: {  	v31 =	vadd.f32 v42, v35;
	v21 =	vadd.f32 v24, v21;
	v48 =	vld.idx.msk [tilespmem:v11+s10+$0x0], $0xffff  }
0x1dd: {  	v49 =	vor.u32 $0x19, v9;
	v26 =	vadd.f32 v29, v26;
	v50 =	vld.idx.msk [tilespmem:v12+s11+$0x0], $0xffff;
	v22 =	vadd.f32 v43, v46  }
0x1de: {  	v51 =	vor.u32 $0x19, v8;
	v21 =	vadd.f32 v25, v21;
	v27 =	vadd.f32 v44, v31  }
0x1df: {  	v52 =	vor.u32 $0x19, v10;
	v26 =	vadd.f32 v30, v26;
	v22 =	vadd.f32 v45, v22  }
0x1e0: {  	v54 =	vor.u32 $0x1, v20;
	[tilespmem:s20+$0x6A00] =	vst v21;
	v53 =	vadd.f32 v47, v27  }
0x1e1: {  	v55 =	vor.u32 $0x1, v17;
	[tilespmem:s20+$0xAA00] =	vst v26;
	v22 =	vadd.f32 v48, v22  }
0x1e2: {  	s30 =	sadd.s32 $0xFFFFFFE0, s17;
	v56 =	vor.u32 $0x1, v14;
	v26 =	vld.idx.msk [tilespmem:v49+s10+$0x0], $0xffff;
	v21 =	vadd.f32 v50, v53  }
0x1e3: {  	s21 =	sand.u32 $0x1D0, s30;
	v57 =	vor.u32 $0x1, v15;
	v25 =	vld.idx.msk [tilespmem:v51+s10+$0x0], $0xffff;
	[tilespmem:s19+$0xFFFFFFF0] =	vst v22  }
0x1e4: {  	v58 =	vor.u32 $0x1, v18;
	v28 =	vld.idx.msk [tilespmem:v52+s10+$0x0], $0xffff;
	[tilespmem:s21+$0x7A00] =	vst v21  }
0x1e5: {  	v59 =	vor.u32 $0x1, v13;
	v23 =	vld.idx.msk [tilespmem:v54+s10+$0x0], $0xffff  }
0x1e6: {  	v60 =	vor.u32 $0x1, v19;
	v24 =	vld.idx.msk [tilespmem:v55+s10+$0x0], $0xffff  }
0x1e7: {  	v61 =	vor.u32 $0x1, v16;
	v27 =	vld.idx.msk [tilespmem:v56+s11+$0x0], $0xffff  }
0x1e8: {  	v62 =	vor.u32 $0x1, v11;
	v22 =	vld.idx.msk [tilespmem:v57+s11+$0x0], $0xffff  }
0x1e9: {  	v63 =	vor.u32 $0x1, v12;
	v21 =	vld.idx.msk [tilespmem:v58+s10+$0x0], $0xffff  }
0x1ea: {  	v40 =	vor.u32 $0x19, v2;
	v29 =	vld.idx.msk [tilespmem:v59+s11+$0x0], $0xffff  }
0x1eb: {  	v41 =	vor.u32 $0x19, v3;
	v30 =	vld.idx.msk [tilespmem:v60+s10+$0x0], $0xffff  }
0x1ec: {  	v43 =	vor.u32 $0x19, v5;
	v42 =	vld.idx.msk [tilespmem:v61+s11+$0x0], $0xffff;
	v23 =	vadd.f32 v24, v23  }
0x1ed: {  	v36 =	vor.u32 $0x19, v7;
	v32 =	vld.idx.msk [tilespmem:v62+s10+$0x0], $0xffff;
	v22 =	vadd.f32 v22, v27  }
0x1ee: {  	v49 =	vor.u32 $0x19, v1;
	v45 =	vld.idx.msk [tilespmem:v63+s11+$0x0], $0xffff;
	v21 =	vadd.f32 v21, v23  }
0x1ef: {  	v46 =	vld.idx.msk [tilespmem:v40+s10+$0x0], $0xffff;
	v47 =	vor.u32 $0x19, v4;
	v22 =	vadd.f32 v29, v22  }
0x1f0: {  	v44 =	vor.u32 $0x19, v6;
	v48 =	vld.idx.msk [tilespmem:v41+s10+$0x0], $0xffff;
	v21 =	vadd.f32 v30, v21  }
0x1f1: {  	v51 =	vor.u32 $0x2, v20;
	v31 =	vld.idx.msk [tilespmem:v43+s11+$0x0], $0xffff;
	v22 =	vadd.f32 v42, v22  }
0x1f2: {  	v52 =	vor.u32 $0x2, v17;
	v50 =	vld.idx.msk [tilespmem:v36+s11+$0x0], $0xffff;
	v21 =	vadd.f32 v32, v21  }
0x1f3: {  	v53 =	vor.u32 $0x2, v14;
	v35 =	vld.idx.msk [tilespmem:v49+s11+$0x0], $0xffff;
	v22 =	vadd.f32 v45, v22  }
0x1f4: {  	v34 =	vld.idx.msk [tilespmem:v47+s11+$0x0], $0xffff;
	v54 =	vor.u32 $0x2, v15;
	[tilespmem:s21+$0x3C00] =	vst v21  }
0x1f5: {  	v55 =	vor.u32 $0x2, v18;
	v27 =	vld.idx.msk [tilespmem:v44+s11+$0x0], $0xffff;
	[tilespmem:s21+$0x7C00] =	vst v22  }
0x1f6: {  	v56 =	vor.u32 $0x2, v13;
	v24 =	vld.idx.msk [tilespmem:v51+s10+$0x0], $0xffff  }
0x1f7: {  	v37 =	vor.u32 $0x2, v19;
	v32 =	vld.idx.msk [tilespmem:v52+s10+$0x0], $0xffff  }
0x1f8: {  	v38 =	vor.u32 $0x2, v16;
	v23 =	vld.idx.msk [tilespmem:v53+s11+$0x0], $0xffff  }
0x1f9: {  	v39 =	vor.u32 $0x2, v11;
	v21 =	vld.idx.msk [tilespmem:v54+s11+$0x0], $0xffff  }
0x1fa: {  	v25 =	vadd.f32 v25, v26;
	v57 =	vor.u32 $0x2, v12;
	v22 =	vld.idx.msk [tilespmem:v55+s10+$0x0], $0xffff  }
0x1fb: {  	v30 =	vadd.f32 v31, v50;
	v58 =	vld.idx.msk [tilespmem:v56+s11+$0x0], $0xffff  }
0x1fc: {  	v25 =	vadd.f32 v28, v25;
	v59 =	vld.idx.msk [tilespmem:v37+s10+$0x0], $0xffff  }
0x1fd: {  	v27 =	vadd.f32 v27, v30;
	v60 =	vld.idx.msk [tilespmem:v38+s11+$0x0], $0xffff;
	v24 =	vadd.f32 v32, v24  }
0x1fe: {  	v25 =	vadd.f32 v46, v25;
	v61 =	vld.idx.msk [tilespmem:v39+s10+$0x0], $0xffff;
	v21 =	vadd.f32 v21, v23  }
0x1ff: {  	v63 =	vor.u32 $0x1A, v9;
	v62 =	vadd.f32 v34, v27;
	v33 =	vld.idx.msk [tilespmem:v57+s11+$0x0], $0xffff;
	v22 =	vadd.f32 v22, v24  }
0x200: {  	v25 =	vadd.f32 v48, v25;
	v34 =	vor.u32 $0x1A, v8;
	v21 =	vadd.f32 v58, v21  }
0x201: {  	v36 =	vor.u32 $0x1A, v10;
	v23 =	vadd.f32 v35, v62;
	v22 =	vadd.f32 v59, v22  }
0x202: {  	[tilespmem:s20+$0x6C00] =	vst v25;
	v37 =	vor.u32 $0x3, v20;
	v21 =	vadd.f32 v60, v21  }
0x203: {  	v38 =	vor.u32 $0x3, v17;
	[tilespmem:s20+$0xAC00] =	vst v23;
	v22 =	vadd.f32 v61, v22  }
0x204: {  	v39 =	vor.u32 $0x3, v14;
	v27 =	vld.idx.msk [tilespmem:v63+s10+$0x0], $0xffff;
	v21 =	vadd.f32 v33, v21  }
0x205: {  	v40 =	vor.u32 $0x3, v15;
	v26 =	vld.idx.msk [tilespmem:v34+s10+$0x0], $0xffff;
	[tilespmem:s21+$0x3E00] =	vst v22  }
0x206: {  	v41 =	vor.u32 $0x3, v18;
	v28 =	vld.idx.msk [tilespmem:v36+s10+$0x0], $0xffff;
	[tilespmem:s21+$0x7E00] =	vst v21  }
0x207: {  	v42 =	vor.u32 $0x3, v13;
	v25 =	vld.idx.msk [tilespmem:v37+s10+$0x0], $0xffff  }
0x208: {  	v43 =	vor.u32 $0x3, v19;
	v23 =	vld.idx.msk [tilespmem:v38+s10+$0x0], $0xffff  }
0x209: {  	v44 =	vor.u32 $0x3, v16;
	v24 =	vld.idx.msk [tilespmem:v39+s11+$0x0], $0xffff  }
0x20a: {  	v45 =	vor.u32 $0x3, v11;
	v22 =	vld.idx.msk [tilespmem:v40+s11+$0x0], $0xffff  }
0x20b: {  	v46 =	vor.u32 $0x3, v12;
	v21 =	vld.idx.msk [tilespmem:v41+s10+$0x0], $0xffff  }
0x20c: {  	v47 =	vor.u32 $0x1A, v2;
	v29 =	vld.idx.msk [tilespmem:v42+s11+$0x0], $0xffff  }
0x20d: {  	v48 =	vor.u32 $0x1A, v3;
	v30 =	vld.idx.msk [tilespmem:v43+s10+$0x0], $0xffff  }
0x20e: {  	v49 =	vor.u32 $0x1A, v7;
	v50 =	vld.idx.msk [tilespmem:v44+s11+$0x0], $0xffff;
	v23 =	vadd.f32 v23, v25  }
0x20f: {  	v51 =	vor.u32 $0x1A, v5;
	v32 =	vld.idx.msk [tilespmem:v45+s10+$0x0], $0xffff;
	v22 =	vadd.f32 v22, v24  }
0x210: {  	v55 =	vor.u32 $0x1A, v4;
	v53 =	vld.idx.msk [tilespmem:v46+s11+$0x0], $0xffff;
	v21 =	vadd.f32 v21, v23  }
0x211: {  	v57 =	vor.u32 $0x1A, v1;
	v54 =	vld.idx.msk [tilespmem:v47+s10+$0x0], $0xffff;
	v22 =	vadd.f32 v29, v22  }
0x212: {  	v52 =	vor.u32 $0x1A, v6;
	v56 =	vld.idx.msk [tilespmem:v48+s10+$0x0], $0xffff;
	v21 =	vadd.f32 v30, v21  }
0x213: {  	v58 =	vld.idx.msk [tilespmem:v49+s11+$0x0], $0xffff;
	v59 =	vor.u32 $0x4, v20;
	v22 =	vadd.f32 v50, v22  }
0x214: {  	v31 =	vld.idx.msk [tilespmem:v51+s11+$0x0], $0xffff;
	v60 =	vor.u32 $0x4, v17;
	v21 =	vadd.f32 v32, v21  }
0x215: {  	v34 =	vld.idx.msk [tilespmem:v55+s11+$0x0], $0xffff;
	v61 =	vor.u32 $0x4, v14;
	v22 =	vadd.f32 v53, v22  }
0x216: {  	v62 =	vor.u32 $0x4, v15;
	v35 =	vld.idx.msk [tilespmem:v57+s11+$0x0], $0xffff;
	[tilespmem:s21+$0x4000] =	vst v21  }
0x217: {  	v63 =	vor.u32 $0x4, v18;
	v24 =	vld.idx.msk [tilespmem:v52+s11+$0x0], $0xffff;
	[tilespmem:s21+$0x8000] =	vst v22  }
0x218: {  	v42 =	vor.u32 $0x4, v13;
	v25 =	vld.idx.msk [tilespmem:v59+s10+$0x0], $0xffff  }
0x219: {  	v43 =	vor.u32 $0x4, v19;
	v32 =	vld.idx.msk [tilespmem:v60+s10+$0x0], $0xffff  }
0x21a: {  	v44 =	vor.u32 $0x4, v16;
	v23 =	vld.idx.msk [tilespmem:v61+s11+$0x0], $0xffff  }
0x21b: {  	v45 =	vor.u32 $0x4, v11;
	v21 =	vld.idx.msk [tilespmem:v62+s11+$0x0], $0xffff  }
0x21c: {  	v26 =	vadd.f32 v26, v27;
	v46 =	vor.u32 $0x4, v12;
	v22 =	vld.idx.msk [tilespmem:v63+s10+$0x0], $0xffff  }
0x21d: {  	v30 =	vadd.f32 v31, v58;
	v47 =	vld.idx.msk [tilespmem:v42+s11+$0x0], $0xffff  }
0x21e: {  	v26 =	vadd.f32 v28, v26;
	v48 =	vld.idx.msk [tilespmem:v43+s10+$0x0], $0xffff  }
0x21f: {  	v24 =	vadd.f32 v24, v30;
	v49 =	vld.idx.msk [tilespmem:v44+s11+$0x0], $0xffff;
	v25 =	vadd.f32 v32, v25  }
0x220: {  	v26 =	vadd.f32 v54, v26;
	v50 =	vld.idx.msk [tilespmem:v45+s10+$0x0], $0xffff;
	v21 =	vadd.f32 v21, v23  }
0x221: {  	v52 =	vor.u32 $0x1B, v9;
	v51 =	vadd.f32 v34, v24;
	v53 =	vld.idx.msk [tilespmem:v46+s11+$0x0], $0xffff;
	v22 =	vadd.f32 v22, v25  }
0x222: {  	v54 =	vor.u32 $0x1B, v8;
	v26 =	vadd.f32 v56, v26;
	v21 =	vadd.f32 v47, v21  }
0x223: {  	v55 =	vor.u32 $0x1B, v10;
	v23 =	vadd.f32 v35, v51;
	v22 =	vadd.f32 v48, v22  }
0x224: {  	v56 =	vor.u32 $0x5, v20;
	[tilespmem:s20+$0x6E00] =	vst v26;
	v21 =	vadd.f32 v49, v21  }
0x225: {  	v57 =	vor.u32 $0x5, v17;
	[tilespmem:s20+$0xAE00] =	vst v23;
	v22 =	vadd.f32 v50, v22  }
0x226: {  	v58 =	vor.u32 $0x5, v14;
	v24 =	vld.idx.msk [tilespmem:v52+s10+$0x0], $0xffff;
	v21 =	vadd.f32 v53, v21  }
0x227: {  	v59 =	vor.u32 $0x5, v15;
	v27 =	vld.idx.msk [tilespmem:v54+s10+$0x0], $0xffff;
	[tilespmem:s21+$0x4200] =	vst v22  }
0x228: {  	v60 =	vor.u32 $0x5, v18;
	v28 =	vld.idx.msk [tilespmem:v55+s10+$0x0], $0xffff;
	[tilespmem:s21+$0x8200] =	vst v21  }
0x229: {  	v61 =	vor.u32 $0x5, v13;
	v26 =	vld.idx.msk [tilespmem:v56+s10+$0x0], $0xffff  }
0x22a: {  	v62 =	vor.u32 $0x5, v19;
	v23 =	vld.idx.msk [tilespmem:v57+s10+$0x0], $0xffff  }
0x22b: {  	v63 =	vor.u32 $0x5, v16;
	v25 =	vld.idx.msk [tilespmem:v58+s11+$0x0], $0xffff  }
0x22c: {  	v40 =	vor.u32 $0x5, v11;
	v22 =	vld.idx.msk [tilespmem:v59+s11+$0x0], $0xffff  }
0x22d: {  	v41 =	vor.u32 $0x5, v12;
	v21 =	vld.idx.msk [tilespmem:v60+s10+$0x0], $0xffff  }
0x22e: {  	v43 =	vor.u32 $0x1B, v3;
	v29 =	vld.idx.msk [tilespmem:v61+s11+$0x0], $0xffff  }
0x22f: {  	v46 =	vor.u32 $0x1B, v5;
	v30 =	vld.idx.msk [tilespmem:v62+s10+$0x0], $0xffff  }
0x230: {  	v42 =	vor.u32 $0x1B, v2;
	v45 =	vld.idx.msk [tilespmem:v63+s11+$0x0], $0xffff;
	v23 =	vadd.f32 v23, v26  }
0x231: {  	v44 =	vor.u32 $0x1B, v7;
	v32 =	vld.idx.msk [tilespmem:v40+s10+$0x0], $0xffff;
	v22 =	vadd.f32 v22, v25  }
0x232: {  	v52 =	vor.u32 $0x1B, v1;
	v48 =	vld.idx.msk [tilespmem:v41+s11+$0x0], $0xffff;
	v21 =	vadd.f32 v21, v23  }
0x233: {  	v51 =	vld.idx.msk [tilespmem:v43+s10+$0x0], $0xffff;
	v50 =	vor.u32 $0x1B, v4;
	v22 =	vadd.f32 v29, v22  }
0x234: {  	v47 =	vor.u32 $0x1B, v6;
	v31 =	vld.idx.msk [tilespmem:v46+s11+$0x0], $0xffff;
	v21 =	vadd.f32 v30, v21  }
0x235: {  	v54 =	vor.u32 $0x6, v20;
	v49 =	vld.idx.msk [tilespmem:v42+s10+$0x0], $0xffff;
	v22 =	vadd.f32 v45, v22  }
0x236: {  	v55 =	vor.u32 $0x6, v17;
	v53 =	vld.idx.msk [tilespmem:v44+s11+$0x0], $0xffff;
	v21 =	vadd.f32 v32, v21  }
0x237: {  	v35 =	vld.idx.msk [tilespmem:v52+s11+$0x0], $0xffff;
	v56 =	vor.u32 $0x6, v14;
	v22 =	vadd.f32 v48, v22  }
0x238: {  	v57 =	vor.u32 $0x6, v15;
	v34 =	vld.idx.msk [tilespmem:v50+s11+$0x0], $0xffff;
	[tilespmem:s21+$0x4400] =	vst v21  }
0x239: {  	v58 =	vor.u32 $0x6, v18;
	v25 =	vld.idx.msk [tilespmem:v47+s11+$0x0], $0xffff;
	[tilespmem:s21+$0x8400] =	vst v22  }
0x23a: {  	v59 =	vor.u32 $0x6, v13;
	v26 =	vld.idx.msk [tilespmem:v54+s10+$0x0], $0xffff  }
0x23b: {  	v60 =	vor.u32 $0x6, v19;
	v32 =	vld.idx.msk [tilespmem:v55+s10+$0x0], $0xffff  }
0x23c: {  	v61 =	vor.u32 $0x6, v16;
	v23 =	vld.idx.msk [tilespmem:v56+s11+$0x0], $0xffff  }
0x23d: {  	v62 =	vor.u32 $0x6, v11;
	v21 =	vld.idx.msk [tilespmem:v57+s11+$0x0], $0xffff  }
0x23e: {  	v24 =	vadd.f32 v27, v24;
	v63 =	vor.u32 $0x6, v12;
	v22 =	vld.idx.msk [tilespmem:v58+s10+$0x0], $0xffff  }
0x23f: {  	v30 =	vadd.f32 v31, v53;
	v36 =	vld.idx.msk [tilespmem:v59+s11+$0x0], $0xffff  }
0x240: {  	v24 =	vadd.f32 v28, v24;
	v37 =	vld.idx.msk [tilespmem:v60+s10+$0x0], $0xffff  }
0x241: {  	v25 =	vadd.f32 v25, v30;
	v38 =	vld.idx.msk [tilespmem:v61+s11+$0x0], $0xffff;
	v26 =	vadd.f32 v32, v26  }
0x242: {  	v24 =	vadd.f32 v49, v24;
	v40 =	vld.idx.msk [tilespmem:v62+s10+$0x0], $0xffff;
	v21 =	vadd.f32 v21, v23  }
0x243: {  	v42 =	vor.u32 $0x1C, v9;
	v41 =	vadd.f32 v34, v25;
	v43 =	vld.idx.msk [tilespmem:v63+s11+$0x0], $0xffff;
	v22 =	vadd.f32 v22, v26  }
0x244: {  	v44 =	vor.u32 $0x1C, v8;
	v24 =	vadd.f32 v51, v24;
	v21 =	vadd.f32 v36, v21  }
0x245: {  	v45 =	vor.u32 $0x1C, v10;
	v23 =	vadd.f32 v35, v41;
	v22 =	vadd.f32 v37, v22  }
0x246: {  	v46 =	vor.u32 $0x7, v20;
	[tilespmem:s20+$0x7000] =	vst v24;
	v21 =	vadd.f32 v38, v21  }
0x247: {  	v47 =	vor.u32 $0x7, v17;
	[tilespmem:s20+$0xB000] =	vst v23;
	v22 =	vadd.f32 v40, v22  }
0x248: {  	v48 =	vor.u32 $0x7, v14;
	v25 =	vld.idx.msk [tilespmem:v42+s10+$0x0], $0xffff;
	v21 =	vadd.f32 v43, v21  }
0x249: {  	v49 =	vor.u32 $0x7, v15;
	v27 =	vld.idx.msk [tilespmem:v44+s10+$0x0], $0xffff;
	[tilespmem:s21+$0x4600] =	vst v22  }
0x24a: {  	v50 =	vor.u32 $0x7, v18;
	v28 =	vld.idx.msk [tilespmem:v45+s10+$0x0], $0xffff;
	[tilespmem:s21+$0x8600] =	vst v21  }
0x24b: {  	v51 =	vor.u32 $0x7, v13;
	v24 =	vld.idx.msk [tilespmem:v46+s10+$0x0], $0xffff  }
0x24c: {  	v52 =	vor.u32 $0x7, v19;
	v23 =	vld.idx.msk [tilespmem:v47+s10+$0x0], $0xffff  }
0x24d: {  	v53 =	vor.u32 $0x7, v16;
	v26 =	vld.idx.msk [tilespmem:v48+s11+$0x0], $0xffff  }
0x24e: {  	v54 =	vor.u32 $0x7, v11;
	v22 =	vld.idx.msk [tilespmem:v49+s11+$0x0], $0xffff  }
0x24f: {  	v55 =	vor.u32 $0x7, v12;
	v21 =	vld.idx.msk [tilespmem:v50+s10+$0x0], $0xffff  }
0x250: {  	v56 =	vor.u32 $0x1C, v2;
	v29 =	vld.idx.msk [tilespmem:v51+s11+$0x0], $0xffff  }
0x251: {  	v58 =	vor.u32 $0x1C, v7;
	v30 =	vld.idx.msk [tilespmem:v52+s10+$0x0], $0xffff  }
0x252: {  	v60 =	vor.u32 $0x1C, v5;
	v59 =	vld.idx.msk [tilespmem:v53+s11+$0x0], $0xffff;
	v23 =	vadd.f32 v23, v24  }
0x253: {  	v57 =	vor.u32 $0x1C, v3;
	v32 =	vld.idx.msk [tilespmem:v54+s10+$0x0], $0xffff;
	v22 =	vadd.f32 v22, v26  }
0x254: {  	v42 =	vor.u32 $0x1C, v4;
	v62 =	vld.idx.msk [tilespmem:v55+s11+$0x0], $0xffff;
	v21 =	vadd.f32 v21, v23  }
0x255: {  	v63 =	vld.idx.msk [tilespmem:v56+s10+$0x0], $0xffff;
	v44 =	vor.u32 $0x1C, v1;
	v22 =	vadd.f32 v29, v22  }
0x256: {  	v61 =	vor.u32 $0x1C, v6;
	v45 =	vld.idx.msk [tilespmem:v58+s11+$0x0], $0xffff;
	v21 =	vadd.f32 v30, v21  }
0x257: {  	v31 =	vld.idx.msk [tilespmem:v60+s11+$0x0], $0xffff;
	v46 =	vor.u32 $0x8, v20;
	v22 =	vadd.f32 v59, v22  }
0x258: {  	v43 =	vld.idx.msk [tilespmem:v57+s10+$0x0], $0xffff;
	v47 =	vor.u32 $0x8, v17;
	v21 =	vadd.f32 v32, v21  }
0x259: {  	v34 =	vld.idx.msk [tilespmem:v42+s11+$0x0], $0xffff;
	v48 =	vor.u32 $0x8, v14;
	v22 =	vadd.f32 v62, v22  }
0x25a: {  	v35 =	vld.idx.msk [tilespmem:v44+s11+$0x0], $0xffff;
	v49 =	vor.u32 $0x8, v15;
	[tilespmem:s21+$0x4800] =	vst v21  }
0x25b: {  	v50 =	vor.u32 $0x8, v18;
	v26 =	vld.idx.msk [tilespmem:v61+s11+$0x0], $0xffff;
	[tilespmem:s21+$0x8800] =	vst v22  }
0x25c: {  	v51 =	vor.u32 $0x8, v13;
	v24 =	vld.idx.msk [tilespmem:v46+s10+$0x0], $0xffff  }
0x25d: {  	v52 =	vor.u32 $0x8, v19;
	v32 =	vld.idx.msk [tilespmem:v47+s10+$0x0], $0xffff  }
0x25e: {  	v53 =	vor.u32 $0x8, v16;
	v23 =	vld.idx.msk [tilespmem:v48+s11+$0x0], $0xffff  }
0x25f: {  	v54 =	vor.u32 $0x8, v11;
	v21 =	vld.idx.msk [tilespmem:v49+s11+$0x0], $0xffff  }
0x260: {  	v25 =	vadd.f32 v27, v25;
	v55 =	vor.u32 $0x8, v12;
	v22 =	vld.idx.msk [tilespmem:v50+s10+$0x0], $0xffff  }
0x261: {  	v30 =	vadd.f32 v31, v45;
	v56 =	vld.idx.msk [tilespmem:v51+s11+$0x0], $0xffff  }
0x262: {  	v25 =	vadd.f32 v28, v25;
	v57 =	vld.idx.msk [tilespmem:v52+s10+$0x0], $0xffff  }
0x263: {  	v26 =	vadd.f32 v26, v30;
	v58 =	vld.idx.msk [tilespmem:v53+s11+$0x0], $0xffff;
	v24 =	vadd.f32 v32, v24  }
0x264: {  	v25 =	vadd.f32 v63, v25;
	v59 =	vld.idx.msk [tilespmem:v54+s10+$0x0], $0xffff;
	v21 =	vadd.f32 v21, v23  }
0x265: {  	v61 =	vor.u32 $0x1D, v9;
	v60 =	vadd.f32 v34, v26;
	v62 =	vld.idx.msk [tilespmem:v55+s11+$0x0], $0xffff;
	v22 =	vadd.f32 v22, v24  }
0x266: {  	v63 =	vor.u32 $0x1D, v8;
	v25 =	vadd.f32 v43, v25;
	v21 =	vadd.f32 v56, v21  }
0x267: {  	v33 =	vor.u32 $0x1D, v10;
	v23 =	vadd.f32 v35, v60;
	v22 =	vadd.f32 v57, v22  }
0x268: {  	[tilespmem:s20+$0x7200] =	vst v25;
	v34 =	vor.u32 $0x9, v20;
	v21 =	vadd.f32 v58, v21  }
0x269: {  	v35 =	vor.u32 $0x9, v17;
	[tilespmem:s20+$0xB200] =	vst v23;
	v22 =	vadd.f32 v59, v22  }
0x26a: {  	v36 =	vor.u32 $0x9, v14;
	v26 =	vld.idx.msk [tilespmem:v61+s10+$0x0], $0xffff;
	v21 =	vadd.f32 v62, v21  }
0x26b: {  	v37 =	vor.u32 $0x9, v15;
	v27 =	vld.idx.msk [tilespmem:v63+s10+$0x0], $0xffff;
	[tilespmem:s21+$0x4A00] =	vst v22  }
0x26c: {  	v38 =	vor.u32 $0x9, v18;
	v28 =	vld.idx.msk [tilespmem:v33+s10+$0x0], $0xffff;
	[tilespmem:s21+$0x8A00] =	vst v21  }
0x26d: {  	v39 =	vor.u32 $0x9, v13;
	v25 =	vld.idx.msk [tilespmem:v34+s10+$0x0], $0xffff  }
0x26e: {  	v40 =	vor.u32 $0x9, v19;
	v23 =	vld.idx.msk [tilespmem:v35+s10+$0x0], $0xffff  }
0x26f: {  	v41 =	vor.u32 $0x9, v16;
	v24 =	vld.idx.msk [tilespmem:v36+s11+$0x0], $0xffff  }
0x270: {  	v42 =	vor.u32 $0x9, v11;
	v22 =	vld.idx.msk [tilespmem:v37+s11+$0x0], $0xffff  }
0x271: {  	v43 =	vor.u32 $0x9, v12;
	v21 =	vld.idx.msk [tilespmem:v38+s10+$0x0], $0xffff  }
0x272: {  	v44 =	vor.u32 $0x1D, v2;
	v29 =	vld.idx.msk [tilespmem:v39+s11+$0x0], $0xffff  }
0x273: {  	v45 =	vor.u32 $0x1D, v3;
	v30 =	vld.idx.msk [tilespmem:v40+s10+$0x0], $0xffff  }
0x274: {  	v46 =	vor.u32 $0x1D, v7;
	v47 =	vld.idx.msk [tilespmem:v41+s11+$0x0], $0xffff;
	v23 =	vadd.f32 v23, v25  }
0x275: {  	v48 =	vor.u32 $0x1D, v5;
	v32 =	vld.idx.msk [tilespmem:v42+s10+$0x0], $0xffff;
	v22 =	vadd.f32 v22, v24  }
0x276: {  	v52 =	vor.u32 $0x1D, v4;
	v50 =	vld.idx.msk [tilespmem:v43+s11+$0x0], $0xffff;
	v21 =	vadd.f32 v21, v23  }
0x277: {  	v54 =	vor.u32 $0x1D, v1;
	v51 =	vld.idx.msk [tilespmem:v44+s10+$0x0], $0xffff;
	v22 =	vadd.f32 v29, v22  }
0x278: {  	v49 =	vor.u32 $0x1D, v6;
	v53 =	vld.idx.msk [tilespmem:v45+s10+$0x0], $0xffff;
	v21 =	vadd.f32 v30, v21  }
0x279: {  	v56 =	vor.u32 $0xA, v20;
	v55 =	vld.idx.msk [tilespmem:v46+s11+$0x0], $0xffff;
	v22 =	vadd.f32 v47, v22  }
0x27a: {  	v31 =	vld.idx.msk [tilespmem:v48+s11+$0x0], $0xffff;
	v57 =	vor.u32 $0xA, v17;
	v21 =	vadd.f32 v32, v21  }
0x27b: {  	v58 =	vor.u32 $0xA, v14;
	v34 =	vld.idx.msk [tilespmem:v52+s11+$0x0], $0xffff;
	v22 =	vadd.f32 v50, v22  }
0x27c: {  	v59 =	vor.u32 $0xA, v15;
	v35 =	vld.idx.msk [tilespmem:v54+s11+$0x0], $0xffff;
	[tilespmem:s21+$0x4C00] =	vst v21  }
0x27d: {  	v60 =	vor.u32 $0xA, v18;
	v24 =	vld.idx.msk [tilespmem:v49+s11+$0x0], $0xffff;
	[tilespmem:s21+$0x8C00] =	vst v22  }
0x27e: {  	v61 =	vor.u32 $0xA, v13;
	v25 =	vld.idx.msk [tilespmem:v56+s10+$0x0], $0xffff  }
0x27f: {  	v62 =	vor.u32 $0xA, v19;
	v32 =	vld.idx.msk [tilespmem:v57+s10+$0x0], $0xffff  }
0x280: {  	v63 =	vor.u32 $0xA, v16;
	v23 =	vld.idx.msk [tilespmem:v58+s11+$0x0], $0xffff  }
0x281: {  	v42 =	vor.u32 $0xA, v11;
	v21 =	vld.idx.msk [tilespmem:v59+s11+$0x0], $0xffff  }
0x282: {  	v26 =	vadd.f32 v27, v26;
	v43 =	vor.u32 $0xA, v12;
	v22 =	vld.idx.msk [tilespmem:v60+s10+$0x0], $0xffff  }
0x283: {  	v30 =	vadd.f32 v31, v55;
	v44 =	vld.idx.msk [tilespmem:v61+s11+$0x0], $0xffff  }
0x284: {  	v26 =	vadd.f32 v28, v26;
	v45 =	vld.idx.msk [tilespmem:v62+s10+$0x0], $0xffff  }
0x285: {  	v24 =	vadd.f32 v24, v30;
	v46 =	vld.idx.msk [tilespmem:v63+s11+$0x0], $0xffff;
	v25 =	vadd.f32 v32, v25  }
0x286: {  	v26 =	vadd.f32 v51, v26;
	v47 =	vld.idx.msk [tilespmem:v42+s10+$0x0], $0xffff;
	v21 =	vadd.f32 v21, v23  }
0x287: {  	v49 =	vor.u32 $0x1E, v9;
	v48 =	vadd.f32 v34, v24;
	v50 =	vld.idx.msk [tilespmem:v43+s11+$0x0], $0xffff;
	v22 =	vadd.f32 v22, v25  }
0x288: {  	v51 =	vor.u32 $0x1E, v8;
	v26 =	vadd.f32 v53, v26;
	v21 =	vadd.f32 v44, v21  }
0x289: {  	v52 =	vor.u32 $0x1E, v10;
	v23 =	vadd.f32 v35, v48;
	v22 =	vadd.f32 v45, v22  }
0x28a: {  	v53 =	vor.u32 $0xB, v20;
	[tilespmem:s20+$0x7400] =	vst v26;
	v21 =	vadd.f32 v46, v21  }
0x28b: {  	v54 =	vor.u32 $0xB, v17;
	[tilespmem:s20+$0xB400] =	vst v23;
	v22 =	vadd.f32 v47, v22  }
0x28c: {  	v55 =	vor.u32 $0xB, v14;
	v24 =	vld.idx.msk [tilespmem:v49+s10+$0x0], $0xffff;
	v21 =	vadd.f32 v50, v21  }
0x28d: {  	v56 =	vor.u32 $0xB, v15;
	v27 =	vld.idx.msk [tilespmem:v51+s10+$0x0], $0xffff;
	[tilespmem:s21+$0x4E00] =	vst v22  }
0x28e: {  	v57 =	vor.u32 $0xB, v18;
	v28 =	vld.idx.msk [tilespmem:v52+s10+$0x0], $0xffff;
	[tilespmem:s21+$0x8E00] =	vst v21  }
0x28f: {  	v58 =	vor.u32 $0xB, v13;
	v26 =	vld.idx.msk [tilespmem:v53+s10+$0x0], $0xffff  }
0x290: {  	v59 =	vor.u32 $0xB, v19;
	v23 =	vld.idx.msk [tilespmem:v54+s10+$0x0], $0xffff  }
0x291: {  	v60 =	vor.u32 $0xB, v16;
	v25 =	vld.idx.msk [tilespmem:v55+s11+$0x0], $0xffff  }
0x292: {  	v61 =	vor.u32 $0xB, v11;
	v22 =	vld.idx.msk [tilespmem:v56+s11+$0x0], $0xffff  }
0x293: {  	v62 =	vor.u32 $0xB, v12;
	v21 =	vld.idx.msk [tilespmem:v57+s10+$0x0], $0xffff  }
0x294: {  	v40 =	vor.u32 $0x1E, v3;
	v29 =	vld.idx.msk [tilespmem:v58+s11+$0x0], $0xffff  }
0x295: {  	v43 =	vor.u32 $0x1E, v5;
	v30 =	vld.idx.msk [tilespmem:v59+s10+$0x0], $0xffff  }
0x296: {  	v63 =	vor.u32 $0x1E, v2;
	v42 =	vld.idx.msk [tilespmem:v60+s11+$0x0], $0xffff;
	v23 =	vadd.f32 v23, v26  }
0x297: {  	v41 =	vor.u32 $0x1E, v7;
	v32 =	vld.idx.msk [tilespmem:v61+s10+$0x0], $0xffff;
	v22 =	vadd.f32 v22, v25  }
0x298: {  	v49 =	vor.u32 $0x1E, v1;
	v45 =	vld.idx.msk [tilespmem:v62+s11+$0x0], $0xffff;
	v21 =	vadd.f32 v21, v23  }
0x299: {  	v48 =	vld.idx.msk [tilespmem:v40+s10+$0x0], $0xffff;
	v47 =	vor.u32 $0x1E, v4;
	v22 =	vadd.f32 v29, v22  }
0x29a: {  	v44 =	vor.u32 $0x1E, v6;
	v31 =	vld.idx.msk [tilespmem:v43+s11+$0x0], $0xffff;
	v21 =	vadd.f32 v30, v21  }
0x29b: {  	v51 =	vor.u32 $0xC, v20;
	v46 =	vld.idx.msk [tilespmem:v63+s10+$0x0], $0xffff;
	v22 =	vadd.f32 v42, v22  }
0x29c: {  	v52 =	vor.u32 $0xC, v17;
	v50 =	vld.idx.msk [tilespmem:v41+s11+$0x0], $0xffff;
	v21 =	vadd.f32 v32, v21  }
0x29d: {  	v35 =	vld.idx.msk [tilespmem:v49+s11+$0x0], $0xffff;
	v53 =	vor.u32 $0xC, v14;
	v22 =	vadd.f32 v45, v22  }
0x29e: {  	v54 =	vor.u32 $0xC, v15;
	v34 =	vld.idx.msk [tilespmem:v47+s11+$0x0], $0xffff;
	[tilespmem:s21+$0x5000] =	vst v21  }
0x29f: {  	v55 =	vor.u32 $0xC, v18;
	v25 =	vld.idx.msk [tilespmem:v44+s11+$0x0], $0xffff;
	[tilespmem:s21+$0x9000] =	vst v22  }
0x2a0: {  	v56 =	vor.u32 $0xC, v13;
	v26 =	vld.idx.msk [tilespmem:v51+s10+$0x0], $0xffff  }
0x2a1: {  	v24 =	vadd.f32 v27, v24;
	v58 =	vor.u32 $0xC, v19;
	v57 =	vld.idx.msk [tilespmem:v52+s10+$0x0], $0xffff  }
0x2a2: {  	v59 =	vor.u32 $0xC, v16;
	v30 =	vadd.f32 v31, v50;
	v23 =	vld.idx.msk [tilespmem:v53+s11+$0x0], $0xffff  }
0x2a3: {  	v60 =	vor.u32 $0xC, v11;
	v24 =	vadd.f32 v28, v24;
	v21 =	vld.idx.msk [tilespmem:v54+s11+$0x0], $0xffff  }
0x2a4: {  	v61 =	vor.u32 $0xC, v12;
	v25 =	vadd.f32 v25, v30;
	v22 =	vld.idx.msk [tilespmem:v55+s10+$0x0], $0xffff  }
0x2a5: {  	v24 =	vadd.f32 v46, v24;
	v62 =	vld.idx.msk [tilespmem:v56+s11+$0x0], $0xffff  }
0x2a6: {  	v9 =	vor.u32 $0x1F, v9;
	v25 =	vadd.f32 v34, v25;
	v32 =	vld.idx.msk [tilespmem:v58+s10+$0x0], $0xffff  }
0x2a7: {  	v8 =	vor.u32 $0x1F, v8;
	v24 =	vadd.f32 v48, v24;
	v63 =	vld.idx.msk [tilespmem:v59+s11+$0x0], $0xffff;
	v26 =	vadd.f32 v57, v26  }
0x2a8: {  	v10 =	vor.u32 $0x1F, v10;
	v28 =	vld.idx.msk [tilespmem:v60+s10+$0x0], $0xffff;
	v25 =	vadd.f32 v35, v25;
	v21 =	vadd.f32 v21, v23  }
0x2a9: {  	v7 =	vor.u32 $0x1F, v7;
	[tilespmem:s20+$0x7600] =	vst v24;
	v30 =	vld.idx.msk [tilespmem:v61+s11+$0x0], $0xffff;
	v22 =	vadd.f32 v22, v26  }
0x2aa: {  	v5 =	vor.u32 $0x1F, v5;
	[tilespmem:s20+$0xB600] =	vst v25;
	v21 =	vadd.f32 v62, v21  }
0x2ab: {  	v6 =	vor.u32 $0x1F, v6;
	v9 =	vld.idx.msk [tilespmem:v9+s10+$0x0], $0xffff;
	v22 =	vadd.f32 v32, v22  }
0x2ac: {  	v31 =	vor.u32 $0xD, v20;
	v8 =	vld.idx.msk [tilespmem:v8+s10+$0x0], $0xffff;
	v21 =	vadd.f32 v63, v21  }
0x2ad: {  	v10 =	vld.idx.msk [tilespmem:v10+s10+$0x0], $0xffff;
	v32 =	vor.u32 $0xD, v17;
	v22 =	vadd.f32 v28, v22  }
0x2ae: {  	v33 =	vor.u32 $0xD, v14;
	v7 =	vld.idx.msk [tilespmem:v7+s11+$0x0], $0xffff;
	v21 =	vadd.f32 v30, v21  }
0x2af: {  	v34 =	vor.u32 $0xD, v15;
	v5 =	vld.idx.msk [tilespmem:v5+s11+$0x0], $0xffff;
	[tilespmem:s21+$0x5200] =	vst v22  }
0x2b0: {  	v35 =	vor.u32 $0xD, v18;
	v6 =	vld.idx.msk [tilespmem:v6+s11+$0x0], $0xffff;
	[tilespmem:s21+$0x9200] =	vst v21  }
0x2b1: {  	v36 =	vor.u32 $0xD, v13;
	v24 =	vld.idx.msk [tilespmem:v31+s10+$0x0], $0xffff  }
0x2b2: {  	v37 =	vor.u32 $0xD, v19;
	v25 =	vld.idx.msk [tilespmem:v32+s10+$0x0], $0xffff  }
0x2b3: {  	v38 =	vor.u32 $0xD, v16;
	v23 =	vld.idx.msk [tilespmem:v33+s11+$0x0], $0xffff  }
0x2b4: {  	v39 =	vor.u32 $0xD, v11;
	v22 =	vld.idx.msk [tilespmem:v34+s11+$0x0], $0xffff  }
0x2b5: {  	v40 =	vor.u32 $0xD, v12;
	v21 =	vld.idx.msk [tilespmem:v35+s10+$0x0], $0xffff  }
0x2b6: {  	v2 =	vor.u32 $0x1F, v2;
	v26 =	vld.idx.msk [tilespmem:v36+s11+$0x0], $0xffff  }
0x2b7: {  	v4 =	vor.u32 $0x1F, v4;
	v27 =	vld.idx.msk [tilespmem:v37+s10+$0x0], $0xffff  }
0x2b8: {  	v3 =	vor.u32 $0x1F, v3;
	v41 =	vld.idx.msk [tilespmem:v38+s11+$0x0], $0xffff;
	v24 =	vadd.f32 v25, v24  }
0x2b9: {  	v1 =	vor.u32 $0x1F, v1;
	v42 =	vld.idx.msk [tilespmem:v39+s10+$0x0], $0xffff;
	v22 =	vadd.f32 v22, v23  }
0x2ba: {  	v43 =	vld.idx.msk [tilespmem:v40+s11+$0x0], $0xffff;
	v21 =	vadd.f32 v21, v24  }
0x2bb: {  	v2 =	vld.idx.msk [tilespmem:v2+s10+$0x0], $0xffff;
	v22 =	vadd.f32 v26, v22  }
0x2bc: {  	v4 =	vld.idx.msk [tilespmem:v4+s11+$0x0], $0xffff;
	v8 =	vadd.f32 v8, v9;
	v44 =	vadd.f32 v27, v21  }
0x2bd: {  	v46 =	vor.u32 $0xE, v20;
	v3 =	vld.idx.msk [tilespmem:v3+s10+$0x0], $0xffff;
	v5 =	vadd.f32 v5, v7;
	v45 =	vadd.f32 v41, v22  }
0x2be: {  	v47 =	vor.u32 $0xE, v17;
	v1 =	vld.idx.msk [tilespmem:v1+s11+$0x0], $0xffff;
	v8 =	vadd.f32 v10, v8;
	v9 =	vadd.f32 v42, v44  }
0x2bf: {  	v49 =	vor.u32 $0xE, v18;
	v5 =	vadd.f32 v6, v5;
	v48 =	vadd.f32 v43, v45  }
0x2c0: {  	v50 =	vor.u32 $0xE, v19;
	v2 =	vadd.f32 v2, v8;
	[tilespmem:s21+$0x5400] =	vst v9  }
0x2c1: {  	v51 =	vor.u32 $0xE, v11;
	v4 =	vadd.f32 v4, v5;
	[tilespmem:s21+$0x9400] =	vst v48  }
0x2c2: {  	v52 =	vor.u32 $0xE, v14;
	v2 =	vadd.f32 v3, v2;
	v3 =	vld.idx.msk [tilespmem:v46+s10+$0x0], $0xffff  }
0x2c3: {  	v54 =	vor.u32 $0xE, v15;
	v1 =	vadd.f32 v1, v4;
	v53 =	vld.idx.msk [tilespmem:v47+s10+$0x0], $0xffff  }
0x2c4: {  	[tilespmem:s20+$0x7800] =	vst v2;
	v2 =	vld.idx.msk [tilespmem:v49+s10+$0x0], $0xffff  }
0x2c5: {  	v55 =	vor.u32 $0xE, v13;
	[tilespmem:s20+$0xB800] =	vst v1;
	v1 =	vld.idx.msk [tilespmem:v50+s10+$0x0], $0xffff  }
0x2c6: {  	v5 =	vld.idx.msk [tilespmem:v51+s10+$0x0], $0xffff  }
0x2c7: {  	v56 =	vor.u32 $0xE, v16;
	v6 =	vld.idx.msk [tilespmem:v52+s11+$0x0], $0xffff  }
0x2c8: {  	v9 =	vld.idx.msk [tilespmem:v54+s11+$0x0], $0xffff  }
0x2c9: {  	v57 =	vor.u32 $0xE, v12  }
0x2ca: {  	v7 =	vld.idx.msk [tilespmem:v55+s11+$0x0], $0xffff;
	_ =	sdelay $0x1  }
0x2cb: {  	v58 =	vld.idx.msk [tilespmem:v56+s11+$0x0], $0xffff;
	v3 =	vadd.f32 v53, v3  }
0x2cc: {  	v6 =	vadd.f32 v9, v6  }
0x2cd: {  	v2 =	vadd.f32 v2, v3;
	v3 =	vld.idx.msk [tilespmem:v57+s11+$0x0], $0xffff  }
0x2ce: {  	v6 =	vadd.f32 v7, v6  }
0x2cf: {  	v1 =	vadd.f32 v1, v2  }
0x2d0: {  	v59 =	vor.u32 $0xF, v20;
	v2 =	vadd.f32 v58, v6  }
0x2d1: {  	v60 =	vor.u32 $0xF, v17;
	v1 =	vadd.f32 v5, v1  }
0x2d2: {  	v2 =	vadd.f32 v3, v2;
	v3 =	vor.u32 $0xF, v14  }
0x2d3: {  	[tilespmem:s21+$0x5600] =	vst v1;
	v1 =	vor.u32 $0xF, v15  }
0x2d4: {  	[tilespmem:s21+$0x9600] =	vst v2;
	v2 =	vor.u32 $0xF, v18  }
0x2d5: {  	v61 =	vor.u32 $0xF, v13;
	v4 =	vld.idx.msk [tilespmem:v59+s10+$0x0], $0xffff  }
0x2d6: {  	v62 =	vor.u32 $0xF, v19;
	v5 =	vld.idx.msk [tilespmem:v60+s10+$0x0], $0xffff  }
0x2d7: {  	v63 =	vor.u32 $0xF, v16;
	v3 =	vld.idx.msk [tilespmem:v3+s11+$0x0], $0xffff  }
0x2d8: {  	v21 =	vor.u32 $0xF, v11;
	v1 =	vld.idx.msk [tilespmem:v1+s11+$0x0], $0xffff  }
0x2d9: {  	v22 =	vor.u32 $0xF, v12;
	v2 =	vld.idx.msk [tilespmem:v2+s10+$0x0], $0xffff  }
0x2da: {  	v6 =	vld.idx.msk [tilespmem:v61+s11+$0x0], $0xffff  }
0x2db: {  	v7 =	vld.idx.msk [tilespmem:v62+s10+$0x0], $0xffff  }
0x2dc: {  	v23 =	vld.idx.msk [tilespmem:v63+s11+$0x0], $0xffff;
	v4 =	vadd.f32 v5, v4  }
0x2dd: {  	v24 =	vld.idx.msk [tilespmem:v21+s10+$0x0], $0xffff;
	v1 =	vadd.f32 v1, v3  }
0x2de: {  	v3 =	vld.idx.msk [tilespmem:v22+s11+$0x0], $0xffff;
	v2 =	vadd.f32 v2, v4  }
0x2df: {  	v1 =	vadd.f32 v6, v1  }
0x2e0: {  	v2 =	vadd.f32 v7, v2  }
0x2e1: {  	v25 =	vor.u32 $0x10, v20;
	v1 =	vadd.f32 v23, v1  }
0x2e2: {  	v26 =	vor.u32 $0x10, v17;
	v2 =	vadd.f32 v24, v2  }
0x2e3: {  	v1 =	vadd.f32 v3, v1;
	v3 =	vor.u32 $0x10, v14  }
0x2e4: {  	[tilespmem:s21+$0x5800] =	vst v2;
	v2 =	vor.u32 $0x10, v15  }
0x2e5: {  	[tilespmem:s21+$0x9800] =	vst v1;
	v1 =	vor.u32 $0x10, v18  }
0x2e6: {  	v27 =	vor.u32 $0x10, v13;
	v4 =	vld.idx.msk [tilespmem:v25+s10+$0x0], $0xffff  }
0x2e7: {  	v28 =	vor.u32 $0x10, v19;
	v5 =	vld.idx.msk [tilespmem:v26+s10+$0x0], $0xffff  }
0x2e8: {  	v29 =	vor.u32 $0x10, v16;
	v3 =	vld.idx.msk [tilespmem:v3+s11+$0x0], $0xffff  }
0x2e9: {  	v30 =	vor.u32 $0x10, v11;
	v2 =	vld.idx.msk [tilespmem:v2+s11+$0x0], $0xffff  }
0x2ea: {  	v31 =	vor.u32 $0x10, v12;
	v1 =	vld.idx.msk [tilespmem:v1+s10+$0x0], $0xffff  }
0x2eb: {  	v6 =	vld.idx.msk [tilespmem:v27+s11+$0x0], $0xffff  }
0x2ec: {  	v7 =	vld.idx.msk [tilespmem:v28+s10+$0x0], $0xffff  }
0x2ed: {  	v32 =	vld.idx.msk [tilespmem:v29+s11+$0x0], $0xffff;
	v4 =	vadd.f32 v5, v4  }
0x2ee: {  	v33 =	vld.idx.msk [tilespmem:v30+s10+$0x0], $0xffff;
	v2 =	vadd.f32 v2, v3  }
0x2ef: {  	v3 =	vld.idx.msk [tilespmem:v31+s11+$0x0], $0xffff;
	v1 =	vadd.f32 v1, v4  }
0x2f0: {  	v2 =	vadd.f32 v6, v2  }
0x2f1: {  	v1 =	vadd.f32 v7, v1  }
0x2f2: {  	v34 =	vor.u32 $0x11, v20;
	v2 =	vadd.f32 v32, v2  }
0x2f3: {  	v35 =	vor.u32 $0x11, v17;
	v1 =	vadd.f32 v33, v1  }
0x2f4: {  	v2 =	vadd.f32 v3, v2;
	v3 =	vor.u32 $0x11, v14  }
0x2f5: {  	[tilespmem:s21+$0x5A00] =	vst v1;
	v1 =	vor.u32 $0x11, v15  }
0x2f6: {  	[tilespmem:s21+$0x9A00] =	vst v2;
	v2 =	vor.u32 $0x11, v18  }
0x2f7: {  	v36 =	vor.u32 $0x11, v13;
	v4 =	vld.idx.msk [tilespmem:v34+s10+$0x0], $0xffff  }
0x2f8: {  	v37 =	vor.u32 $0x11, v19;
	v5 =	vld.idx.msk [tilespmem:v35+s10+$0x0], $0xffff  }
0x2f9: {  	v38 =	vor.u32 $0x11, v16;
	v3 =	vld.idx.msk [tilespmem:v3+s11+$0x0], $0xffff  }
0x2fa: {  	v39 =	vor.u32 $0x11, v11;
	v1 =	vld.idx.msk [tilespmem:v1+s11+$0x0], $0xffff  }
0x2fb: {  	v40 =	vor.u32 $0x11, v12;
	v2 =	vld.idx.msk [tilespmem:v2+s10+$0x0], $0xffff  }
0x2fc: {  	v6 =	vld.idx.msk [tilespmem:v36+s11+$0x0], $0xffff  }
0x2fd: {  	v7 =	vld.idx.msk [tilespmem:v37+s10+$0x0], $0xffff  }
0x2fe: {  	v41 =	vld.idx.msk [tilespmem:v38+s11+$0x0], $0xffff;
	v4 =	vadd.f32 v5, v4  }
0x2ff: {  	v42 =	vld.idx.msk [tilespmem:v39+s10+$0x0], $0xffff;
	v1 =	vadd.f32 v1, v3  }
0x300: {  	v3 =	vld.idx.msk [tilespmem:v40+s11+$0x0], $0xffff;
	v2 =	vadd.f32 v2, v4  }
0x301: {  	v1 =	vadd.f32 v6, v1  }
0x302: {  	v2 =	vadd.f32 v7, v2  }
0x303: {  	v43 =	vor.u32 $0x12, v20;
	v1 =	vadd.f32 v41, v1  }
0x304: {  	v44 =	vor.u32 $0x12, v17;
	v2 =	vadd.f32 v42, v2  }
0x305: {  	v1 =	vadd.f32 v3, v1;
	v3 =	vor.u32 $0x12, v14  }
0x306: {  	[tilespmem:s21+$0x5C00] =	vst v2;
	v2 =	vor.u32 $0x12, v15  }
0x307: {  	[tilespmem:s21+$0x9C00] =	vst v1;
	v1 =	vor.u32 $0x12, v18  }
0x308: {  	v45 =	vor.u32 $0x12, v13;
	v4 =	vld.idx.msk [tilespmem:v43+s10+$0x0], $0xffff  }
0x309: {  	v46 =	vor.u32 $0x12, v19;
	v5 =	vld.idx.msk [tilespmem:v44+s10+$0x0], $0xffff  }
0x30a: {  	v47 =	vor.u32 $0x12, v16;
	v3 =	vld.idx.msk [tilespmem:v3+s11+$0x0], $0xffff  }
0x30b: {  	v48 =	vor.u32 $0x12, v11;
	v2 =	vld.idx.msk [tilespmem:v2+s11+$0x0], $0xffff  }
0x30c: {  	v49 =	vor.u32 $0x12, v12;
	v1 =	vld.idx.msk [tilespmem:v1+s10+$0x0], $0xffff  }
0x30d: {  	v6 =	vld.idx.msk [tilespmem:v45+s11+$0x0], $0xffff  }
0x30e: {  	v7 =	vld.idx.msk [tilespmem:v46+s10+$0x0], $0xffff  }
0x30f: {  	v50 =	vld.idx.msk [tilespmem:v47+s11+$0x0], $0xffff;
	v4 =	vadd.f32 v5, v4  }
0x310: {  	v51 =	vld.idx.msk [tilespmem:v48+s10+$0x0], $0xffff;
	v2 =	vadd.f32 v2, v3  }
0x311: {  	v3 =	vld.idx.msk [tilespmem:v49+s11+$0x0], $0xffff;
	v1 =	vadd.f32 v1, v4  }
0x312: {  	v2 =	vadd.f32 v6, v2  }
0x313: {  	v1 =	vadd.f32 v7, v1  }
0x314: {  	v2 =	vadd.f32 v50, v2  }
0x315: {  	v52 =	vor.u32 $0x13, v20;
	v1 =	vadd.f32 v51, v1  }
0x316: {  	v2 =	vadd.f32 v3, v2;
	v3 =	vor.u32 $0x13, v14  }
0x317: {  	[tilespmem:s21+$0x5E00] =	vst v1;
	v1 =	vor.u32 $0x13, v15  }
0x318: {  	v53 =	vor.u32 $0x13, v17  }
0x319: {  	v54 =	vor.u32 $0x13, v13;
	[tilespmem:s21+$0x9E00] =	vst v2  }
0x31a: {  	v2 =	vor.u32 $0x13, v18;
	v4 =	vld.idx.msk [tilespmem:v52+s10+$0x0], $0xffff  }
0x31b: {  	v56 =	vor.u32 $0x13, v16;
	v3 =	vld.idx.msk [tilespmem:v3+s11+$0x0], $0xffff  }
0x31c: {  	v55 =	vor.u32 $0x13, v19;
	v1 =	vld.idx.msk [tilespmem:v1+s11+$0x0], $0xffff  }
0x31d: {  	v58 =	vor.u32 $0x13, v12;
	v5 =	vld.idx.msk [tilespmem:v53+s10+$0x0], $0xffff  }
0x31e: {  	v57 =	vor.u32 $0x13, v11;
	v6 =	vld.idx.msk [tilespmem:v54+s11+$0x0], $0xffff  }
0x31f: {  	v2 =	vld.idx.msk [tilespmem:v2+s10+$0x0], $0xffff  }
0x320: {  	v59 =	vld.idx.msk [tilespmem:v56+s11+$0x0], $0xffff  }
0x321: {  	v7 =	vld.idx.msk [tilespmem:v55+s10+$0x0], $0xffff;
	v1 =	vadd.f32 v1, v3  }
0x322: {  	v4 =	vadd.f32 v5, v4;
	v3 =	vld.idx.msk [tilespmem:v58+s11+$0x0], $0xffff  }
0x323: {  	v60 =	vld.idx.msk [tilespmem:v57+s10+$0x0], $0xffff;
	v1 =	vadd.f32 v6, v1  }
0x324: {  	s25 =	sadd.s32 $0xFFFFFFB0, s18;
	v2 =	vadd.f32 v2, v4  }
0x325: {  	s24 =	sadd.s32 $0xFFFFFFAF, s18;
	v47 =	vadd.s32 s25, v0;
	v1 =	vadd.f32 v59, v1  }
0x326: {  	v46 =	vadd.s32 s24, v0;
	v2 =	vadd.f32 v7, v2  }
0x327: {  	v1 =	vadd.f32 v3, v1;
	v3 =	vor.u32 $0x14, v18  }
0x328: {  	v2 =	vadd.f32 v60, v2  }
0x329: {  	[tilespmem:s21+$0xA000] =	vst v1;
	v1 =	vor.u32 $0x14, v11  }
0x32a: {  	v30 =	vld.idx.msk [tilespmem:v47+s9+$0x0], $0xffff;
	[tilespmem:s21+$0x6000] =	vst v2;
	v2 =	vor.u32 $0x14, v19  }
0x32b: {  	v50 =	vld.idx.msk [tilespmem:v46+s3+$0x0], $0xffff  }
0x32c: {  	s22 =	sadd.s32 $0xFFFFFFAD, s18;
	v36 =	vld.idx.msk [tilespmem:v3+s10+$0x0], $0xffff;
	v3 =	vor.u32 $0x14, v13  }
0x32d: {  	v42 =	vadd.s32 s22, v0;
	v51 =	vld.idx.msk [tilespmem:v46+s9+$0x0], $0xffff  }
0x32e: {  	v38 =	vld.idx.msk [tilespmem:v1+s10+$0x0], $0xffff;
	v1 =	vor.u32 $0x14, v12  }
0x32f: {  	s31 =	sadd.s32 $0xFFFFFFAC, s18;
	v37 =	vld.idx.msk [tilespmem:v2+s10+$0x0], $0xffff;
	v2 =	vor.u32 $0x14, v16  }
0x330: {  	v40 =	vadd.s32 s31, v0;
	v52 =	vld.idx.msk [tilespmem:v47+s3+$0x0], $0xffff  }
0x331: {  	v43 =	vld.idx.msk [tilespmem:v3+s11+$0x0], $0xffff  }
0x332: {  	s23 =	sadd.s32 $0xFFFFFFAE, s18;
	v3 =	vld.idx.msk [tilespmem:v42+s3+$0x0], $0xffff  }
0x333: {  	v45 =	vld.idx.msk [tilespmem:v1+s11+$0x0], $0xffff;
	v1 =	vadd.s32 s23, v0  }
0x334: {  	v44 =	vld.idx.msk [tilespmem:v2+s11+$0x0], $0xffff  }
0x335: {  	v61 =	vor.u32 $0x14, v20;
	v2 =	vld.idx.msk [tilespmem:v40+s3+$0x0], $0xffff  }
0x336: {  	v62 =	vor.u32 $0x14, v17;
	v6 =	vld.idx.msk [tilespmem:v42+s9+$0x0], $0xffff  }
0x337: {  	v34 =	vor.u32 $0x14, v14;
	v4 =	vld.idx.msk [tilespmem:v40+s9+$0x0], $0xffff  }
0x338: {  	v35 =	vor.u32 $0x14, v15;
	v48 =	vld.idx.msk [tilespmem:v1+s3+$0x0], $0xffff  }
0x339: {  	v8 =	vshll.u32 v3, $0x5;
	v49 =	vld.idx.msk [tilespmem:v1+s9+$0x0], $0xffff  }
0x33a: {  	v63 =	vld.idx.msk [tilespmem:v61+s10+$0x0], $0xffff;
	v9 =	vshll.u32 v2, $0x5  }
0x33b: {  	v5 =	vld.idx.msk [tilespmem:v62+s10+$0x0], $0xffff;
	v2 =	vshll.u32 v6, $0x5  }
0x33c: {  	v39 =	vld.idx.msk [tilespmem:v34+s11+$0x0], $0xffff;
	v1 =	vshll.u32 v4, $0x5  }
0x33d: {  	v41 =	vld.idx.msk [tilespmem:v35+s11+$0x0], $0xffff;
	v10 =	vshll.u32 v48, $0x5  }
0x33e: {  	v54 =	vld.idx.msk [tilespmem:v8+s10+$0x0], $0xffff;
	v3 =	vshll.u32 v49, $0x5  }
0x33f: {  	v6 =	vshll.u32 v50, $0x5;
	v53 =	vld.idx.msk [tilespmem:v9+s10+$0x0], $0xffff  }
0x340: {  	v4 =	vshll.u32 v51, $0x5;
	v56 =	vld.idx.msk [tilespmem:v2+s11+$0x0], $0xffff  }
0x341: {  	v7 =	vshll.u32 v52, $0x5;
	v55 =	vld.idx.msk [tilespmem:v1+s11+$0x0], $0xffff  }
0x342: {  	v21 =	vadd.f32 v5, v63;
	v5 =	vshll.u32 v30, $0x5;
	v57 =	vld.idx.msk [tilespmem:v10+s10+$0x0], $0xffff  }
0x343: {  	v25 =	vadd.f32 v41, v39;
	v58 =	vld.idx.msk [tilespmem:v3+s11+$0x0], $0xffff  }
0x344: {  	v21 =	vadd.f32 v36, v21;
	v59 =	vld.idx.msk [tilespmem:v6+s10+$0x0], $0xffff  }
0x345: {  	v25 =	vadd.f32 v43, v25;
	v61 =	vld.idx.msk [tilespmem:v4+s11+$0x0], $0xffff;
	v60 =	vadd.f32 v54, v53  }
0x346: {  	v62 =	vld.idx.msk [tilespmem:v7+s10+$0x0], $0xffff;
	v21 =	vadd.f32 v37, v21;
	v63 =	vadd.f32 v56, v55  }
0x347: {  	v33 =	vor.u32 $0x15, v20;
	v34 =	vld.idx.msk [tilespmem:v5+s11+$0x0], $0xffff;
	v25 =	vadd.f32 v44, v25;
	v27 =	vadd.f32 v57, v60  }
0x348: {  	v35 =	vor.u32 $0x15, v17;
	v21 =	vadd.f32 v38, v21;
	v26 =	vadd.f32 v58, v63  }
0x349: {  	v36 =	vor.u32 $0x15, v18;
	v25 =	vadd.f32 v45, v25;
	v22 =	vadd.f32 v59, v27  }
0x34a: {  	[tilespmem:s21+$0x6200] =	vst v21;
	v38 =	vor.u32 $0x1, v9;
	v37 =	vadd.f32 v61, v26  }
0x34b: {  	v39 =	vor.u32 $0x1, v8;
	[tilespmem:s21+$0xA200] =	vst v25;
	v22 =	vadd.f32 v62, v22  }
0x34c: {  	s26 =	sadd.s32 $0xFFFFFFF0, s17;
	v40 =	vor.u32 $0x1, v1;
	v25 =	vld.idx.msk [tilespmem:v33+s10+$0x0], $0xffff;
	v21 =	vadd.f32 v34, v37  }
0x34d: {  	s20 =	sand.u32 $0x1E0, s26;
	v41 =	vor.u32 $0x1, v2;
	v24 =	vld.idx.msk [tilespmem:v35+s10+$0x0], $0xffff;
	[tilespmem:s19+$0x0] =	vst v22  }
0x34e: {  	v28 =	vld.idx.msk [tilespmem:v36+s10+$0x0], $0xffff;
	v42 =	vor.u32 $0x1, v10;
	[tilespmem:s20+$0x7A00] =	vst v21  }
0x34f: {  	v43 =	vor.u32 $0x1, v3;
	v26 =	vld.idx.msk [tilespmem:v38+s10+$0x0], $0xffff  }
0x350: {  	v44 =	vor.u32 $0x1, v6;
	v23 =	vld.idx.msk [tilespmem:v39+s10+$0x0], $0xffff  }
0x351: {  	v45 =	vor.u32 $0x1, v4;
	v27 =	vld.idx.msk [tilespmem:v40+s11+$0x0], $0xffff  }
0x352: {  	v46 =	vor.u32 $0x1, v7;
	v22 =	vld.idx.msk [tilespmem:v41+s11+$0x0], $0xffff  }
0x353: {  	v47 =	vor.u32 $0x1, v5;
	v21 =	vld.idx.msk [tilespmem:v42+s10+$0x0], $0xffff  }
0x354: {  	v52 =	vor.u32 $0x15, v15;
	v29 =	vld.idx.msk [tilespmem:v43+s11+$0x0], $0xffff  }
0x355: {  	v48 =	vor.u32 $0x15, v19;
	v30 =	vld.idx.msk [tilespmem:v44+s10+$0x0], $0xffff  }
0x356: {  	v49 =	vor.u32 $0x15, v11;
	v51 =	vld.idx.msk [tilespmem:v45+s11+$0x0], $0xffff;
	v23 =	vadd.f32 v23, v26  }
0x357: {  	v50 =	vor.u32 $0x15, v14;
	v32 =	vld.idx.msk [tilespmem:v46+s10+$0x0], $0xffff;
	v22 =	vadd.f32 v22, v27  }
0x358: {  	v56 =	vor.u32 $0x15, v16;
	v54 =	vld.idx.msk [tilespmem:v47+s11+$0x0], $0xffff;
	v21 =	vadd.f32 v21, v23  }
0x359: {  	v31 =	vld.idx.msk [tilespmem:v52+s11+$0x0], $0xffff;
	v58 =	vor.u32 $0x15, v12;
	v22 =	vadd.f32 v29, v22  }
0x35a: {  	v53 =	vor.u32 $0x15, v13;
	v55 =	vld.idx.msk [tilespmem:v48+s10+$0x0], $0xffff;
	v21 =	vadd.f32 v30, v21  }
0x35b: {  	v57 =	vld.idx.msk [tilespmem:v49+s10+$0x0], $0xffff;
	v60 =	vor.u32 $0x2, v9;
	v22 =	vadd.f32 v51, v22  }
0x35c: {  	v59 =	vld.idx.msk [tilespmem:v50+s11+$0x0], $0xffff;
	v61 =	vor.u32 $0x2, v8;
	v21 =	vadd.f32 v32, v21  }
0x35d: {  	v62 =	vor.u32 $0x2, v1;
	v34 =	vld.idx.msk [tilespmem:v56+s11+$0x0], $0xffff;
	v22 =	vadd.f32 v54, v22  }
0x35e: {  	v63 =	vor.u32 $0x2, v2;
	v35 =	vld.idx.msk [tilespmem:v58+s11+$0x0], $0xffff;
	[tilespmem:s20+$0x3C00] =	vst v21  }
0x35f: {  	v42 =	vor.u32 $0x2, v10;
	v27 =	vld.idx.msk [tilespmem:v53+s11+$0x0], $0xffff;
	[tilespmem:s20+$0x7C00] =	vst v22  }
0x360: {  	v43 =	vor.u32 $0x2, v3;
	v26 =	vld.idx.msk [tilespmem:v60+s10+$0x0], $0xffff  }
0x361: {  	v44 =	vor.u32 $0x2, v6;
	v32 =	vld.idx.msk [tilespmem:v61+s10+$0x0], $0xffff  }
0x362: {  	v45 =	vor.u32 $0x2, v4;
	v23 =	vld.idx.msk [tilespmem:v62+s11+$0x0], $0xffff  }
0x363: {  	v46 =	vor.u32 $0x2, v7;
	v21 =	vld.idx.msk [tilespmem:v63+s11+$0x0], $0xffff  }
0x364: {  	v24 =	vadd.f32 v24, v25;
	v47 =	vor.u32 $0x2, v5;
	v22 =	vld.idx.msk [tilespmem:v42+s10+$0x0], $0xffff  }
0x365: {  	v30 =	vadd.f32 v31, v59;
	v48 =	vld.idx.msk [tilespmem:v43+s11+$0x0], $0xffff  }
0x366: {  	v24 =	vadd.f32 v28, v24;
	v49 =	vld.idx.msk [tilespmem:v44+s10+$0x0], $0xffff  }
0x367: {  	v27 =	vadd.f32 v27, v30;
	v50 =	vld.idx.msk [tilespmem:v45+s11+$0x0], $0xffff;
	v26 =	vadd.f32 v32, v26  }
0x368: {  	v24 =	vadd.f32 v55, v24;
	v51 =	vld.idx.msk [tilespmem:v46+s10+$0x0], $0xffff;
	v21 =	vadd.f32 v21, v23  }
0x369: {  	v53 =	vor.u32 $0x16, v20;
	v52 =	vadd.f32 v34, v27;
	v25 =	vld.idx.msk [tilespmem:v47+s11+$0x0], $0xffff;
	v22 =	vadd.f32 v22, v26  }
0x36a: {  	v24 =	vadd.f32 v57, v24;
	v54 =	vor.u32 $0x16, v17;
	v21 =	vadd.f32 v48, v21  }
0x36b: {  	v55 =	vor.u32 $0x16, v18;
	v23 =	vadd.f32 v35, v52;
	v22 =	vadd.f32 v49, v22  }
0x36c: {  	v56 =	vor.u32 $0x3, v9;
	[tilespmem:s21+$0x6400] =	vst v24;
	v21 =	vadd.f32 v50, v21  }
0x36d: {  	v57 =	vor.u32 $0x3, v8;
	[tilespmem:s21+$0xA400] =	vst v23;
	v22 =	vadd.f32 v51, v22  }
0x36e: {  	v58 =	vor.u32 $0x3, v1;
	v27 =	vld.idx.msk [tilespmem:v53+s10+$0x0], $0xffff;
	v21 =	vadd.f32 v25, v21  }
0x36f: {  	v59 =	vor.u32 $0x3, v2;
	v26 =	vld.idx.msk [tilespmem:v54+s10+$0x0], $0xffff;
	[tilespmem:s20+$0x3E00] =	vst v22  }
0x370: {  	v60 =	vor.u32 $0x3, v10;
	v28 =	vld.idx.msk [tilespmem:v55+s10+$0x0], $0xffff;
	[tilespmem:s20+$0x7E00] =	vst v21  }
0x371: {  	v61 =	vor.u32 $0x3, v3;
	v24 =	vld.idx.msk [tilespmem:v56+s10+$0x0], $0xffff  }
0x372: {  	v62 =	vor.u32 $0x3, v6;
	v23 =	vld.idx.msk [tilespmem:v57+s10+$0x0], $0xffff  }
0x373: {  	v63 =	vor.u32 $0x3, v4;
	v25 =	vld.idx.msk [tilespmem:v58+s11+$0x0], $0xffff  }
0x374: {  	v40 =	vor.u32 $0x3, v7;
	v22 =	vld.idx.msk [tilespmem:v59+s11+$0x0], $0xffff  }
0x375: {  	v41 =	vor.u32 $0x3, v5;
	v21 =	vld.idx.msk [tilespmem:v60+s10+$0x0], $0xffff  }
0x376: {  	v44 =	vor.u32 $0x16, v14;
	v29 =	vld.idx.msk [tilespmem:v61+s11+$0x0], $0xffff  }
0x377: {  	v46 =	vor.u32 $0x16, v15;
	v30 =	vld.idx.msk [tilespmem:v62+s10+$0x0], $0xffff  }
0x378: {  	v42 =	vor.u32 $0x16, v19;
	v45 =	vld.idx.msk [tilespmem:v63+s11+$0x0], $0xffff;
	v23 =	vadd.f32 v23, v24  }
0x379: {  	v52 =	vor.u32 $0x16, v12;
	v32 =	vld.idx.msk [tilespmem:v40+s10+$0x0], $0xffff;
	v22 =	vadd.f32 v22, v25  }
0x37a: {  	v43 =	vor.u32 $0x16, v11;
	v48 =	vld.idx.msk [tilespmem:v41+s11+$0x0], $0xffff;
	v21 =	vadd.f32 v21, v23  }
0x37b: {  	v53 =	vld.idx.msk [tilespmem:v44+s11+$0x0], $0xffff;
	v50 =	vor.u32 $0x16, v16;
	v22 =	vadd.f32 v29, v22  }
0x37c: {  	v47 =	vor.u32 $0x16, v13;
	v31 =	vld.idx.msk [tilespmem:v46+s11+$0x0], $0xffff;
	v21 =	vadd.f32 v30, v21  }
0x37d: {  	v54 =	vor.u32 $0x4, v9;
	v49 =	vld.idx.msk [tilespmem:v42+s10+$0x0], $0xffff;
	v22 =	vadd.f32 v45, v22  }
0x37e: {  	v55 =	vor.u32 $0x4, v8;
	v35 =	vld.idx.msk [tilespmem:v52+s11+$0x0], $0xffff;
	v21 =	vadd.f32 v32, v21  }
0x37f: {  	v51 =	vld.idx.msk [tilespmem:v43+s10+$0x0], $0xffff;
	v56 =	vor.u32 $0x4, v1;
	v22 =	vadd.f32 v48, v22  }
0x380: {  	v34 =	vld.idx.msk [tilespmem:v50+s11+$0x0], $0xffff;
	v57 =	vor.u32 $0x4, v2;
	[tilespmem:s20+$0x4000] =	vst v21  }
0x381: {  	v58 =	vor.u32 $0x4, v10;
	v25 =	vld.idx.msk [tilespmem:v47+s11+$0x0], $0xffff;
	[tilespmem:s20+$0x8000] =	vst v22  }
0x382: {  	v59 =	vor.u32 $0x4, v3;
	v24 =	vld.idx.msk [tilespmem:v54+s10+$0x0], $0xffff  }
0x383: {  	v60 =	vor.u32 $0x4, v6;
	v32 =	vld.idx.msk [tilespmem:v55+s10+$0x0], $0xffff  }
0x384: {  	v61 =	vor.u32 $0x4, v4;
	v23 =	vld.idx.msk [tilespmem:v56+s11+$0x0], $0xffff  }
0x385: {  	v62 =	vor.u32 $0x4, v7;
	v21 =	vld.idx.msk [tilespmem:v57+s11+$0x0], $0xffff  }
0x386: {  	v26 =	vadd.f32 v26, v27;
	v63 =	vor.u32 $0x4, v5;
	v22 =	vld.idx.msk [tilespmem:v58+s10+$0x0], $0xffff  }
0x387: {  	v30 =	vadd.f32 v31, v53;
	v36 =	vld.idx.msk [tilespmem:v59+s11+$0x0], $0xffff  }
0x388: {  	v26 =	vadd.f32 v28, v26;
	v37 =	vld.idx.msk [tilespmem:v60+s10+$0x0], $0xffff  }
0x389: {  	v25 =	vadd.f32 v25, v30;
	v38 =	vld.idx.msk [tilespmem:v61+s11+$0x0], $0xffff;
	v24 =	vadd.f32 v32, v24  }
0x38a: {  	v26 =	vadd.f32 v49, v26;
	v40 =	vld.idx.msk [tilespmem:v62+s10+$0x0], $0xffff;
	v21 =	vadd.f32 v21, v23  }
0x38b: {  	v42 =	vor.u32 $0x17, v20;
	v41 =	vadd.f32 v34, v25;
	v43 =	vld.idx.msk [tilespmem:v63+s11+$0x0], $0xffff;
	v22 =	vadd.f32 v22, v24  }
0x38c: {  	v44 =	vor.u32 $0x17, v17;
	v26 =	vadd.f32 v51, v26;
	v21 =	vadd.f32 v36, v21  }
0x38d: {  	v45 =	vor.u32 $0x17, v18;
	v23 =	vadd.f32 v35, v41;
	v22 =	vadd.f32 v37, v22  }
0x38e: {  	v46 =	vor.u32 $0x5, v9;
	[tilespmem:s21+$0x6600] =	vst v26;
	v21 =	vadd.f32 v38, v21  }
0x38f: {  	v47 =	vor.u32 $0x5, v8;
	[tilespmem:s21+$0xA600] =	vst v23;
	v22 =	vadd.f32 v40, v22  }
0x390: {  	v48 =	vor.u32 $0x5, v1;
	v25 =	vld.idx.msk [tilespmem:v42+s10+$0x0], $0xffff;
	v21 =	vadd.f32 v43, v21  }
0x391: {  	v49 =	vor.u32 $0x5, v2;
	v27 =	vld.idx.msk [tilespmem:v44+s10+$0x0], $0xffff;
	[tilespmem:s20+$0x4200] =	vst v22  }
0x392: {  	v50 =	vor.u32 $0x5, v10;
	v28 =	vld.idx.msk [tilespmem:v45+s10+$0x0], $0xffff;
	[tilespmem:s20+$0x8200] =	vst v21  }
0x393: {  	v51 =	vor.u32 $0x5, v3;
	v26 =	vld.idx.msk [tilespmem:v46+s10+$0x0], $0xffff  }
0x394: {  	v52 =	vor.u32 $0x5, v6;
	v23 =	vld.idx.msk [tilespmem:v47+s10+$0x0], $0xffff  }
0x395: {  	v53 =	vor.u32 $0x5, v4;
	v24 =	vld.idx.msk [tilespmem:v48+s11+$0x0], $0xffff  }
0x396: {  	v54 =	vor.u32 $0x5, v7;
	v22 =	vld.idx.msk [tilespmem:v49+s11+$0x0], $0xffff  }
0x397: {  	v55 =	vor.u32 $0x5, v5;
	v21 =	vld.idx.msk [tilespmem:v50+s10+$0x0], $0xffff  }
0x398: {  	v56 =	vor.u32 $0x17, v19;
	v29 =	vld.idx.msk [tilespmem:v51+s11+$0x0], $0xffff  }
0x399: {  	v57 =	vor.u32 $0x17, v11;
	v30 =	vld.idx.msk [tilespmem:v52+s10+$0x0], $0xffff  }
0x39a: {  	v58 =	vor.u32 $0x17, v14;
	v59 =	vld.idx.msk [tilespmem:v53+s11+$0x0], $0xffff;
	v23 =	vadd.f32 v23, v26  }
0x39b: {  	v60 =	vor.u32 $0x17, v15;
	v32 =	vld.idx.msk [tilespmem:v54+s10+$0x0], $0xffff;
	v22 =	vadd.f32 v22, v24  }
0x39c: {  	v41 =	vor.u32 $0x17, v16;
	v62 =	vld.idx.msk [tilespmem:v55+s11+$0x0], $0xffff;
	v21 =	vadd.f32 v21, v23  }
0x39d: {  	v63 =	vld.idx.msk [tilespmem:v56+s10+$0x0], $0xffff;
	v43 =	vor.u32 $0x17, v12;
	v22 =	vadd.f32 v29, v22  }
0x39e: {  	v61 =	vor.u32 $0x17, v13;
	v42 =	vld.idx.msk [tilespmem:v57+s10+$0x0], $0xffff;
	v21 =	vadd.f32 v30, v21  }
0x39f: {  	v44 =	vld.idx.msk [tilespmem:v58+s11+$0x0], $0xffff;
	v45 =	vor.u32 $0x6, v9;
	v22 =	vadd.f32 v59, v22  }
0x3a0: {  	v31 =	vld.idx.msk [tilespmem:v60+s11+$0x0], $0xffff;
	v46 =	vor.u32 $0x6, v8;
	v21 =	vadd.f32 v32, v21  }
0x3a1: {  	v34 =	vld.idx.msk [tilespmem:v41+s11+$0x0], $0xffff;
	v47 =	vor.u32 $0x6, v1;
	v22 =	vadd.f32 v62, v22  }
0x3a2: {  	v48 =	vor.u32 $0x6, v2;
	v35 =	vld.idx.msk [tilespmem:v43+s11+$0x0], $0xffff;
	[tilespmem:s20+$0x4400] =	vst v21  }
0x3a3: {  	v49 =	vor.u32 $0x6, v10;
	v24 =	vld.idx.msk [tilespmem:v61+s11+$0x0], $0xffff;
	[tilespmem:s20+$0x8400] =	vst v22  }
0x3a4: {  	v50 =	vor.u32 $0x6, v3;
	v26 =	vld.idx.msk [tilespmem:v45+s10+$0x0], $0xffff  }
0x3a5: {  	v51 =	vor.u32 $0x6, v6;
	v32 =	vld.idx.msk [tilespmem:v46+s10+$0x0], $0xffff  }
0x3a6: {  	v52 =	vor.u32 $0x6, v4;
	v23 =	vld.idx.msk [tilespmem:v47+s11+$0x0], $0xffff  }
0x3a7: {  	v53 =	vor.u32 $0x6, v7;
	v21 =	vld.idx.msk [tilespmem:v48+s11+$0x0], $0xffff  }
0x3a8: {  	v25 =	vadd.f32 v27, v25;
	v54 =	vor.u32 $0x6, v5;
	v22 =	vld.idx.msk [tilespmem:v49+s10+$0x0], $0xffff  }
0x3a9: {  	v30 =	vadd.f32 v31, v44;
	v55 =	vld.idx.msk [tilespmem:v50+s11+$0x0], $0xffff  }
0x3aa: {  	v25 =	vadd.f32 v28, v25;
	v56 =	vld.idx.msk [tilespmem:v51+s10+$0x0], $0xffff  }
0x3ab: {  	v24 =	vadd.f32 v24, v30;
	v57 =	vld.idx.msk [tilespmem:v52+s11+$0x0], $0xffff;
	v26 =	vadd.f32 v32, v26  }
0x3ac: {  	v25 =	vadd.f32 v63, v25;
	v58 =	vld.idx.msk [tilespmem:v53+s10+$0x0], $0xffff;
	v21 =	vadd.f32 v21, v23  }
0x3ad: {  	v60 =	vor.u32 $0x18, v20;
	v59 =	vadd.f32 v34, v24;
	v61 =	vld.idx.msk [tilespmem:v54+s11+$0x0], $0xffff;
	v22 =	vadd.f32 v22, v26  }
0x3ae: {  	v25 =	vadd.f32 v42, v25;
	v62 =	vor.u32 $0x18, v17;
	v21 =	vadd.f32 v55, v21  }
0x3af: {  	v63 =	vor.u32 $0x18, v18;
	v23 =	vadd.f32 v35, v59;
	v22 =	vadd.f32 v56, v22  }
0x3b0: {  	v33 =	vor.u32 $0x7, v9;
	[tilespmem:s21+$0x6800] =	vst v25;
	v21 =	vadd.f32 v57, v21  }
0x3b1: {  	v34 =	vor.u32 $0x7, v8;
	[tilespmem:s21+$0xA800] =	vst v23;
	v22 =	vadd.f32 v58, v22  }
0x3b2: {  	v35 =	vor.u32 $0x7, v1;
	v24 =	vld.idx.msk [tilespmem:v60+s10+$0x0], $0xffff;
	v21 =	vadd.f32 v61, v21  }
0x3b3: {  	v36 =	vor.u32 $0x7, v2;
	v27 =	vld.idx.msk [tilespmem:v62+s10+$0x0], $0xffff;
	[tilespmem:s20+$0x4600] =	vst v22  }
0x3b4: {  	v37 =	vor.u32 $0x7, v10;
	v28 =	vld.idx.msk [tilespmem:v63+s10+$0x0], $0xffff;
	[tilespmem:s20+$0x8600] =	vst v21  }
0x3b5: {  	v38 =	vor.u32 $0x7, v3;
	v25 =	vld.idx.msk [tilespmem:v33+s10+$0x0], $0xffff  }
0x3b6: {  	v39 =	vor.u32 $0x7, v6;
	v23 =	vld.idx.msk [tilespmem:v34+s10+$0x0], $0xffff  }
0x3b7: {  	v40 =	vor.u32 $0x7, v4;
	v26 =	vld.idx.msk [tilespmem:v35+s11+$0x0], $0xffff  }
0x3b8: {  	v41 =	vor.u32 $0x7, v7;
	v22 =	vld.idx.msk [tilespmem:v36+s11+$0x0], $0xffff  }
0x3b9: {  	v42 =	vor.u32 $0x7, v5;
	v21 =	vld.idx.msk [tilespmem:v37+s10+$0x0], $0xffff  }
0x3ba: {  	v43 =	vor.u32 $0x18, v19;
	v29 =	vld.idx.msk [tilespmem:v38+s11+$0x0], $0xffff  }
0x3bb: {  	v44 =	vor.u32 $0x18, v11;
	v30 =	vld.idx.msk [tilespmem:v39+s10+$0x0], $0xffff  }
0x3bc: {  	v45 =	vor.u32 $0x18, v14;
	v46 =	vld.idx.msk [tilespmem:v40+s11+$0x0], $0xffff;
	v23 =	vadd.f32 v23, v25  }
0x3bd: {  	v47 =	vor.u32 $0x18, v15;
	v32 =	vld.idx.msk [tilespmem:v41+s10+$0x0], $0xffff;
	v22 =	vadd.f32 v22, v26  }
0x3be: {  	v51 =	vor.u32 $0x18, v16;
	v49 =	vld.idx.msk [tilespmem:v42+s11+$0x0], $0xffff;
	v21 =	vadd.f32 v21, v23  }
0x3bf: {  	v53 =	vor.u32 $0x18, v12;
	v50 =	vld.idx.msk [tilespmem:v43+s10+$0x0], $0xffff;
	v22 =	vadd.f32 v29, v22  }
0x3c0: {  	v48 =	vor.u32 $0x18, v13;
	v52 =	vld.idx.msk [tilespmem:v44+s10+$0x0], $0xffff;
	v21 =	vadd.f32 v30, v21  }
0x3c1: {  	v55 =	vor.u32 $0x8, v9;
	v54 =	vld.idx.msk [tilespmem:v45+s11+$0x0], $0xffff;
	v22 =	vadd.f32 v46, v22  }
0x3c2: {  	v31 =	vld.idx.msk [tilespmem:v47+s11+$0x0], $0xffff;
	v56 =	vor.u32 $0x8, v8;
	v21 =	vadd.f32 v32, v21  }
0x3c3: {  	v57 =	vor.u32 $0x8, v1;
	v34 =	vld.idx.msk [tilespmem:v51+s11+$0x0], $0xffff;
	v22 =	vadd.f32 v49, v22  }
0x3c4: {  	v58 =	vor.u32 $0x8, v2;
	v35 =	vld.idx.msk [tilespmem:v53+s11+$0x0], $0xffff;
	[tilespmem:s20+$0x4800] =	vst v21  }
0x3c5: {  	v59 =	vor.u32 $0x8, v10;
	v26 =	vld.idx.msk [tilespmem:v48+s11+$0x0], $0xffff;
	[tilespmem:s20+$0x8800] =	vst v22  }
0x3c6: {  	v60 =	vor.u32 $0x8, v3;
	v25 =	vld.idx.msk [tilespmem:v55+s10+$0x0], $0xffff  }
0x3c7: {  	v61 =	vor.u32 $0x8, v6;
	v32 =	vld.idx.msk [tilespmem:v56+s10+$0x0], $0xffff  }
0x3c8: {  	v62 =	vor.u32 $0x8, v4;
	v23 =	vld.idx.msk [tilespmem:v57+s11+$0x0], $0xffff  }
0x3c9: {  	v63 =	vor.u32 $0x8, v7;
	v21 =	vld.idx.msk [tilespmem:v58+s11+$0x0], $0xffff  }
0x3ca: {  	v24 =	vadd.f32 v27, v24;
	v41 =	vor.u32 $0x8, v5;
	v22 =	vld.idx.msk [tilespmem:v59+s10+$0x0], $0xffff  }
0x3cb: {  	v30 =	vadd.f32 v31, v54;
	v42 =	vld.idx.msk [tilespmem:v60+s11+$0x0], $0xffff  }
0x3cc: {  	v24 =	vadd.f32 v28, v24;
	v43 =	vld.idx.msk [tilespmem:v61+s10+$0x0], $0xffff  }
0x3cd: {  	v26 =	vadd.f32 v26, v30;
	v44 =	vld.idx.msk [tilespmem:v62+s11+$0x0], $0xffff;
	v25 =	vadd.f32 v32, v25  }
0x3ce: {  	v24 =	vadd.f32 v50, v24;
	v45 =	vld.idx.msk [tilespmem:v63+s10+$0x0], $0xffff;
	v21 =	vadd.f32 v21, v23  }
0x3cf: {  	v47 =	vor.u32 $0x19, v20;
	v46 =	vadd.f32 v34, v26;
	v48 =	vld.idx.msk [tilespmem:v41+s11+$0x0], $0xffff;
	v22 =	vadd.f32 v22, v25  }
0x3d0: {  	v24 =	vadd.f32 v52, v24;
	v49 =	vor.u32 $0x19, v17;
	v21 =	vadd.f32 v42, v21  }
0x3d1: {  	v50 =	vor.u32 $0x19, v18;
	v23 =	vadd.f32 v35, v46;
	v22 =	vadd.f32 v43, v22  }
0x3d2: {  	v51 =	vor.u32 $0x9, v9;
	[tilespmem:s21+$0x6A00] =	vst v24;
	v21 =	vadd.f32 v44, v21  }
0x3d3: {  	v52 =	vor.u32 $0x9, v8;
	[tilespmem:s21+$0xAA00] =	vst v23;
	v22 =	vadd.f32 v45, v22  }
0x3d4: {  	v53 =	vor.u32 $0x9, v1;
	v26 =	vld.idx.msk [tilespmem:v47+s10+$0x0], $0xffff;
	v21 =	vadd.f32 v48, v21  }
0x3d5: {  	v54 =	vor.u32 $0x9, v2;
	v27 =	vld.idx.msk [tilespmem:v49+s10+$0x0], $0xffff;
	[tilespmem:s20+$0x4A00] =	vst v22  }
0x3d6: {  	v55 =	vor.u32 $0x9, v10;
	v28 =	vld.idx.msk [tilespmem:v50+s10+$0x0], $0xffff;
	[tilespmem:s20+$0x8A00] =	vst v21  }
0x3d7: {  	v56 =	vor.u32 $0x9, v3;
	v24 =	vld.idx.msk [tilespmem:v51+s10+$0x0], $0xffff  }
0x3d8: {  	v57 =	vor.u32 $0x9, v6;
	v23 =	vld.idx.msk [tilespmem:v52+s10+$0x0], $0xffff  }
0x3d9: {  	v58 =	vor.u32 $0x9, v4;
	v25 =	vld.idx.msk [tilespmem:v53+s11+$0x0], $0xffff  }
0x3da: {  	v59 =	vor.u32 $0x9, v7;
	v22 =	vld.idx.msk [tilespmem:v54+s11+$0x0], $0xffff  }
0x3db: {  	v60 =	vor.u32 $0x9, v5;
	v21 =	vld.idx.msk [tilespmem:v55+s10+$0x0], $0xffff  }
0x3dc: {  	v63 =	vor.u32 $0x19, v14;
	v29 =	vld.idx.msk [tilespmem:v56+s11+$0x0], $0xffff  }
0x3dd: {  	v40 =	vor.u32 $0x19, v15;
	v30 =	vld.idx.msk [tilespmem:v57+s10+$0x0], $0xffff  }
0x3de: {  	v61 =	vor.u32 $0x19, v19;
	v39 =	vld.idx.msk [tilespmem:v58+s11+$0x0], $0xffff;
	v23 =	vadd.f32 v23, v24  }
0x3df: {  	v46 =	vor.u32 $0x19, v12;
	v32 =	vld.idx.msk [tilespmem:v59+s10+$0x0], $0xffff;
	v22 =	vadd.f32 v22, v25  }
0x3e0: {  	v62 =	vor.u32 $0x19, v11;
	v42 =	vld.idx.msk [tilespmem:v60+s11+$0x0], $0xffff;
	v21 =	vadd.f32 v21, v23  }
0x3e1: {  	v47 =	vld.idx.msk [tilespmem:v63+s11+$0x0], $0xffff;
	v44 =	vor.u32 $0x19, v16;
	v22 =	vadd.f32 v29, v22  }
0x3e2: {  	v41 =	vor.u32 $0x19, v13;
	v31 =	vld.idx.msk [tilespmem:v40+s11+$0x0], $0xffff;
	v21 =	vadd.f32 v30, v21  }
0x3e3: {  	v43 =	vld.idx.msk [tilespmem:v61+s10+$0x0], $0xffff;
	v48 =	vor.u32 $0xA, v9;
	v22 =	vadd.f32 v39, v22  }
0x3e4: {  	v49 =	vor.u32 $0xA, v8;
	v35 =	vld.idx.msk [tilespmem:v46+s11+$0x0], $0xffff;
	v21 =	vadd.f32 v32, v21  }
0x3e5: {  	v50 =	vor.u32 $0xA, v1;
	v45 =	vld.idx.msk [tilespmem:v62+s10+$0x0], $0xffff;
	v22 =	vadd.f32 v42, v22  }
0x3e6: {  	v34 =	vld.idx.msk [tilespmem:v44+s11+$0x0], $0xffff;
	v51 =	vor.u32 $0xA, v2;
	[tilespmem:s20+$0x4C00] =	vst v21  }
0x3e7: {  	v52 =	vor.u32 $0xA, v10;
	v25 =	vld.idx.msk [tilespmem:v41+s11+$0x0], $0xffff;
	[tilespmem:s20+$0x8C00] =	vst v22  }
0x3e8: {  	v53 =	vor.u32 $0xA, v3;
	v24 =	vld.idx.msk [tilespmem:v48+s10+$0x0], $0xffff  }
0x3e9: {  	v54 =	vor.u32 $0xA, v6;
	v32 =	vld.idx.msk [tilespmem:v49+s10+$0x0], $0xffff  }
0x3ea: {  	v55 =	vor.u32 $0xA, v4;
	v23 =	vld.idx.msk [tilespmem:v50+s11+$0x0], $0xffff  }
0x3eb: {  	v56 =	vor.u32 $0xA, v7;
	v21 =	vld.idx.msk [tilespmem:v51+s11+$0x0], $0xffff  }
0x3ec: {  	v26 =	vadd.f32 v27, v26;
	v57 =	vor.u32 $0xA, v5;
	v22 =	vld.idx.msk [tilespmem:v52+s10+$0x0], $0xffff  }
0x3ed: {  	v30 =	vadd.f32 v31, v47;
	v58 =	vld.idx.msk [tilespmem:v53+s11+$0x0], $0xffff  }
0x3ee: {  	v26 =	vadd.f32 v28, v26;
	v59 =	vld.idx.msk [tilespmem:v54+s10+$0x0], $0xffff  }
0x3ef: {  	v25 =	vadd.f32 v25, v30;
	v60 =	vld.idx.msk [tilespmem:v55+s11+$0x0], $0xffff;
	v24 =	vadd.f32 v32, v24  }
0x3f0: {  	v26 =	vadd.f32 v43, v26;
	v61 =	vld.idx.msk [tilespmem:v56+s10+$0x0], $0xffff;
	v21 =	vadd.f32 v21, v23  }
0x3f1: {  	v63 =	vor.u32 $0x1A, v20;
	v62 =	vadd.f32 v34, v25;
	v33 =	vld.idx.msk [tilespmem:v57+s11+$0x0], $0xffff;
	v22 =	vadd.f32 v22, v24  }
0x3f2: {  	v26 =	vadd.f32 v45, v26;
	v34 =	vor.u32 $0x1A, v17;
	v21 =	vadd.f32 v58, v21  }
0x3f3: {  	v36 =	vor.u32 $0x1A, v18;
	v23 =	vadd.f32 v35, v62;
	v22 =	vadd.f32 v59, v22  }
0x3f4: {  	v37 =	vor.u32 $0xB, v9;
	[tilespmem:s21+$0x6C00] =	vst v26;
	v21 =	vadd.f32 v60, v21  }
0x3f5: {  	v38 =	vor.u32 $0xB, v8;
	[tilespmem:s21+$0xAC00] =	vst v23;
	v22 =	vadd.f32 v61, v22  }
0x3f6: {  	v39 =	vor.u32 $0xB, v1;
	v25 =	vld.idx.msk [tilespmem:v63+s10+$0x0], $0xffff;
	v21 =	vadd.f32 v33, v21  }
0x3f7: {  	v40 =	vor.u32 $0xB, v2;
	v27 =	vld.idx.msk [tilespmem:v34+s10+$0x0], $0xffff;
	[tilespmem:s20+$0x4E00] =	vst v22  }
0x3f8: {  	v41 =	vor.u32 $0xB, v10;
	v28 =	vld.idx.msk [tilespmem:v36+s10+$0x0], $0xffff;
	[tilespmem:s20+$0x8E00] =	vst v21  }
0x3f9: {  	v42 =	vor.u32 $0xB, v3;
	v26 =	vld.idx.msk [tilespmem:v37+s10+$0x0], $0xffff  }
0x3fa: {  	v43 =	vor.u32 $0xB, v6;
	v23 =	vld.idx.msk [tilespmem:v38+s10+$0x0], $0xffff  }
0x3fb: {  	v44 =	vor.u32 $0xB, v4;
	v24 =	vld.idx.msk [tilespmem:v39+s11+$0x0], $0xffff  }
0x3fc: {  	v45 =	vor.u32 $0xB, v7;
	v22 =	vld.idx.msk [tilespmem:v40+s11+$0x0], $0xffff  }
0x3fd: {  	v46 =	vor.u32 $0xB, v5;
	v21 =	vld.idx.msk [tilespmem:v41+s10+$0x0], $0xffff  }
0x3fe: {  	v47 =	vor.u32 $0x1A, v19;
	v29 =	vld.idx.msk [tilespmem:v42+s11+$0x0], $0xffff  }
0x3ff: {  	v48 =	vor.u32 $0x1A, v11;
	v30 =	vld.idx.msk [tilespmem:v43+s10+$0x0], $0xffff  }
0x400: {  	v49 =	vor.u32 $0x1A, v14;
	v50 =	vld.idx.msk [tilespmem:v44+s11+$0x0], $0xffff;
	v23 =	vadd.f32 v23, v26  }
0x401: {  	v51 =	vor.u32 $0x1A, v15;
	v32 =	vld.idx.msk [tilespmem:v45+s10+$0x0], $0xffff;
	v22 =	vadd.f32 v22, v24  }
0x402: {  	v55 =	vor.u32 $0x1A, v16;
	v53 =	vld.idx.msk [tilespmem:v46+s11+$0x0], $0xffff;
	v21 =	vadd.f32 v21, v23  }
0x403: {  	v57 =	vor.u32 $0x1A, v12;
	v54 =	vld.idx.msk [tilespmem:v47+s10+$0x0], $0xffff;
	v22 =	vadd.f32 v29, v22  }
0x404: {  	v52 =	vor.u32 $0x1A, v13;
	v56 =	vld.idx.msk [tilespmem:v48+s10+$0x0], $0xffff;
	v21 =	vadd.f32 v30, v21  }
0x405: {  	v58 =	vld.idx.msk [tilespmem:v49+s11+$0x0], $0xffff;
	v59 =	vor.u32 $0xC, v9;
	v22 =	vadd.f32 v50, v22  }
0x406: {  	v31 =	vld.idx.msk [tilespmem:v51+s11+$0x0], $0xffff;
	v60 =	vor.u32 $0xC, v8;
	v21 =	vadd.f32 v32, v21  }
0x407: {  	v34 =	vld.idx.msk [tilespmem:v55+s11+$0x0], $0xffff;
	v61 =	vor.u32 $0xC, v1;
	v22 =	vadd.f32 v53, v22  }
0x408: {  	v62 =	vor.u32 $0xC, v2;
	v35 =	vld.idx.msk [tilespmem:v57+s11+$0x0], $0xffff;
	[tilespmem:s20+$0x5000] =	vst v21  }
0x409: {  	v63 =	vor.u32 $0xC, v10;
	v24 =	vld.idx.msk [tilespmem:v52+s11+$0x0], $0xffff;
	[tilespmem:s20+$0x9000] =	vst v22  }
0x40a: {  	v42 =	vor.u32 $0xC, v3;
	v26 =	vld.idx.msk [tilespmem:v59+s10+$0x0], $0xffff  }
0x40b: {  	v43 =	vor.u32 $0xC, v6;
	v32 =	vld.idx.msk [tilespmem:v60+s10+$0x0], $0xffff  }
0x40c: {  	v44 =	vor.u32 $0xC, v4;
	v23 =	vld.idx.msk [tilespmem:v61+s11+$0x0], $0xffff  }
0x40d: {  	v45 =	vor.u32 $0xC, v7;
	v21 =	vld.idx.msk [tilespmem:v62+s11+$0x0], $0xffff  }
0x40e: {  	v25 =	vadd.f32 v27, v25;
	v46 =	vor.u32 $0xC, v5;
	v22 =	vld.idx.msk [tilespmem:v63+s10+$0x0], $0xffff  }
0x40f: {  	v30 =	vadd.f32 v31, v58;
	v47 =	vld.idx.msk [tilespmem:v42+s11+$0x0], $0xffff  }
0x410: {  	v25 =	vadd.f32 v28, v25;
	v48 =	vld.idx.msk [tilespmem:v43+s10+$0x0], $0xffff  }
0x411: {  	v24 =	vadd.f32 v24, v30;
	v49 =	vld.idx.msk [tilespmem:v44+s11+$0x0], $0xffff;
	v26 =	vadd.f32 v32, v26  }
0x412: {  	v25 =	vadd.f32 v54, v25;
	v50 =	vld.idx.msk [tilespmem:v45+s10+$0x0], $0xffff;
	v21 =	vadd.f32 v21, v23  }
0x413: {  	v52 =	vor.u32 $0x1B, v20;
	v51 =	vadd.f32 v34, v24;
	v53 =	vld.idx.msk [tilespmem:v46+s11+$0x0], $0xffff;
	v22 =	vadd.f32 v22, v26  }
0x414: {  	v54 =	vor.u32 $0x1B, v17;
	v25 =	vadd.f32 v56, v25;
	v21 =	vadd.f32 v47, v21  }
0x415: {  	v55 =	vor.u32 $0x1B, v18;
	v23 =	vadd.f32 v35, v51;
	v22 =	vadd.f32 v48, v22  }
0x416: {  	v56 =	vor.u32 $0xD, v9;
	[tilespmem:s21+$0x6E00] =	vst v25;
	v21 =	vadd.f32 v49, v21  }
0x417: {  	v57 =	vor.u32 $0xD, v8;
	[tilespmem:s21+$0xAE00] =	vst v23;
	v22 =	vadd.f32 v50, v22  }
0x418: {  	v58 =	vor.u32 $0xD, v1;
	v24 =	vld.idx.msk [tilespmem:v52+s10+$0x0], $0xffff;
	v21 =	vadd.f32 v53, v21  }
0x419: {  	v59 =	vor.u32 $0xD, v2;
	v27 =	vld.idx.msk [tilespmem:v54+s10+$0x0], $0xffff;
	[tilespmem:s20+$0x5200] =	vst v22  }
0x41a: {  	v60 =	vor.u32 $0xD, v10;
	v28 =	vld.idx.msk [tilespmem:v55+s10+$0x0], $0xffff;
	[tilespmem:s20+$0x9200] =	vst v21  }
0x41b: {  	v61 =	vor.u32 $0xD, v3;
	v25 =	vld.idx.msk [tilespmem:v56+s10+$0x0], $0xffff  }
0x41c: {  	v62 =	vor.u32 $0xD, v6;
	v23 =	vld.idx.msk [tilespmem:v57+s10+$0x0], $0xffff  }
0x41d: {  	v63 =	vor.u32 $0xD, v4;
	v26 =	vld.idx.msk [tilespmem:v58+s11+$0x0], $0xffff  }
0x41e: {  	v40 =	vor.u32 $0xD, v7;
	v22 =	vld.idx.msk [tilespmem:v59+s11+$0x0], $0xffff  }
0x41f: {  	v41 =	vor.u32 $0xD, v5;
	v21 =	vld.idx.msk [tilespmem:v60+s10+$0x0], $0xffff  }
0x420: {  	v43 =	vor.u32 $0x1B, v11;
	v29 =	vld.idx.msk [tilespmem:v61+s11+$0x0], $0xffff  }
0x421: {  	v46 =	vor.u32 $0x1B, v15;
	v30 =	vld.idx.msk [tilespmem:v62+s10+$0x0], $0xffff  }
0x422: {  	v42 =	vor.u32 $0x1B, v19;
	v45 =	vld.idx.msk [tilespmem:v63+s11+$0x0], $0xffff;
	v23 =	vadd.f32 v23, v25  }
0x423: {  	v44 =	vor.u32 $0x1B, v14;
	v32 =	vld.idx.msk [tilespmem:v40+s10+$0x0], $0xffff;
	v22 =	vadd.f32 v22, v26  }
0x424: {  	v52 =	vor.u32 $0x1B, v12;
	v48 =	vld.idx.msk [tilespmem:v41+s11+$0x0], $0xffff;
	v21 =	vadd.f32 v21, v23  }
0x425: {  	v51 =	vld.idx.msk [tilespmem:v43+s10+$0x0], $0xffff;
	v50 =	vor.u32 $0x1B, v16;
	v22 =	vadd.f32 v29, v22  }
0x426: {  	v47 =	vor.u32 $0x1B, v13;
	v31 =	vld.idx.msk [tilespmem:v46+s11+$0x0], $0xffff;
	v21 =	vadd.f32 v30, v21  }
0x427: {  	v54 =	vor.u32 $0xE, v9;
	v49 =	vld.idx.msk [tilespmem:v42+s10+$0x0], $0xffff;
	v22 =	vadd.f32 v45, v22  }
0x428: {  	v55 =	vor.u32 $0xE, v8;
	v53 =	vld.idx.msk [tilespmem:v44+s11+$0x0], $0xffff;
	v21 =	vadd.f32 v32, v21  }
0x429: {  	v35 =	vld.idx.msk [tilespmem:v52+s11+$0x0], $0xffff;
	v56 =	vor.u32 $0xE, v1;
	v22 =	vadd.f32 v48, v22  }
0x42a: {  	v57 =	vor.u32 $0xE, v2;
	v34 =	vld.idx.msk [tilespmem:v50+s11+$0x0], $0xffff;
	[tilespmem:s20+$0x5400] =	vst v21  }
0x42b: {  	v58 =	vor.u32 $0xE, v10;
	v26 =	vld.idx.msk [tilespmem:v47+s11+$0x0], $0xffff;
	[tilespmem:s20+$0x9400] =	vst v22  }
0x42c: {  	v59 =	vor.u32 $0xE, v3;
	v25 =	vld.idx.msk [tilespmem:v54+s10+$0x0], $0xffff  }
0x42d: {  	v60 =	vor.u32 $0xE, v6;
	v32 =	vld.idx.msk [tilespmem:v55+s10+$0x0], $0xffff  }
0x42e: {  	v61 =	vor.u32 $0xE, v4;
	v23 =	vld.idx.msk [tilespmem:v56+s11+$0x0], $0xffff  }
0x42f: {  	v62 =	vor.u32 $0xE, v7;
	v21 =	vld.idx.msk [tilespmem:v57+s11+$0x0], $0xffff  }
0x430: {  	v24 =	vadd.f32 v27, v24;
	v63 =	vor.u32 $0xE, v5;
	v22 =	vld.idx.msk [tilespmem:v58+s10+$0x0], $0xffff  }
0x431: {  	v30 =	vadd.f32 v31, v53;
	v36 =	vld.idx.msk [tilespmem:v59+s11+$0x0], $0xffff  }
0x432: {  	v24 =	vadd.f32 v28, v24;
	v37 =	vld.idx.msk [tilespmem:v60+s10+$0x0], $0xffff  }
0x433: {  	v26 =	vadd.f32 v26, v30;
	v38 =	vld.idx.msk [tilespmem:v61+s11+$0x0], $0xffff;
	v25 =	vadd.f32 v32, v25  }
0x434: {  	v24 =	vadd.f32 v49, v24;
	v40 =	vld.idx.msk [tilespmem:v62+s10+$0x0], $0xffff;
	v21 =	vadd.f32 v21, v23  }
0x435: {  	v42 =	vor.u32 $0x1C, v20;
	v41 =	vadd.f32 v34, v26;
	v43 =	vld.idx.msk [tilespmem:v63+s11+$0x0], $0xffff;
	v22 =	vadd.f32 v22, v25  }
0x436: {  	v44 =	vor.u32 $0x1C, v17;
	v24 =	vadd.f32 v51, v24;
	v21 =	vadd.f32 v36, v21  }
0x437: {  	v45 =	vor.u32 $0x1C, v18;
	v23 =	vadd.f32 v35, v41;
	v22 =	vadd.f32 v37, v22  }
0x438: {  	v46 =	vor.u32 $0xF, v9;
	[tilespmem:s21+$0x7000] =	vst v24;
	v21 =	vadd.f32 v38, v21  }
0x439: {  	v47 =	vor.u32 $0xF, v8;
	[tilespmem:s21+$0xB000] =	vst v23;
	v22 =	vadd.f32 v40, v22  }
0x43a: {  	v48 =	vor.u32 $0xF, v1;
	v26 =	vld.idx.msk [tilespmem:v42+s10+$0x0], $0xffff;
	v21 =	vadd.f32 v43, v21  }
0x43b: {  	v49 =	vor.u32 $0xF, v2;
	v27 =	vld.idx.msk [tilespmem:v44+s10+$0x0], $0xffff;
	[tilespmem:s20+$0x5600] =	vst v22  }
0x43c: {  	v50 =	vor.u32 $0xF, v10;
	v28 =	vld.idx.msk [tilespmem:v45+s10+$0x0], $0xffff;
	[tilespmem:s20+$0x9600] =	vst v21  }
0x43d: {  	v51 =	vor.u32 $0xF, v3;
	v24 =	vld.idx.msk [tilespmem:v46+s10+$0x0], $0xffff  }
0x43e: {  	v52 =	vor.u32 $0xF, v6;
	v23 =	vld.idx.msk [tilespmem:v47+s10+$0x0], $0xffff  }
0x43f: {  	v53 =	vor.u32 $0xF, v4;
	v25 =	vld.idx.msk [tilespmem:v48+s11+$0x0], $0xffff  }
0x440: {  	v54 =	vor.u32 $0xF, v7;
	v22 =	vld.idx.msk [tilespmem:v49+s11+$0x0], $0xffff  }
0x441: {  	v55 =	vor.u32 $0xF, v5;
	v21 =	vld.idx.msk [tilespmem:v50+s10+$0x0], $0xffff  }
0x442: {  	v56 =	vor.u32 $0x1C, v19;
	v29 =	vld.idx.msk [tilespmem:v51+s11+$0x0], $0xffff  }
0x443: {  	v58 =	vor.u32 $0x1C, v14;
	v30 =	vld.idx.msk [tilespmem:v52+s10+$0x0], $0xffff  }
0x444: {  	v60 =	vor.u32 $0x1C, v15;
	v59 =	vld.idx.msk [tilespmem:v53+s11+$0x0], $0xffff;
	v23 =	vadd.f32 v23, v24  }
0x445: {  	v57 =	vor.u32 $0x1C, v11;
	v32 =	vld.idx.msk [tilespmem:v54+s10+$0x0], $0xffff;
	v22 =	vadd.f32 v22, v25  }
0x446: {  	v42 =	vor.u32 $0x1C, v16;
	v62 =	vld.idx.msk [tilespmem:v55+s11+$0x0], $0xffff;
	v21 =	vadd.f32 v21, v23  }
0x447: {  	v63 =	vld.idx.msk [tilespmem:v56+s10+$0x0], $0xffff;
	v44 =	vor.u32 $0x1C, v12;
	v22 =	vadd.f32 v29, v22  }
0x448: {  	v61 =	vor.u32 $0x1C, v13;
	v45 =	vld.idx.msk [tilespmem:v58+s11+$0x0], $0xffff;
	v21 =	vadd.f32 v30, v21  }
0x449: {  	v31 =	vld.idx.msk [tilespmem:v60+s11+$0x0], $0xffff;
	v46 =	vor.u32 $0x10, v9;
	v22 =	vadd.f32 v59, v22  }
0x44a: {  	v43 =	vld.idx.msk [tilespmem:v57+s10+$0x0], $0xffff;
	v47 =	vor.u32 $0x10, v8;
	v21 =	vadd.f32 v32, v21  }
0x44b: {  	v34 =	vld.idx.msk [tilespmem:v42+s11+$0x0], $0xffff;
	v48 =	vor.u32 $0x10, v1;
	v22 =	vadd.f32 v62, v22  }
0x44c: {  	v35 =	vld.idx.msk [tilespmem:v44+s11+$0x0], $0xffff;
	v49 =	vor.u32 $0x10, v2;
	[tilespmem:s20+$0x5800] =	vst v21  }
0x44d: {  	v50 =	vor.u32 $0x10, v10;
	v25 =	vld.idx.msk [tilespmem:v61+s11+$0x0], $0xffff;
	[tilespmem:s20+$0x9800] =	vst v22  }
0x44e: {  	v51 =	vor.u32 $0x10, v3;
	v24 =	vld.idx.msk [tilespmem:v46+s10+$0x0], $0xffff  }
0x44f: {  	v52 =	vor.u32 $0x10, v6;
	v32 =	vld.idx.msk [tilespmem:v47+s10+$0x0], $0xffff  }
0x450: {  	v53 =	vor.u32 $0x10, v4;
	v23 =	vld.idx.msk [tilespmem:v48+s11+$0x0], $0xffff  }
0x451: {  	v54 =	vor.u32 $0x10, v7;
	v21 =	vld.idx.msk [tilespmem:v49+s11+$0x0], $0xffff  }
0x452: {  	v26 =	vadd.f32 v27, v26;
	v55 =	vor.u32 $0x10, v5;
	v22 =	vld.idx.msk [tilespmem:v50+s10+$0x0], $0xffff  }
0x453: {  	v30 =	vadd.f32 v31, v45;
	v56 =	vld.idx.msk [tilespmem:v51+s11+$0x0], $0xffff  }
0x454: {  	v26 =	vadd.f32 v28, v26;
	v57 =	vld.idx.msk [tilespmem:v52+s10+$0x0], $0xffff  }
0x455: {  	v25 =	vadd.f32 v25, v30;
	v58 =	vld.idx.msk [tilespmem:v53+s11+$0x0], $0xffff;
	v24 =	vadd.f32 v32, v24  }
0x456: {  	v26 =	vadd.f32 v63, v26;
	v59 =	vld.idx.msk [tilespmem:v54+s10+$0x0], $0xffff;
	v21 =	vadd.f32 v21, v23  }
0x457: {  	v61 =	vor.u32 $0x1D, v20;
	v60 =	vadd.f32 v34, v25;
	v62 =	vld.idx.msk [tilespmem:v55+s11+$0x0], $0xffff;
	v22 =	vadd.f32 v22, v24  }
0x458: {  	v63 =	vor.u32 $0x1D, v17;
	v26 =	vadd.f32 v43, v26;
	v21 =	vadd.f32 v56, v21  }
0x459: {  	v33 =	vor.u32 $0x1D, v18;
	v23 =	vadd.f32 v35, v60;
	v22 =	vadd.f32 v57, v22  }
0x45a: {  	[tilespmem:s21+$0x7200] =	vst v26;
	v34 =	vor.u32 $0x11, v9;
	v21 =	vadd.f32 v58, v21  }
0x45b: {  	v35 =	vor.u32 $0x11, v8;
	[tilespmem:s21+$0xB200] =	vst v23;
	v22 =	vadd.f32 v59, v22  }
0x45c: {  	v36 =	vor.u32 $0x11, v1;
	v25 =	vld.idx.msk [tilespmem:v61+s10+$0x0], $0xffff;
	v21 =	vadd.f32 v62, v21  }
0x45d: {  	v37 =	vor.u32 $0x11, v2;
	v27 =	vld.idx.msk [tilespmem:v63+s10+$0x0], $0xffff;
	[tilespmem:s20+$0x5A00] =	vst v22  }
0x45e: {  	v38 =	vor.u32 $0x11, v10;
	v28 =	vld.idx.msk [tilespmem:v33+s10+$0x0], $0xffff;
	[tilespmem:s20+$0x9A00] =	vst v21  }
0x45f: {  	v39 =	vor.u32 $0x11, v3;
	v26 =	vld.idx.msk [tilespmem:v34+s10+$0x0], $0xffff  }
0x460: {  	v40 =	vor.u32 $0x11, v6;
	v23 =	vld.idx.msk [tilespmem:v35+s10+$0x0], $0xffff  }
0x461: {  	v41 =	vor.u32 $0x11, v4;
	v24 =	vld.idx.msk [tilespmem:v36+s11+$0x0], $0xffff  }
0x462: {  	v42 =	vor.u32 $0x11, v7;
	v22 =	vld.idx.msk [tilespmem:v37+s11+$0x0], $0xffff  }
0x463: {  	v43 =	vor.u32 $0x11, v5;
	v21 =	vld.idx.msk [tilespmem:v38+s10+$0x0], $0xffff  }
0x464: {  	v44 =	vor.u32 $0x1D, v19;
	v29 =	vld.idx.msk [tilespmem:v39+s11+$0x0], $0xffff  }
0x465: {  	v45 =	vor.u32 $0x1D, v11;
	v30 =	vld.idx.msk [tilespmem:v40+s10+$0x0], $0xffff  }
0x466: {  	v46 =	vor.u32 $0x1D, v14;
	v47 =	vld.idx.msk [tilespmem:v41+s11+$0x0], $0xffff;
	v23 =	vadd.f32 v23, v26  }
0x467: {  	v48 =	vor.u32 $0x1D, v15;
	v32 =	vld.idx.msk [tilespmem:v42+s10+$0x0], $0xffff;
	v22 =	vadd.f32 v22, v24  }
0x468: {  	v52 =	vor.u32 $0x1D, v16;
	v50 =	vld.idx.msk [tilespmem:v43+s11+$0x0], $0xffff;
	v21 =	vadd.f32 v21, v23  }
0x469: {  	v54 =	vor.u32 $0x1D, v12;
	v51 =	vld.idx.msk [tilespmem:v44+s10+$0x0], $0xffff;
	v22 =	vadd.f32 v29, v22  }
0x46a: {  	v49 =	vor.u32 $0x1D, v13;
	v53 =	vld.idx.msk [tilespmem:v45+s10+$0x0], $0xffff;
	v21 =	vadd.f32 v30, v21  }
0x46b: {  	v56 =	vor.u32 $0x12, v9;
	v55 =	vld.idx.msk [tilespmem:v46+s11+$0x0], $0xffff;
	v22 =	vadd.f32 v47, v22  }
0x46c: {  	v31 =	vld.idx.msk [tilespmem:v48+s11+$0x0], $0xffff;
	v57 =	vor.u32 $0x12, v8;
	v21 =	vadd.f32 v32, v21  }
0x46d: {  	v58 =	vor.u32 $0x12, v1;
	v34 =	vld.idx.msk [tilespmem:v52+s11+$0x0], $0xffff;
	v22 =	vadd.f32 v50, v22  }
0x46e: {  	v59 =	vor.u32 $0x12, v2;
	v35 =	vld.idx.msk [tilespmem:v54+s11+$0x0], $0xffff;
	[tilespmem:s20+$0x5C00] =	vst v21  }
0x46f: {  	v60 =	vor.u32 $0x12, v10;
	v24 =	vld.idx.msk [tilespmem:v49+s11+$0x0], $0xffff;
	[tilespmem:s20+$0x9C00] =	vst v22  }
0x470: {  	v61 =	vor.u32 $0x12, v3;
	v26 =	vld.idx.msk [tilespmem:v56+s10+$0x0], $0xffff  }
0x471: {  	v62 =	vor.u32 $0x12, v6;
	v32 =	vld.idx.msk [tilespmem:v57+s10+$0x0], $0xffff  }
0x472: {  	v63 =	vor.u32 $0x12, v4;
	v23 =	vld.idx.msk [tilespmem:v58+s11+$0x0], $0xffff  }
0x473: {  	v42 =	vor.u32 $0x12, v7;
	v21 =	vld.idx.msk [tilespmem:v59+s11+$0x0], $0xffff  }
0x474: {  	v25 =	vadd.f32 v27, v25;
	v43 =	vor.u32 $0x12, v5;
	v22 =	vld.idx.msk [tilespmem:v60+s10+$0x0], $0xffff  }
0x475: {  	v30 =	vadd.f32 v31, v55;
	v44 =	vld.idx.msk [tilespmem:v61+s11+$0x0], $0xffff  }
0x476: {  	v25 =	vadd.f32 v28, v25;
	v45 =	vld.idx.msk [tilespmem:v62+s10+$0x0], $0xffff  }
0x477: {  	v24 =	vadd.f32 v24, v30;
	v46 =	vld.idx.msk [tilespmem:v63+s11+$0x0], $0xffff;
	v26 =	vadd.f32 v32, v26  }
0x478: {  	v25 =	vadd.f32 v51, v25;
	v47 =	vld.idx.msk [tilespmem:v42+s10+$0x0], $0xffff;
	v21 =	vadd.f32 v21, v23  }
0x479: {  	v49 =	vor.u32 $0x1E, v20;
	v48 =	vadd.f32 v34, v24;
	v50 =	vld.idx.msk [tilespmem:v43+s11+$0x0], $0xffff;
	v22 =	vadd.f32 v22, v26  }
0x47a: {  	v51 =	vor.u32 $0x1E, v17;
	v25 =	vadd.f32 v53, v25;
	v21 =	vadd.f32 v44, v21  }
0x47b: {  	v52 =	vor.u32 $0x1E, v18;
	v23 =	vadd.f32 v35, v48;
	v22 =	vadd.f32 v45, v22  }
0x47c: {  	v53 =	vor.u32 $0x13, v9;
	[tilespmem:s21+$0x7400] =	vst v25;
	v21 =	vadd.f32 v46, v21  }
0x47d: {  	v54 =	vor.u32 $0x13, v8;
	[tilespmem:s21+$0xB400] =	vst v23;
	v22 =	vadd.f32 v47, v22  }
0x47e: {  	v55 =	vor.u32 $0x13, v1;
	v24 =	vld.idx.msk [tilespmem:v49+s10+$0x0], $0xffff;
	v21 =	vadd.f32 v50, v21  }
0x47f: {  	v56 =	vor.u32 $0x13, v2;
	v27 =	vld.idx.msk [tilespmem:v51+s10+$0x0], $0xffff;
	[tilespmem:s20+$0x5E00] =	vst v22  }
0x480: {  	v57 =	vor.u32 $0x13, v10;
	v28 =	vld.idx.msk [tilespmem:v52+s10+$0x0], $0xffff;
	[tilespmem:s20+$0x9E00] =	vst v21  }
0x481: {  	v58 =	vor.u32 $0x13, v3;
	v25 =	vld.idx.msk [tilespmem:v53+s10+$0x0], $0xffff  }
0x482: {  	v59 =	vor.u32 $0x13, v6;
	v23 =	vld.idx.msk [tilespmem:v54+s10+$0x0], $0xffff  }
0x483: {  	v60 =	vor.u32 $0x13, v4;
	v26 =	vld.idx.msk [tilespmem:v55+s11+$0x0], $0xffff  }
0x484: {  	v61 =	vor.u32 $0x13, v7;
	v22 =	vld.idx.msk [tilespmem:v56+s11+$0x0], $0xffff  }
0x485: {  	v62 =	vor.u32 $0x13, v5;
	v21 =	vld.idx.msk [tilespmem:v57+s10+$0x0], $0xffff  }
0x486: {  	v40 =	vor.u32 $0x1E, v11;
	v29 =	vld.idx.msk [tilespmem:v58+s11+$0x0], $0xffff  }
0x487: {  	v43 =	vor.u32 $0x1E, v15;
	v30 =	vld.idx.msk [tilespmem:v59+s10+$0x0], $0xffff  }
0x488: {  	v63 =	vor.u32 $0x1E, v19;
	v42 =	vld.idx.msk [tilespmem:v60+s11+$0x0], $0xffff;
	v23 =	vadd.f32 v23, v25  }
0x489: {  	v41 =	vor.u32 $0x1E, v14;
	v32 =	vld.idx.msk [tilespmem:v61+s10+$0x0], $0xffff;
	v22 =	vadd.f32 v22, v26  }
0x48a: {  	v49 =	vor.u32 $0x1E, v12;
	v45 =	vld.idx.msk [tilespmem:v62+s11+$0x0], $0xffff;
	v21 =	vadd.f32 v21, v23  }
0x48b: {  	v48 =	vld.idx.msk [tilespmem:v40+s10+$0x0], $0xffff;
	v47 =	vor.u32 $0x1E, v16;
	v22 =	vadd.f32 v29, v22  }
0x48c: {  	v44 =	vor.u32 $0x1E, v13;
	v31 =	vld.idx.msk [tilespmem:v43+s11+$0x0], $0xffff;
	v21 =	vadd.f32 v30, v21  }
0x48d: {  	v51 =	vor.u32 $0x14, v9;
	v46 =	vld.idx.msk [tilespmem:v63+s10+$0x0], $0xffff;
	v22 =	vadd.f32 v42, v22  }
0x48e: {  	v52 =	vor.u32 $0x14, v8;
	v50 =	vld.idx.msk [tilespmem:v41+s11+$0x0], $0xffff;
	v21 =	vadd.f32 v32, v21  }
0x48f: {  	v35 =	vld.idx.msk [tilespmem:v49+s11+$0x0], $0xffff;
	v53 =	vor.u32 $0x14, v1;
	v22 =	vadd.f32 v45, v22  }
0x490: {  	v54 =	vor.u32 $0x14, v2;
	v34 =	vld.idx.msk [tilespmem:v47+s11+$0x0], $0xffff;
	[tilespmem:s20+$0x6000] =	vst v21  }
0x491: {  	v55 =	vor.u32 $0x14, v10;
	v26 =	vld.idx.msk [tilespmem:v44+s11+$0x0], $0xffff;
	[tilespmem:s20+$0xA000] =	vst v22  }
0x492: {  	v56 =	vor.u32 $0x14, v3;
	v25 =	vld.idx.msk [tilespmem:v51+s10+$0x0], $0xffff  }
0x493: {  	v57 =	vor.u32 $0x14, v6;
	v32 =	vld.idx.msk [tilespmem:v52+s10+$0x0], $0xffff  }
0x494: {  	v58 =	vor.u32 $0x14, v4;
	v23 =	vld.idx.msk [tilespmem:v53+s11+$0x0], $0xffff  }
0x495: {  	v59 =	vor.u32 $0x14, v7;
	v21 =	vld.idx.msk [tilespmem:v54+s11+$0x0], $0xffff  }
0x496: {  	v40 =	vor.u32 $0x14, v5;
	v22 =	vld.idx.msk [tilespmem:v55+s10+$0x0], $0xffff  }
0x497: {  	v24 =	vadd.f32 v27, v24;
	v60 =	vld.idx.msk [tilespmem:v56+s11+$0x0], $0xffff  }
0x498: {  	v30 =	vadd.f32 v31, v50;
	v61 =	vld.idx.msk [tilespmem:v57+s10+$0x0], $0xffff  }
0x499: {  	v24 =	vadd.f32 v28, v24;
	v62 =	vld.idx.msk [tilespmem:v58+s11+$0x0], $0xffff;
	v25 =	vadd.f32 v32, v25  }
0x49a: {  	v26 =	vadd.f32 v26, v30;
	v63 =	vld.idx.msk [tilespmem:v59+s10+$0x0], $0xffff;
	v21 =	vadd.f32 v21, v23  }
0x49b: {  	v33 =	vld.idx.msk [tilespmem:v40+s11+$0x0], $0xffff;
	v32 =	vadd.f32 v46, v24;
	v22 =	vadd.f32 v22, v25  }
0x49c: {  	v34 =	vadd.f32 v34, v26;
	v21 =	vadd.f32 v60, v21  }
0x49d: {  	v20 =	vor.u32 $0x1F, v20;
	v23 =	vadd.f32 v48, v32;
	v22 =	vadd.f32 v61, v22  }
0x49e: {  	v36 =	vor.u32 $0x15, v9;
	v25 =	vadd.f32 v35, v34;
	v21 =	vadd.f32 v62, v21  }
0x49f: {  	v37 =	vor.u32 $0x15, v8;
	[tilespmem:s21+$0x7600] =	vst v23;
	v22 =	vadd.f32 v63, v22  }
0x4a0: {  	v38 =	vor.u32 $0x15, v1;
	[tilespmem:s21+$0xB600] =	vst v25;
	v21 =	vadd.f32 v33, v21  }
0x4a1: {  	v39 =	vor.u32 $0x15, v2;
	[tilespmem:s20+$0x6200] =	vst v22  }
0x4a2: {  	v40 =	vor.u32 $0x15, v10;
	v20 =	vld.idx.msk [tilespmem:v20+s10+$0x0], $0xffff;
	[tilespmem:s20+$0xA200] =	vst v21  }
0x4a3: {  	v42 =	vor.u32 $0x15, v3;
	v41 =	vld.idx.msk [tilespmem:v36+s10+$0x0], $0xffff  }
0x4a4: {  	v43 =	vor.u32 $0x15, v6;
	v23 =	vld.idx.msk [tilespmem:v37+s10+$0x0], $0xffff  }
0x4a5: {  	v44 =	vor.u32 $0x15, v4;
	v24 =	vld.idx.msk [tilespmem:v38+s11+$0x0], $0xffff  }
0x4a6: {  	v45 =	vor.u32 $0x15, v7;
	v22 =	vld.idx.msk [tilespmem:v39+s11+$0x0], $0xffff  }
0x4a7: {  	v46 =	vor.u32 $0x15, v5;
	v21 =	vld.idx.msk [tilespmem:v40+s10+$0x0], $0xffff  }
0x4a8: {  	v17 =	vor.u32 $0x1F, v17;
	v26 =	vld.idx.msk [tilespmem:v42+s11+$0x0], $0xffff  }
0x4a9: {  	v18 =	vor.u32 $0x1F, v18;
	v27 =	vld.idx.msk [tilespmem:v43+s10+$0x0], $0xffff  }
0x4aa: {  	v19 =	vor.u32 $0x1F, v19;
	v47 =	vld.idx.msk [tilespmem:v44+s11+$0x0], $0xffff;
	v23 =	vadd.f32 v23, v41  }
0x4ab: {  	v14 =	vor.u32 $0x1F, v14;
	v48 =	vld.idx.msk [tilespmem:v45+s10+$0x0], $0xffff;
	v22 =	vadd.f32 v22, v24  }
0x4ac: {  	v15 =	vor.u32 $0x1F, v15;
	v49 =	vld.idx.msk [tilespmem:v46+s11+$0x0], $0xffff;
	v21 =	vadd.f32 v21, v23  }
0x4ad: {  	v13 =	vor.u32 $0x1F, v13;
	v17 =	vld.idx.msk [tilespmem:v17+s10+$0x0], $0xffff;
	v22 =	vadd.f32 v26, v22  }
0x4ae: {  	v16 =	vor.u32 $0x1F, v16;
	v18 =	vld.idx.msk [tilespmem:v18+s10+$0x0], $0xffff;
	v21 =	vadd.f32 v27, v21  }
0x4af: {  	v50 =	vor.u32 $0x16, v9;
	v19 =	vld.idx.msk [tilespmem:v19+s10+$0x0], $0xffff;
	v22 =	vadd.f32 v47, v22  }
0x4b0: {  	v51 =	vor.u32 $0x16, v8;
	v14 =	vld.idx.msk [tilespmem:v14+s11+$0x0], $0xffff;
	v21 =	vadd.f32 v48, v21  }
0x4b1: {  	v52 =	vor.u32 $0x16, v1;
	v15 =	vld.idx.msk [tilespmem:v15+s11+$0x0], $0xffff;
	v22 =	vadd.f32 v49, v22  }
0x4b2: {  	v53 =	vor.u32 $0x16, v2;
	v13 =	vld.idx.msk [tilespmem:v13+s11+$0x0], $0xffff;
	[tilespmem:s20+$0x6400] =	vst v21  }
0x4b3: {  	v54 =	vor.u32 $0x16, v10;
	v16 =	vld.idx.msk [tilespmem:v16+s11+$0x0], $0xffff;
	[tilespmem:s20+$0xA400] =	vst v22  }
0x4b4: {  	v55 =	vor.u32 $0x16, v3;
	v24 =	vld.idx.msk [tilespmem:v50+s10+$0x0], $0xffff  }
0x4b5: {  	v56 =	vor.u32 $0x16, v6;
	v25 =	vld.idx.msk [tilespmem:v51+s10+$0x0], $0xffff  }
0x4b6: {  	v57 =	vor.u32 $0x16, v4;
	v23 =	vld.idx.msk [tilespmem:v52+s11+$0x0], $0xffff  }
0x4b7: {  	v58 =	vor.u32 $0x16, v7;
	v21 =	vld.idx.msk [tilespmem:v53+s11+$0x0], $0xffff  }
0x4b8: {  	v59 =	vor.u32 $0x16, v5;
	v22 =	vld.idx.msk [tilespmem:v54+s10+$0x0], $0xffff  }
0x4b9: {  	v11 =	vor.u32 $0x1F, v11;
	v26 =	vld.idx.msk [tilespmem:v55+s11+$0x0], $0xffff  }
0x4ba: {  	v12 =	vor.u32 $0x1F, v12;
	v27 =	vld.idx.msk [tilespmem:v56+s10+$0x0], $0xffff  }
0x4bb: {  	v60 =	vld.idx.msk [tilespmem:v57+s11+$0x0], $0xffff;
	v24 =	vadd.f32 v25, v24  }
0x4bc: {  	v61 =	vld.idx.msk [tilespmem:v58+s10+$0x0], $0xffff;
	v21 =	vadd.f32 v21, v23  }
0x4bd: {  	v17 =	vadd.f32 v17, v20;
	v63 =	vld.idx.msk [tilespmem:v59+s11+$0x0], $0xffff;
	v62 =	vadd.f32 v22, v24  }
0x4be: {  	v11 =	vld.idx.msk [tilespmem:v11+s10+$0x0], $0xffff;
	v14 =	vadd.f32 v15, v14;
	v23 =	vadd.f32 v26, v21  }
0x4bf: {  	v12 =	vld.idx.msk [tilespmem:v12+s11+$0x0], $0xffff;
	v17 =	vadd.f32 v18, v17;
	v24 =	vadd.f32 v27, v62  }
0x4c0: {  	v13 =	vadd.f32 v13, v14;
	v26 =	vadd.f32 v60, v23;
	v27 =	vor.u32 $0x17, v9  }
0x4c1: {  	v29 =	vor.u32 $0x17, v8;
	v17 =	vadd.f32 v19, v17;
	v18 =	vadd.f32 v61, v24  }
0x4c2: {  	s22 =	sadd.s32 $0xFFFFFFFC, s18;
	v30 =	vor.u32 $0x17, v10;
	v13 =	vadd.f32 v16, v13;
	v14 =	vadd.f32 v63, v26  }
0x4c3: {  	s28 =	sadd.s32 $0xFFFFFFFD, s18;
	v31 =	vadd.s32 s22, v0;
	v11 =	vadd.f32 v11, v17;
	[tilespmem:s20+$0x6600] =	vst v18  }
0x4c4: {  	v32 =	vadd.s32 s28, v0;
	v12 =	vadd.f32 v12, v13;
	[tilespmem:s20+$0xA600] =	vst v14  }
0x4c5: {  	[tilespmem:s21+$0x7800] =	vst v11;
	v22 =	vld.idx.msk [tilespmem:v27+s10+$0x0], $0xffff  }
0x4c6: {  	s29 =	sadd.s32 $0xFFFFFFFE, s18;
	[tilespmem:s21+$0xB800] =	vst v12;
	v23 =	vld.idx.msk [tilespmem:v29+s10+$0x0], $0xffff  }
0x4c7: {  	v33 =	vadd.s32 s29, v0;
	v21 =	vld.idx.msk [tilespmem:v30+s10+$0x0], $0xffff  }
0x4c8: {  	s30 =	sadd.s32 $0xFFFFFFFF, s18;
	v34 =	vld.idx.msk [tilespmem:v31+s3+$0x0], $0xffff  }
0x4c9: {  	v36 =	vadd.s32 s30, v0;
	v35 =	vld.idx.msk [tilespmem:v32+s3+$0x0], $0xffff  }
0x4ca: {  	v37 =	vld.idx.msk [tilespmem:v31+s9+$0x0], $0xffff  }
0x4cb: {  	v38 =	vadd.s32 s18, v0;
	v18 =	vld.idx.msk [tilespmem:v32+s9+$0x0], $0xffff  }
0x4cc: {  	v39 =	vld.idx.msk [tilespmem:v33+s3+$0x0], $0xffff  }
0x4cd: {  	v40 =	vld.idx.msk [tilespmem:v33+s9+$0x0], $0xffff;
	v20 =	vshll.u32 v34, $0x5  }
0x4ce: {  	v41 =	vld.idx.msk [tilespmem:v36+s3+$0x0], $0xffff;
	v19 =	vshll.u32 v35, $0x5  }
0x4cf: {  	v14 =	vld.idx.msk [tilespmem:v36+s9+$0x0], $0xffff;
	v17 =	vshll.u32 v37, $0x5  }
0x4d0: {  	v42 =	vld.idx.msk [tilespmem:v38+s3+$0x0], $0xffff;
	v18 =	vshll.u32 v18, $0x5  }
0x4d1: {  	v43 =	vld.idx.msk [tilespmem:v38+s9+$0x0], $0xffff;
	v11 =	vshll.u32 v39, $0x5  }
0x4d2: {  	v13 =	vshll.u32 v40, $0x5;
	v44 =	vld.idx.msk [tilespmem:v20+s10+$0x0], $0xffff  }
0x4d3: {  	v12 =	vshll.u32 v41, $0x5;
	v45 =	vld.idx.msk [tilespmem:v19+s10+$0x0], $0xffff  }
0x4d4: {  	v14 =	vshll.u32 v14, $0x5;
	v46 =	vld.idx.msk [tilespmem:v17+s11+$0x0], $0xffff  }
0x4d5: {  	v16 =	vshll.u32 v42, $0x5;
	v47 =	vld.idx.msk [tilespmem:v18+s11+$0x0], $0xffff  }
0x4d6: {  	v15 =	vshll.u32 v43, $0x5;
	v48 =	vld.idx.msk [tilespmem:v11+s10+$0x0], $0xffff  }
0x4d7: {  	v49 =	vld.idx.msk [tilespmem:v13+s11+$0x0], $0xffff  }
0x4d8: {  	v50 =	vld.idx.msk [tilespmem:v12+s10+$0x0], $0xffff  }
0x4d9: {  	v51 =	vld.idx.msk [tilespmem:v14+s11+$0x0], $0xffff;
	v25 =	vadd.f32 v45, v44  }
0x4da: {  	v52 =	vld.idx.msk [tilespmem:v16+s10+$0x0], $0xffff;
	v27 =	vadd.f32 v47, v46  }
0x4db: {  	v53 =	vld.idx.msk [tilespmem:v15+s11+$0x0], $0xffff;
	v24 =	vadd.f32 v48, v25  }
0x4dc: {  	v27 =	vadd.f32 v49, v27  }
0x4dd: {  	v24 =	vadd.f32 v50, v24  }
0x4de: {  	v54 =	vor.u32 $0x1, v20;
	v26 =	vadd.f32 v51, v27  }
0x4df: {  	v55 =	vor.u32 $0x1, v19;
	v24 =	vadd.f32 v52, v24  }
0x4e0: {  	v56 =	vor.u32 $0x1, v17;
	v25 =	vadd.f32 v53, v26  }
0x4e1: {  	s31 =	sand.u32 $0x1F0, s17;
	v57 =	vor.u32 $0x1, v18;
	[tilespmem:s19+$0x10] =	vst v24  }
0x4e2: {  	v58 =	vor.u32 $0x1, v11;
	[tilespmem:s31+$0x7A00] =	vst v25  }
0x4e3: {  	v59 =	vor.u32 $0x1, v13;
	v27 =	vld.idx.msk [tilespmem:v54+s10+$0x0], $0xffff  }
0x4e4: {  	v60 =	vor.u32 $0x1, v12;
	v28 =	vld.idx.msk [tilespmem:v55+s10+$0x0], $0xffff  }
0x4e5: {  	v61 =	vor.u32 $0x1, v14;
	v26 =	vld.idx.msk [tilespmem:v56+s11+$0x0], $0xffff  }
0x4e6: {  	v62 =	vor.u32 $0x1, v16;
	v24 =	vld.idx.msk [tilespmem:v57+s11+$0x0], $0xffff  }
0x4e7: {  	v63 =	vor.u32 $0x1, v15;
	v25 =	vld.idx.msk [tilespmem:v58+s10+$0x0], $0xffff  }
0x4e8: {  	v29 =	vld.idx.msk [tilespmem:v59+s11+$0x0], $0xffff  }
0x4e9: {  	v30 =	vld.idx.msk [tilespmem:v60+s10+$0x0], $0xffff  }
0x4ea: {  	v36 =	vld.idx.msk [tilespmem:v61+s11+$0x0], $0xffff;
	v27 =	vadd.f32 v28, v27  }
0x4eb: {  	v37 =	vld.idx.msk [tilespmem:v62+s10+$0x0], $0xffff;
	v24 =	vadd.f32 v24, v26  }
0x4ec: {  	v38 =	vld.idx.msk [tilespmem:v63+s11+$0x0], $0xffff;
	v25 =	vadd.f32 v25, v27  }
0x4ed: {  	v24 =	vadd.f32 v29, v24  }
0x4ee: {  	v25 =	vadd.f32 v30, v25  }
0x4ef: {  	v39 =	vor.u32 $0x2, v20;
	v24 =	vadd.f32 v36, v24  }
0x4f0: {  	v40 =	vor.u32 $0x2, v19;
	v25 =	vadd.f32 v37, v25  }
0x4f1: {  	v41 =	vor.u32 $0x2, v17;
	v24 =	vadd.f32 v38, v24  }
0x4f2: {  	v42 =	vor.u32 $0x2, v18;
	[tilespmem:s31+$0x3C00] =	vst v25  }
0x4f3: {  	v43 =	vor.u32 $0x2, v11;
	[tilespmem:s31+$0x7C00] =	vst v24  }
0x4f4: {  	v44 =	vor.u32 $0x2, v13;
	v27 =	vld.idx.msk [tilespmem:v39+s10+$0x0], $0xffff  }
0x4f5: {  	v45 =	vor.u32 $0x2, v12;
	v28 =	vld.idx.msk [tilespmem:v40+s10+$0x0], $0xffff  }
0x4f6: {  	v46 =	vor.u32 $0x2, v14;
	v26 =	vld.idx.msk [tilespmem:v41+s11+$0x0], $0xffff  }
0x4f7: {  	v47 =	vor.u32 $0x2, v16;
	v25 =	vld.idx.msk [tilespmem:v42+s11+$0x0], $0xffff  }
0x4f8: {  	v48 =	vor.u32 $0x2, v15;
	v24 =	vld.idx.msk [tilespmem:v43+s10+$0x0], $0xffff  }
0x4f9: {  	v29 =	vld.idx.msk [tilespmem:v44+s11+$0x0], $0xffff  }
0x4fa: {  	v30 =	vld.idx.msk [tilespmem:v45+s10+$0x0], $0xffff  }
0x4fb: {  	v49 =	vld.idx.msk [tilespmem:v46+s11+$0x0], $0xffff;
	v27 =	vadd.f32 v28, v27  }
0x4fc: {  	v50 =	vld.idx.msk [tilespmem:v47+s10+$0x0], $0xffff;
	v25 =	vadd.f32 v25, v26  }
0x4fd: {  	v51 =	vld.idx.msk [tilespmem:v48+s11+$0x0], $0xffff;
	v24 =	vadd.f32 v24, v27  }
0x4fe: {  	v25 =	vadd.f32 v29, v25  }
0x4ff: {  	v24 =	vadd.f32 v30, v24  }
0x500: {  	v52 =	vor.u32 $0x3, v20;
	v25 =	vadd.f32 v49, v25  }
0x501: {  	v53 =	vor.u32 $0x3, v19;
	v24 =	vadd.f32 v50, v24  }
0x502: {  	v54 =	vor.u32 $0x3, v17;
	v25 =	vadd.f32 v51, v25  }
0x503: {  	v55 =	vor.u32 $0x3, v18;
	[tilespmem:s31+$0x3E00] =	vst v24  }
0x504: {  	v56 =	vor.u32 $0x3, v11;
	[tilespmem:s31+$0x7E00] =	vst v25  }
0x505: {  	v57 =	vor.u32 $0x3, v13;
	v27 =	vld.idx.msk [tilespmem:v52+s10+$0x0], $0xffff  }
0x506: {  	v58 =	vor.u32 $0x3, v12;
	v28 =	vld.idx.msk [tilespmem:v53+s10+$0x0], $0xffff  }
0x507: {  	v59 =	vor.u32 $0x3, v14;
	v26 =	vld.idx.msk [tilespmem:v54+s11+$0x0], $0xffff  }
0x508: {  	v60 =	vor.u32 $0x3, v16;
	v24 =	vld.idx.msk [tilespmem:v55+s11+$0x0], $0xffff  }
0x509: {  	v61 =	vor.u32 $0x3, v15;
	v25 =	vld.idx.msk [tilespmem:v56+s10+$0x0], $0xffff  }
0x50a: {  	v29 =	vld.idx.msk [tilespmem:v57+s11+$0x0], $0xffff  }
0x50b: {  	v30 =	vld.idx.msk [tilespmem:v58+s10+$0x0], $0xffff  }
0x50c: {  	v62 =	vld.idx.msk [tilespmem:v59+s11+$0x0], $0xffff;
	v27 =	vadd.f32 v28, v27  }
0x50d: {  	v63 =	vld.idx.msk [tilespmem:v60+s10+$0x0], $0xffff;
	v24 =	vadd.f32 v24, v26  }
0x50e: {  	v33 =	vld.idx.msk [tilespmem:v61+s11+$0x0], $0xffff;
	v25 =	vadd.f32 v25, v27  }
0x50f: {  	v24 =	vadd.f32 v29, v24  }
0x510: {  	v25 =	vadd.f32 v30, v25  }
0x511: {  	v34 =	vor.u32 $0x4, v20;
	v24 =	vadd.f32 v62, v24  }
0x512: {  	v35 =	vor.u32 $0x4, v19;
	v25 =	vadd.f32 v63, v25  }
0x513: {  	v36 =	vor.u32 $0x4, v17;
	v24 =	vadd.f32 v33, v24  }
0x514: {  	v37 =	vor.u32 $0x4, v18;
	[tilespmem:s31+$0x4000] =	vst v25  }
0x515: {  	v38 =	vor.u32 $0x4, v11;
	[tilespmem:s31+$0x8000] =	vst v24  }
0x516: {  	v39 =	vor.u32 $0x4, v13;
	v27 =	vld.idx.msk [tilespmem:v34+s10+$0x0], $0xffff  }
0x517: {  	v40 =	vor.u32 $0x4, v12;
	v28 =	vld.idx.msk [tilespmem:v35+s10+$0x0], $0xffff  }
0x518: {  	v41 =	vor.u32 $0x4, v14;
	v26 =	vld.idx.msk [tilespmem:v36+s11+$0x0], $0xffff  }
0x519: {  	v42 =	vor.u32 $0x4, v16;
	v25 =	vld.idx.msk [tilespmem:v37+s11+$0x0], $0xffff  }
0x51a: {  	v43 =	vor.u32 $0x4, v15;
	v24 =	vld.idx.msk [tilespmem:v38+s10+$0x0], $0xffff  }
0x51b: {  	v29 =	vld.idx.msk [tilespmem:v39+s11+$0x0], $0xffff  }
0x51c: {  	v30 =	vld.idx.msk [tilespmem:v40+s10+$0x0], $0xffff  }
0x51d: {  	v44 =	vld.idx.msk [tilespmem:v41+s11+$0x0], $0xffff;
	v27 =	vadd.f32 v28, v27  }
0x51e: {  	v45 =	vld.idx.msk [tilespmem:v42+s10+$0x0], $0xffff;
	v25 =	vadd.f32 v25, v26  }
0x51f: {  	v46 =	vld.idx.msk [tilespmem:v43+s11+$0x0], $0xffff;
	v24 =	vadd.f32 v24, v27  }
0x520: {  	v25 =	vadd.f32 v29, v25  }
0x521: {  	v24 =	vadd.f32 v30, v24  }
0x522: {  	v47 =	vor.u32 $0x5, v20;
	v25 =	vadd.f32 v44, v25  }
0x523: {  	v48 =	vor.u32 $0x5, v19;
	v24 =	vadd.f32 v45, v24  }
0x524: {  	v49 =	vor.u32 $0x5, v17;
	v25 =	vadd.f32 v46, v25  }
0x525: {  	v50 =	vor.u32 $0x5, v18;
	[tilespmem:s31+$0x4200] =	vst v24  }
0x526: {  	v51 =	vor.u32 $0x5, v11;
	[tilespmem:s31+$0x8200] =	vst v25  }
0x527: {  	v52 =	vor.u32 $0x5, v13;
	v27 =	vld.idx.msk [tilespmem:v47+s10+$0x0], $0xffff  }
0x528: {  	v53 =	vor.u32 $0x5, v12;
	v28 =	vld.idx.msk [tilespmem:v48+s10+$0x0], $0xffff  }
0x529: {  	v54 =	vor.u32 $0x5, v14;
	v26 =	vld.idx.msk [tilespmem:v49+s11+$0x0], $0xffff  }
0x52a: {  	v55 =	vor.u32 $0x5, v16;
	v24 =	vld.idx.msk [tilespmem:v50+s11+$0x0], $0xffff  }
0x52b: {  	v56 =	vor.u32 $0x5, v15;
	v25 =	vld.idx.msk [tilespmem:v51+s10+$0x0], $0xffff  }
0x52c: {  	v29 =	vld.idx.msk [tilespmem:v52+s11+$0x0], $0xffff  }
0x52d: {  	v30 =	vld.idx.msk [tilespmem:v53+s10+$0x0], $0xffff  }
0x52e: {  	v57 =	vld.idx.msk [tilespmem:v54+s11+$0x0], $0xffff;
	v27 =	vadd.f32 v28, v27  }
0x52f: {  	v58 =	vld.idx.msk [tilespmem:v55+s10+$0x0], $0xffff;
	v24 =	vadd.f32 v24, v26  }
0x530: {  	v59 =	vld.idx.msk [tilespmem:v56+s11+$0x0], $0xffff;
	v25 =	vadd.f32 v25, v27  }
0x531: {  	v24 =	vadd.f32 v29, v24  }
0x532: {  	v25 =	vadd.f32 v30, v25  }
0x533: {  	v60 =	vor.u32 $0x6, v20;
	v24 =	vadd.f32 v57, v24  }
0x534: {  	v61 =	vor.u32 $0x6, v19;
	v25 =	vadd.f32 v58, v25  }
0x535: {  	v62 =	vor.u32 $0x6, v17;
	v24 =	vadd.f32 v59, v24  }
0x536: {  	v63 =	vor.u32 $0x6, v18;
	[tilespmem:s31+$0x4400] =	vst v25  }
0x537: {  	v36 =	vor.u32 $0x6, v11;
	[tilespmem:s31+$0x8400] =	vst v24  }
0x538: {  	v37 =	vor.u32 $0x6, v13;
	v27 =	vld.idx.msk [tilespmem:v60+s10+$0x0], $0xffff  }
0x539: {  	v38 =	vor.u32 $0x6, v12;
	v28 =	vld.idx.msk [tilespmem:v61+s10+$0x0], $0xffff  }
0x53a: {  	v39 =	vor.u32 $0x6, v14;
	v26 =	vld.idx.msk [tilespmem:v62+s11+$0x0], $0xffff  }
0x53b: {  	v40 =	vor.u32 $0x6, v16;
	v25 =	vld.idx.msk [tilespmem:v63+s11+$0x0], $0xffff  }
0x53c: {  	v41 =	vor.u32 $0x6, v15;
	v24 =	vld.idx.msk [tilespmem:v36+s10+$0x0], $0xffff  }
0x53d: {  	v29 =	vld.idx.msk [tilespmem:v37+s11+$0x0], $0xffff  }
0x53e: {  	v30 =	vld.idx.msk [tilespmem:v38+s10+$0x0], $0xffff  }
0x53f: {  	v42 =	vld.idx.msk [tilespmem:v39+s11+$0x0], $0xffff;
	v27 =	vadd.f32 v28, v27  }
0x540: {  	v43 =	vld.idx.msk [tilespmem:v40+s10+$0x0], $0xffff;
	v25 =	vadd.f32 v25, v26  }
0x541: {  	v44 =	vld.idx.msk [tilespmem:v41+s11+$0x0], $0xffff;
	v24 =	vadd.f32 v24, v27  }
0x542: {  	v25 =	vadd.f32 v29, v25  }
0x543: {  	v24 =	vadd.f32 v30, v24  }
0x544: {  	v45 =	vor.u32 $0x7, v20;
	v25 =	vadd.f32 v42, v25  }
0x545: {  	v46 =	vor.u32 $0x7, v19;
	v24 =	vadd.f32 v43, v24  }
0x546: {  	v47 =	vor.u32 $0x7, v17;
	v25 =	vadd.f32 v44, v25  }
0x547: {  	v48 =	vor.u32 $0x7, v18;
	[tilespmem:s31+$0x4600] =	vst v24  }
0x548: {  	v49 =	vor.u32 $0x7, v11;
	[tilespmem:s31+$0x8600] =	vst v25  }
0x549: {  	v50 =	vor.u32 $0x7, v13;
	v27 =	vld.idx.msk [tilespmem:v45+s10+$0x0], $0xffff  }
0x54a: {  	v51 =	vor.u32 $0x7, v12;
	v28 =	vld.idx.msk [tilespmem:v46+s10+$0x0], $0xffff  }
0x54b: {  	v52 =	vor.u32 $0x7, v14;
	v26 =	vld.idx.msk [tilespmem:v47+s11+$0x0], $0xffff  }
0x54c: {  	v53 =	vor.u32 $0x7, v16;
	v24 =	vld.idx.msk [tilespmem:v48+s11+$0x0], $0xffff  }
0x54d: {  	v54 =	vor.u32 $0x7, v15;
	v25 =	vld.idx.msk [tilespmem:v49+s10+$0x0], $0xffff  }
0x54e: {  	v29 =	vld.idx.msk [tilespmem:v50+s11+$0x0], $0xffff  }
0x54f: {  	v30 =	vld.idx.msk [tilespmem:v51+s10+$0x0], $0xffff  }
0x550: {  	v55 =	vld.idx.msk [tilespmem:v52+s11+$0x0], $0xffff;
	v27 =	vadd.f32 v28, v27  }
0x551: {  	v56 =	vld.idx.msk [tilespmem:v53+s10+$0x0], $0xffff;
	v24 =	vadd.f32 v24, v26  }
0x552: {  	v57 =	vld.idx.msk [tilespmem:v54+s11+$0x0], $0xffff;
	v25 =	vadd.f32 v25, v27  }
0x553: {  	v24 =	vadd.f32 v29, v24  }
0x554: {  	v25 =	vadd.f32 v30, v25  }
0x555: {  	v58 =	vor.u32 $0x8, v20;
	v24 =	vadd.f32 v55, v24  }
0x556: {  	v59 =	vor.u32 $0x8, v19;
	v25 =	vadd.f32 v56, v25  }
0x557: {  	v60 =	vor.u32 $0x8, v17;
	v24 =	vadd.f32 v57, v24  }
0x558: {  	v61 =	vor.u32 $0x8, v18;
	[tilespmem:s31+$0x4800] =	vst v25  }
0x559: {  	v62 =	vor.u32 $0x8, v11;
	[tilespmem:s31+$0x8800] =	vst v24  }
0x55a: {  	v63 =	vor.u32 $0x8, v13;
	v27 =	vld.idx.msk [tilespmem:v58+s10+$0x0], $0xffff  }
0x55b: {  	v36 =	vor.u32 $0x8, v12;
	v28 =	vld.idx.msk [tilespmem:v59+s10+$0x0], $0xffff  }
0x55c: {  	v37 =	vor.u32 $0x8, v14;
	v26 =	vld.idx.msk [tilespmem:v60+s11+$0x0], $0xffff  }
0x55d: {  	v38 =	vor.u32 $0x8, v16;
	v25 =	vld.idx.msk [tilespmem:v61+s11+$0x0], $0xffff  }
0x55e: {  	v39 =	vor.u32 $0x8, v15;
	v24 =	vld.idx.msk [tilespmem:v62+s10+$0x0], $0xffff  }
0x55f: {  	v29 =	vld.idx.msk [tilespmem:v63+s11+$0x0], $0xffff  }
0x560: {  	v30 =	vld.idx.msk [tilespmem:v36+s10+$0x0], $0xffff  }
0x561: {  	v40 =	vld.idx.msk [tilespmem:v37+s11+$0x0], $0xffff;
	v27 =	vadd.f32 v28, v27  }
0x562: {  	v41 =	vld.idx.msk [tilespmem:v38+s10+$0x0], $0xffff;
	v25 =	vadd.f32 v25, v26  }
0x563: {  	v42 =	vld.idx.msk [tilespmem:v39+s11+$0x0], $0xffff;
	v24 =	vadd.f32 v24, v27  }
0x564: {  	v25 =	vadd.f32 v29, v25  }
0x565: {  	v24 =	vadd.f32 v30, v24  }
0x566: {  	v43 =	vor.u32 $0x9, v20;
	v25 =	vadd.f32 v40, v25  }
0x567: {  	v44 =	vor.u32 $0x9, v19;
	v24 =	vadd.f32 v41, v24  }
0x568: {  	v45 =	vor.u32 $0x9, v17;
	v25 =	vadd.f32 v42, v25  }
0x569: {  	v46 =	vor.u32 $0x9, v18;
	[tilespmem:s31+$0x4A00] =	vst v24  }
0x56a: {  	v47 =	vor.u32 $0x9, v11;
	[tilespmem:s31+$0x8A00] =	vst v25  }
0x56b: {  	v48 =	vor.u32 $0x9, v13;
	v27 =	vld.idx.msk [tilespmem:v43+s10+$0x0], $0xffff  }
0x56c: {  	v49 =	vor.u32 $0x9, v12;
	v28 =	vld.idx.msk [tilespmem:v44+s10+$0x0], $0xffff  }
0x56d: {  	v50 =	vor.u32 $0x9, v14;
	v26 =	vld.idx.msk [tilespmem:v45+s11+$0x0], $0xffff  }
0x56e: {  	v51 =	vor.u32 $0x9, v16;
	v24 =	vld.idx.msk [tilespmem:v46+s11+$0x0], $0xffff  }
0x56f: {  	v52 =	vor.u32 $0x9, v15;
	v25 =	vld.idx.msk [tilespmem:v47+s10+$0x0], $0xffff  }
0x570: {  	v29 =	vld.idx.msk [tilespmem:v48+s11+$0x0], $0xffff  }
0x571: {  	v30 =	vld.idx.msk [tilespmem:v49+s10+$0x0], $0xffff  }
0x572: {  	v53 =	vld.idx.msk [tilespmem:v50+s11+$0x0], $0xffff;
	v27 =	vadd.f32 v28, v27  }
0x573: {  	v54 =	vld.idx.msk [tilespmem:v51+s10+$0x0], $0xffff;
	v24 =	vadd.f32 v24, v26  }
0x574: {  	v55 =	vld.idx.msk [tilespmem:v52+s11+$0x0], $0xffff;
	v25 =	vadd.f32 v25, v27  }
0x575: {  	v24 =	vadd.f32 v29, v24  }
0x576: {  	v25 =	vadd.f32 v30, v25  }
0x577: {  	v56 =	vor.u32 $0xA, v20;
	v24 =	vadd.f32 v53, v24  }
0x578: {  	v57 =	vor.u32 $0xA, v19;
	v25 =	vadd.f32 v54, v25  }
0x579: {  	v58 =	vor.u32 $0xA, v17;
	v24 =	vadd.f32 v55, v24  }
0x57a: {  	v59 =	vor.u32 $0xA, v18;
	[tilespmem:s31+$0x4C00] =	vst v25  }
0x57b: {  	v60 =	vor.u32 $0xA, v11;
	[tilespmem:s31+$0x8C00] =	vst v24  }
0x57c: {  	v61 =	vor.u32 $0xA, v13;
	v27 =	vld.idx.msk [tilespmem:v56+s10+$0x0], $0xffff  }
0x57d: {  	v62 =	vor.u32 $0xA, v12;
	v28 =	vld.idx.msk [tilespmem:v57+s10+$0x0], $0xffff  }
0x57e: {  	v63 =	vor.u32 $0xA, v14;
	v26 =	vld.idx.msk [tilespmem:v58+s11+$0x0], $0xffff  }
0x57f: {  	v36 =	vor.u32 $0xA, v16;
	v25 =	vld.idx.msk [tilespmem:v59+s11+$0x0], $0xffff  }
0x580: {  	v37 =	vor.u32 $0xA, v15;
	v24 =	vld.idx.msk [tilespmem:v60+s10+$0x0], $0xffff  }
0x581: {  	v29 =	vld.idx.msk [tilespmem:v61+s11+$0x0], $0xffff  }
0x582: {  	v30 =	vld.idx.msk [tilespmem:v62+s10+$0x0], $0xffff  }
0x583: {  	v38 =	vld.idx.msk [tilespmem:v63+s11+$0x0], $0xffff;
	v27 =	vadd.f32 v28, v27  }
0x584: {  	v39 =	vld.idx.msk [tilespmem:v36+s10+$0x0], $0xffff;
	v25 =	vadd.f32 v25, v26  }
0x585: {  	v40 =	vld.idx.msk [tilespmem:v37+s11+$0x0], $0xffff;
	v24 =	vadd.f32 v24, v27  }
0x586: {  	v25 =	vadd.f32 v29, v25  }
0x587: {  	v24 =	vadd.f32 v30, v24  }
0x588: {  	v41 =	vor.u32 $0xB, v20;
	v25 =	vadd.f32 v38, v25  }
0x589: {  	v42 =	vor.u32 $0xB, v19;
	v24 =	vadd.f32 v39, v24  }
0x58a: {  	v43 =	vor.u32 $0xB, v17;
	v25 =	vadd.f32 v40, v25  }
0x58b: {  	v44 =	vor.u32 $0xB, v18;
	[tilespmem:s31+$0x4E00] =	vst v24  }
0x58c: {  	v45 =	vor.u32 $0xB, v11;
	[tilespmem:s31+$0x8E00] =	vst v25  }
0x58d: {  	v46 =	vor.u32 $0xB, v13;
	v27 =	vld.idx.msk [tilespmem:v41+s10+$0x0], $0xffff  }
0x58e: {  	v47 =	vor.u32 $0xB, v12;
	v28 =	vld.idx.msk [tilespmem:v42+s10+$0x0], $0xffff  }
0x58f: {  	v48 =	vor.u32 $0xB, v14;
	v26 =	vld.idx.msk [tilespmem:v43+s11+$0x0], $0xffff  }
0x590: {  	v49 =	vor.u32 $0xB, v16;
	v24 =	vld.idx.msk [tilespmem:v44+s11+$0x0], $0xffff  }
0x591: {  	v50 =	vor.u32 $0xB, v15;
	v25 =	vld.idx.msk [tilespmem:v45+s10+$0x0], $0xffff  }
0x592: {  	v29 =	vld.idx.msk [tilespmem:v46+s11+$0x0], $0xffff  }
0x593: {  	v30 =	vld.idx.msk [tilespmem:v47+s10+$0x0], $0xffff  }
0x594: {  	v51 =	vld.idx.msk [tilespmem:v48+s11+$0x0], $0xffff;
	v27 =	vadd.f32 v28, v27  }
0x595: {  	v52 =	vld.idx.msk [tilespmem:v49+s10+$0x0], $0xffff;
	v24 =	vadd.f32 v24, v26  }
0x596: {  	v53 =	vld.idx.msk [tilespmem:v50+s11+$0x0], $0xffff;
	v25 =	vadd.f32 v25, v27  }
0x597: {  	v24 =	vadd.f32 v29, v24  }
0x598: {  	v25 =	vadd.f32 v30, v25  }
0x599: {  	v54 =	vor.u32 $0xC, v20;
	v24 =	vadd.f32 v51, v24  }
0x59a: {  	v55 =	vor.u32 $0xC, v19;
	v25 =	vadd.f32 v52, v25  }
0x59b: {  	v56 =	vor.u32 $0xC, v17;
	v24 =	vadd.f32 v53, v24  }
0x59c: {  	v57 =	vor.u32 $0xC, v18;
	[tilespmem:s31+$0x5000] =	vst v25  }
0x59d: {  	v58 =	vor.u32 $0xC, v11;
	[tilespmem:s31+$0x9000] =	vst v24  }
0x59e: {  	v59 =	vor.u32 $0xC, v13;
	v27 =	vld.idx.msk [tilespmem:v54+s10+$0x0], $0xffff  }
0x59f: {  	v60 =	vor.u32 $0xC, v12;
	v28 =	vld.idx.msk [tilespmem:v55+s10+$0x0], $0xffff  }
0x5a0: {  	v61 =	vor.u32 $0xC, v14;
	v26 =	vld.idx.msk [tilespmem:v56+s11+$0x0], $0xffff  }
0x5a1: {  	v62 =	vor.u32 $0xC, v16;
	v25 =	vld.idx.msk [tilespmem:v57+s11+$0x0], $0xffff  }
0x5a2: {  	v63 =	vor.u32 $0xC, v15;
	v24 =	vld.idx.msk [tilespmem:v58+s10+$0x0], $0xffff  }
0x5a3: {  	v29 =	vld.idx.msk [tilespmem:v59+s11+$0x0], $0xffff  }
0x5a4: {  	v30 =	vld.idx.msk [tilespmem:v60+s10+$0x0], $0xffff  }
0x5a5: {  	v35 =	vld.idx.msk [tilespmem:v61+s11+$0x0], $0xffff;
	v27 =	vadd.f32 v28, v27  }
0x5a6: {  	v36 =	vld.idx.msk [tilespmem:v62+s10+$0x0], $0xffff;
	v25 =	vadd.f32 v25, v26  }
0x5a7: {  	v37 =	vld.idx.msk [tilespmem:v63+s11+$0x0], $0xffff;
	v24 =	vadd.f32 v24, v27  }
0x5a8: {  	v25 =	vadd.f32 v29, v25  }
0x5a9: {  	v24 =	vadd.f32 v30, v24  }
0x5aa: {  	v38 =	vor.u32 $0xD, v20;
	v25 =	vadd.f32 v35, v25  }
0x5ab: {  	v39 =	vor.u32 $0xD, v19;
	v24 =	vadd.f32 v36, v24  }
0x5ac: {  	v40 =	vor.u32 $0xD, v17;
	v25 =	vadd.f32 v37, v25  }
0x5ad: {  	v41 =	vor.u32 $0xD, v18;
	[tilespmem:s31+$0x5200] =	vst v24  }
0x5ae: {  	v42 =	vor.u32 $0xD, v11;
	[tilespmem:s31+$0x9200] =	vst v25  }
0x5af: {  	v43 =	vor.u32 $0xD, v13;
	v27 =	vld.idx.msk [tilespmem:v38+s10+$0x0], $0xffff  }
0x5b0: {  	v44 =	vor.u32 $0xD, v12;
	v28 =	vld.idx.msk [tilespmem:v39+s10+$0x0], $0xffff  }
0x5b1: {  	v45 =	vor.u32 $0xD, v14;
	v26 =	vld.idx.msk [tilespmem:v40+s11+$0x0], $0xffff  }
0x5b2: {  	v46 =	vor.u32 $0xD, v16;
	v24 =	vld.idx.msk [tilespmem:v41+s11+$0x0], $0xffff  }
0x5b3: {  	v47 =	vor.u32 $0xD, v15;
	v25 =	vld.idx.msk [tilespmem:v42+s10+$0x0], $0xffff  }
0x5b4: {  	v29 =	vld.idx.msk [tilespmem:v43+s11+$0x0], $0xffff  }
0x5b5: {  	v30 =	vld.idx.msk [tilespmem:v44+s10+$0x0], $0xffff  }
0x5b6: {  	v48 =	vld.idx.msk [tilespmem:v45+s11+$0x0], $0xffff;
	v27 =	vadd.f32 v28, v27  }
0x5b7: {  	v49 =	vld.idx.msk [tilespmem:v46+s10+$0x0], $0xffff;
	v24 =	vadd.f32 v24, v26  }
0x5b8: {  	v50 =	vld.idx.msk [tilespmem:v47+s11+$0x0], $0xffff;
	v25 =	vadd.f32 v25, v27  }
0x5b9: {  	v24 =	vadd.f32 v29, v24  }
0x5ba: {  	v25 =	vadd.f32 v30, v25  }
0x5bb: {  	v51 =	vor.u32 $0xE, v20;
	v24 =	vadd.f32 v48, v24  }
0x5bc: {  	v52 =	vor.u32 $0xE, v19;
	v25 =	vadd.f32 v49, v25  }
0x5bd: {  	v53 =	vor.u32 $0xE, v17;
	v24 =	vadd.f32 v50, v24  }
0x5be: {  	v54 =	vor.u32 $0xE, v18;
	[tilespmem:s31+$0x5400] =	vst v25  }
0x5bf: {  	v55 =	vor.u32 $0xE, v11;
	[tilespmem:s31+$0x9400] =	vst v24  }
0x5c0: {  	v56 =	vor.u32 $0xE, v13;
	v27 =	vld.idx.msk [tilespmem:v51+s10+$0x0], $0xffff  }
0x5c1: {  	v57 =	vor.u32 $0xE, v12;
	v28 =	vld.idx.msk [tilespmem:v52+s10+$0x0], $0xffff  }
0x5c2: {  	v58 =	vor.u32 $0xE, v14;
	v26 =	vld.idx.msk [tilespmem:v53+s11+$0x0], $0xffff  }
0x5c3: {  	v59 =	vor.u32 $0xE, v16;
	v25 =	vld.idx.msk [tilespmem:v54+s11+$0x0], $0xffff  }
0x5c4: {  	v60 =	vor.u32 $0xE, v15;
	v24 =	vld.idx.msk [tilespmem:v55+s10+$0x0], $0xffff  }
0x5c5: {  	v61 =	vor.u32 $0x17, v6;
	v29 =	vld.idx.msk [tilespmem:v56+s11+$0x0], $0xffff  }
0x5c6: {  	v62 =	vor.u32 $0x17, v7;
	v30 =	vld.idx.msk [tilespmem:v57+s10+$0x0], $0xffff  }
0x5c7: {  	v41 =	vor.u32 $0x17, v2;
	v40 =	vld.idx.msk [tilespmem:v58+s11+$0x0], $0xffff;
	v27 =	vadd.f32 v28, v27  }
0x5c8: {  	v45 =	vor.u32 $0x17, v4;
	v32 =	vld.idx.msk [tilespmem:v59+s10+$0x0], $0xffff;
	v25 =	vadd.f32 v25, v26  }
0x5c9: {  	v47 =	vor.u32 $0x17, v5;
	v43 =	vld.idx.msk [tilespmem:v60+s11+$0x0], $0xffff;
	v24 =	vadd.f32 v24, v27  }
0x5ca: {  	v63 =	vor.u32 $0x17, v1;
	v44 =	vld.idx.msk [tilespmem:v61+s10+$0x0], $0xffff;
	v25 =	vadd.f32 v29, v25  }
0x5cb: {  	v42 =	vor.u32 $0x17, v3;
	v46 =	vld.idx.msk [tilespmem:v62+s10+$0x0], $0xffff;
	v24 =	vadd.f32 v30, v24  }
0x5cc: {  	v31 =	vld.idx.msk [tilespmem:v41+s11+$0x0], $0xffff;
	v49 =	vor.u32 $0xF, v20;
	v25 =	vadd.f32 v40, v25  }
0x5cd: {  	v34 =	vld.idx.msk [tilespmem:v45+s11+$0x0], $0xffff;
	v50 =	vor.u32 $0xF, v19;
	v24 =	vadd.f32 v32, v24  }
0x5ce: {  	v35 =	vld.idx.msk [tilespmem:v47+s11+$0x0], $0xffff;
	v51 =	vor.u32 $0xF, v17;
	v25 =	vadd.f32 v43, v25  }
0x5cf: {  	v48 =	vld.idx.msk [tilespmem:v63+s11+$0x0], $0xffff;
	v52 =	vor.u32 $0xF, v18;
	[tilespmem:s31+$0x5600] =	vst v24  }
0x5d0: {  	v53 =	vor.u32 $0xF, v11;
	v26 =	vld.idx.msk [tilespmem:v42+s11+$0x0], $0xffff;
	[tilespmem:s31+$0x9600] =	vst v25  }
0x5d1: {  	v54 =	vor.u32 $0xF, v13;
	v28 =	vld.idx.msk [tilespmem:v49+s10+$0x0], $0xffff  }
0x5d2: {  	v55 =	vor.u32 $0xF, v12;
	v32 =	vld.idx.msk [tilespmem:v50+s10+$0x0], $0xffff  }
0x5d3: {  	v56 =	vor.u32 $0xF, v14;
	v27 =	vld.idx.msk [tilespmem:v51+s11+$0x0], $0xffff  }
0x5d4: {  	v57 =	vor.u32 $0xF, v16;
	v24 =	vld.idx.msk [tilespmem:v52+s11+$0x0], $0xffff  }
0x5d5: {  	v22 =	vadd.f32 v23, v22;
	v59 =	vor.u32 $0xF, v15;
	v58 =	vld.idx.msk [tilespmem:v53+s10+$0x0], $0xffff  }
0x5d6: {  	v30 =	vadd.f32 v31, v48;
	v60 =	vld.idx.msk [tilespmem:v54+s11+$0x0], $0xffff  }
0x5d7: {  	v21 =	vadd.f32 v21, v22;
	v61 =	vld.idx.msk [tilespmem:v55+s10+$0x0], $0xffff  }
0x5d8: {  	v26 =	vadd.f32 v26, v30;
	v62 =	vld.idx.msk [tilespmem:v56+s11+$0x0], $0xffff;
	v28 =	vadd.f32 v32, v28  }
0x5d9: {  	v21 =	vadd.f32 v44, v21;
	v63 =	vld.idx.msk [tilespmem:v57+s10+$0x0], $0xffff;
	v24 =	vadd.f32 v24, v27  }
0x5da: {  	v33 =	vor.u32 $0x18, v9;
	v26 =	vadd.f32 v34, v26;
	v25 =	vld.idx.msk [tilespmem:v59+s11+$0x0], $0xffff;
	v23 =	vadd.f32 v58, v28  }
0x5db: {  	v47 =	vor.u32 $0x18, v6;
	v21 =	vadd.f32 v46, v21;
	v24 =	vadd.f32 v60, v24  }
0x5dc: {  	v48 =	vor.u32 $0x18, v7;
	v26 =	vadd.f32 v35, v26;
	v22 =	vadd.f32 v61, v23  }
0x5dd: {  	v37 =	vor.u32 $0x10, v20;
	[tilespmem:s20+$0x6800] =	vst v21;
	v36 =	vadd.f32 v62, v24  }
0x5de: {  	v38 =	vor.u32 $0x10, v19;
	[tilespmem:s20+$0xA800] =	vst v26;
	v22 =	vadd.f32 v63, v22  }
0x5df: {  	v39 =	vor.u32 $0x10, v17;
	v26 =	vld.idx.msk [tilespmem:v33+s10+$0x0], $0xffff;
	v21 =	vadd.f32 v25, v36  }
0x5e0: {  	v40 =	vor.u32 $0x10, v18;
	v54 =	vld.idx.msk [tilespmem:v47+s10+$0x0], $0xffff;
	[tilespmem:s31+$0x5800] =	vst v22  }
0x5e1: {  	v41 =	vor.u32 $0x10, v11;
	v56 =	vld.idx.msk [tilespmem:v48+s10+$0x0], $0xffff;
	[tilespmem:s31+$0x9800] =	vst v21  }
0x5e2: {  	v42 =	vor.u32 $0x10, v13;
	v23 =	vld.idx.msk [tilespmem:v37+s10+$0x0], $0xffff  }
0x5e3: {  	v43 =	vor.u32 $0x10, v12;
	v24 =	vld.idx.msk [tilespmem:v38+s10+$0x0], $0xffff  }
0x5e4: {  	v44 =	vor.u32 $0x10, v14;
	v25 =	vld.idx.msk [tilespmem:v39+s11+$0x0], $0xffff  }
0x5e5: {  	v45 =	vor.u32 $0x10, v16;
	v22 =	vld.idx.msk [tilespmem:v40+s11+$0x0], $0xffff  }
0x5e6: {  	v46 =	vor.u32 $0x10, v15;
	v21 =	vld.idx.msk [tilespmem:v41+s10+$0x0], $0xffff  }
0x5e7: {  	v34 =	vor.u32 $0x18, v8;
	v29 =	vld.idx.msk [tilespmem:v42+s11+$0x0], $0xffff  }
0x5e8: {  	v51 =	vor.u32 $0x18, v2;
	v30 =	vld.idx.msk [tilespmem:v43+s10+$0x0], $0xffff  }
0x5e9: {  	v55 =	vor.u32 $0x18, v4;
	v50 =	vld.idx.msk [tilespmem:v44+s11+$0x0], $0xffff;
	v23 =	vadd.f32 v24, v23  }
0x5ea: {  	v35 =	vor.u32 $0x18, v10;
	v32 =	vld.idx.msk [tilespmem:v45+s10+$0x0], $0xffff;
	v22 =	vadd.f32 v22, v25  }
0x5eb: {  	v49 =	vor.u32 $0x18, v1;
	v53 =	vld.idx.msk [tilespmem:v46+s11+$0x0], $0xffff;
	v21 =	vadd.f32 v21, v23  }
0x5ec: {  	v57 =	vor.u32 $0x18, v5;
	v27 =	vld.idx.msk [tilespmem:v34+s10+$0x0], $0xffff;
	v22 =	vadd.f32 v29, v22  }
0x5ed: {  	v52 =	vor.u32 $0x18, v3;
	v31 =	vld.idx.msk [tilespmem:v51+s11+$0x0], $0xffff;
	v21 =	vadd.f32 v30, v21  }
0x5ee: {  	v59 =	vor.u32 $0x11, v20;
	v34 =	vld.idx.msk [tilespmem:v55+s11+$0x0], $0xffff;
	v22 =	vadd.f32 v50, v22  }
0x5ef: {  	v28 =	vld.idx.msk [tilespmem:v35+s10+$0x0], $0xffff;
	v60 =	vor.u32 $0x11, v19;
	v21 =	vadd.f32 v32, v21  }
0x5f0: {  	v58 =	vld.idx.msk [tilespmem:v49+s11+$0x0], $0xffff;
	v61 =	vor.u32 $0x11, v17;
	v22 =	vadd.f32 v53, v22  }
0x5f1: {  	v35 =	vld.idx.msk [tilespmem:v57+s11+$0x0], $0xffff;
	v62 =	vor.u32 $0x11, v18;
	[tilespmem:s31+$0x5A00] =	vst v21  }
0x5f2: {  	v63 =	vor.u32 $0x11, v11;
	v25 =	vld.idx.msk [tilespmem:v52+s11+$0x0], $0xffff;
	[tilespmem:s31+$0x9A00] =	vst v22  }
0x5f3: {  	v42 =	vor.u32 $0x11, v13;
	v24 =	vld.idx.msk [tilespmem:v59+s10+$0x0], $0xffff  }
0x5f4: {  	v43 =	vor.u32 $0x11, v12;
	v32 =	vld.idx.msk [tilespmem:v60+s10+$0x0], $0xffff  }
0x5f5: {  	v44 =	vor.u32 $0x11, v14;
	v23 =	vld.idx.msk [tilespmem:v61+s11+$0x0], $0xffff  }
0x5f6: {  	v45 =	vor.u32 $0x11, v16;
	v21 =	vld.idx.msk [tilespmem:v62+s11+$0x0], $0xffff  }
0x5f7: {  	v26 =	vadd.f32 v27, v26;
	v46 =	vor.u32 $0x11, v15;
	v22 =	vld.idx.msk [tilespmem:v63+s10+$0x0], $0xffff  }
0x5f8: {  	v30 =	vadd.f32 v31, v58;
	v47 =	vld.idx.msk [tilespmem:v42+s11+$0x0], $0xffff  }
0x5f9: {  	v26 =	vadd.f32 v28, v26;
	v48 =	vld.idx.msk [tilespmem:v43+s10+$0x0], $0xffff  }
0x5fa: {  	v25 =	vadd.f32 v25, v30;
	v49 =	vld.idx.msk [tilespmem:v44+s11+$0x0], $0xffff;
	v24 =	vadd.f32 v32, v24  }
0x5fb: {  	v26 =	vadd.f32 v54, v26;
	v50 =	vld.idx.msk [tilespmem:v45+s10+$0x0], $0xffff;
	v21 =	vadd.f32 v21, v23  }
0x5fc: {  	v52 =	vor.u32 $0x19, v9;
	v51 =	vadd.f32 v34, v25;
	v53 =	vld.idx.msk [tilespmem:v46+s11+$0x0], $0xffff;
	v22 =	vadd.f32 v22, v24  }
0x5fd: {  	v54 =	vor.u32 $0x19, v8;
	v26 =	vadd.f32 v56, v26;
	v21 =	vadd.f32 v47, v21  }
0x5fe: {  	v55 =	vor.u32 $0x19, v10;
	v23 =	vadd.f32 v35, v51;
	v22 =	vadd.f32 v48, v22  }
0x5ff: {  	v56 =	vor.u32 $0x12, v20;
	[tilespmem:s20+$0x6A00] =	vst v26;
	v21 =	vadd.f32 v49, v21  }
0x600: {  	v57 =	vor.u32 $0x12, v19;
	[tilespmem:s20+$0xAA00] =	vst v23;
	v22 =	vadd.f32 v50, v22  }
0x601: {  	v58 =	vor.u32 $0x12, v17;
	v25 =	vld.idx.msk [tilespmem:v52+s10+$0x0], $0xffff;
	v21 =	vadd.f32 v53, v21  }
0x602: {  	v59 =	vor.u32 $0x12, v18;
	v27 =	vld.idx.msk [tilespmem:v54+s10+$0x0], $0xffff;
	[tilespmem:s31+$0x5C00] =	vst v22  }
0x603: {  	v60 =	vor.u32 $0x12, v11;
	v28 =	vld.idx.msk [tilespmem:v55+s10+$0x0], $0xffff;
	[tilespmem:s31+$0x9C00] =	vst v21  }
0x604: {  	v61 =	vor.u32 $0x12, v13;
	v26 =	vld.idx.msk [tilespmem:v56+s10+$0x0], $0xffff  }
0x605: {  	v62 =	vor.u32 $0x12, v12;
	v23 =	vld.idx.msk [tilespmem:v57+s10+$0x0], $0xffff  }
0x606: {  	v63 =	vor.u32 $0x12, v14;
	v24 =	vld.idx.msk [tilespmem:v58+s11+$0x0], $0xffff  }
0x607: {  	v40 =	vor.u32 $0x12, v16;
	v22 =	vld.idx.msk [tilespmem:v59+s11+$0x0], $0xffff  }
0x608: {  	v41 =	vor.u32 $0x12, v15;
	v21 =	vld.idx.msk [tilespmem:v60+s10+$0x0], $0xffff  }
0x609: {  	v43 =	vor.u32 $0x19, v7;
	v29 =	vld.idx.msk [tilespmem:v61+s11+$0x0], $0xffff  }
0x60a: {  	v46 =	vor.u32 $0x19, v2;
	v30 =	vld.idx.msk [tilespmem:v62+s10+$0x0], $0xffff  }
0x60b: {  	v42 =	vor.u32 $0x19, v6;
	v45 =	vld.idx.msk [tilespmem:v63+s11+$0x0], $0xffff;
	v23 =	vadd.f32 v23, v26  }
0x60c: {  	v44 =	vor.u32 $0x19, v1;
	v32 =	vld.idx.msk [tilespmem:v40+s10+$0x0], $0xffff;
	v22 =	vadd.f32 v22, v24  }
0x60d: {  	v52 =	vor.u32 $0x19, v5;
	v48 =	vld.idx.msk [tilespmem:v41+s11+$0x0], $0xffff;
	v21 =	vadd.f32 v21, v23  }
0x60e: {  	v51 =	vld.idx.msk [tilespmem:v43+s10+$0x0], $0xffff;
	v50 =	vor.u32 $0x19, v4;
	v22 =	vadd.f32 v29, v22  }
0x60f: {  	v47 =	vor.u32 $0x19, v3;
	v31 =	vld.idx.msk [tilespmem:v46+s11+$0x0], $0xffff;
	v21 =	vadd.f32 v30, v21  }
0x610: {  	v54 =	vor.u32 $0x13, v20;
	v49 =	vld.idx.msk [tilespmem:v42+s10+$0x0], $0xffff;
	v22 =	vadd.f32 v45, v22  }
0x611: {  	v55 =	vor.u32 $0x13, v19;
	v53 =	vld.idx.msk [tilespmem:v44+s11+$0x0], $0xffff;
	v21 =	vadd.f32 v32, v21  }
0x612: {  	v35 =	vld.idx.msk [tilespmem:v52+s11+$0x0], $0xffff;
	v56 =	vor.u32 $0x13, v17;
	v22 =	vadd.f32 v48, v22  }
0x613: {  	v57 =	vor.u32 $0x13, v18;
	v34 =	vld.idx.msk [tilespmem:v50+s11+$0x0], $0xffff;
	[tilespmem:s31+$0x5E00] =	vst v21  }
0x614: {  	v58 =	vor.u32 $0x13, v11;
	v24 =	vld.idx.msk [tilespmem:v47+s11+$0x0], $0xffff;
	[tilespmem:s31+$0x9E00] =	vst v22  }
0x615: {  	v59 =	vor.u32 $0x13, v13;
	v26 =	vld.idx.msk [tilespmem:v54+s10+$0x0], $0xffff  }
0x616: {  	v60 =	vor.u32 $0x13, v12;
	v32 =	vld.idx.msk [tilespmem:v55+s10+$0x0], $0xffff  }
0x617: {  	v61 =	vor.u32 $0x13, v14;
	v23 =	vld.idx.msk [tilespmem:v56+s11+$0x0], $0xffff  }
0x618: {  	v62 =	vor.u32 $0x13, v16;
	v21 =	vld.idx.msk [tilespmem:v57+s11+$0x0], $0xffff  }
0x619: {  	v25 =	vadd.f32 v27, v25;
	v63 =	vor.u32 $0x13, v15;
	v22 =	vld.idx.msk [tilespmem:v58+s10+$0x0], $0xffff  }
0x61a: {  	v30 =	vadd.f32 v31, v53;
	v36 =	vld.idx.msk [tilespmem:v59+s11+$0x0], $0xffff  }
0x61b: {  	v25 =	vadd.f32 v28, v25;
	v37 =	vld.idx.msk [tilespmem:v60+s10+$0x0], $0xffff  }
0x61c: {  	v24 =	vadd.f32 v24, v30;
	v38 =	vld.idx.msk [tilespmem:v61+s11+$0x0], $0xffff;
	v26 =	vadd.f32 v32, v26  }
0x61d: {  	v25 =	vadd.f32 v49, v25;
	v40 =	vld.idx.msk [tilespmem:v62+s10+$0x0], $0xffff;
	v21 =	vadd.f32 v21, v23  }
0x61e: {  	v42 =	vor.u32 $0x1A, v9;
	v41 =	vadd.f32 v34, v24;
	v43 =	vld.idx.msk [tilespmem:v63+s11+$0x0], $0xffff;
	v22 =	vadd.f32 v22, v26  }
0x61f: {  	v44 =	vor.u32 $0x1A, v8;
	v25 =	vadd.f32 v51, v25;
	v21 =	vadd.f32 v36, v21  }
0x620: {  	v45 =	vor.u32 $0x1A, v10;
	v23 =	vadd.f32 v35, v41;
	v22 =	vadd.f32 v37, v22  }
0x621: {  	v46 =	vor.u32 $0x14, v20;
	[tilespmem:s20+$0x6C00] =	vst v25;
	v21 =	vadd.f32 v38, v21  }
0x622: {  	v47 =	vor.u32 $0x14, v19;
	[tilespmem:s20+$0xAC00] =	vst v23;
	v22 =	vadd.f32 v40, v22  }
0x623: {  	v48 =	vor.u32 $0x14, v17;
	v24 =	vld.idx.msk [tilespmem:v42+s10+$0x0], $0xffff;
	v21 =	vadd.f32 v43, v21  }
0x624: {  	v49 =	vor.u32 $0x14, v18;
	v27 =	vld.idx.msk [tilespmem:v44+s10+$0x0], $0xffff;
	[tilespmem:s31+$0x6000] =	vst v22  }
0x625: {  	v50 =	vor.u32 $0x14, v11;
	v28 =	vld.idx.msk [tilespmem:v45+s10+$0x0], $0xffff;
	[tilespmem:s31+$0xA000] =	vst v21  }
0x626: {  	v51 =	vor.u32 $0x14, v13;
	v25 =	vld.idx.msk [tilespmem:v46+s10+$0x0], $0xffff  }
0x627: {  	v52 =	vor.u32 $0x14, v12;
	v23 =	vld.idx.msk [tilespmem:v47+s10+$0x0], $0xffff  }
0x628: {  	v53 =	vor.u32 $0x14, v14;
	v26 =	vld.idx.msk [tilespmem:v48+s11+$0x0], $0xffff  }
0x629: {  	v54 =	vor.u32 $0x14, v16;
	v22 =	vld.idx.msk [tilespmem:v49+s11+$0x0], $0xffff  }
0x62a: {  	v55 =	vor.u32 $0x14, v15;
	v21 =	vld.idx.msk [tilespmem:v50+s10+$0x0], $0xffff  }
0x62b: {  	v56 =	vor.u32 $0x1A, v6;
	v29 =	vld.idx.msk [tilespmem:v51+s11+$0x0], $0xffff  }
0x62c: {  	v57 =	vor.u32 $0x1A, v7;
	v30 =	vld.idx.msk [tilespmem:v52+s10+$0x0], $0xffff  }
0x62d: {  	v58 =	vor.u32 $0x1A, v1;
	v59 =	vld.idx.msk [tilespmem:v53+s11+$0x0], $0xffff;
	v23 =	vadd.f32 v23, v25  }
0x62e: {  	v60 =	vor.u32 $0x1A, v2;
	v32 =	vld.idx.msk [tilespmem:v54+s10+$0x0], $0xffff;
	v22 =	vadd.f32 v22, v26  }
0x62f: {  	v41 =	vor.u32 $0x1A, v4;
	v62 =	vld.idx.msk [tilespmem:v55+s11+$0x0], $0xffff;
	v21 =	vadd.f32 v21, v23  }
0x630: {  	v63 =	vld.idx.msk [tilespmem:v56+s10+$0x0], $0xffff;
	v43 =	vor.u32 $0x1A, v5;
	v22 =	vadd.f32 v29, v22  }
0x631: {  	v61 =	vor.u32 $0x1A, v3;
	v42 =	vld.idx.msk [tilespmem:v57+s10+$0x0], $0xffff;
	v21 =	vadd.f32 v30, v21  }
0x632: {  	v44 =	vld.idx.msk [tilespmem:v58+s11+$0x0], $0xffff;
	v45 =	vor.u32 $0x15, v20;
	v22 =	vadd.f32 v59, v22  }
0x633: {  	v31 =	vld.idx.msk [tilespmem:v60+s11+$0x0], $0xffff;
	v46 =	vor.u32 $0x15, v19;
	v21 =	vadd.f32 v32, v21  }
0x634: {  	v34 =	vld.idx.msk [tilespmem:v41+s11+$0x0], $0xffff;
	v47 =	vor.u32 $0x15, v17;
	v22 =	vadd.f32 v62, v22  }
0x635: {  	v48 =	vor.u32 $0x15, v18;
	v35 =	vld.idx.msk [tilespmem:v43+s11+$0x0], $0xffff;
	[tilespmem:s31+$0x6200] =	vst v21  }
0x636: {  	v49 =	vor.u32 $0x15, v11;
	v26 =	vld.idx.msk [tilespmem:v61+s11+$0x0], $0xffff;
	[tilespmem:s31+$0xA200] =	vst v22  }
0x637: {  	v50 =	vor.u32 $0x15, v13;
	v25 =	vld.idx.msk [tilespmem:v45+s10+$0x0], $0xffff  }
0x638: {  	v51 =	vor.u32 $0x15, v12;
	v32 =	vld.idx.msk [tilespmem:v46+s10+$0x0], $0xffff  }
0x639: {  	v52 =	vor.u32 $0x15, v14;
	v23 =	vld.idx.msk [tilespmem:v47+s11+$0x0], $0xffff  }
0x63a: {  	v53 =	vor.u32 $0x15, v16;
	v21 =	vld.idx.msk [tilespmem:v48+s11+$0x0], $0xffff  }
0x63b: {  	v24 =	vadd.f32 v27, v24;
	v54 =	vor.u32 $0x15, v15;
	v22 =	vld.idx.msk [tilespmem:v49+s10+$0x0], $0xffff  }
0x63c: {  	v30 =	vadd.f32 v31, v44;
	v55 =	vld.idx.msk [tilespmem:v50+s11+$0x0], $0xffff  }
0x63d: {  	v24 =	vadd.f32 v28, v24;
	v56 =	vld.idx.msk [tilespmem:v51+s10+$0x0], $0xffff  }
0x63e: {  	v26 =	vadd.f32 v26, v30;
	v57 =	vld.idx.msk [tilespmem:v52+s11+$0x0], $0xffff;
	v25 =	vadd.f32 v32, v25  }
0x63f: {  	v24 =	vadd.f32 v63, v24;
	v58 =	vld.idx.msk [tilespmem:v53+s10+$0x0], $0xffff;
	v21 =	vadd.f32 v21, v23  }
0x640: {  	v60 =	vor.u32 $0x1B, v9;
	v59 =	vadd.f32 v34, v26;
	v61 =	vld.idx.msk [tilespmem:v54+s11+$0x0], $0xffff;
	v22 =	vadd.f32 v22, v25  }
0x641: {  	v24 =	vadd.f32 v42, v24;
	v62 =	vor.u32 $0x1B, v8;
	v21 =	vadd.f32 v55, v21  }
0x642: {  	v63 =	vor.u32 $0x1B, v10;
	v23 =	vadd.f32 v35, v59;
	v22 =	vadd.f32 v56, v22  }
0x643: {  	v33 =	vor.u32 $0x16, v20;
	[tilespmem:s20+$0x6E00] =	vst v24;
	v21 =	vadd.f32 v57, v21  }
0x644: {  	v34 =	vor.u32 $0x16, v19;
	[tilespmem:s20+$0xAE00] =	vst v23;
	v22 =	vadd.f32 v58, v22  }
0x645: {  	v35 =	vor.u32 $0x16, v17;
	v26 =	vld.idx.msk [tilespmem:v60+s10+$0x0], $0xffff;
	v21 =	vadd.f32 v61, v21  }
0x646: {  	v36 =	vor.u32 $0x16, v18;
	v27 =	vld.idx.msk [tilespmem:v62+s10+$0x0], $0xffff;
	[tilespmem:s31+$0x6400] =	vst v22  }
0x647: {  	v37 =	vor.u32 $0x16, v11;
	v28 =	vld.idx.msk [tilespmem:v63+s10+$0x0], $0xffff;
	[tilespmem:s31+$0xA400] =	vst v21  }
0x648: {  	v38 =	vor.u32 $0x16, v13;
	v24 =	vld.idx.msk [tilespmem:v33+s10+$0x0], $0xffff  }
0x649: {  	v39 =	vor.u32 $0x16, v12;
	v23 =	vld.idx.msk [tilespmem:v34+s10+$0x0], $0xffff  }
0x64a: {  	v40 =	vor.u32 $0x16, v14;
	v25 =	vld.idx.msk [tilespmem:v35+s11+$0x0], $0xffff  }
0x64b: {  	v41 =	vor.u32 $0x16, v16;
	v22 =	vld.idx.msk [tilespmem:v36+s11+$0x0], $0xffff  }
0x64c: {  	v42 =	vor.u32 $0x16, v15;
	v21 =	vld.idx.msk [tilespmem:v37+s10+$0x0], $0xffff  }
0x64d: {  	v43 =	vor.u32 $0x1B, v6;
	v29 =	vld.idx.msk [tilespmem:v38+s11+$0x0], $0xffff  }
0x64e: {  	v44 =	vor.u32 $0x1B, v7;
	v30 =	vld.idx.msk [tilespmem:v39+s10+$0x0], $0xffff  }
0x64f: {  	v45 =	vor.u32 $0x1B, v1;
	v46 =	vld.idx.msk [tilespmem:v40+s11+$0x0], $0xffff;
	v23 =	vadd.f32 v23, v24  }
0x650: {  	v47 =	vor.u32 $0x1B, v2;
	v32 =	vld.idx.msk [tilespmem:v41+s10+$0x0], $0xffff;
	v22 =	vadd.f32 v22, v25  }
0x651: {  	v51 =	vor.u32 $0x1B, v4;
	v49 =	vld.idx.msk [tilespmem:v42+s11+$0x0], $0xffff;
	v21 =	vadd.f32 v21, v23  }
0x652: {  	v53 =	vor.u32 $0x1B, v5;
	v50 =	vld.idx.msk [tilespmem:v43+s10+$0x0], $0xffff;
	v22 =	vadd.f32 v29, v22  }
0x653: {  	v48 =	vor.u32 $0x1B, v3;
	v52 =	vld.idx.msk [tilespmem:v44+s10+$0x0], $0xffff;
	v21 =	vadd.f32 v30, v21  }
0x654: {  	v55 =	vor.u32 $0x17, v20;
	v54 =	vld.idx.msk [tilespmem:v45+s11+$0x0], $0xffff;
	v22 =	vadd.f32 v46, v22  }
0x655: {  	v31 =	vld.idx.msk [tilespmem:v47+s11+$0x0], $0xffff;
	v56 =	vor.u32 $0x17, v19;
	v21 =	vadd.f32 v32, v21  }
0x656: {  	v57 =	vor.u32 $0x17, v17;
	v34 =	vld.idx.msk [tilespmem:v51+s11+$0x0], $0xffff;
	v22 =	vadd.f32 v49, v22  }
0x657: {  	v58 =	vor.u32 $0x17, v18;
	v35 =	vld.idx.msk [tilespmem:v53+s11+$0x0], $0xffff;
	[tilespmem:s31+$0x6600] =	vst v21  }
0x658: {  	v59 =	vor.u32 $0x17, v11;
	v25 =	vld.idx.msk [tilespmem:v48+s11+$0x0], $0xffff;
	[tilespmem:s31+$0xA600] =	vst v22  }
0x659: {  	v60 =	vor.u32 $0x17, v13;
	v24 =	vld.idx.msk [tilespmem:v55+s10+$0x0], $0xffff  }
0x65a: {  	v61 =	vor.u32 $0x17, v12;
	v32 =	vld.idx.msk [tilespmem:v56+s10+$0x0], $0xffff  }
0x65b: {  	v62 =	vor.u32 $0x17, v14;
	v23 =	vld.idx.msk [tilespmem:v57+s11+$0x0], $0xffff  }
0x65c: {  	v63 =	vor.u32 $0x17, v16;
	v21 =	vld.idx.msk [tilespmem:v58+s11+$0x0], $0xffff  }
0x65d: {  	v26 =	vadd.f32 v27, v26;
	v41 =	vor.u32 $0x17, v15;
	v22 =	vld.idx.msk [tilespmem:v59+s10+$0x0], $0xffff  }
0x65e: {  	v30 =	vadd.f32 v31, v54;
	v42 =	vld.idx.msk [tilespmem:v60+s11+$0x0], $0xffff  }
0x65f: {  	v26 =	vadd.f32 v28, v26;
	v43 =	vld.idx.msk [tilespmem:v61+s10+$0x0], $0xffff  }
0x660: {  	v25 =	vadd.f32 v25, v30;
	v44 =	vld.idx.msk [tilespmem:v62+s11+$0x0], $0xffff;
	v24 =	vadd.f32 v32, v24  }
0x661: {  	v26 =	vadd.f32 v50, v26;
	v45 =	vld.idx.msk [tilespmem:v63+s10+$0x0], $0xffff;
	v21 =	vadd.f32 v21, v23  }
0x662: {  	v47 =	vor.u32 $0x1C, v9;
	v46 =	vadd.f32 v34, v25;
	v48 =	vld.idx.msk [tilespmem:v41+s11+$0x0], $0xffff;
	v22 =	vadd.f32 v22, v24  }
0x663: {  	v26 =	vadd.f32 v52, v26;
	v49 =	vor.u32 $0x1C, v8;
	v21 =	vadd.f32 v42, v21  }
0x664: {  	v50 =	vor.u32 $0x1C, v10;
	v23 =	vadd.f32 v35, v46;
	v22 =	vadd.f32 v43, v22  }
0x665: {  	v51 =	vor.u32 $0x18, v20;
	[tilespmem:s20+$0x7000] =	vst v26;
	v21 =	vadd.f32 v44, v21  }
0x666: {  	v52 =	vor.u32 $0x18, v19;
	[tilespmem:s20+$0xB000] =	vst v23;
	v22 =	vadd.f32 v45, v22  }
0x667: {  	v53 =	vor.u32 $0x18, v17;
	v25 =	vld.idx.msk [tilespmem:v47+s10+$0x0], $0xffff;
	v21 =	vadd.f32 v48, v21  }
0x668: {  	v54 =	vor.u32 $0x18, v18;
	v27 =	vld.idx.msk [tilespmem:v49+s10+$0x0], $0xffff;
	[tilespmem:s31+$0x6800] =	vst v22  }
0x669: {  	v55 =	vor.u32 $0x18, v11;
	v28 =	vld.idx.msk [tilespmem:v50+s10+$0x0], $0xffff;
	[tilespmem:s31+$0xA800] =	vst v21  }
0x66a: {  	v56 =	vor.u32 $0x18, v13;
	v26 =	vld.idx.msk [tilespmem:v51+s10+$0x0], $0xffff  }
0x66b: {  	v57 =	vor.u32 $0x18, v12;
	v23 =	vld.idx.msk [tilespmem:v52+s10+$0x0], $0xffff  }
0x66c: {  	v58 =	vor.u32 $0x18, v14;
	v24 =	vld.idx.msk [tilespmem:v53+s11+$0x0], $0xffff  }
0x66d: {  	v59 =	vor.u32 $0x18, v16;
	v22 =	vld.idx.msk [tilespmem:v54+s11+$0x0], $0xffff  }
0x66e: {  	v60 =	vor.u32 $0x18, v15;
	v21 =	vld.idx.msk [tilespmem:v55+s10+$0x0], $0xffff  }
0x66f: {  	v63 =	vor.u32 $0x1C, v1;
	v29 =	vld.idx.msk [tilespmem:v56+s11+$0x0], $0xffff  }
0x670: {  	v40 =	vor.u32 $0x1C, v2;
	v30 =	vld.idx.msk [tilespmem:v57+s10+$0x0], $0xffff  }
0x671: {  	v61 =	vor.u32 $0x1C, v6;
	v39 =	vld.idx.msk [tilespmem:v58+s11+$0x0], $0xffff;
	v23 =	vadd.f32 v23, v26  }
0x672: {  	v46 =	vor.u32 $0x1C, v5;
	v32 =	vld.idx.msk [tilespmem:v59+s10+$0x0], $0xffff;
	v22 =	vadd.f32 v22, v24  }
0x673: {  	v62 =	vor.u32 $0x1C, v7;
	v42 =	vld.idx.msk [tilespmem:v60+s11+$0x0], $0xffff;
	v21 =	vadd.f32 v21, v23  }
0x674: {  	v47 =	vld.idx.msk [tilespmem:v63+s11+$0x0], $0xffff;
	v44 =	vor.u32 $0x1C, v4;
	v22 =	vadd.f32 v29, v22  }
0x675: {  	v41 =	vor.u32 $0x1C, v3;
	v31 =	vld.idx.msk [tilespmem:v40+s11+$0x0], $0xffff;
	v21 =	vadd.f32 v30, v21  }
0x676: {  	v43 =	vld.idx.msk [tilespmem:v61+s10+$0x0], $0xffff;
	v48 =	vor.u32 $0x19, v20;
	v22 =	vadd.f32 v39, v22  }
0x677: {  	v49 =	vor.u32 $0x19, v19;
	v35 =	vld.idx.msk [tilespmem:v46+s11+$0x0], $0xffff;
	v21 =	vadd.f32 v32, v21  }
0x678: {  	v50 =	vor.u32 $0x19, v17;
	v45 =	vld.idx.msk [tilespmem:v62+s10+$0x0], $0xffff;
	v22 =	vadd.f32 v42, v22  }
0x679: {  	v34 =	vld.idx.msk [tilespmem:v44+s11+$0x0], $0xffff;
	v51 =	vor.u32 $0x19, v18;
	[tilespmem:s31+$0x6A00] =	vst v21  }
0x67a: {  	v52 =	vor.u32 $0x19, v11;
	v24 =	vld.idx.msk [tilespmem:v41+s11+$0x0], $0xffff;
	[tilespmem:s31+$0xAA00] =	vst v22  }
0x67b: {  	v53 =	vor.u32 $0x19, v13;
	v26 =	vld.idx.msk [tilespmem:v48+s10+$0x0], $0xffff  }
0x67c: {  	v54 =	vor.u32 $0x19, v12;
	v32 =	vld.idx.msk [tilespmem:v49+s10+$0x0], $0xffff  }
0x67d: {  	v55 =	vor.u32 $0x19, v14;
	v23 =	vld.idx.msk [tilespmem:v50+s11+$0x0], $0xffff  }
0x67e: {  	v56 =	vor.u32 $0x19, v16;
	v21 =	vld.idx.msk [tilespmem:v51+s11+$0x0], $0xffff  }
0x67f: {  	v25 =	vadd.f32 v27, v25;
	v57 =	vor.u32 $0x19, v15;
	v22 =	vld.idx.msk [tilespmem:v52+s10+$0x0], $0xffff  }
0x680: {  	v30 =	vadd.f32 v31, v47;
	v58 =	vld.idx.msk [tilespmem:v53+s11+$0x0], $0xffff  }
0x681: {  	v25 =	vadd.f32 v28, v25;
	v59 =	vld.idx.msk [tilespmem:v54+s10+$0x0], $0xffff  }
0x682: {  	v24 =	vadd.f32 v24, v30;
	v60 =	vld.idx.msk [tilespmem:v55+s11+$0x0], $0xffff;
	v26 =	vadd.f32 v32, v26  }
0x683: {  	v25 =	vadd.f32 v43, v25;
	v61 =	vld.idx.msk [tilespmem:v56+s10+$0x0], $0xffff;
	v21 =	vadd.f32 v21, v23  }
0x684: {  	v63 =	vor.u32 $0x1D, v9;
	v62 =	vadd.f32 v34, v24;
	v33 =	vld.idx.msk [tilespmem:v57+s11+$0x0], $0xffff;
	v22 =	vadd.f32 v22, v26  }
0x685: {  	v25 =	vadd.f32 v45, v25;
	v34 =	vor.u32 $0x1D, v8;
	v21 =	vadd.f32 v58, v21  }
0x686: {  	v36 =	vor.u32 $0x1D, v10;
	v23 =	vadd.f32 v35, v62;
	v22 =	vadd.f32 v59, v22  }
0x687: {  	v37 =	vor.u32 $0x1A, v20;
	[tilespmem:s20+$0x7200] =	vst v25;
	v21 =	vadd.f32 v60, v21  }
0x688: {  	v38 =	vor.u32 $0x1A, v19;
	[tilespmem:s20+$0xB200] =	vst v23;
	v22 =	vadd.f32 v61, v22  }
0x689: {  	v39 =	vor.u32 $0x1A, v17;
	v24 =	vld.idx.msk [tilespmem:v63+s10+$0x0], $0xffff;
	v21 =	vadd.f32 v33, v21  }
0x68a: {  	v40 =	vor.u32 $0x1A, v18;
	v27 =	vld.idx.msk [tilespmem:v34+s10+$0x0], $0xffff;
	[tilespmem:s31+$0x6C00] =	vst v22  }
0x68b: {  	v41 =	vor.u32 $0x1A, v11;
	v28 =	vld.idx.msk [tilespmem:v36+s10+$0x0], $0xffff;
	[tilespmem:s31+$0xAC00] =	vst v21  }
0x68c: {  	v42 =	vor.u32 $0x1A, v13;
	v25 =	vld.idx.msk [tilespmem:v37+s10+$0x0], $0xffff  }
0x68d: {  	v43 =	vor.u32 $0x1A, v12;
	v23 =	vld.idx.msk [tilespmem:v38+s10+$0x0], $0xffff  }
0x68e: {  	v44 =	vor.u32 $0x1A, v14;
	v26 =	vld.idx.msk [tilespmem:v39+s11+$0x0], $0xffff  }
0x68f: {  	v45 =	vor.u32 $0x1A, v16;
	v22 =	vld.idx.msk [tilespmem:v40+s11+$0x0], $0xffff  }
0x690: {  	v46 =	vor.u32 $0x1A, v15;
	v21 =	vld.idx.msk [tilespmem:v41+s10+$0x0], $0xffff  }
0x691: {  	v47 =	vor.u32 $0x1D, v6;
	v29 =	vld.idx.msk [tilespmem:v42+s11+$0x0], $0xffff  }
0x692: {  	v48 =	vor.u32 $0x1D, v7;
	v30 =	vld.idx.msk [tilespmem:v43+s10+$0x0], $0xffff  }
0x693: {  	v49 =	vor.u32 $0x1D, v1;
	v50 =	vld.idx.msk [tilespmem:v44+s11+$0x0], $0xffff;
	v23 =	vadd.f32 v23, v25  }
0x694: {  	v51 =	vor.u32 $0x1D, v2;
	v32 =	vld.idx.msk [tilespmem:v45+s10+$0x0], $0xffff;
	v22 =	vadd.f32 v22, v26  }
0x695: {  	v55 =	vor.u32 $0x1D, v4;
	v53 =	vld.idx.msk [tilespmem:v46+s11+$0x0], $0xffff;
	v21 =	vadd.f32 v21, v23  }
0x696: {  	v57 =	vor.u32 $0x1D, v5;
	v54 =	vld.idx.msk [tilespmem:v47+s10+$0x0], $0xffff;
	v22 =	vadd.f32 v29, v22  }
0x697: {  	v52 =	vor.u32 $0x1D, v3;
	v56 =	vld.idx.msk [tilespmem:v48+s10+$0x0], $0xffff;
	v21 =	vadd.f32 v30, v21  }
0x698: {  	v58 =	vld.idx.msk [tilespmem:v49+s11+$0x0], $0xffff;
	v59 =	vor.u32 $0x1B, v20;
	v22 =	vadd.f32 v50, v22  }
0x699: {  	v31 =	vld.idx.msk [tilespmem:v51+s11+$0x0], $0xffff;
	v60 =	vor.u32 $0x1B, v19;
	v21 =	vadd.f32 v32, v21  }
0x69a: {  	v34 =	vld.idx.msk [tilespmem:v55+s11+$0x0], $0xffff;
	v61 =	vor.u32 $0x1B, v17;
	v22 =	vadd.f32 v53, v22  }
0x69b: {  	v62 =	vor.u32 $0x1B, v18;
	v35 =	vld.idx.msk [tilespmem:v57+s11+$0x0], $0xffff;
	[tilespmem:s31+$0x6E00] =	vst v21  }
0x69c: {  	v63 =	vor.u32 $0x1B, v11;
	v26 =	vld.idx.msk [tilespmem:v52+s11+$0x0], $0xffff;
	[tilespmem:s31+$0xAE00] =	vst v22  }
0x69d: {  	v42 =	vor.u32 $0x1B, v13;
	v25 =	vld.idx.msk [tilespmem:v59+s10+$0x0], $0xffff  }
0x69e: {  	v43 =	vor.u32 $0x1B, v12;
	v32 =	vld.idx.msk [tilespmem:v60+s10+$0x0], $0xffff  }
0x69f: {  	v44 =	vor.u32 $0x1B, v14;
	v23 =	vld.idx.msk [tilespmem:v61+s11+$0x0], $0xffff  }
0x6a0: {  	v45 =	vor.u32 $0x1B, v16;
	v21 =	vld.idx.msk [tilespmem:v62+s11+$0x0], $0xffff  }
0x6a1: {  	v24 =	vadd.f32 v27, v24;
	v46 =	vor.u32 $0x1B, v15;
	v22 =	vld.idx.msk [tilespmem:v63+s10+$0x0], $0xffff  }
0x6a2: {  	v30 =	vadd.f32 v31, v58;
	v47 =	vld.idx.msk [tilespmem:v42+s11+$0x0], $0xffff  }
0x6a3: {  	v24 =	vadd.f32 v28, v24;
	v48 =	vld.idx.msk [tilespmem:v43+s10+$0x0], $0xffff  }
0x6a4: {  	v26 =	vadd.f32 v26, v30;
	v49 =	vld.idx.msk [tilespmem:v44+s11+$0x0], $0xffff;
	v25 =	vadd.f32 v32, v25  }
0x6a5: {  	v24 =	vadd.f32 v54, v24;
	v50 =	vld.idx.msk [tilespmem:v45+s10+$0x0], $0xffff;
	v21 =	vadd.f32 v21, v23  }
0x6a6: {  	v52 =	vor.u32 $0x1E, v9;
	v51 =	vadd.f32 v34, v26;
	v53 =	vld.idx.msk [tilespmem:v46+s11+$0x0], $0xffff;
	v22 =	vadd.f32 v22, v25  }
0x6a7: {  	v54 =	vor.u32 $0x1E, v8;
	v24 =	vadd.f32 v56, v24;
	v21 =	vadd.f32 v47, v21  }
0x6a8: {  	v55 =	vor.u32 $0x1E, v10;
	v23 =	vadd.f32 v35, v51;
	v22 =	vadd.f32 v48, v22  }
0x6a9: {  	v56 =	vor.u32 $0x1C, v20;
	[tilespmem:s20+$0x7400] =	vst v24;
	v21 =	vadd.f32 v49, v21  }
0x6aa: {  	v57 =	vor.u32 $0x1C, v19;
	[tilespmem:s20+$0xB400] =	vst v23;
	v22 =	vadd.f32 v50, v22  }
0x6ab: {  	v58 =	vor.u32 $0x1C, v17;
	v26 =	vld.idx.msk [tilespmem:v52+s10+$0x0], $0xffff;
	v21 =	vadd.f32 v53, v21  }
0x6ac: {  	v59 =	vor.u32 $0x1C, v18;
	v27 =	vld.idx.msk [tilespmem:v54+s10+$0x0], $0xffff;
	[tilespmem:s31+$0x7000] =	vst v22  }
0x6ad: {  	v60 =	vor.u32 $0x1C, v11;
	v28 =	vld.idx.msk [tilespmem:v55+s10+$0x0], $0xffff;
	[tilespmem:s31+$0xB000] =	vst v21  }
0x6ae: {  	v61 =	vor.u32 $0x1C, v13;
	v24 =	vld.idx.msk [tilespmem:v56+s10+$0x0], $0xffff  }
0x6af: {  	v62 =	vor.u32 $0x1C, v12;
	v23 =	vld.idx.msk [tilespmem:v57+s10+$0x0], $0xffff  }
0x6b0: {  	v63 =	vor.u32 $0x1C, v14;
	v25 =	vld.idx.msk [tilespmem:v58+s11+$0x0], $0xffff  }
0x6b1: {  	v40 =	vor.u32 $0x1C, v16;
	v22 =	vld.idx.msk [tilespmem:v59+s11+$0x0], $0xffff  }
0x6b2: {  	v41 =	vor.u32 $0x1C, v15;
	v21 =	vld.idx.msk [tilespmem:v60+s10+$0x0], $0xffff  }
0x6b3: {  	v43 =	vor.u32 $0x1E, v7;
	v29 =	vld.idx.msk [tilespmem:v61+s11+$0x0], $0xffff  }
0x6b4: {  	v46 =	vor.u32 $0x1E, v2;
	v30 =	vld.idx.msk [tilespmem:v62+s10+$0x0], $0xffff  }
0x6b5: {  	v42 =	vor.u32 $0x1E, v6;
	v45 =	vld.idx.msk [tilespmem:v63+s11+$0x0], $0xffff;
	v23 =	vadd.f32 v23, v24  }
0x6b6: {  	v44 =	vor.u32 $0x1E, v1;
	v32 =	vld.idx.msk [tilespmem:v40+s10+$0x0], $0xffff;
	v22 =	vadd.f32 v22, v25  }
0x6b7: {  	v52 =	vor.u32 $0x1E, v5;
	v48 =	vld.idx.msk [tilespmem:v41+s11+$0x0], $0xffff;
	v21 =	vadd.f32 v21, v23  }
0x6b8: {  	v51 =	vld.idx.msk [tilespmem:v43+s10+$0x0], $0xffff;
	v50 =	vor.u32 $0x1E, v4;
	v22 =	vadd.f32 v29, v22  }
0x6b9: {  	v47 =	vor.u32 $0x1E, v3;
	v31 =	vld.idx.msk [tilespmem:v46+s11+$0x0], $0xffff;
	v21 =	vadd.f32 v30, v21  }
0x6ba: {  	v54 =	vor.u32 $0x1D, v20;
	v49 =	vld.idx.msk [tilespmem:v42+s10+$0x0], $0xffff;
	v22 =	vadd.f32 v45, v22  }
0x6bb: {  	v55 =	vor.u32 $0x1D, v19;
	v53 =	vld.idx.msk [tilespmem:v44+s11+$0x0], $0xffff;
	v21 =	vadd.f32 v32, v21  }
0x6bc: {  	v35 =	vld.idx.msk [tilespmem:v52+s11+$0x0], $0xffff;
	v56 =	vor.u32 $0x1D, v17;
	v22 =	vadd.f32 v48, v22  }
0x6bd: {  	v57 =	vor.u32 $0x1D, v18;
	v34 =	vld.idx.msk [tilespmem:v50+s11+$0x0], $0xffff;
	[tilespmem:s31+$0x7200] =	vst v21  }
0x6be: {  	v58 =	vor.u32 $0x1D, v11;
	v25 =	vld.idx.msk [tilespmem:v47+s11+$0x0], $0xffff;
	[tilespmem:s31+$0xB200] =	vst v22  }
0x6bf: {  	v59 =	vor.u32 $0x1D, v13;
	v24 =	vld.idx.msk [tilespmem:v54+s10+$0x0], $0xffff  }
0x6c0: {  	v60 =	vor.u32 $0x1D, v12;
	v32 =	vld.idx.msk [tilespmem:v55+s10+$0x0], $0xffff  }
0x6c1: {  	v61 =	vor.u32 $0x1D, v14;
	v23 =	vld.idx.msk [tilespmem:v56+s11+$0x0], $0xffff  }
0x6c2: {  	v62 =	vor.u32 $0x1D, v16;
	v21 =	vld.idx.msk [tilespmem:v57+s11+$0x0], $0xffff  }
0x6c3: {  	v26 =	vadd.f32 v27, v26;
	v63 =	vor.u32 $0x1D, v15;
	v22 =	vld.idx.msk [tilespmem:v58+s10+$0x0], $0xffff  }
0x6c4: {  	v30 =	vadd.f32 v31, v53;
	v36 =	vld.idx.msk [tilespmem:v59+s11+$0x0], $0xffff  }
0x6c5: {  	v26 =	vadd.f32 v28, v26;
	v37 =	vld.idx.msk [tilespmem:v60+s10+$0x0], $0xffff  }
0x6c6: {  	v25 =	vadd.f32 v25, v30;
	v40 =	vld.idx.msk [tilespmem:v61+s11+$0x0], $0xffff;
	v24 =	vadd.f32 v32, v24  }
0x6c7: {  	v26 =	vadd.f32 v49, v26;
	v41 =	vld.idx.msk [tilespmem:v62+s10+$0x0], $0xffff;
	v21 =	vadd.f32 v21, v23  }
0x6c8: {  	v9 =	vor.u32 $0x1F, v9;
	v25 =	vadd.f32 v34, v25;
	v42 =	vld.idx.msk [tilespmem:v63+s11+$0x0], $0xffff;
	v22 =	vadd.f32 v22, v24  }
0x6c9: {  	v8 =	vor.u32 $0x1F, v8;
	v26 =	vadd.f32 v51, v26;
	v21 =	vadd.f32 v36, v21  }
0x6ca: {  	v10 =	vor.u32 $0x1F, v10;
	v25 =	vadd.f32 v35, v25;
	v22 =	vadd.f32 v37, v22  }
0x6cb: {  	v43 =	vor.u32 $0x1E, v20;
	[tilespmem:s20+$0x7600] =	vst v26;
	v21 =	vadd.f32 v40, v21  }
0x6cc: {  	v44 =	vor.u32 $0x1E, v19;
	[tilespmem:s20+$0xB600] =	vst v25;
	v22 =	vadd.f32 v41, v22  }
0x6cd: {  	v45 =	vor.u32 $0x1E, v17;
	v9 =	vld.idx.msk [tilespmem:v9+s10+$0x0], $0xffff;
	v21 =	vadd.f32 v42, v21  }
0x6ce: {  	v46 =	vor.u32 $0x1E, v18;
	v8 =	vld.idx.msk [tilespmem:v8+s10+$0x0], $0xffff;
	[tilespmem:s31+$0x7400] =	vst v22  }
0x6cf: {  	v47 =	vor.u32 $0x1E, v11;
	v10 =	vld.idx.msk [tilespmem:v10+s10+$0x0], $0xffff;
	[tilespmem:s31+$0xB400] =	vst v21  }
0x6d0: {  	v49 =	vor.u32 $0x1E, v13;
	v48 =	vld.idx.msk [tilespmem:v43+s10+$0x0], $0xffff  }
0x6d1: {  	v50 =	vor.u32 $0x1E, v12;
	v23 =	vld.idx.msk [tilespmem:v44+s10+$0x0], $0xffff  }
0x6d2: {  	v51 =	vor.u32 $0x1E, v14;
	v24 =	vld.idx.msk [tilespmem:v45+s11+$0x0], $0xffff  }
0x6d3: {  	v52 =	vor.u32 $0x1E, v16;
	v22 =	vld.idx.msk [tilespmem:v46+s11+$0x0], $0xffff  }
0x6d4: {  	v53 =	vor.u32 $0x1E, v15;
	v21 =	vld.idx.msk [tilespmem:v47+s10+$0x0], $0xffff  }
0x6d5: {  	v6 =	vor.u32 $0x1F, v6;
	v26 =	vld.idx.msk [tilespmem:v49+s11+$0x0], $0xffff  }
0x6d6: {  	v7 =	vor.u32 $0x1F, v7;
	v27 =	vld.idx.msk [tilespmem:v50+s10+$0x0], $0xffff  }
0x6d7: {  	v1 =	vor.u32 $0x1F, v1;
	v54 =	vld.idx.msk [tilespmem:v51+s11+$0x0], $0xffff;
	v23 =	vadd.f32 v23, v48  }
0x6d8: {  	v2 =	vor.u32 $0x1F, v2;
	v55 =	vld.idx.msk [tilespmem:v52+s10+$0x0], $0xffff;
	v22 =	vadd.f32 v22, v24  }
0x6d9: {  	v3 =	vor.u32 $0x1F, v3;
	v56 =	vld.idx.msk [tilespmem:v53+s11+$0x0], $0xffff;
	v21 =	vadd.f32 v21, v23  }
0x6da: {  	v4 =	vor.u32 $0x1F, v4;
	v6 =	vld.idx.msk [tilespmem:v6+s10+$0x0], $0xffff;
	v22 =	vadd.f32 v26, v22  }
0x6db: {  	v5 =	vor.u32 $0x1F, v5;
	v7 =	vld.idx.msk [tilespmem:v7+s10+$0x0], $0xffff;
	v21 =	vadd.f32 v27, v21  }
0x6dc: {  	v20 =	vor.u32 $0x1F, v20;
	v1 =	vld.idx.msk [tilespmem:v1+s11+$0x0], $0xffff;
	v22 =	vadd.f32 v54, v22  }
0x6dd: {  	v19 =	vor.u32 $0x1F, v19;
	v2 =	vld.idx.msk [tilespmem:v2+s11+$0x0], $0xffff;
	v21 =	vadd.f32 v55, v21  }
0x6de: {  	v17 =	vor.u32 $0x1F, v17;
	v3 =	vld.idx.msk [tilespmem:v3+s11+$0x0], $0xffff;
	v22 =	vadd.f32 v56, v22  }
0x6df: {  	v18 =	vor.u32 $0x1F, v18;
	v4 =	vld.idx.msk [tilespmem:v4+s11+$0x0], $0xffff;
	[tilespmem:s31+$0x7600] =	vst v21  }
0x6e0: {  	v11 =	vor.u32 $0x1F, v11;
	v5 =	vld.idx.msk [tilespmem:v5+s11+$0x0], $0xffff;
	[tilespmem:s31+$0xB600] =	vst v22  }
0x6e1: {  	v13 =	vor.u32 $0x1F, v13;
	v20 =	vld.idx.msk [tilespmem:v20+s10+$0x0], $0xffff  }
0x6e2: {  	v12 =	vor.u32 $0x1F, v12;
	v19 =	vld.idx.msk [tilespmem:v19+s10+$0x0], $0xffff  }
0x6e3: {  	v14 =	vor.u32 $0x1F, v14;
	v17 =	vld.idx.msk [tilespmem:v17+s11+$0x0], $0xffff  }
0x6e4: {  	v16 =	vor.u32 $0x1F, v16;
	v18 =	vld.idx.msk [tilespmem:v18+s11+$0x0], $0xffff  }
0x6e5: {  	v15 =	vor.u32 $0x1F, v15;
	v11 =	vld.idx.msk [tilespmem:v11+s10+$0x0], $0xffff  }
0x6e6: {  	v8 =	vadd.f32 v8, v9;
	v57 =	vld.idx.msk [tilespmem:v13+s11+$0x0], $0xffff  }
0x6e7: {  	v1 =	vadd.f32 v2, v1;
	v2 =	vld.idx.msk [tilespmem:v12+s10+$0x0], $0xffff  }
0x6e8: {  	v8 =	vadd.f32 v10, v8;
	v59 =	vld.idx.msk [tilespmem:v14+s11+$0x0], $0xffff;
	v58 =	vadd.f32 v19, v20  }
0x6e9: {  	v1 =	vadd.f32 v3, v1;
	v60 =	vld.idx.msk [tilespmem:v16+s10+$0x0], $0xffff;
	v3 =	vadd.f32 v18, v17  }
0x6ea: {  	v6 =	vadd.f32 v6, v8;
	v62 =	vld.idx.msk [tilespmem:v15+s11+$0x0], $0xffff;
	v61 =	vadd.f32 v11, v58  }
0x6eb: {  	s16 =	sadd.s32 $0x4, s16;
	v1 =	vadd.f32 v4, v1;
	v3 =	vadd.f32 v57, v3  }
0x6ec: {  	p0 =	slt.u32 s16, $0x1C;
	v63 =	vadd.f32 v7, v6;
	v2 =	vadd.f32 v2, v61  }
.Ltmp0:
0x6ed: {  	v1 =	vadd.f32 v5, v1;
	v3 =	vadd.f32 v59, v3;
	(pc) =	sbr.rel @p0 .LBB2_2-.Ltmp0, $4  }
0x6ee: {  	[tilespmem:s20+$0x7800] =	vst v63;
	v2 =	vadd.f32 v60, v2  }
0x6ef: {  	[tilespmem:s20+$0xB800] =	vst v1;
	v1 =	vadd.f32 v62, v3  }
0x6f0: {  	[tilespmem:s31+$0x7800] =	vst v2  }
0x6f1: {  	s17 =	sadd.s32 $0x40, s17;
	s18 =	sadd.s32 $0x140, s18;
	s19 =	sadd.s32 $0x40, s19;
	[tilespmem:s31+$0xB800] =	vst v1  }
0x6f2: {  	s15 =	sadd.s32 $0x1, s15  }
0x6f3: {  	p0 =	sne.s32 s15, s8  }
.Ltmp1:
0x6f4: {  	_ = 	snop;
	(pc) =	sbr.rel @p0 .LBB2_1-.Ltmp1, $4  }
0x6f5: {  	[hbm4b:s7+s3] =	stream.linear.scatter [tilespmem:s13], [sflag:$0x2], $0x8000, $0x38;
	[tilespmem:$0xBA00] =	vst v63  }
0x6f6: {  	_ =	swait.ge [sflag:s14], $0x8000  }
0x6f7: {  	[sflag:s14] =	ssyncset.done $0x0  }
0x6f8: {  	[sflag:s14] =	ssyncadd.s32 $0xFFFF8000  }
0x6f9: {  	_ =	sfence.sel $0x180000  }
0x6fa: {  	[bflag:$0x0] =	sbarrier.arrive $0xFFFF  }
0x6fb: {  	p0 =	sne.s32 s1, $0x0;
	_ =	strace $0x90000047  }
0x6fc: {  	s0 =	sadd.s32 @!p0 $0x100000, s0;
	[bflag:$0x2] =	sbarrier.arrive $0xFFFF  }
0x6fd: {  	[sflag:s0] =	ssyncadd.tile.s32 @!p0 $0x1;
	_ =	shalt  }
.Lfunc_end2:
_tile_overlayer_lowered:
.L_overlay_start_2:
0x6fe: {  	(tag) =	ssettag $0x2  }
0x6ff: {  	s0 =	rddreg [dreg:$0x0];
	s2 =	stileid.u32  }
0x700: {  	s1 =	rddreg [dreg:$0x1];
	p0 =	sne.s32 s2, $0x0  }
0x701: {  	s3 =	rddreg [dreg:$0x2];
	[bflag:$0x3] =	sbarrier.arrive $0xFFFF;
	s2 =	simm.s32 @!p0 $0x1C02  }
0x702: {  	[timem:s3], [sflag:s2] =	dma.local @!p0 [hbm:s0], s1  }
0x703: {  	s0 =	simm.s32 @!p0 $0x2  }
0x704: {  	_ =	swait.ge @!p0 [sflag:s0], s1  }
0x705: {  	s1 =	ssub.s32 @!p0 $0x0, s1;
	[sflag:s0] =	ssyncset.done @!p0 $0x0  }
0x706: {  	[sflag:s0] =	ssyncadd.s32 @!p0 s1  }
0x707: {  	[bflag:$0x3] =	sbarrier.arrive $0xFFFF  }
0x708: {  	_ =	shalt  }

</sc_bundles>
